<compile_context>
chip_gen: v7x
topology: tpu7x:2x2x1
jax: 0.10.2.dev20260603
libtpu: 0.0.44.dev20260713+nightly
codegen_flags: <defaults>
</compile_context>

<pallas_src>
import functools

import jax
import jax.numpy as jnp
from jax import lax
from jax.experimental import pallas as pl
from jax.experimental.pallas import tpu as pltpu
from jax.experimental.pallas import tpu_sc as plsc

_L = 16


@functools.partial(jax.jit, static_argnums=(2, 3, 4))
def _length_regulate(x2d, duration, B, T, D):
    ML = 2048
    info = plsc.get_sparse_core_info()
    NC, NS = info.num_cores, info.num_subcores
    NW = NC * NS
    SLOTS = NW // B
    F = ML // SLOTS
    CH = 32
    NCH = F // CH
    NBUF = 4
    assert NW % B == 0 and ML % SLOTS == 0 and F % CH == 0
    assert NCH % NBUF == 0 and T % _L == 0 and F % _L == 0 and D % _L == 0

    mesh = plsc.VectorSubcoreMesh(core_axis_name="c", subcore_axis_name="s")

    @functools.partial(
        pl.kernel,
        mesh=mesh,
        compiler_params=pltpu.CompilerParams(needs_layout_passes=False),
        out_type=[
            jax.ShapeDtypeStruct((B, ML, D), jnp.float32),
            jax.ShapeDtypeStruct((B, _L), jnp.int32),
        ],
        scratch_types=[
            pltpu.VMEM((T,), jnp.int32),
            pltpu.VMEM((F,), jnp.int32),
            pltpu.VMEM((NCH, CH), jnp.int32),
            [pltpu.VMEM((CH, D), jnp.float32) for _ in range(NBUF)],
            pltpu.VMEM((CH, D), jnp.float32),
            pltpu.VMEM((_L,), jnp.int32),
            [pltpu.SemaphoreType.DMA for _ in range(NBUF)],
            [pltpu.SemaphoreType.DMA for _ in range(NBUF)],
            pltpu.SemaphoreType.DMA,
        ],
    )
    def body(x_hbm, dur_hbm, out_hbm, mel_hbm, dur_v, cnt_v, idx_v, rows,
             zrow_v, mel_v, gsem, wsem, dsem):
        wid = lax.axis_index("s") * NC + lax.axis_index("c")
        b = wid // SLOTS
        slot = wid % SLOTS
        f0 = slot * F

        dur_copy = pltpu.make_async_copy(dur_hbm.at[b], dur_v, dsem)
        dur_copy.start()

        zeros_i = jnp.zeros((_L,), jnp.int32)
        zeros_f = jnp.zeros((_L,), jnp.float32)

        def zero_hist(i, cy):
            cnt_v[pl.ds(i * _L, _L)] = zeros_i
            return cy

        lax.fori_loop(0, F // _L, zero_hist, 0)

        def zero_chunk(r, cy):
            for i in range(D // _L):
                zrow_v[r, pl.ds(i * _L, _L)] = zeros_f
            return cy

        lax.fori_loop(0, CH, zero_chunk, 0)
        dur_copy.wait()

        ones_i = jnp.ones((_L,), jnp.int32)
        carry = jnp.int32(0)
        prefix = jnp.int32(0)
        for i in range(T // _L):
            v = dur_v[pl.ds(i * _L, _L)]
            s = jnp.cumsum(v) + carry
            carry = carry + jnp.sum(v)
            prefix = prefix + jnp.sum((s < f0).astype(jnp.int32))
            in_win = (s >= f0) & (s < f0 + F)
            ci = jnp.clip(s - f0, 0, F - 1)
            plsc.addupdate_scatter(cnt_v, [ci], ones_i, mask=in_win)
        total = carry

        base_row = b * T

        def scan_hist(i, carry2):
            v = cnt_v[pl.ds(i * _L, _L)]
            j = jnp.cumsum(v) + carry2
            jc = jnp.minimum(j, T - 1)
            idx_v[i // (CH // _L), pl.ds((i % (CH // _L)) * _L, _L)] = (
                jc + base_row)
            return carry2 + jnp.sum(v)

        lax.fori_loop(0, F // _L, scan_hist, prefix)

        @pl.when(slot == 0)
        def _():
            mel_v[...] = jnp.full((_L,), jnp.maximum(total, 1), jnp.int32)
            pltpu.sync_copy(mel_v, mel_hbm.at[b])

        def nv_of(c):
            return jnp.clip(total - (f0 + c * CH), 0, CH)

        def gather(c, p):
            return pltpu.make_async_copy(
                x_hbm.at[idx_v.at[c]], rows[p], gsem[p])

        def writeback(c, p):
            return pltpu.make_async_copy(
                rows[p], out_hbm.at[b, pl.ds(f0 + c * CH, CH)], wsem[p])

        LOOK = 2

        for c in range(LOOK):
            @pl.when(nv_of(c) > 0)
            def _(c=c):
                gather(c, c % NBUF).start()

        def super_step(k, carry_):
            for p in range(NBUF):
                c = k * NBUF + p
                pn = (p + LOOK) % NBUF
                cp = c + LOOK - NBUF

                @pl.when(cp >= 0)
                def _():
                    writeback(jnp.maximum(cp, 0), pn).wait()

                @pl.when((c + LOOK < NCH) & (nv_of(c + LOOK) > 0))
                def _():
                    gather(jnp.minimum(c + LOOK, NCH - 1), pn).start()

                nv = nv_of(c)

                @pl.when(nv > 0)
                def _():
                    gather(c, p).wait()

                    @pl.when(nv < CH)
                    def _():
                        def zero_row(r, cy):
                            for i in range(D // _L):
                                rows[p][r, pl.ds(i * _L, _L)] = zeros_f
                            return cy

                        lax.fori_loop(nv, CH, zero_row, 0)

                    writeback(c, p).start()

                @pl.when(nv == 0)
                def _():
                    pltpu.make_async_copy(
                        zrow_v, out_hbm.at[b, pl.ds(f0 + c * CH, CH)],
                        wsem[p]).start()
            return carry_

        lax.fori_loop(0, NCH // NBUF, super_step, 0)

        for c in range(NCH - NBUF + LOOK, NCH):
            writeback(c, c % NBUF).wait()

    return body(x2d, duration)


def kernel(x, duration, max_len):
    B, T, D = x.shape
    out, mel2d = _length_regulate(
        x.reshape(B * T, D), duration.astype(jnp.int32), B, T, D)
    return out, mel2d[:, 0]

# --- scband reference (transcript-rebuilt; emitter-appended) ---
"""Pipeline reference for scband-length-regulator-36524401886013 (READ-ONLY COPY).

The authoritative reference and input builder live on the scoring server;
editing this copy changes nothing except your own understanding.
"""

import jax, jax.numpy as jnp
import numpy as np


def setup_inputs(seed: int = 0) -> dict:
    key = jax.random.key(seed)
    k1, k2 = jax.random.split(key)
    x = jax.random.normal(k1, (8, 512, 512), dtype=jnp.float32)
    duration = jax.random.randint(k2, (8, 512), 0, 8).astype(jnp.int32)
    return {"x": x, "duration": duration, "max_len": 2048}


def reference(x, duration, max_len=None):
    # Faithful JAX translation of LengthRegulator.forward.
    # Each phoneme representation x[i, j] is repeated duration[i, j] times
    # along the time axis; sequences are padded with zeros / truncated to max_len.
    B, T, D = x.shape
    dur = duration.astype(jnp.int32)
    cum = jnp.cumsum(dur, axis=1)            # [B, T] exclusive upper bounds
    total = cum[:, -1]                        # [B] total frames per sample
    # torch: if no phoneme had dur > 0, seq = zeros(1, D) -> mel_length = 1
    mel_lengths = jnp.maximum(total, 1)
    if max_len is None:
        max_len = int(jnp.max(mel_lengths))
        t = jnp.arange(max_len, dtype=jnp.int32)  # frame positions
    else:
        max_len_arr = jnp.asarray(max_len, dtype=jnp.int32)
        t = jnp.arange(2048, dtype=jnp.int32) + (max_len_arr - max_len_arr)  # frame positions

    def per_sample(xi, cumi, tot):
        # frame t maps to phoneme j with cum[j-1] <= t < cum[j]
        j = jnp.searchsorted(cumi, t, side='right')
        valid = t < tot                       # frames beyond total are zero padding
        jc = jnp.clip(j, 0, T - 1)
        frames = jnp.take(xi, jc, axis=0)     # gather phoneme reprs -> [max_len, D]
        return jnp.where(valid[:, None], frames, jnp.zeros((), dtype=xi.dtype))

    output = jax.vmap(per_sample)(x, cum, total)   # [B, max_len, D]
    return output, mel_lengths.astype(jnp.int32)

if __name__ == "__main__":
    import jax
    _d = setup_inputs()
    print(jax.jit(kernel)(*tuple(_d.values())))

</pallas_src>

<mosaic_0001>
#map = affine_map<(d0, d1) -> (0, 0)>
#map1 = affine_map<(d0, d1) -> (0, 0, 0)>
module attributes {stable_mosaic.version = 14 : i64} {
  func.func @body(%arg0: i32, %arg1: i32, %arg2: memref<4096x512xf32, #tpu.memory_space<hbm>>, %arg3: memref<8x512xi32, #tpu.memory_space<hbm>>, %arg4: memref<8x2048x512xf32, #tpu.memory_space<hbm>>, %arg5: memref<8x16xi32, #tpu.memory_space<hbm>>, %arg6: memref<512xi32, #tpu.memory_space<vmem>>, %arg7: memref<512xi32, #tpu.memory_space<vmem>>, %arg8: memref<16x32xi32, #tpu.memory_space<vmem>>, %arg9: memref<32x512xf32, #tpu.memory_space<vmem>>, %arg10: memref<32x512xf32, #tpu.memory_space<vmem>>, %arg11: memref<32x512xf32, #tpu.memory_space<vmem>>, %arg12: memref<32x512xf32, #tpu.memory_space<vmem>>, %arg13: memref<32x512xf32, #tpu.memory_space<vmem>>, %arg14: memref<16xi32, #tpu.memory_space<vmem>>, %arg15: memref<!tpu.dma_semaphore, #tpu.memory_space<semaphore_mem>>, %arg16: memref<!tpu.dma_semaphore, #tpu.memory_space<semaphore_mem>>, %arg17: memref<!tpu.dma_semaphore, #tpu.memory_space<semaphore_mem>>, %arg18: memref<!tpu.dma_semaphore, #tpu.memory_space<semaphore_mem>>, %arg19: memref<!tpu.dma_semaphore, #tpu.memory_space<semaphore_mem>>, %arg20: memref<!tpu.dma_semaphore, #tpu.memory_space<semaphore_mem>>, %arg21: memref<!tpu.dma_semaphore, #tpu.memory_space<semaphore_mem>>, %arg22: memref<!tpu.dma_semaphore, #tpu.memory_space<semaphore_mem>>, %arg23: memref<!tpu.dma_semaphore, #tpu.memory_space<semaphore_mem>>) attributes {dimension_semantics = [#tpu.dimension_semantics<core_parallel>, #tpu.dimension_semantics<subcore_parallel>], iteration_bounds = array<i64: 2, 16>, scalar_prefetch = 0 : i64, scratch_operands = 18 : i64, tpu.core_type = #tpu.core_type<sc_vector_subcore>, window_params = [{transform_indices = #map}, {transform_indices = #map}, {transform_indices = #map1}, {transform_indices = #map}]} {
    %mul3A = arith.constant 2 : i32
    %mul3A_0 = arith.muli %arg1, %mul3A : i32
    %add3A = arith.addi %mul3A_0, %arg0 : i32
    %jit3A = arith.constant 4 : i32
    %div3A = arith.divsi %add3A, %jit3A : i32
    %sign3A = arith.constant 0 : i32
    %sign3A_1 = arith.cmpi sgt, %add3A, %sign3A : i32
    %sign3A_2 = arith.extui %sign3A_1 : i1 to i32
    %sign3A_3 = arith.constant 0 : i32
    %sign3A_4 = arith.cmpi slt, %add3A, %sign3A_3 : i32
    %sign3A_5 = arith.extui %sign3A_4 : i1 to i32
    %sign3A_6 = arith.subi %sign3A_2, %sign3A_5 : i32
    %sign3A_7 = arith.constant 0 : i32
    %sign3A_8 = arith.cmpi sgt, %jit3A, %sign3A_7 : i32
    %sign3A_9 = arith.extui %sign3A_8 : i1 to i32
    %sign3A_10 = arith.constant 0 : i32
    %sign3A_11 = arith.cmpi slt, %jit3A, %sign3A_10 : i32
    %sign3A_12 = arith.extui %sign3A_11 : i1 to i32
    %sign3A_13 = arith.subi %sign3A_9, %sign3A_12 : i32
    %ne3A = arith.cmpi ne, %sign3A_6, %sign3A_13 : i32
    %rem3A = arith.remsi %add3A, %jit3A : i32
    %ne3A_14 = arith.constant 0 : i32
    %ne3A_15 = arith.cmpi ne, %rem3A, %ne3A_14 : i32
    %and3A = arith.andi %ne3A, %ne3A_15 : i1
    %sub3A = arith.constant 1 : i32
    %sub3A_16 = arith.subi %div3A, %sub3A : i32
    %select_n3A = arith.select %and3A, %sub3A_16, %div3A : i32
    %jit3A_17 = arith.constant 4 : i32
    %eq3A = arith.constant 0 : i32
    %eq3A_18 = arith.cmpi eq, %jit3A_17, %eq3A : i32
    %jit3A_19 = arith.constant 1 : i32
    %select_n3A_20 = arith.select %eq3A_18, %jit3A_19, %jit3A_17 : i32
    %rem3A_21 = arith.remsi %add3A, %select_n3A_20 : i32
    %ne3A_22 = arith.constant 0 : i32
    %ne3A_23 = arith.cmpi ne, %rem3A_21, %ne3A_22 : i32
    %lt3A = arith.constant 0 : i32
    %lt3A_24 = arith.cmpi slt, %rem3A_21, %lt3A : i32
    %lt3A_25 = arith.constant 0 : i32
    %lt3A_26 = arith.cmpi slt, %select_n3A_20, %lt3A_25 : i32
    %ne3A_27 = arith.xori %lt3A_24, %lt3A_26 : i1
    %and3A_28 = arith.andi %ne3A_27, %ne3A_23 : i1
    %add3A_29 = arith.addi %rem3A_21, %select_n3A_20 : i32
    %select_n3A_30 = arith.select %and3A_28, %add3A_29, %rem3A_21 : i32
    %mul3A_31 = arith.constant 512 : i32
    %mul3A_32 = arith.muli %select_n3A_30, %mul3A_31 : i32
    %dma_start3A = arith.constant 0 : i32
    %dma_start3A_33 = tpu.memref_slice %arg3[%select_n3A, %dma_start3A] : memref<8x512xi32, #tpu.memory_space<hbm>> -> memref<1x512xi32, #tpu.memory_space<hbm>>
    %dma_start3A_34 = tpu.memref_squeeze %dma_start3A_33 : memref<1x512xi32, #tpu.memory_space<hbm>> -> memref<512xi32, #tpu.memory_space<hbm>>
    %dma_start3A_35 = arith.constant 0 : i32
    %dma_start3A_36 = tpu.memref_slice %arg3[%select_n3A, %dma_start3A_35] : memref<8x512xi32, #tpu.memory_space<hbm>> -> memref<1x512xi32, #tpu.memory_space<hbm>>
    %dma_start3A_37 = tpu.memref_squeeze %dma_start3A_36 : memref<1x512xi32, #tpu.memory_space<hbm>> -> memref<512xi32, #tpu.memory_space<hbm>>
    tpu.enqueue_dma source(%dma_start3A_37 : memref<512xi32, #tpu.memory_space<hbm>>) target(%arg6 : memref<512xi32, #tpu.memory_space<vmem>>) target_semaphore(%arg23 : memref<!tpu.dma_semaphore, #tpu.memory_space<semaphore_mem>>)
    %broadcast_in_dim3A = arith.constant 0 : i32
    %broadcast_in_dim3A_38 = vector.broadcast %broadcast_in_dim3A : i32 to vector<16xi32>
    %broadcast_in_dim3A_39 = arith.constant 0.000000e+00 : f32
    %broadcast_in_dim3A_40 = vector.broadcast %broadcast_in_dim3A_39 : f32 to vector<16xf32>
    %scan3A = arith.constant 0 : i32
    %scan3A_41 = arith.constant 0 : i32
    %scan3A_42 = arith.constant 32 : i32
    %scan3A_43 = arith.addi %scan3A_41, %scan3A_42 : i32
    %scan3A_44 = arith.constant 1 : i32
    scf.for %scan3A_1232 = %scan3A_41 to %scan3A_43 step %scan3A_44  : i32 {
      %mul3A_1233 = arith.constant 16 : i32
      %mul3A_1234 = arith.muli %scan3A_1232, %mul3A_1233 : i32
      %swap3A = arith.index_cast %mul3A_1234 : i32 to index
      %swap3A_1235 = tpu.vector_load %arg7[%swap3A] {strides = array<i32>} : memref<512xi32, #tpu.memory_space<vmem>>, vector<16xi32>,
      tpu.vector_store %arg7[%swap3A], %broadcast_in_dim3A_38 {strides = array<i32>} : memref<512xi32, #tpu.memory_space<vmem>>, vector<16xi32>,
    }
    %scan3A_45 = arith.constant 32 : i32
    %scan3A_46 = arith.constant 0 : i32
    %scan3A_47 = arith.constant 0 : i32
    %scan3A_48 = arith.constant 32 : i32
    %scan3A_49 = arith.addi %scan3A_47, %scan3A_48 : i32
    %scan3A_50 = arith.constant 1 : i32
    scf.for %scan3A_1232 = %scan3A_47 to %scan3A_49 step %scan3A_50  : i32 {
      %swap3A = arith.index_cast %scan3A_1232 : i32 to index
      %swap3A_1233 = arith.constant 0 : index
      %swap3A_1234 = tpu.vector_load %arg13[%swap3A, %swap3A_1233] {strides = array<i32>} : memref<32x512xf32, #tpu.memory_space<vmem>>, vector<16xf32>,
      tpu.vector_store %arg13[%swap3A, %swap3A_1233], %broadcast_in_dim3A_40 {strides = array<i32>} : memref<32x512xf32, #tpu.memory_space<vmem>>, vector<16xf32>,
      %swap3A_1235 = arith.index_cast %scan3A_1232 : i32 to index
      %swap3A_1236 = arith.constant 16 : index
      %swap3A_1237 = tpu.vector_load %arg13[%swap3A_1235, %swap3A_1236] {strides = array<i32>} : memref<32x512xf32, #tpu.memory_space<vmem>>, vector<16xf32>,
      tpu.vector_store %arg13[%swap3A_1235, %swap3A_1236], %broadcast_in_dim3A_40 {strides = array<i32>} : memref<32x512xf32, #tpu.memory_space<vmem>>, vector<16xf32>,
      %swap3A_1238 = arith.index_cast %scan3A_1232 : i32 to index
      %swap3A_1239 = arith.constant 32 : index
      %swap3A_1240 = tpu.vector_load %arg13[%swap3A_1238, %swap3A_1239] {strides = array<i32>} : memref<32x512xf32, #tpu.memory_space<vmem>>, vector<16xf32>,
      tpu.vector_store %arg13[%swap3A_1238, %swap3A_1239], %broadcast_in_dim3A_40 {strides = array<i32>} : memref<32x512xf32, #tpu.memory_space<vmem>>, vector<16xf32>,
      %swap3A_1241 = arith.index_cast %scan3A_1232 : i32 to index
      %swap3A_1242 = arith.constant 48 : index
      %swap3A_1243 = tpu.vector_load %arg13[%swap3A_1241, %swap3A_1242] {strides = array<i32>} : memref<32x512xf32, #tpu.memory_space<vmem>>, vector<16xf32>,
      tpu.vector_store %arg13[%swap3A_1241, %swap3A_1242], %broadcast_in_dim3A_40 {strides = array<i32>} : memref<32x512xf32, #tpu.memory_space<vmem>>, vector<16xf32>,
      %swap3A_1244 = arith.index_cast %scan3A_1232 : i32 to index
      %swap3A_1245 = arith.constant 64 : index
      %swap3A_1246 = tpu.vector_load %arg13[%swap3A_1244, %swap3A_1245] {strides = array<i32>} : memref<32x512xf32, #tpu.memory_space<vmem>>, vector<16xf32>,
      tpu.vector_store %arg13[%swap3A_1244, %swap3A_1245], %broadcast_in_dim3A_40 {strides = array<i32>} : memref<32x512xf32, #tpu.memory_space<vmem>>, vector<16xf32>,
      %swap3A_1247 = arith.index_cast %scan3A_1232 : i32 to index
      %swap3A_1248 = arith.constant 80 : index
      %swap3A_1249 = tpu.vector_load %arg13[%swap3A_1247, %swap3A_1248] {strides = array<i32>} : memref<32x512xf32, #tpu.memory_space<vmem>>, vector<16xf32>,
      tpu.vector_store %arg13[%swap3A_1247, %swap3A_1248], %broadcast_in_dim3A_40 {strides = array<i32>} : memref<32x512xf32, #tpu.memory_space<vmem>>, vector<16xf32>,
      %swap3A_1250 = arith.index_cast %scan3A_1232 : i32 to index
      %swap3A_1251 = arith.constant 96 : index
      %swap3A_1252 = tpu.vector_load %arg13[%swap3A_1250, %swap3A_1251] {strides = array<i32>} : memref<32x512xf32, #tpu.memory_space<vmem>>, vector<16xf32>,
      tpu.vector_store %arg13[%swap3A_1250, %swap3A_1251], %broadcast_in_dim3A_40 {strides = array<i32>} : memref<32x512xf32, #tpu.memory_space<vmem>>, vector<16xf32>,
      %swap3A_1253 = arith.index_cast %scan3A_1232 : i32 to index
      %swap3A_1254 = arith.constant 112 : index
      %swap3A_1255 = tpu.vector_load %arg13[%swap3A_1253, %swap3A_1254] {strides = array<i32>} : memref<32x512xf32, #tpu.memory_space<vmem>>, vector<16xf32>,
      tpu.vector_store %arg13[%swap3A_1253, %swap3A_1254], %broadcast_in_dim3A_40 {strides = array<i32>} : memref<32x512xf32, #tpu.memory_space<vmem>>, vector<16xf32>,
      %swap3A_1256 = arith.index_cast %scan3A_1232 : i32 to index
      %swap3A_1257 = arith.constant 128 : index
      %swap3A_1258 = tpu.vector_load %arg13[%swap3A_1256, %swap3A_1257] {strides = array<i32>} : memref<32x512xf32, #tpu.memory_space<vmem>>, vector<16xf32>,
      tpu.vector_store %arg13[%swap3A_1256, %swap3A_1257], %broadcast_in_dim3A_40 {strides = array<i32>} : memref<32x512xf32, #tpu.memory_space<vmem>>, vector<16xf32>,
      %swap3A_1259 = arith.index_cast %scan3A_1232 : i32 to index
      %swap3A_1260 = arith.constant 144 : index
      %swap3A_1261 = tpu.vector_load %arg13[%swap3A_1259, %swap3A_1260] {strides = array<i32>} : memref<32x512xf32, #tpu.memory_space<vmem>>, vector<16xf32>,
      tpu.vector_store %arg13[%swap3A_1259, %swap3A_1260], %broadcast_in_dim3A_40 {strides = array<i32>} : memref<32x512xf32, #tpu.memory_space<vmem>>, vector<16xf32>,
      %swap3A_1262 = arith.index_cast %scan3A_1232 : i32 to index
      %swap3A_1263 = arith.constant 160 : index
      %swap3A_1264 = tpu.vector_load %arg13[%swap3A_1262, %swap3A_1263] {strides = array<i32>} : memref<32x512xf32, #tpu.memory_space<vmem>>, vector<16xf32>,
      tpu.vector_store %arg13[%swap3A_1262, %swap3A_1263], %broadcast_in_dim3A_40 {strides = array<i32>} : memref<32x512xf32, #tpu.memory_space<vmem>>, vector<16xf32>,
      %swap3A_1265 = arith.index_cast %scan3A_1232 : i32 to index
      %swap3A_1266 = arith.constant 176 : index
      %swap3A_1267 = tpu.vector_load %arg13[%swap3A_1265, %swap3A_1266] {strides = array<i32>} : memref<32x512xf32, #tpu.memory_space<vmem>>, vector<16xf32>,
      tpu.vector_store %arg13[%swap3A_1265, %swap3A_1266], %broadcast_in_dim3A_40 {strides = array<i32>} : memref<32x512xf32, #tpu.memory_space<vmem>>, vector<16xf32>,
      %swap3A_1268 = arith.index_cast %scan3A_1232 : i32 to index
      %swap3A_1269 = arith.constant 192 : index
      %swap3A_1270 = tpu.vector_load %arg13[%swap3A_1268, %swap3A_1269] {strides = array<i32>} : memref<32x512xf32, #tpu.memory_space<vmem>>, vector<16xf32>,
      tpu.vector_store %arg13[%swap3A_1268, %swap3A_1269], %broadcast_in_dim3A_40 {strides = array<i32>} : memref<32x512xf32, #tpu.memory_space<vmem>>, vector<16xf32>,
      %swap3A_1271 = arith.index_cast %scan3A_1232 : i32 to index
      %swap3A_1272 = arith.constant 208 : index
      %swap3A_1273 = tpu.vector_load %arg13[%swap3A_1271, %swap3A_1272] {strides = array<i32>} : memref<32x512xf32, #tpu.memory_space<vmem>>, vector<16xf32>,
      tpu.vector_store %arg13[%swap3A_1271, %swap3A_1272], %broadcast_in_dim3A_40 {strides = array<i32>} : memref<32x512xf32, #tpu.memory_space<vmem>>, vector<16xf32>,
      %swap3A_1274 = arith.index_cast %scan3A_1232 : i32 to index
      %swap3A_1275 = arith.constant 224 : index
      %swap3A_1276 = tpu.vector_load %arg13[%swap3A_1274, %swap3A_1275] {strides = array<i32>} : memref<32x512xf32, #tpu.memory_space<vmem>>, vector<16xf32>,
      tpu.vector_store %arg13[%swap3A_1274, %swap3A_1275], %broadcast_in_dim3A_40 {strides = array<i32>} : memref<32x512xf32, #tpu.memory_space<vmem>>, vector<16xf32>,
      %swap3A_1277 = arith.index_cast %scan3A_1232 : i32 to index
      %swap3A_1278 = arith.constant 240 : index
      %swap3A_1279 = tpu.vector_load %arg13[%swap3A_1277, %swap3A_1278] {strides = array<i32>} : memref<32x512xf32, #tpu.memory_space<vmem>>, vector<16xf32>,
      tpu.vector_store %arg13[%swap3A_1277, %swap3A_1278], %broadcast_in_dim3A_40 {strides = array<i32>} : memref<32x512xf32, #tpu.memory_space<vmem>>, vector<16xf32>,
      %swap3A_1280 = arith.index_cast %scan3A_1232 : i32 to index
      %swap3A_1281 = arith.constant 256 : index
      %swap3A_1282 = tpu.vector_load %arg13[%swap3A_1280, %swap3A_1281] {strides = array<i32>} : memref<32x512xf32, #tpu.memory_space<vmem>>, vector<16xf32>,
      tpu.vector_store %arg13[%swap3A_1280, %swap3A_1281], %broadcast_in_dim3A_40 {strides = array<i32>} : memref<32x512xf32, #tpu.memory_space<vmem>>, vector<16xf32>,
      %swap3A_1283 = arith.index_cast %scan3A_1232 : i32 to index
      %swap3A_1284 = arith.constant 272 : index
      %swap3A_1285 = tpu.vector_load %arg13[%swap3A_1283, %swap3A_1284] {strides = array<i32>} : memref<32x512xf32, #tpu.memory_space<vmem>>, vector<16xf32>,
      tpu.vector_store %arg13[%swap3A_1283, %swap3A_1284], %broadcast_in_dim3A_40 {strides = array<i32>} : memref<32x512xf32, #tpu.memory_space<vmem>>, vector<16xf32>,
      %swap3A_1286 = arith.index_cast %scan3A_1232 : i32 to index
      %swap3A_1287 = arith.constant 288 : index
      %swap3A_1288 = tpu.vector_load %arg13[%swap3A_1286, %swap3A_1287] {strides = array<i32>} : memref<32x512xf32, #tpu.memory_space<vmem>>, vector<16xf32>,
      tpu.vector_store %arg13[%swap3A_1286, %swap3A_1287], %broadcast_in_dim3A_40 {strides = array<i32>} : memref<32x512xf32, #tpu.memory_space<vmem>>, vector<16xf32>,
      %swap3A_1289 = arith.index_cast %scan3A_1232 : i32 to index
      %swap3A_1290 = arith.constant 304 : index
      %swap3A_1291 = tpu.vector_load %arg13[%swap3A_1289, %swap3A_1290] {strides = array<i32>} : memref<32x512xf32, #tpu.memory_space<vmem>>, vector<16xf32>,
      tpu.vector_store %arg13[%swap3A_1289, %swap3A_1290], %broadcast_in_dim3A_40 {strides = array<i32>} : memref<32x512xf32, #tpu.memory_space<vmem>>, vector<16xf32>,
      %swap3A_1292 = arith.index_cast %scan3A_1232 : i32 to index
      %swap3A_1293 = arith.constant 320 : index
      %swap3A_1294 = tpu.vector_load %arg13[%swap3A_1292, %swap3A_1293] {strides = array<i32>} : memref<32x512xf32, #tpu.memory_space<vmem>>, vector<16xf32>,
      tpu.vector_store %arg13[%swap3A_1292, %swap3A_1293], %broadcast_in_dim3A_40 {strides = array<i32>} : memref<32x512xf32, #tpu.memory_space<vmem>>, vector<16xf32>,
      %swap3A_1295 = arith.index_cast %scan3A_1232 : i32 to index
      %swap3A_1296 = arith.constant 336 : index
      %swap3A_1297 = tpu.vector_load %arg13[%swap3A_1295, %swap3A_1296] {strides = array<i32>} : memref<32x512xf32, #tpu.memory_space<vmem>>, vector<16xf32>,
      tpu.vector_store %arg13[%swap3A_1295, %swap3A_1296], %broadcast_in_dim3A_40 {strides = array<i32>} : memref<32x512xf32, #tpu.memory_space<vmem>>, vector<16xf32>,
      %swap3A_1298 = arith.index_cast %scan3A_1232 : i32 to index
      %swap3A_1299 = arith.constant 352 : index
      %swap3A_1300 = tpu.vector_load %arg13[%swap3A_1298, %swap3A_1299] {strides = array<i32>} : memref<32x512xf32, #tpu.memory_space<vmem>>, vector<16xf32>,
      tpu.vector_store %arg13[%swap3A_1298, %swap3A_1299], %broadcast_in_dim3A_40 {strides = array<i32>} : memref<32x512xf32, #tpu.memory_space<vmem>>, vector<16xf32>,
      %swap3A_1301 = arith.index_cast %scan3A_1232 : i32 to index
      %swap3A_1302 = arith.constant 368 : index
      %swap3A_1303 = tpu.vector_load %arg13[%swap3A_1301, %swap3A_1302] {strides = array<i32>} : memref<32x512xf32, #tpu.memory_space<vmem>>, vector<16xf32>,
      tpu.vector_store %arg13[%swap3A_1301, %swap3A_1302], %broadcast_in_dim3A_40 {strides = array<i32>} : memref<32x512xf32, #tpu.memory_space<vmem>>, vector<16xf32>,
      %swap3A_1304 = arith.index_cast %scan3A_1232 : i32 to index
      %swap3A_1305 = arith.constant 384 : index
      %swap3A_1306 = tpu.vector_load %arg13[%swap3A_1304, %swap3A_1305] {strides = array<i32>} : memref<32x512xf32, #tpu.memory_space<vmem>>, vector<16xf32>,
      tpu.vector_store %arg13[%swap3A_1304, %swap3A_1305], %broadcast_in_dim3A_40 {strides = array<i32>} : memref<32x512xf32, #tpu.memory_space<vmem>>, vector<16xf32>,
      %swap3A_1307 = arith.index_cast %scan3A_1232 : i32 to index
      %swap3A_1308 = arith.constant 400 : index
      %swap3A_1309 = tpu.vector_load %arg13[%swap3A_1307, %swap3A_1308] {strides = array<i32>} : memref<32x512xf32, #tpu.memory_space<vmem>>, vector<16xf32>,
      tpu.vector_store %arg13[%swap3A_1307, %swap3A_1308], %broadcast_in_dim3A_40 {strides = array<i32>} : memref<32x512xf32, #tpu.memory_space<vmem>>, vector<16xf32>,
      %swap3A_1310 = arith.index_cast %scan3A_1232 : i32 to index
      %swap3A_1311 = arith.constant 416 : index
      %swap3A_1312 = tpu.vector_load %arg13[%swap3A_1310, %swap3A_1311] {strides = array<i32>} : memref<32x512xf32, #tpu.memory_space<vmem>>, vector<16xf32>,
      tpu.vector_store %arg13[%swap3A_1310, %swap3A_1311], %broadcast_in_dim3A_40 {strides = array<i32>} : memref<32x512xf32, #tpu.memory_space<vmem>>, vector<16xf32>,
      %swap3A_1313 = arith.index_cast %scan3A_1232 : i32 to index
      %swap3A_1314 = arith.constant 432 : index
      %swap3A_1315 = tpu.vector_load %arg13[%swap3A_1313, %swap3A_1314] {strides = array<i32>} : memref<32x512xf32, #tpu.memory_space<vmem>>, vector<16xf32>,
      tpu.vector_store %arg13[%swap3A_1313, %swap3A_1314], %broadcast_in_dim3A_40 {strides = array<i32>} : memref<32x512xf32, #tpu.memory_space<vmem>>, vector<16xf32>,
      %swap3A_1316 = arith.index_cast %scan3A_1232 : i32 to index
      %swap3A_1317 = arith.constant 448 : index
      %swap3A_1318 = tpu.vector_load %arg13[%swap3A_1316, %swap3A_1317] {strides = array<i32>} : memref<32x512xf32, #tpu.memory_space<vmem>>, vector<16xf32>,
      tpu.vector_store %arg13[%swap3A_1316, %swap3A_1317], %broadcast_in_dim3A_40 {strides = array<i32>} : memref<32x512xf32, #tpu.memory_space<vmem>>, vector<16xf32>,
      %swap3A_1319 = arith.index_cast %scan3A_1232 : i32 to index
      %swap3A_1320 = arith.constant 464 : index
      %swap3A_1321 = tpu.vector_load %arg13[%swap3A_1319, %swap3A_1320] {strides = array<i32>} : memref<32x512xf32, #tpu.memory_space<vmem>>, vector<16xf32>,
      tpu.vector_store %arg13[%swap3A_1319, %swap3A_1320], %broadcast_in_dim3A_40 {strides = array<i32>} : memref<32x512xf32, #tpu.memory_space<vmem>>, vector<16xf32>,
      %swap3A_1322 = arith.index_cast %scan3A_1232 : i32 to index
      %swap3A_1323 = arith.constant 480 : index
      %swap3A_1324 = tpu.vector_load %arg13[%swap3A_1322, %swap3A_1323] {strides = array<i32>} : memref<32x512xf32, #tpu.memory_space<vmem>>, vector<16xf32>,
      tpu.vector_store %arg13[%swap3A_1322, %swap3A_1323], %broadcast_in_dim3A_40 {strides = array<i32>} : memref<32x512xf32, #tpu.memory_space<vmem>>, vector<16xf32>,
      %swap3A_1325 = arith.index_cast %scan3A_1232 : i32 to index
      %swap3A_1326 = arith.constant 496 : index
      %swap3A_1327 = tpu.vector_load %arg13[%swap3A_1325, %swap3A_1326] {strides = array<i32>} : memref<32x512xf32, #tpu.memory_space<vmem>>, vector<16xf32>,
      tpu.vector_store %arg13[%swap3A_1325, %swap3A_1326], %broadcast_in_dim3A_40 {strides = array<i32>} : memref<32x512xf32, #tpu.memory_space<vmem>>, vector<16xf32>,
    }
    %scan3A_51 = arith.constant 32 : i32
    %dma_wait3A = arith.constant 0 : i32
    %dma_wait3A_52 = tpu.memref_slice %arg3[%select_n3A, %dma_wait3A] : memref<8x512xi32, #tpu.memory_space<hbm>> -> memref<1x512xi32, #tpu.memory_space<hbm>>
    %dma_wait3A_53 = tpu.memref_squeeze %dma_wait3A_52 : memref<1x512xi32, #tpu.memory_space<hbm>> -> memref<512xi32, #tpu.memory_space<hbm>>
    %dma_wait3A_54 = arith.constant 0 : i32
    %dma_wait3A_55 = tpu.memref_slice %arg3[%select_n3A, %dma_wait3A_54] : memref<8x512xi32, #tpu.memory_space<hbm>> -> memref<1x512xi32, #tpu.memory_space<hbm>>
    %dma_wait3A_56 = tpu.memref_squeeze %dma_wait3A_55 : memref<1x512xi32, #tpu.memory_space<hbm>> -> memref<512xi32, #tpu.memory_space<hbm>>
    tpu.wait_dma2 semaphore(%arg23 : memref<!tpu.dma_semaphore, #tpu.memory_space<semaphore_mem>>) src(%dma_wait3A_56 : memref<512xi32, #tpu.memory_space<hbm>>) dst(%arg6 : memref<512xi32, #tpu.memory_space<vmem>>)
    %broadcast_in_dim3A_57 = arith.constant 1 : i32
    %broadcast_in_dim3A_58 = vector.broadcast %broadcast_in_dim3A_57 : i32 to vector<16xi32>
    %get3A = arith.constant 0 : index
    %get3A_59 = tpu.vector_load %arg6[%get3A] {strides = array<i32>} : memref<512xi32, #tpu.memory_space<vmem>>, vector<16xi32>,
    %cumsum3A = arith.constant true
    %cumsum3A_60 = vector.broadcast %cumsum3A : i1 to vector<16xi1>
    %cumsum3A_61 = tpu.scan <sum>, %get3A_59 masked %cumsum3A_60 : vector<16xi32>, vector<16xi1> -> vector<16xi32>
    %add3A_62 = arith.constant 0 : i32
    %add3A_63 = vector.broadcast %add3A_62 : i32 to vector<16xi32>
    %add3A_64 = arith.addi %cumsum3A_61, %add3A_63 : vector<16xi32>
    %reduce_sum3A = arith.constant true
    %reduce_sum3A_65 = vector.broadcast %reduce_sum3A : i1 to vector<16xi1>
    %reduce_sum3A_66 = tpu.scan <sum>, %get3A_59 masked %reduce_sum3A_65 : vector<16xi32>, vector<16xi1> -> vector<16xi32>
    %reduce_sum3A_67 = vector.extract %reduce_sum3A_66[15] : i32 from vector<16xi32>
    %add3A_68 = arith.constant 0 : i32
    %add3A_69 = arith.addi %add3A_68, %reduce_sum3A_67 : i32
    %lt3A_70 = vector.broadcast %mul3A_32 : i32 to vector<16xi32>
    %lt3A_71 = arith.cmpi slt, %add3A_64, %lt3A_70 : vector<16xi32>
    %convert_element_type3A = arith.extui %lt3A_71 : vector<16xi1> to vector<16xi32>
    %reduce_sum3A_72 = arith.constant true
    %reduce_sum3A_73 = vector.broadcast %reduce_sum3A_72 : i1 to vector<16xi1>
    %reduce_sum3A_74 = tpu.scan <sum>, %convert_element_type3A masked %reduce_sum3A_73 : vector<16xi32>, vector<16xi1> -> vector<16xi32>
    %reduce_sum3A_75 = vector.extract %reduce_sum3A_74[15] : i32 from vector<16xi32>
    %add3A_76 = arith.constant 0 : i32
    %add3A_77 = arith.addi %add3A_76, %reduce_sum3A_75 : i32
    %ge3A = vector.broadcast %mul3A_32 : i32 to vector<16xi32>
    %ge3A_78 = arith.cmpi sge, %add3A_64, %ge3A : vector<16xi32>
    %add3A_79 = arith.constant 512 : i32
    %add3A_80 = arith.addi %mul3A_32, %add3A_79 : i32
    %lt3A_81 = vector.broadcast %add3A_80 : i32 to vector<16xi32>
    %lt3A_82 = arith.cmpi slt, %add3A_64, %lt3A_81 : vector<16xi32>
    %and3A_83 = arith.andi %ge3A_78, %lt3A_82 : vector<16xi1>
    %sub3A_84 = vector.broadcast %mul3A_32 : i32 to vector<16xi32>
    %sub3A_85 = arith.subi %add3A_64, %sub3A_84 : vector<16xi32>
    %jit3A_86 = arith.constant 0 : i32
    %jit3A_87 = arith.constant 511 : i32
    %max3A = vector.broadcast %jit3A_86 : i32 to vector<16xi32>
    %max3A_88 = arith.maxsi %max3A, %sub3A_85 : vector<16xi32>
    %min3A = vector.broadcast %jit3A_87 : i32 to vector<16xi32>
    %min3A_89 = arith.minsi %min3A, %max3A_88 : vector<16xi32>
    tpu.vector_store_idx %arg7[%min3A_89], %broadcast_in_dim3A_58 masked %and3A_83 {add = true} : memref<512xi32, #tpu.memory_space<vmem>>[vector<16xi32>], vector<16xi32>, vector<16xi1>
    %get3A_90 = arith.constant 16 : index
    %get3A_91 = tpu.vector_load %arg6[%get3A_90] {strides = array<i32>} : memref<512xi32, #tpu.memory_space<vmem>>, vector<16xi32>,
    %cumsum3A_92 = arith.constant true
    %cumsum3A_93 = vector.broadcast %cumsum3A_92 : i1 to vector<16xi1>
    %cumsum3A_94 = tpu.scan <sum>, %get3A_91 masked %cumsum3A_93 : vector<16xi32>, vector<16xi1> -> vector<16xi32>
    %add3A_95 = vector.broadcast %add3A_69 : i32 to vector<16xi32>
    %add3A_96 = arith.addi %cumsum3A_94, %add3A_95 : vector<16xi32>
    %reduce_sum3A_97 = arith.constant true
    %reduce_sum3A_98 = vector.broadcast %reduce_sum3A_97 : i1 to vector<16xi1>
    %reduce_sum3A_99 = tpu.scan <sum>, %get3A_91 masked %reduce_sum3A_98 : vector<16xi32>, vector<16xi1> -> vector<16xi32>
    %reduce_sum3A_100 = vector.extract %reduce_sum3A_99[15] : i32 from vector<16xi32>
    %add3A_101 = arith.addi %add3A_69, %reduce_sum3A_100 : i32
    %lt3A_102 = vector.broadcast %mul3A_32 : i32 to vector<16xi32>
    %lt3A_103 = arith.cmpi slt, %add3A_96, %lt3A_102 : vector<16xi32>
    %convert_element_type3A_104 = arith.extui %lt3A_103 : vector<16xi1> to vector<16xi32>
    %reduce_sum3A_105 = arith.constant true
    %reduce_sum3A_106 = vector.broadcast %reduce_sum3A_105 : i1 to vector<16xi1>
    %reduce_sum3A_107 = tpu.scan <sum>, %convert_element_type3A_104 masked %reduce_sum3A_106 : vector<16xi32>, vector<16xi1> -> vector<16xi32>
    %reduce_sum3A_108 = vector.extract %reduce_sum3A_107[15] : i32 from vector<16xi32>
    %add3A_109 = arith.addi %add3A_77, %reduce_sum3A_108 : i32
    %ge3A_110 = vector.broadcast %mul3A_32 : i32 to vector<16xi32>
    %ge3A_111 = arith.cmpi sge, %add3A_96, %ge3A_110 : vector<16xi32>
    %add3A_112 = arith.constant 512 : i32
    %add3A_113 = arith.addi %mul3A_32, %add3A_112 : i32
    %lt3A_114 = vector.broadcast %add3A_113 : i32 to vector<16xi32>
    %lt3A_115 = arith.cmpi slt, %add3A_96, %lt3A_114 : vector<16xi32>
    %and3A_116 = arith.andi %ge3A_111, %lt3A_115 : vector<16xi1>
    %sub3A_117 = vector.broadcast %mul3A_32 : i32 to vector<16xi32>
    %sub3A_118 = arith.subi %add3A_96, %sub3A_117 : vector<16xi32>
    %jit3A_119 = arith.constant 0 : i32
    %jit3A_120 = arith.constant 511 : i32
    %max3A_121 = vector.broadcast %jit3A_119 : i32 to vector<16xi32>
    %max3A_122 = arith.maxsi %max3A_121, %sub3A_118 : vector<16xi32>
    %min3A_123 = vector.broadcast %jit3A_120 : i32 to vector<16xi32>
    %min3A_124 = arith.minsi %min3A_123, %max3A_122 : vector<16xi32>
    tpu.vector_store_idx %arg7[%min3A_124], %broadcast_in_dim3A_58 masked %and3A_116 {add = true} : memref<512xi32, #tpu.memory_space<vmem>>[vector<16xi32>], vector<16xi32>, vector<16xi1>
    %get3A_125 = arith.constant 32 : index
    %get3A_126 = tpu.vector_load %arg6[%get3A_125] {strides = array<i32>} : memref<512xi32, #tpu.memory_space<vmem>>, vector<16xi32>,
    %cumsum3A_127 = arith.constant true
    %cumsum3A_128 = vector.broadcast %cumsum3A_127 : i1 to vector<16xi1>
    %cumsum3A_129 = tpu.scan <sum>, %get3A_126 masked %cumsum3A_128 : vector<16xi32>, vector<16xi1> -> vector<16xi32>
    %add3A_130 = vector.broadcast %add3A_101 : i32 to vector<16xi32>
    %add3A_131 = arith.addi %cumsum3A_129, %add3A_130 : vector<16xi32>
    %reduce_sum3A_132 = arith.constant true
    %reduce_sum3A_133 = vector.broadcast %reduce_sum3A_132 : i1 to vector<16xi1>
    %reduce_sum3A_134 = tpu.scan <sum>, %get3A_126 masked %reduce_sum3A_133 : vector<16xi32>, vector<16xi1> -> vector<16xi32>
    %reduce_sum3A_135 = vector.extract %reduce_sum3A_134[15] : i32 from vector<16xi32>
    %add3A_136 = arith.addi %add3A_101, %reduce_sum3A_135 : i32
    %lt3A_137 = vector.broadcast %mul3A_32 : i32 to vector<16xi32>
    %lt3A_138 = arith.cmpi slt, %add3A_131, %lt3A_137 : vector<16xi32>
    %convert_element_type3A_139 = arith.extui %lt3A_138 : vector<16xi1> to vector<16xi32>
    %reduce_sum3A_140 = arith.constant true
    %reduce_sum3A_141 = vector.broadcast %reduce_sum3A_140 : i1 to vector<16xi1>
    %reduce_sum3A_142 = tpu.scan <sum>, %convert_element_type3A_139 masked %reduce_sum3A_141 : vector<16xi32>, vector<16xi1> -> vector<16xi32>
    %reduce_sum3A_143 = vector.extract %reduce_sum3A_142[15] : i32 from vector<16xi32>
    %add3A_144 = arith.addi %add3A_109, %reduce_sum3A_143 : i32
    %ge3A_145 = vector.broadcast %mul3A_32 : i32 to vector<16xi32>
    %ge3A_146 = arith.cmpi sge, %add3A_131, %ge3A_145 : vector<16xi32>
    %add3A_147 = arith.constant 512 : i32
    %add3A_148 = arith.addi %mul3A_32, %add3A_147 : i32
    %lt3A_149 = vector.broadcast %add3A_148 : i32 to vector<16xi32>
    %lt3A_150 = arith.cmpi slt, %add3A_131, %lt3A_149 : vector<16xi32>
    %and3A_151 = arith.andi %ge3A_146, %lt3A_150 : vector<16xi1>
    %sub3A_152 = vector.broadcast %mul3A_32 : i32 to vector<16xi32>
    %sub3A_153 = arith.subi %add3A_131, %sub3A_152 : vector<16xi32>
    %jit3A_154 = arith.constant 0 : i32
    %jit3A_155 = arith.constant 511 : i32
    %max3A_156 = vector.broadcast %jit3A_154 : i32 to vector<16xi32>
    %max3A_157 = arith.maxsi %max3A_156, %sub3A_153 : vector<16xi32>
    %min3A_158 = vector.broadcast %jit3A_155 : i32 to vector<16xi32>
    %min3A_159 = arith.minsi %min3A_158, %max3A_157 : vector<16xi32>
    tpu.vector_store_idx %arg7[%min3A_159], %broadcast_in_dim3A_58 masked %and3A_151 {add = true} : memref<512xi32, #tpu.memory_space<vmem>>[vector<16xi32>], vector<16xi32>, vector<16xi1>
    %get3A_160 = arith.constant 48 : index
    %get3A_161 = tpu.vector_load %arg6[%get3A_160] {strides = array<i32>} : memref<512xi32, #tpu.memory_space<vmem>>, vector<16xi32>,
    %cumsum3A_162 = arith.constant true
    %cumsum3A_163 = vector.broadcast %cumsum3A_162 : i1 to vector<16xi1>
    %cumsum3A_164 = tpu.scan <sum>, %get3A_161 masked %cumsum3A_163 : vector<16xi32>, vector<16xi1> -> vector<16xi32>
    %add3A_165 = vector.broadcast %add3A_136 : i32 to vector<16xi32>
    %add3A_166 = arith.addi %cumsum3A_164, %add3A_165 : vector<16xi32>
    %reduce_sum3A_167 = arith.constant true
    %reduce_sum3A_168 = vector.broadcast %reduce_sum3A_167 : i1 to vector<16xi1>
    %reduce_sum3A_169 = tpu.scan <sum>, %get3A_161 masked %reduce_sum3A_168 : vector<16xi32>, vector<16xi1> -> vector<16xi32>
    %reduce_sum3A_170 = vector.extract %reduce_sum3A_169[15] : i32 from vector<16xi32>
    %add3A_171 = arith.addi %add3A_136, %reduce_sum3A_170 : i32
    %lt3A_172 = vector.broadcast %mul3A_32 : i32 to vector<16xi32>
    %lt3A_173 = arith.cmpi slt, %add3A_166, %lt3A_172 : vector<16xi32>
    %convert_element_type3A_174 = arith.extui %lt3A_173 : vector<16xi1> to vector<16xi32>
    %reduce_sum3A_175 = arith.constant true
    %reduce_sum3A_176 = vector.broadcast %reduce_sum3A_175 : i1 to vector<16xi1>
    %reduce_sum3A_177 = tpu.scan <sum>, %convert_element_type3A_174 masked %reduce_sum3A_176 : vector<16xi32>, vector<16xi1> -> vector<16xi32>
    %reduce_sum3A_178 = vector.extract %reduce_sum3A_177[15] : i32 from vector<16xi32>
    %add3A_179 = arith.addi %add3A_144, %reduce_sum3A_178 : i32
    %ge3A_180 = vector.broadcast %mul3A_32 : i32 to vector<16xi32>
    %ge3A_181 = arith.cmpi sge, %add3A_166, %ge3A_180 : vector<16xi32>
    %add3A_182 = arith.constant 512 : i32
    %add3A_183 = arith.addi %mul3A_32, %add3A_182 : i32
    %lt3A_184 = vector.broadcast %add3A_183 : i32 to vector<16xi32>
    %lt3A_185 = arith.cmpi slt, %add3A_166, %lt3A_184 : vector<16xi32>
    %and3A_186 = arith.andi %ge3A_181, %lt3A_185 : vector<16xi1>
    %sub3A_187 = vector.broadcast %mul3A_32 : i32 to vector<16xi32>
    %sub3A_188 = arith.subi %add3A_166, %sub3A_187 : vector<16xi32>
    %jit3A_189 = arith.constant 0 : i32
    %jit3A_190 = arith.constant 511 : i32
    %max3A_191 = vector.broadcast %jit3A_189 : i32 to vector<16xi32>
    %max3A_192 = arith.maxsi %max3A_191, %sub3A_188 : vector<16xi32>
    %min3A_193 = vector.broadcast %jit3A_190 : i32 to vector<16xi32>
    %min3A_194 = arith.minsi %min3A_193, %max3A_192 : vector<16xi32>
    tpu.vector_store_idx %arg7[%min3A_194], %broadcast_in_dim3A_58 masked %and3A_186 {add = true} : memref<512xi32, #tpu.memory_space<vmem>>[vector<16xi32>], vector<16xi32>, vector<16xi1>
    %get3A_195 = arith.constant 64 : index
    %get3A_196 = tpu.vector_load %arg6[%get3A_195] {strides = array<i32>} : memref<512xi32, #tpu.memory_space<vmem>>, vector<16xi32>,
    %cumsum3A_197 = arith.constant true
    %cumsum3A_198 = vector.broadcast %cumsum3A_197 : i1 to vector<16xi1>
    %cumsum3A_199 = tpu.scan <sum>, %get3A_196 masked %cumsum3A_198 : vector<16xi32>, vector<16xi1> -> vector<16xi32>
    %add3A_200 = vector.broadcast %add3A_171 : i32 to vector<16xi32>
    %add3A_201 = arith.addi %cumsum3A_199, %add3A_200 : vector<16xi32>
    %reduce_sum3A_202 = arith.constant true
    %reduce_sum3A_203 = vector.broadcast %reduce_sum3A_202 : i1 to vector<16xi1>
    %reduce_sum3A_204 = tpu.scan <sum>, %get3A_196 masked %reduce_sum3A_203 : vector<16xi32>, vector<16xi1> -> vector<16xi32>
    %reduce_sum3A_205 = vector.extract %reduce_sum3A_204[15] : i32 from vector<16xi32>
    %add3A_206 = arith.addi %add3A_171, %reduce_sum3A_205 : i32
    %lt3A_207 = vector.broadcast %mul3A_32 : i32 to vector<16xi32>
    %lt3A_208 = arith.cmpi slt, %add3A_201, %lt3A_207 : vector<16xi32>
    %convert_element_type3A_209 = arith.extui %lt3A_208 : vector<16xi1> to vector<16xi32>
    %reduce_sum3A_210 = arith.constant true
    %reduce_sum3A_211 = vector.broadcast %reduce_sum3A_210 : i1 to vector<16xi1>
    %reduce_sum3A_212 = tpu.scan <sum>, %convert_element_type3A_209 masked %reduce_sum3A_211 : vector<16xi32>, vector<16xi1> -> vector<16xi32>
    %reduce_sum3A_213 = vector.extract %reduce_sum3A_212[15] : i32 from vector<16xi32>
    %add3A_214 = arith.addi %add3A_179, %reduce_sum3A_213 : i32
    %ge3A_215 = vector.broadcast %mul3A_32 : i32 to vector<16xi32>
    %ge3A_216 = arith.cmpi sge, %add3A_201, %ge3A_215 : vector<16xi32>
    %add3A_217 = arith.constant 512 : i32
    %add3A_218 = arith.addi %mul3A_32, %add3A_217 : i32
    %lt3A_219 = vector.broadcast %add3A_218 : i32 to vector<16xi32>
    %lt3A_220 = arith.cmpi slt, %add3A_201, %lt3A_219 : vector<16xi32>
    %and3A_221 = arith.andi %ge3A_216, %lt3A_220 : vector<16xi1>
    %sub3A_222 = vector.broadcast %mul3A_32 : i32 to vector<16xi32>
    %sub3A_223 = arith.subi %add3A_201, %sub3A_222 : vector<16xi32>
    %jit3A_224 = arith.constant 0 : i32
    %jit3A_225 = arith.constant 511 : i32
    %max3A_226 = vector.broadcast %jit3A_224 : i32 to vector<16xi32>
    %max3A_227 = arith.maxsi %max3A_226, %sub3A_223 : vector<16xi32>
    %min3A_228 = vector.broadcast %jit3A_225 : i32 to vector<16xi32>
    %min3A_229 = arith.minsi %min3A_228, %max3A_227 : vector<16xi32>
    tpu.vector_store_idx %arg7[%min3A_229], %broadcast_in_dim3A_58 masked %and3A_221 {add = true} : memref<512xi32, #tpu.memory_space<vmem>>[vector<16xi32>], vector<16xi32>, vector<16xi1>
    %get3A_230 = arith.constant 80 : index
    %get3A_231 = tpu.vector_load %arg6[%get3A_230] {strides = array<i32>} : memref<512xi32, #tpu.memory_space<vmem>>, vector<16xi32>,
    %cumsum3A_232 = arith.constant true
    %cumsum3A_233 = vector.broadcast %cumsum3A_232 : i1 to vector<16xi1>
    %cumsum3A_234 = tpu.scan <sum>, %get3A_231 masked %cumsum3A_233 : vector<16xi32>, vector<16xi1> -> vector<16xi32>
    %add3A_235 = vector.broadcast %add3A_206 : i32 to vector<16xi32>
    %add3A_236 = arith.addi %cumsum3A_234, %add3A_235 : vector<16xi32>
    %reduce_sum3A_237 = arith.constant true
    %reduce_sum3A_238 = vector.broadcast %reduce_sum3A_237 : i1 to vector<16xi1>
    %reduce_sum3A_239 = tpu.scan <sum>, %get3A_231 masked %reduce_sum3A_238 : vector<16xi32>, vector<16xi1> -> vector<16xi32>
    %reduce_sum3A_240 = vector.extract %reduce_sum3A_239[15] : i32 from vector<16xi32>
    %add3A_241 = arith.addi %add3A_206, %reduce_sum3A_240 : i32
    %lt3A_242 = vector.broadcast %mul3A_32 : i32 to vector<16xi32>
    %lt3A_243 = arith.cmpi slt, %add3A_236, %lt3A_242 : vector<16xi32>
    %convert_element_type3A_244 = arith.extui %lt3A_243 : vector<16xi1> to vector<16xi32>
    %reduce_sum3A_245 = arith.constant true
    %reduce_sum3A_246 = vector.broadcast %reduce_sum3A_245 : i1 to vector<16xi1>
    %reduce_sum3A_247 = tpu.scan <sum>, %convert_element_type3A_244 masked %reduce_sum3A_246 : vector<16xi32>, vector<16xi1> -> vector<16xi32>
    %reduce_sum3A_248 = vector.extract %reduce_sum3A_247[15] : i32 from vector<16xi32>
    %add3A_249 = arith.addi %add3A_214, %reduce_sum3A_248 : i32
    %ge3A_250 = vector.broadcast %mul3A_32 : i32 to vector<16xi32>
    %ge3A_251 = arith.cmpi sge, %add3A_236, %ge3A_250 : vector<16xi32>
    %add3A_252 = arith.constant 512 : i32
    %add3A_253 = arith.addi %mul3A_32, %add3A_252 : i32
    %lt3A_254 = vector.broadcast %add3A_253 : i32 to vector<16xi32>
    %lt3A_255 = arith.cmpi slt, %add3A_236, %lt3A_254 : vector<16xi32>
    %and3A_256 = arith.andi %ge3A_251, %lt3A_255 : vector<16xi1>
    %sub3A_257 = vector.broadcast %mul3A_32 : i32 to vector<16xi32>
    %sub3A_258 = arith.subi %add3A_236, %sub3A_257 : vector<16xi32>
    %jit3A_259 = arith.constant 0 : i32
    %jit3A_260 = arith.constant 511 : i32
    %max3A_261 = vector.broadcast %jit3A_259 : i32 to vector<16xi32>
    %max3A_262 = arith.maxsi %max3A_261, %sub3A_258 : vector<16xi32>
    %min3A_263 = vector.broadcast %jit3A_260 : i32 to vector<16xi32>
    %min3A_264 = arith.minsi %min3A_263, %max3A_262 : vector<16xi32>
    tpu.vector_store_idx %arg7[%min3A_264], %broadcast_in_dim3A_58 masked %and3A_256 {add = true} : memref<512xi32, #tpu.memory_space<vmem>>[vector<16xi32>], vector<16xi32>, vector<16xi1>
    %get3A_265 = arith.constant 96 : index
    %get3A_266 = tpu.vector_load %arg6[%get3A_265] {strides = array<i32>} : memref<512xi32, #tpu.memory_space<vmem>>, vector<16xi32>,
    %cumsum3A_267 = arith.constant true
    %cumsum3A_268 = vector.broadcast %cumsum3A_267 : i1 to vector<16xi1>
    %cumsum3A_269 = tpu.scan <sum>, %get3A_266 masked %cumsum3A_268 : vector<16xi32>, vector<16xi1> -> vector<16xi32>
    %add3A_270 = vector.broadcast %add3A_241 : i32 to vector<16xi32>
    %add3A_271 = arith.addi %cumsum3A_269, %add3A_270 : vector<16xi32>
    %reduce_sum3A_272 = arith.constant true
    %reduce_sum3A_273 = vector.broadcast %reduce_sum3A_272 : i1 to vector<16xi1>
    %reduce_sum3A_274 = tpu.scan <sum>, %get3A_266 masked %reduce_sum3A_273 : vector<16xi32>, vector<16xi1> -> vector<16xi32>
    %reduce_sum3A_275 = vector.extract %reduce_sum3A_274[15] : i32 from vector<16xi32>
    %add3A_276 = arith.addi %add3A_241, %reduce_sum3A_275 : i32
    %lt3A_277 = vector.broadcast %mul3A_32 : i32 to vector<16xi32>
    %lt3A_278 = arith.cmpi slt, %add3A_271, %lt3A_277 : vector<16xi32>
    %convert_element_type3A_279 = arith.extui %lt3A_278 : vector<16xi1> to vector<16xi32>
    %reduce_sum3A_280 = arith.constant true
    %reduce_sum3A_281 = vector.broadcast %reduce_sum3A_280 : i1 to vector<16xi1>
    %reduce_sum3A_282 = tpu.scan <sum>, %convert_element_type3A_279 masked %reduce_sum3A_281 : vector<16xi32>, vector<16xi1> -> vector<16xi32>
    %reduce_sum3A_283 = vector.extract %reduce_sum3A_282[15] : i32 from vector<16xi32>
    %add3A_284 = arith.addi %add3A_249, %reduce_sum3A_283 : i32
    %ge3A_285 = vector.broadcast %mul3A_32 : i32 to vector<16xi32>
    %ge3A_286 = arith.cmpi sge, %add3A_271, %ge3A_285 : vector<16xi32>
    %add3A_287 = arith.constant 512 : i32
    %add3A_288 = arith.addi %mul3A_32, %add3A_287 : i32
    %lt3A_289 = vector.broadcast %add3A_288 : i32 to vector<16xi32>
    %lt3A_290 = arith.cmpi slt, %add3A_271, %lt3A_289 : vector<16xi32>
    %and3A_291 = arith.andi %ge3A_286, %lt3A_290 : vector<16xi1>
    %sub3A_292 = vector.broadcast %mul3A_32 : i32 to vector<16xi32>
    %sub3A_293 = arith.subi %add3A_271, %sub3A_292 : vector<16xi32>
    %jit3A_294 = arith.constant 0 : i32
    %jit3A_295 = arith.constant 511 : i32
    %max3A_296 = vector.broadcast %jit3A_294 : i32 to vector<16xi32>
    %max3A_297 = arith.maxsi %max3A_296, %sub3A_293 : vector<16xi32>
    %min3A_298 = vector.broadcast %jit3A_295 : i32 to vector<16xi32>
    %min3A_299 = arith.minsi %min3A_298, %max3A_297 : vector<16xi32>
    tpu.vector_store_idx %arg7[%min3A_299], %broadcast_in_dim3A_58 masked %and3A_291 {add = true} : memref<512xi32, #tpu.memory_space<vmem>>[vector<16xi32>], vector<16xi32>, vector<16xi1>
    %get3A_300 = arith.constant 112 : index
    %get3A_301 = tpu.vector_load %arg6[%get3A_300] {strides = array<i32>} : memref<512xi32, #tpu.memory_space<vmem>>, vector<16xi32>,
    %cumsum3A_302 = arith.constant true
    %cumsum3A_303 = vector.broadcast %cumsum3A_302 : i1 to vector<16xi1>
    %cumsum3A_304 = tpu.scan <sum>, %get3A_301 masked %cumsum3A_303 : vector<16xi32>, vector<16xi1> -> vector<16xi32>
    %add3A_305 = vector.broadcast %add3A_276 : i32 to vector<16xi32>
    %add3A_306 = arith.addi %cumsum3A_304, %add3A_305 : vector<16xi32>
    %reduce_sum3A_307 = arith.constant true
    %reduce_sum3A_308 = vector.broadcast %reduce_sum3A_307 : i1 to vector<16xi1>
    %reduce_sum3A_309 = tpu.scan <sum>, %get3A_301 masked %reduce_sum3A_308 : vector<16xi32>, vector<16xi1> -> vector<16xi32>
    %reduce_sum3A_310 = vector.extract %reduce_sum3A_309[15] : i32 from vector<16xi32>
    %add3A_311 = arith.addi %add3A_276, %reduce_sum3A_310 : i32
    %lt3A_312 = vector.broadcast %mul3A_32 : i32 to vector<16xi32>
    %lt3A_313 = arith.cmpi slt, %add3A_306, %lt3A_312 : vector<16xi32>
    %convert_element_type3A_314 = arith.extui %lt3A_313 : vector<16xi1> to vector<16xi32>
    %reduce_sum3A_315 = arith.constant true
    %reduce_sum3A_316 = vector.broadcast %reduce_sum3A_315 : i1 to vector<16xi1>
    %reduce_sum3A_317 = tpu.scan <sum>, %convert_element_type3A_314 masked %reduce_sum3A_316 : vector<16xi32>, vector<16xi1> -> vector<16xi32>
    %reduce_sum3A_318 = vector.extract %reduce_sum3A_317[15] : i32 from vector<16xi32>
    %add3A_319 = arith.addi %add3A_284, %reduce_sum3A_318 : i32
    %ge3A_320 = vector.broadcast %mul3A_32 : i32 to vector<16xi32>
    %ge3A_321 = arith.cmpi sge, %add3A_306, %ge3A_320 : vector<16xi32>
    %add3A_322 = arith.constant 512 : i32
    %add3A_323 = arith.addi %mul3A_32, %add3A_322 : i32
    %lt3A_324 = vector.broadcast %add3A_323 : i32 to vector<16xi32>
    %lt3A_325 = arith.cmpi slt, %add3A_306, %lt3A_324 : vector<16xi32>
    %and3A_326 = arith.andi %ge3A_321, %lt3A_325 : vector<16xi1>
    %sub3A_327 = vector.broadcast %mul3A_32 : i32 to vector<16xi32>
    %sub3A_328 = arith.subi %add3A_306, %sub3A_327 : vector<16xi32>
    %jit3A_329 = arith.constant 0 : i32
    %jit3A_330 = arith.constant 511 : i32
    %max3A_331 = vector.broadcast %jit3A_329 : i32 to vector<16xi32>
    %max3A_332 = arith.maxsi %max3A_331, %sub3A_328 : vector<16xi32>
    %min3A_333 = vector.broadcast %jit3A_330 : i32 to vector<16xi32>
    %min3A_334 = arith.minsi %min3A_333, %max3A_332 : vector<16xi32>
    tpu.vector_store_idx %arg7[%min3A_334], %broadcast_in_dim3A_58 masked %and3A_326 {add = true} : memref<512xi32, #tpu.memory_space<vmem>>[vector<16xi32>], vector<16xi32>, vector<16xi1>
    %get3A_335 = arith.constant 128 : index
    %get3A_336 = tpu.vector_load %arg6[%get3A_335] {strides = array<i32>} : memref<512xi32, #tpu.memory_space<vmem>>, vector<16xi32>,
    %cumsum3A_337 = arith.constant true
    %cumsum3A_338 = vector.broadcast %cumsum3A_337 : i1 to vector<16xi1>
    %cumsum3A_339 = tpu.scan <sum>, %get3A_336 masked %cumsum3A_338 : vector<16xi32>, vector<16xi1> -> vector<16xi32>
    %add3A_340 = vector.broadcast %add3A_311 : i32 to vector<16xi32>
    %add3A_341 = arith.addi %cumsum3A_339, %add3A_340 : vector<16xi32>
    %reduce_sum3A_342 = arith.constant true
    %reduce_sum3A_343 = vector.broadcast %reduce_sum3A_342 : i1 to vector<16xi1>
    %reduce_sum3A_344 = tpu.scan <sum>, %get3A_336 masked %reduce_sum3A_343 : vector<16xi32>, vector<16xi1> -> vector<16xi32>
    %reduce_sum3A_345 = vector.extract %reduce_sum3A_344[15] : i32 from vector<16xi32>
    %add3A_346 = arith.addi %add3A_311, %reduce_sum3A_345 : i32
    %lt3A_347 = vector.broadcast %mul3A_32 : i32 to vector<16xi32>
    %lt3A_348 = arith.cmpi slt, %add3A_341, %lt3A_347 : vector<16xi32>
    %convert_element_type3A_349 = arith.extui %lt3A_348 : vector<16xi1> to vector<16xi32>
    %reduce_sum3A_350 = arith.constant true
    %reduce_sum3A_351 = vector.broadcast %reduce_sum3A_350 : i1 to vector<16xi1>
    %reduce_sum3A_352 = tpu.scan <sum>, %convert_element_type3A_349 masked %reduce_sum3A_351 : vector<16xi32>, vector<16xi1> -> vector<16xi32>
    %reduce_sum3A_353 = vector.extract %reduce_sum3A_352[15] : i32 from vector<16xi32>
    %add3A_354 = arith.addi %add3A_319, %reduce_sum3A_353 : i32
    %ge3A_355 = vector.broadcast %mul3A_32 : i32 to vector<16xi32>
    %ge3A_356 = arith.cmpi sge, %add3A_341, %ge3A_355 : vector<16xi32>
    %add3A_357 = arith.constant 512 : i32
    %add3A_358 = arith.addi %mul3A_32, %add3A_357 : i32
    %lt3A_359 = vector.broadcast %add3A_358 : i32 to vector<16xi32>
    %lt3A_360 = arith.cmpi slt, %add3A_341, %lt3A_359 : vector<16xi32>
    %and3A_361 = arith.andi %ge3A_356, %lt3A_360 : vector<16xi1>
    %sub3A_362 = vector.broadcast %mul3A_32 : i32 to vector<16xi32>
    %sub3A_363 = arith.subi %add3A_341, %sub3A_362 : vector<16xi32>
    %jit3A_364 = arith.constant 0 : i32
    %jit3A_365 = arith.constant 511 : i32
    %max3A_366 = vector.broadcast %jit3A_364 : i32 to vector<16xi32>
    %max3A_367 = arith.maxsi %max3A_366, %sub3A_363 : vector<16xi32>
    %min3A_368 = vector.broadcast %jit3A_365 : i32 to vector<16xi32>
    %min3A_369 = arith.minsi %min3A_368, %max3A_367 : vector<16xi32>
    tpu.vector_store_idx %arg7[%min3A_369], %broadcast_in_dim3A_58 masked %and3A_361 {add = true} : memref<512xi32, #tpu.memory_space<vmem>>[vector<16xi32>], vector<16xi32>, vector<16xi1>
    %get3A_370 = arith.constant 144 : index
    %get3A_371 = tpu.vector_load %arg6[%get3A_370] {strides = array<i32>} : memref<512xi32, #tpu.memory_space<vmem>>, vector<16xi32>,
    %cumsum3A_372 = arith.constant true
    %cumsum3A_373 = vector.broadcast %cumsum3A_372 : i1 to vector<16xi1>
    %cumsum3A_374 = tpu.scan <sum>, %get3A_371 masked %cumsum3A_373 : vector<16xi32>, vector<16xi1> -> vector<16xi32>
    %add3A_375 = vector.broadcast %add3A_346 : i32 to vector<16xi32>
    %add3A_376 = arith.addi %cumsum3A_374, %add3A_375 : vector<16xi32>
    %reduce_sum3A_377 = arith.constant true
    %reduce_sum3A_378 = vector.broadcast %reduce_sum3A_377 : i1 to vector<16xi1>
    %reduce_sum3A_379 = tpu.scan <sum>, %get3A_371 masked %reduce_sum3A_378 : vector<16xi32>, vector<16xi1> -> vector<16xi32>
    %reduce_sum3A_380 = vector.extract %reduce_sum3A_379[15] : i32 from vector<16xi32>
    %add3A_381 = arith.addi %add3A_346, %reduce_sum3A_380 : i32
    %lt3A_382 = vector.broadcast %mul3A_32 : i32 to vector<16xi32>
    %lt3A_383 = arith.cmpi slt, %add3A_376, %lt3A_382 : vector<16xi32>
    %convert_element_type3A_384 = arith.extui %lt3A_383 : vector<16xi1> to vector<16xi32>
    %reduce_sum3A_385 = arith.constant true
    %reduce_sum3A_386 = vector.broadcast %reduce_sum3A_385 : i1 to vector<16xi1>
    %reduce_sum3A_387 = tpu.scan <sum>, %convert_element_type3A_384 masked %reduce_sum3A_386 : vector<16xi32>, vector<16xi1> -> vector<16xi32>
    %reduce_sum3A_388 = vector.extract %reduce_sum3A_387[15] : i32 from vector<16xi32>
    %add3A_389 = arith.addi %add3A_354, %reduce_sum3A_388 : i32
    %ge3A_390 = vector.broadcast %mul3A_32 : i32 to vector<16xi32>
    %ge3A_391 = arith.cmpi sge, %add3A_376, %ge3A_390 : vector<16xi32>
    %add3A_392 = arith.constant 512 : i32
    %add3A_393 = arith.addi %mul3A_32, %add3A_392 : i32
    %lt3A_394 = vector.broadcast %add3A_393 : i32 to vector<16xi32>
    %lt3A_395 = arith.cmpi slt, %add3A_376, %lt3A_394 : vector<16xi32>
    %and3A_396 = arith.andi %ge3A_391, %lt3A_395 : vector<16xi1>
    %sub3A_397 = vector.broadcast %mul3A_32 : i32 to vector<16xi32>
    %sub3A_398 = arith.subi %add3A_376, %sub3A_397 : vector<16xi32>
    %jit3A_399 = arith.constant 0 : i32
    %jit3A_400 = arith.constant 511 : i32
    %max3A_401 = vector.broadcast %jit3A_399 : i32 to vector<16xi32>
    %max3A_402 = arith.maxsi %max3A_401, %sub3A_398 : vector<16xi32>
    %min3A_403 = vector.broadcast %jit3A_400 : i32 to vector<16xi32>
    %min3A_404 = arith.minsi %min3A_403, %max3A_402 : vector<16xi32>
    tpu.vector_store_idx %arg7[%min3A_404], %broadcast_in_dim3A_58 masked %and3A_396 {add = true} : memref<512xi32, #tpu.memory_space<vmem>>[vector<16xi32>], vector<16xi32>, vector<16xi1>
    %get3A_405 = arith.constant 160 : index
    %get3A_406 = tpu.vector_load %arg6[%get3A_405] {strides = array<i32>} : memref<512xi32, #tpu.memory_space<vmem>>, vector<16xi32>,
    %cumsum3A_407 = arith.constant true
    %cumsum3A_408 = vector.broadcast %cumsum3A_407 : i1 to vector<16xi1>
    %cumsum3A_409 = tpu.scan <sum>, %get3A_406 masked %cumsum3A_408 : vector<16xi32>, vector<16xi1> -> vector<16xi32>
    %add3A_410 = vector.broadcast %add3A_381 : i32 to vector<16xi32>
    %add3A_411 = arith.addi %cumsum3A_409, %add3A_410 : vector<16xi32>
    %reduce_sum3A_412 = arith.constant true
    %reduce_sum3A_413 = vector.broadcast %reduce_sum3A_412 : i1 to vector<16xi1>
    %reduce_sum3A_414 = tpu.scan <sum>, %get3A_406 masked %reduce_sum3A_413 : vector<16xi32>, vector<16xi1> -> vector<16xi32>
    %reduce_sum3A_415 = vector.extract %reduce_sum3A_414[15] : i32 from vector<16xi32>
    %add3A_416 = arith.addi %add3A_381, %reduce_sum3A_415 : i32
    %lt3A_417 = vector.broadcast %mul3A_32 : i32 to vector<16xi32>
    %lt3A_418 = arith.cmpi slt, %add3A_411, %lt3A_417 : vector<16xi32>
    %convert_element_type3A_419 = arith.extui %lt3A_418 : vector<16xi1> to vector<16xi32>
    %reduce_sum3A_420 = arith.constant true
    %reduce_sum3A_421 = vector.broadcast %reduce_sum3A_420 : i1 to vector<16xi1>
    %reduce_sum3A_422 = tpu.scan <sum>, %convert_element_type3A_419 masked %reduce_sum3A_421 : vector<16xi32>, vector<16xi1> -> vector<16xi32>
    %reduce_sum3A_423 = vector.extract %reduce_sum3A_422[15] : i32 from vector<16xi32>
    %add3A_424 = arith.addi %add3A_389, %reduce_sum3A_423 : i32
    %ge3A_425 = vector.broadcast %mul3A_32 : i32 to vector<16xi32>
    %ge3A_426 = arith.cmpi sge, %add3A_411, %ge3A_425 : vector<16xi32>
    %add3A_427 = arith.constant 512 : i32
    %add3A_428 = arith.addi %mul3A_32, %add3A_427 : i32
    %lt3A_429 = vector.broadcast %add3A_428 : i32 to vector<16xi32>
    %lt3A_430 = arith.cmpi slt, %add3A_411, %lt3A_429 : vector<16xi32>
    %and3A_431 = arith.andi %ge3A_426, %lt3A_430 : vector<16xi1>
    %sub3A_432 = vector.broadcast %mul3A_32 : i32 to vector<16xi32>
    %sub3A_433 = arith.subi %add3A_411, %sub3A_432 : vector<16xi32>
    %jit3A_434 = arith.constant 0 : i32
    %jit3A_435 = arith.constant 511 : i32
    %max3A_436 = vector.broadcast %jit3A_434 : i32 to vector<16xi32>
    %max3A_437 = arith.maxsi %max3A_436, %sub3A_433 : vector<16xi32>
    %min3A_438 = vector.broadcast %jit3A_435 : i32 to vector<16xi32>
    %min3A_439 = arith.minsi %min3A_438, %max3A_437 : vector<16xi32>
    tpu.vector_store_idx %arg7[%min3A_439], %broadcast_in_dim3A_58 masked %and3A_431 {add = true} : memref<512xi32, #tpu.memory_space<vmem>>[vector<16xi32>], vector<16xi32>, vector<16xi1>
    %get3A_440 = arith.constant 176 : index
    %get3A_441 = tpu.vector_load %arg6[%get3A_440] {strides = array<i32>} : memref<512xi32, #tpu.memory_space<vmem>>, vector<16xi32>,
    %cumsum3A_442 = arith.constant true
    %cumsum3A_443 = vector.broadcast %cumsum3A_442 : i1 to vector<16xi1>
    %cumsum3A_444 = tpu.scan <sum>, %get3A_441 masked %cumsum3A_443 : vector<16xi32>, vector<16xi1> -> vector<16xi32>
    %add3A_445 = vector.broadcast %add3A_416 : i32 to vector<16xi32>
    %add3A_446 = arith.addi %cumsum3A_444, %add3A_445 : vector<16xi32>
    %reduce_sum3A_447 = arith.constant true
    %reduce_sum3A_448 = vector.broadcast %reduce_sum3A_447 : i1 to vector<16xi1>
    %reduce_sum3A_449 = tpu.scan <sum>, %get3A_441 masked %reduce_sum3A_448 : vector<16xi32>, vector<16xi1> -> vector<16xi32>
    %reduce_sum3A_450 = vector.extract %reduce_sum3A_449[15] : i32 from vector<16xi32>
    %add3A_451 = arith.addi %add3A_416, %reduce_sum3A_450 : i32
    %lt3A_452 = vector.broadcast %mul3A_32 : i32 to vector<16xi32>
    %lt3A_453 = arith.cmpi slt, %add3A_446, %lt3A_452 : vector<16xi32>
    %convert_element_type3A_454 = arith.extui %lt3A_453 : vector<16xi1> to vector<16xi32>
    %reduce_sum3A_455 = arith.constant true
    %reduce_sum3A_456 = vector.broadcast %reduce_sum3A_455 : i1 to vector<16xi1>
    %reduce_sum3A_457 = tpu.scan <sum>, %convert_element_type3A_454 masked %reduce_sum3A_456 : vector<16xi32>, vector<16xi1> -> vector<16xi32>
    %reduce_sum3A_458 = vector.extract %reduce_sum3A_457[15] : i32 from vector<16xi32>
    %add3A_459 = arith.addi %add3A_424, %reduce_sum3A_458 : i32
    %ge3A_460 = vector.broadcast %mul3A_32 : i32 to vector<16xi32>
    %ge3A_461 = arith.cmpi sge, %add3A_446, %ge3A_460 : vector<16xi32>
    %add3A_462 = arith.constant 512 : i32
    %add3A_463 = arith.addi %mul3A_32, %add3A_462 : i32
    %lt3A_464 = vector.broadcast %add3A_463 : i32 to vector<16xi32>
    %lt3A_465 = arith.cmpi slt, %add3A_446, %lt3A_464 : vector<16xi32>
    %and3A_466 = arith.andi %ge3A_461, %lt3A_465 : vector<16xi1>
    %sub3A_467 = vector.broadcast %mul3A_32 : i32 to vector<16xi32>
    %sub3A_468 = arith.subi %add3A_446, %sub3A_467 : vector<16xi32>
    %jit3A_469 = arith.constant 0 : i32
    %jit3A_470 = arith.constant 511 : i32
    %max3A_471 = vector.broadcast %jit3A_469 : i32 to vector<16xi32>
    %max3A_472 = arith.maxsi %max3A_471, %sub3A_468 : vector<16xi32>
    %min3A_473 = vector.broadcast %jit3A_470 : i32 to vector<16xi32>
    %min3A_474 = arith.minsi %min3A_473, %max3A_472 : vector<16xi32>
    tpu.vector_store_idx %arg7[%min3A_474], %broadcast_in_dim3A_58 masked %and3A_466 {add = true} : memref<512xi32, #tpu.memory_space<vmem>>[vector<16xi32>], vector<16xi32>, vector<16xi1>
    %get3A_475 = arith.constant 192 : index
    %get3A_476 = tpu.vector_load %arg6[%get3A_475] {strides = array<i32>} : memref<512xi32, #tpu.memory_space<vmem>>, vector<16xi32>,
    %cumsum3A_477 = arith.constant true
    %cumsum3A_478 = vector.broadcast %cumsum3A_477 : i1 to vector<16xi1>
    %cumsum3A_479 = tpu.scan <sum>, %get3A_476 masked %cumsum3A_478 : vector<16xi32>, vector<16xi1> -> vector<16xi32>
    %add3A_480 = vector.broadcast %add3A_451 : i32 to vector<16xi32>
    %add3A_481 = arith.addi %cumsum3A_479, %add3A_480 : vector<16xi32>
    %reduce_sum3A_482 = arith.constant true
    %reduce_sum3A_483 = vector.broadcast %reduce_sum3A_482 : i1 to vector<16xi1>
    %reduce_sum3A_484 = tpu.scan <sum>, %get3A_476 masked %reduce_sum3A_483 : vector<16xi32>, vector<16xi1> -> vector<16xi32>
    %reduce_sum3A_485 = vector.extract %reduce_sum3A_484[15] : i32 from vector<16xi32>
    %add3A_486 = arith.addi %add3A_451, %reduce_sum3A_485 : i32
    %lt3A_487 = vector.broadcast %mul3A_32 : i32 to vector<16xi32>
    %lt3A_488 = arith.cmpi slt, %add3A_481, %lt3A_487 : vector<16xi32>
    %convert_element_type3A_489 = arith.extui %lt3A_488 : vector<16xi1> to vector<16xi32>
    %reduce_sum3A_490 = arith.constant true
    %reduce_sum3A_491 = vector.broadcast %reduce_sum3A_490 : i1 to vector<16xi1>
    %reduce_sum3A_492 = tpu.scan <sum>, %convert_element_type3A_489 masked %reduce_sum3A_491 : vector<16xi32>, vector<16xi1> -> vector<16xi32>
    %reduce_sum3A_493 = vector.extract %reduce_sum3A_492[15] : i32 from vector<16xi32>
    %add3A_494 = arith.addi %add3A_459, %reduce_sum3A_493 : i32
    %ge3A_495 = vector.broadcast %mul3A_32 : i32 to vector<16xi32>
    %ge3A_496 = arith.cmpi sge, %add3A_481, %ge3A_495 : vector<16xi32>
    %add3A_497 = arith.constant 512 : i32
    %add3A_498 = arith.addi %mul3A_32, %add3A_497 : i32
    %lt3A_499 = vector.broadcast %add3A_498 : i32 to vector<16xi32>
    %lt3A_500 = arith.cmpi slt, %add3A_481, %lt3A_499 : vector<16xi32>
    %and3A_501 = arith.andi %ge3A_496, %lt3A_500 : vector<16xi1>
    %sub3A_502 = vector.broadcast %mul3A_32 : i32 to vector<16xi32>
    %sub3A_503 = arith.subi %add3A_481, %sub3A_502 : vector<16xi32>
    %jit3A_504 = arith.constant 0 : i32
    %jit3A_505 = arith.constant 511 : i32
    %max3A_506 = vector.broadcast %jit3A_504 : i32 to vector<16xi32>
    %max3A_507 = arith.maxsi %max3A_506, %sub3A_503 : vector<16xi32>
    %min3A_508 = vector.broadcast %jit3A_505 : i32 to vector<16xi32>
    %min3A_509 = arith.minsi %min3A_508, %max3A_507 : vector<16xi32>
    tpu.vector_store_idx %arg7[%min3A_509], %broadcast_in_dim3A_58 masked %and3A_501 {add = true} : memref<512xi32, #tpu.memory_space<vmem>>[vector<16xi32>], vector<16xi32>, vector<16xi1>
    %get3A_510 = arith.constant 208 : index
    %get3A_511 = tpu.vector_load %arg6[%get3A_510] {strides = array<i32>} : memref<512xi32, #tpu.memory_space<vmem>>, vector<16xi32>,
    %cumsum3A_512 = arith.constant true
    %cumsum3A_513 = vector.broadcast %cumsum3A_512 : i1 to vector<16xi1>
    %cumsum3A_514 = tpu.scan <sum>, %get3A_511 masked %cumsum3A_513 : vector<16xi32>, vector<16xi1> -> vector<16xi32>
    %add3A_515 = vector.broadcast %add3A_486 : i32 to vector<16xi32>
    %add3A_516 = arith.addi %cumsum3A_514, %add3A_515 : vector<16xi32>
    %reduce_sum3A_517 = arith.constant true
    %reduce_sum3A_518 = vector.broadcast %reduce_sum3A_517 : i1 to vector<16xi1>
    %reduce_sum3A_519 = tpu.scan <sum>, %get3A_511 masked %reduce_sum3A_518 : vector<16xi32>, vector<16xi1> -> vector<16xi32>
    %reduce_sum3A_520 = vector.extract %reduce_sum3A_519[15] : i32 from vector<16xi32>
    %add3A_521 = arith.addi %add3A_486, %reduce_sum3A_520 : i32
    %lt3A_522 = vector.broadcast %mul3A_32 : i32 to vector<16xi32>
    %lt3A_523 = arith.cmpi slt, %add3A_516, %lt3A_522 : vector<16xi32>
    %convert_element_type3A_524 = arith.extui %lt3A_523 : vector<16xi1> to vector<16xi32>
    %reduce_sum3A_525 = arith.constant true
    %reduce_sum3A_526 = vector.broadcast %reduce_sum3A_525 : i1 to vector<16xi1>
    %reduce_sum3A_527 = tpu.scan <sum>, %convert_element_type3A_524 masked %reduce_sum3A_526 : vector<16xi32>, vector<16xi1> -> vector<16xi32>
    %reduce_sum3A_528 = vector.extract %reduce_sum3A_527[15] : i32 from vector<16xi32>
    %add3A_529 = arith.addi %add3A_494, %reduce_sum3A_528 : i32
    %ge3A_530 = vector.broadcast %mul3A_32 : i32 to vector<16xi32>
    %ge3A_531 = arith.cmpi sge, %add3A_516, %ge3A_530 : vector<16xi32>
    %add3A_532 = arith.constant 512 : i32
    %add3A_533 = arith.addi %mul3A_32, %add3A_532 : i32
    %lt3A_534 = vector.broadcast %add3A_533 : i32 to vector<16xi32>
    %lt3A_535 = arith.cmpi slt, %add3A_516, %lt3A_534 : vector<16xi32>
    %and3A_536 = arith.andi %ge3A_531, %lt3A_535 : vector<16xi1>
    %sub3A_537 = vector.broadcast %mul3A_32 : i32 to vector<16xi32>
    %sub3A_538 = arith.subi %add3A_516, %sub3A_537 : vector<16xi32>
    %jit3A_539 = arith.constant 0 : i32
    %jit3A_540 = arith.constant 511 : i32
    %max3A_541 = vector.broadcast %jit3A_539 : i32 to vector<16xi32>
    %max3A_542 = arith.maxsi %max3A_541, %sub3A_538 : vector<16xi32>
    %min3A_543 = vector.broadcast %jit3A_540 : i32 to vector<16xi32>
    %min3A_544 = arith.minsi %min3A_543, %max3A_542 : vector<16xi32>
    tpu.vector_store_idx %arg7[%min3A_544], %broadcast_in_dim3A_58 masked %and3A_536 {add = true} : memref<512xi32, #tpu.memory_space<vmem>>[vector<16xi32>], vector<16xi32>, vector<16xi1>
    %get3A_545 = arith.constant 224 : index
    %get3A_546 = tpu.vector_load %arg6[%get3A_545] {strides = array<i32>} : memref<512xi32, #tpu.memory_space<vmem>>, vector<16xi32>,
    %cumsum3A_547 = arith.constant true
    %cumsum3A_548 = vector.broadcast %cumsum3A_547 : i1 to vector<16xi1>
    %cumsum3A_549 = tpu.scan <sum>, %get3A_546 masked %cumsum3A_548 : vector<16xi32>, vector<16xi1> -> vector<16xi32>
    %add3A_550 = vector.broadcast %add3A_521 : i32 to vector<16xi32>
    %add3A_551 = arith.addi %cumsum3A_549, %add3A_550 : vector<16xi32>
    %reduce_sum3A_552 = arith.constant true
    %reduce_sum3A_553 = vector.broadcast %reduce_sum3A_552 : i1 to vector<16xi1>
    %reduce_sum3A_554 = tpu.scan <sum>, %get3A_546 masked %reduce_sum3A_553 : vector<16xi32>, vector<16xi1> -> vector<16xi32>
    %reduce_sum3A_555 = vector.extract %reduce_sum3A_554[15] : i32 from vector<16xi32>
    %add3A_556 = arith.addi %add3A_521, %reduce_sum3A_555 : i32
    %lt3A_557 = vector.broadcast %mul3A_32 : i32 to vector<16xi32>
    %lt3A_558 = arith.cmpi slt, %add3A_551, %lt3A_557 : vector<16xi32>
    %convert_element_type3A_559 = arith.extui %lt3A_558 : vector<16xi1> to vector<16xi32>
    %reduce_sum3A_560 = arith.constant true
    %reduce_sum3A_561 = vector.broadcast %reduce_sum3A_560 : i1 to vector<16xi1>
    %reduce_sum3A_562 = tpu.scan <sum>, %convert_element_type3A_559 masked %reduce_sum3A_561 : vector<16xi32>, vector<16xi1> -> vector<16xi32>
    %reduce_sum3A_563 = vector.extract %reduce_sum3A_562[15] : i32 from vector<16xi32>
    %add3A_564 = arith.addi %add3A_529, %reduce_sum3A_563 : i32
    %ge3A_565 = vector.broadcast %mul3A_32 : i32 to vector<16xi32>
    %ge3A_566 = arith.cmpi sge, %add3A_551, %ge3A_565 : vector<16xi32>
    %add3A_567 = arith.constant 512 : i32
    %add3A_568 = arith.addi %mul3A_32, %add3A_567 : i32
    %lt3A_569 = vector.broadcast %add3A_568 : i32 to vector<16xi32>
    %lt3A_570 = arith.cmpi slt, %add3A_551, %lt3A_569 : vector<16xi32>
    %and3A_571 = arith.andi %ge3A_566, %lt3A_570 : vector<16xi1>
    %sub3A_572 = vector.broadcast %mul3A_32 : i32 to vector<16xi32>
    %sub3A_573 = arith.subi %add3A_551, %sub3A_572 : vector<16xi32>
    %jit3A_574 = arith.constant 0 : i32
    %jit3A_575 = arith.constant 511 : i32
    %max3A_576 = vector.broadcast %jit3A_574 : i32 to vector<16xi32>
    %max3A_577 = arith.maxsi %max3A_576, %sub3A_573 : vector<16xi32>
    %min3A_578 = vector.broadcast %jit3A_575 : i32 to vector<16xi32>
    %min3A_579 = arith.minsi %min3A_578, %max3A_577 : vector<16xi32>
    tpu.vector_store_idx %arg7[%min3A_579], %broadcast_in_dim3A_58 masked %and3A_571 {add = true} : memref<512xi32, #tpu.memory_space<vmem>>[vector<16xi32>], vector<16xi32>, vector<16xi1>
    %get3A_580 = arith.constant 240 : index
    %get3A_581 = tpu.vector_load %arg6[%get3A_580] {strides = array<i32>} : memref<512xi32, #tpu.memory_space<vmem>>, vector<16xi32>,
    %cumsum3A_582 = arith.constant true
    %cumsum3A_583 = vector.broadcast %cumsum3A_582 : i1 to vector<16xi1>
    %cumsum3A_584 = tpu.scan <sum>, %get3A_581 masked %cumsum3A_583 : vector<16xi32>, vector<16xi1> -> vector<16xi32>
    %add3A_585 = vector.broadcast %add3A_556 : i32 to vector<16xi32>
    %add3A_586 = arith.addi %cumsum3A_584, %add3A_585 : vector<16xi32>
    %reduce_sum3A_587 = arith.constant true
    %reduce_sum3A_588 = vector.broadcast %reduce_sum3A_587 : i1 to vector<16xi1>
    %reduce_sum3A_589 = tpu.scan <sum>, %get3A_581 masked %reduce_sum3A_588 : vector<16xi32>, vector<16xi1> -> vector<16xi32>
    %reduce_sum3A_590 = vector.extract %reduce_sum3A_589[15] : i32 from vector<16xi32>
    %add3A_591 = arith.addi %add3A_556, %reduce_sum3A_590 : i32
    %lt3A_592 = vector.broadcast %mul3A_32 : i32 to vector<16xi32>
    %lt3A_593 = arith.cmpi slt, %add3A_586, %lt3A_592 : vector<16xi32>
    %convert_element_type3A_594 = arith.extui %lt3A_593 : vector<16xi1> to vector<16xi32>
    %reduce_sum3A_595 = arith.constant true
    %reduce_sum3A_596 = vector.broadcast %reduce_sum3A_595 : i1 to vector<16xi1>
    %reduce_sum3A_597 = tpu.scan <sum>, %convert_element_type3A_594 masked %reduce_sum3A_596 : vector<16xi32>, vector<16xi1> -> vector<16xi32>
    %reduce_sum3A_598 = vector.extract %reduce_sum3A_597[15] : i32 from vector<16xi32>
    %add3A_599 = arith.addi %add3A_564, %reduce_sum3A_598 : i32
    %ge3A_600 = vector.broadcast %mul3A_32 : i32 to vector<16xi32>
    %ge3A_601 = arith.cmpi sge, %add3A_586, %ge3A_600 : vector<16xi32>
    %add3A_602 = arith.constant 512 : i32
    %add3A_603 = arith.addi %mul3A_32, %add3A_602 : i32
    %lt3A_604 = vector.broadcast %add3A_603 : i32 to vector<16xi32>
    %lt3A_605 = arith.cmpi slt, %add3A_586, %lt3A_604 : vector<16xi32>
    %and3A_606 = arith.andi %ge3A_601, %lt3A_605 : vector<16xi1>
    %sub3A_607 = vector.broadcast %mul3A_32 : i32 to vector<16xi32>
    %sub3A_608 = arith.subi %add3A_586, %sub3A_607 : vector<16xi32>
    %jit3A_609 = arith.constant 0 : i32
    %jit3A_610 = arith.constant 511 : i32
    %max3A_611 = vector.broadcast %jit3A_609 : i32 to vector<16xi32>
    %max3A_612 = arith.maxsi %max3A_611, %sub3A_608 : vector<16xi32>
    %min3A_613 = vector.broadcast %jit3A_610 : i32 to vector<16xi32>
    %min3A_614 = arith.minsi %min3A_613, %max3A_612 : vector<16xi32>
    tpu.vector_store_idx %arg7[%min3A_614], %broadcast_in_dim3A_58 masked %and3A_606 {add = true} : memref<512xi32, #tpu.memory_space<vmem>>[vector<16xi32>], vector<16xi32>, vector<16xi1>
    %get3A_615 = arith.constant 256 : index
    %get3A_616 = tpu.vector_load %arg6[%get3A_615] {strides = array<i32>} : memref<512xi32, #tpu.memory_space<vmem>>, vector<16xi32>,
    %cumsum3A_617 = arith.constant true
    %cumsum3A_618 = vector.broadcast %cumsum3A_617 : i1 to vector<16xi1>
    %cumsum3A_619 = tpu.scan <sum>, %get3A_616 masked %cumsum3A_618 : vector<16xi32>, vector<16xi1> -> vector<16xi32>
    %add3A_620 = vector.broadcast %add3A_591 : i32 to vector<16xi32>
    %add3A_621 = arith.addi %cumsum3A_619, %add3A_620 : vector<16xi32>
    %reduce_sum3A_622 = arith.constant true
    %reduce_sum3A_623 = vector.broadcast %reduce_sum3A_622 : i1 to vector<16xi1>
    %reduce_sum3A_624 = tpu.scan <sum>, %get3A_616 masked %reduce_sum3A_623 : vector<16xi32>, vector<16xi1> -> vector<16xi32>
    %reduce_sum3A_625 = vector.extract %reduce_sum3A_624[15] : i32 from vector<16xi32>
    %add3A_626 = arith.addi %add3A_591, %reduce_sum3A_625 : i32
    %lt3A_627 = vector.broadcast %mul3A_32 : i32 to vector<16xi32>
    %lt3A_628 = arith.cmpi slt, %add3A_621, %lt3A_627 : vector<16xi32>
    %convert_element_type3A_629 = arith.extui %lt3A_628 : vector<16xi1> to vector<16xi32>
    %reduce_sum3A_630 = arith.constant true
    %reduce_sum3A_631 = vector.broadcast %reduce_sum3A_630 : i1 to vector<16xi1>
    %reduce_sum3A_632 = tpu.scan <sum>, %convert_element_type3A_629 masked %reduce_sum3A_631 : vector<16xi32>, vector<16xi1> -> vector<16xi32>
    %reduce_sum3A_633 = vector.extract %reduce_sum3A_632[15] : i32 from vector<16xi32>
    %add3A_634 = arith.addi %add3A_599, %reduce_sum3A_633 : i32
    %ge3A_635 = vector.broadcast %mul3A_32 : i32 to vector<16xi32>
    %ge3A_636 = arith.cmpi sge, %add3A_621, %ge3A_635 : vector<16xi32>
    %add3A_637 = arith.constant 512 : i32
    %add3A_638 = arith.addi %mul3A_32, %add3A_637 : i32
    %lt3A_639 = vector.broadcast %add3A_638 : i32 to vector<16xi32>
    %lt3A_640 = arith.cmpi slt, %add3A_621, %lt3A_639 : vector<16xi32>
    %and3A_641 = arith.andi %ge3A_636, %lt3A_640 : vector<16xi1>
    %sub3A_642 = vector.broadcast %mul3A_32 : i32 to vector<16xi32>
    %sub3A_643 = arith.subi %add3A_621, %sub3A_642 : vector<16xi32>
    %jit3A_644 = arith.constant 0 : i32
    %jit3A_645 = arith.constant 511 : i32
    %max3A_646 = vector.broadcast %jit3A_644 : i32 to vector<16xi32>
    %max3A_647 = arith.maxsi %max3A_646, %sub3A_643 : vector<16xi32>
    %min3A_648 = vector.broadcast %jit3A_645 : i32 to vector<16xi32>
    %min3A_649 = arith.minsi %min3A_648, %max3A_647 : vector<16xi32>
    tpu.vector_store_idx %arg7[%min3A_649], %broadcast_in_dim3A_58 masked %and3A_641 {add = true} : memref<512xi32, #tpu.memory_space<vmem>>[vector<16xi32>], vector<16xi32>, vector<16xi1>
    %get3A_650 = arith.constant 272 : index
    %get3A_651 = tpu.vector_load %arg6[%get3A_650] {strides = array<i32>} : memref<512xi32, #tpu.memory_space<vmem>>, vector<16xi32>,
    %cumsum3A_652 = arith.constant true
    %cumsum3A_653 = vector.broadcast %cumsum3A_652 : i1 to vector<16xi1>
    %cumsum3A_654 = tpu.scan <sum>, %get3A_651 masked %cumsum3A_653 : vector<16xi32>, vector<16xi1> -> vector<16xi32>
    %add3A_655 = vector.broadcast %add3A_626 : i32 to vector<16xi32>
    %add3A_656 = arith.addi %cumsum3A_654, %add3A_655 : vector<16xi32>
    %reduce_sum3A_657 = arith.constant true
    %reduce_sum3A_658 = vector.broadcast %reduce_sum3A_657 : i1 to vector<16xi1>
    %reduce_sum3A_659 = tpu.scan <sum>, %get3A_651 masked %reduce_sum3A_658 : vector<16xi32>, vector<16xi1> -> vector<16xi32>
    %reduce_sum3A_660 = vector.extract %reduce_sum3A_659[15] : i32 from vector<16xi32>
    %add3A_661 = arith.addi %add3A_626, %reduce_sum3A_660 : i32
    %lt3A_662 = vector.broadcast %mul3A_32 : i32 to vector<16xi32>
    %lt3A_663 = arith.cmpi slt, %add3A_656, %lt3A_662 : vector<16xi32>
    %convert_element_type3A_664 = arith.extui %lt3A_663 : vector<16xi1> to vector<16xi32>
    %reduce_sum3A_665 = arith.constant true
    %reduce_sum3A_666 = vector.broadcast %reduce_sum3A_665 : i1 to vector<16xi1>
    %reduce_sum3A_667 = tpu.scan <sum>, %convert_element_type3A_664 masked %reduce_sum3A_666 : vector<16xi32>, vector<16xi1> -> vector<16xi32>
    %reduce_sum3A_668 = vector.extract %reduce_sum3A_667[15] : i32 from vector<16xi32>
    %add3A_669 = arith.addi %add3A_634, %reduce_sum3A_668 : i32
    %ge3A_670 = vector.broadcast %mul3A_32 : i32 to vector<16xi32>
    %ge3A_671 = arith.cmpi sge, %add3A_656, %ge3A_670 : vector<16xi32>
    %add3A_672 = arith.constant 512 : i32
    %add3A_673 = arith.addi %mul3A_32, %add3A_672 : i32
    %lt3A_674 = vector.broadcast %add3A_673 : i32 to vector<16xi32>
    %lt3A_675 = arith.cmpi slt, %add3A_656, %lt3A_674 : vector<16xi32>
    %and3A_676 = arith.andi %ge3A_671, %lt3A_675 : vector<16xi1>
    %sub3A_677 = vector.broadcast %mul3A_32 : i32 to vector<16xi32>
    %sub3A_678 = arith.subi %add3A_656, %sub3A_677 : vector<16xi32>
    %jit3A_679 = arith.constant 0 : i32
    %jit3A_680 = arith.constant 511 : i32
    %max3A_681 = vector.broadcast %jit3A_679 : i32 to vector<16xi32>
    %max3A_682 = arith.maxsi %max3A_681, %sub3A_678 : vector<16xi32>
    %min3A_683 = vector.broadcast %jit3A_680 : i32 to vector<16xi32>
    %min3A_684 = arith.minsi %min3A_683, %max3A_682 : vector<16xi32>
    tpu.vector_store_idx %arg7[%min3A_684], %broadcast_in_dim3A_58 masked %and3A_676 {add = true} : memref<512xi32, #tpu.memory_space<vmem>>[vector<16xi32>], vector<16xi32>, vector<16xi1>
    %get3A_685 = arith.constant 288 : index
    %get3A_686 = tpu.vector_load %arg6[%get3A_685] {strides = array<i32>} : memref<512xi32, #tpu.memory_space<vmem>>, vector<16xi32>,
    %cumsum3A_687 = arith.constant true
    %cumsum3A_688 = vector.broadcast %cumsum3A_687 : i1 to vector<16xi1>
    %cumsum3A_689 = tpu.scan <sum>, %get3A_686 masked %cumsum3A_688 : vector<16xi32>, vector<16xi1> -> vector<16xi32>
    %add3A_690 = vector.broadcast %add3A_661 : i32 to vector<16xi32>
    %add3A_691 = arith.addi %cumsum3A_689, %add3A_690 : vector<16xi32>
    %reduce_sum3A_692 = arith.constant true
    %reduce_sum3A_693 = vector.broadcast %reduce_sum3A_692 : i1 to vector<16xi1>
    %reduce_sum3A_694 = tpu.scan <sum>, %get3A_686 masked %reduce_sum3A_693 : vector<16xi32>, vector<16xi1> -> vector<16xi32>
    %reduce_sum3A_695 = vector.extract %reduce_sum3A_694[15] : i32 from vector<16xi32>
    %add3A_696 = arith.addi %add3A_661, %reduce_sum3A_695 : i32
    %lt3A_697 = vector.broadcast %mul3A_32 : i32 to vector<16xi32>
    %lt3A_698 = arith.cmpi slt, %add3A_691, %lt3A_697 : vector<16xi32>
    %convert_element_type3A_699 = arith.extui %lt3A_698 : vector<16xi1> to vector<16xi32>
    %reduce_sum3A_700 = arith.constant true
    %reduce_sum3A_701 = vector.broadcast %reduce_sum3A_700 : i1 to vector<16xi1>
    %reduce_sum3A_702 = tpu.scan <sum>, %convert_element_type3A_699 masked %reduce_sum3A_701 : vector<16xi32>, vector<16xi1> -> vector<16xi32>
    %reduce_sum3A_703 = vector.extract %reduce_sum3A_702[15] : i32 from vector<16xi32>
    %add3A_704 = arith.addi %add3A_669, %reduce_sum3A_703 : i32
    %ge3A_705 = vector.broadcast %mul3A_32 : i32 to vector<16xi32>
    %ge3A_706 = arith.cmpi sge, %add3A_691, %ge3A_705 : vector<16xi32>
    %add3A_707 = arith.constant 512 : i32
    %add3A_708 = arith.addi %mul3A_32, %add3A_707 : i32
    %lt3A_709 = vector.broadcast %add3A_708 : i32 to vector<16xi32>
    %lt3A_710 = arith.cmpi slt, %add3A_691, %lt3A_709 : vector<16xi32>
    %and3A_711 = arith.andi %ge3A_706, %lt3A_710 : vector<16xi1>
    %sub3A_712 = vector.broadcast %mul3A_32 : i32 to vector<16xi32>
    %sub3A_713 = arith.subi %add3A_691, %sub3A_712 : vector<16xi32>
    %jit3A_714 = arith.constant 0 : i32
    %jit3A_715 = arith.constant 511 : i32
    %max3A_716 = vector.broadcast %jit3A_714 : i32 to vector<16xi32>
    %max3A_717 = arith.maxsi %max3A_716, %sub3A_713 : vector<16xi32>
    %min3A_718 = vector.broadcast %jit3A_715 : i32 to vector<16xi32>
    %min3A_719 = arith.minsi %min3A_718, %max3A_717 : vector<16xi32>
    tpu.vector_store_idx %arg7[%min3A_719], %broadcast_in_dim3A_58 masked %and3A_711 {add = true} : memref<512xi32, #tpu.memory_space<vmem>>[vector<16xi32>], vector<16xi32>, vector<16xi1>
    %get3A_720 = arith.constant 304 : index
    %get3A_721 = tpu.vector_load %arg6[%get3A_720] {strides = array<i32>} : memref<512xi32, #tpu.memory_space<vmem>>, vector<16xi32>,
    %cumsum3A_722 = arith.constant true
    %cumsum3A_723 = vector.broadcast %cumsum3A_722 : i1 to vector<16xi1>
    %cumsum3A_724 = tpu.scan <sum>, %get3A_721 masked %cumsum3A_723 : vector<16xi32>, vector<16xi1> -> vector<16xi32>
    %add3A_725 = vector.broadcast %add3A_696 : i32 to vector<16xi32>
    %add3A_726 = arith.addi %cumsum3A_724, %add3A_725 : vector<16xi32>
    %reduce_sum3A_727 = arith.constant true
    %reduce_sum3A_728 = vector.broadcast %reduce_sum3A_727 : i1 to vector<16xi1>
    %reduce_sum3A_729 = tpu.scan <sum>, %get3A_721 masked %reduce_sum3A_728 : vector<16xi32>, vector<16xi1> -> vector<16xi32>
    %reduce_sum3A_730 = vector.extract %reduce_sum3A_729[15] : i32 from vector<16xi32>
    %add3A_731 = arith.addi %add3A_696, %reduce_sum3A_730 : i32
    %lt3A_732 = vector.broadcast %mul3A_32 : i32 to vector<16xi32>
    %lt3A_733 = arith.cmpi slt, %add3A_726, %lt3A_732 : vector<16xi32>
    %convert_element_type3A_734 = arith.extui %lt3A_733 : vector<16xi1> to vector<16xi32>
    %reduce_sum3A_735 = arith.constant true
    %reduce_sum3A_736 = vector.broadcast %reduce_sum3A_735 : i1 to vector<16xi1>
    %reduce_sum3A_737 = tpu.scan <sum>, %convert_element_type3A_734 masked %reduce_sum3A_736 : vector<16xi32>, vector<16xi1> -> vector<16xi32>
    %reduce_sum3A_738 = vector.extract %reduce_sum3A_737[15] : i32 from vector<16xi32>
    %add3A_739 = arith.addi %add3A_704, %reduce_sum3A_738 : i32
    %ge3A_740 = vector.broadcast %mul3A_32 : i32 to vector<16xi32>
    %ge3A_741 = arith.cmpi sge, %add3A_726, %ge3A_740 : vector<16xi32>
    %add3A_742 = arith.constant 512 : i32
    %add3A_743 = arith.addi %mul3A_32, %add3A_742 : i32
    %lt3A_744 = vector.broadcast %add3A_743 : i32 to vector<16xi32>
    %lt3A_745 = arith.cmpi slt, %add3A_726, %lt3A_744 : vector<16xi32>
    %and3A_746 = arith.andi %ge3A_741, %lt3A_745 : vector<16xi1>
    %sub3A_747 = vector.broadcast %mul3A_32 : i32 to vector<16xi32>
    %sub3A_748 = arith.subi %add3A_726, %sub3A_747 : vector<16xi32>
    %jit3A_749 = arith.constant 0 : i32
    %jit3A_750 = arith.constant 511 : i32
    %max3A_751 = vector.broadcast %jit3A_749 : i32 to vector<16xi32>
    %max3A_752 = arith.maxsi %max3A_751, %sub3A_748 : vector<16xi32>
    %min3A_753 = vector.broadcast %jit3A_750 : i32 to vector<16xi32>
    %min3A_754 = arith.minsi %min3A_753, %max3A_752 : vector<16xi32>
    tpu.vector_store_idx %arg7[%min3A_754], %broadcast_in_dim3A_58 masked %and3A_746 {add = true} : memref<512xi32, #tpu.memory_space<vmem>>[vector<16xi32>], vector<16xi32>, vector<16xi1>
    %get3A_755 = arith.constant 320 : index
    %get3A_756 = tpu.vector_load %arg6[%get3A_755] {strides = array<i32>} : memref<512xi32, #tpu.memory_space<vmem>>, vector<16xi32>,
    %cumsum3A_757 = arith.constant true
    %cumsum3A_758 = vector.broadcast %cumsum3A_757 : i1 to vector<16xi1>
    %cumsum3A_759 = tpu.scan <sum>, %get3A_756 masked %cumsum3A_758 : vector<16xi32>, vector<16xi1> -> vector<16xi32>
    %add3A_760 = vector.broadcast %add3A_731 : i32 to vector<16xi32>
    %add3A_761 = arith.addi %cumsum3A_759, %add3A_760 : vector<16xi32>
    %reduce_sum3A_762 = arith.constant true
    %reduce_sum3A_763 = vector.broadcast %reduce_sum3A_762 : i1 to vector<16xi1>
    %reduce_sum3A_764 = tpu.scan <sum>, %get3A_756 masked %reduce_sum3A_763 : vector<16xi32>, vector<16xi1> -> vector<16xi32>
    %reduce_sum3A_765 = vector.extract %reduce_sum3A_764[15] : i32 from vector<16xi32>
    %add3A_766 = arith.addi %add3A_731, %reduce_sum3A_765 : i32
    %lt3A_767 = vector.broadcast %mul3A_32 : i32 to vector<16xi32>
    %lt3A_768 = arith.cmpi slt, %add3A_761, %lt3A_767 : vector<16xi32>
    %convert_element_type3A_769 = arith.extui %lt3A_768 : vector<16xi1> to vector<16xi32>
    %reduce_sum3A_770 = arith.constant true
    %reduce_sum3A_771 = vector.broadcast %reduce_sum3A_770 : i1 to vector<16xi1>
    %reduce_sum3A_772 = tpu.scan <sum>, %convert_element_type3A_769 masked %reduce_sum3A_771 : vector<16xi32>, vector<16xi1> -> vector<16xi32>
    %reduce_sum3A_773 = vector.extract %reduce_sum3A_772[15] : i32 from vector<16xi32>
    %add3A_774 = arith.addi %add3A_739, %reduce_sum3A_773 : i32
    %ge3A_775 = vector.broadcast %mul3A_32 : i32 to vector<16xi32>
    %ge3A_776 = arith.cmpi sge, %add3A_761, %ge3A_775 : vector<16xi32>
    %add3A_777 = arith.constant 512 : i32
    %add3A_778 = arith.addi %mul3A_32, %add3A_777 : i32
    %lt3A_779 = vector.broadcast %add3A_778 : i32 to vector<16xi32>
    %lt3A_780 = arith.cmpi slt, %add3A_761, %lt3A_779 : vector<16xi32>
    %and3A_781 = arith.andi %ge3A_776, %lt3A_780 : vector<16xi1>
    %sub3A_782 = vector.broadcast %mul3A_32 : i32 to vector<16xi32>
    %sub3A_783 = arith.subi %add3A_761, %sub3A_782 : vector<16xi32>
    %jit3A_784 = arith.constant 0 : i32
    %jit3A_785 = arith.constant 511 : i32
    %max3A_786 = vector.broadcast %jit3A_784 : i32 to vector<16xi32>
    %max3A_787 = arith.maxsi %max3A_786, %sub3A_783 : vector<16xi32>
    %min3A_788 = vector.broadcast %jit3A_785 : i32 to vector<16xi32>
    %min3A_789 = arith.minsi %min3A_788, %max3A_787 : vector<16xi32>
    tpu.vector_store_idx %arg7[%min3A_789], %broadcast_in_dim3A_58 masked %and3A_781 {add = true} : memref<512xi32, #tpu.memory_space<vmem>>[vector<16xi32>], vector<16xi32>, vector<16xi1>
    %get3A_790 = arith.constant 336 : index
    %get3A_791 = tpu.vector_load %arg6[%get3A_790] {strides = array<i32>} : memref<512xi32, #tpu.memory_space<vmem>>, vector<16xi32>,
    %cumsum3A_792 = arith.constant true
    %cumsum3A_793 = vector.broadcast %cumsum3A_792 : i1 to vector<16xi1>
    %cumsum3A_794 = tpu.scan <sum>, %get3A_791 masked %cumsum3A_793 : vector<16xi32>, vector<16xi1> -> vector<16xi32>
    %add3A_795 = vector.broadcast %add3A_766 : i32 to vector<16xi32>
    %add3A_796 = arith.addi %cumsum3A_794, %add3A_795 : vector<16xi32>
    %reduce_sum3A_797 = arith.constant true
    %reduce_sum3A_798 = vector.broadcast %reduce_sum3A_797 : i1 to vector<16xi1>
    %reduce_sum3A_799 = tpu.scan <sum>, %get3A_791 masked %reduce_sum3A_798 : vector<16xi32>, vector<16xi1> -> vector<16xi32>
    %reduce_sum3A_800 = vector.extract %reduce_sum3A_799[15] : i32 from vector<16xi32>
    %add3A_801 = arith.addi %add3A_766, %reduce_sum3A_800 : i32
    %lt3A_802 = vector.broadcast %mul3A_32 : i32 to vector<16xi32>
    %lt3A_803 = arith.cmpi slt, %add3A_796, %lt3A_802 : vector<16xi32>
    %convert_element_type3A_804 = arith.extui %lt3A_803 : vector<16xi1> to vector<16xi32>
    %reduce_sum3A_805 = arith.constant true
    %reduce_sum3A_806 = vector.broadcast %reduce_sum3A_805 : i1 to vector<16xi1>
    %reduce_sum3A_807 = tpu.scan <sum>, %convert_element_type3A_804 masked %reduce_sum3A_806 : vector<16xi32>, vector<16xi1> -> vector<16xi32>
    %reduce_sum3A_808 = vector.extract %reduce_sum3A_807[15] : i32 from vector<16xi32>
    %add3A_809 = arith.addi %add3A_774, %reduce_sum3A_808 : i32
    %ge3A_810 = vector.broadcast %mul3A_32 : i32 to vector<16xi32>
    %ge3A_811 = arith.cmpi sge, %add3A_796, %ge3A_810 : vector<16xi32>
    %add3A_812 = arith.constant 512 : i32
    %add3A_813 = arith.addi %mul3A_32, %add3A_812 : i32
    %lt3A_814 = vector.broadcast %add3A_813 : i32 to vector<16xi32>
    %lt3A_815 = arith.cmpi slt, %add3A_796, %lt3A_814 : vector<16xi32>
    %and3A_816 = arith.andi %ge3A_811, %lt3A_815 : vector<16xi1>
    %sub3A_817 = vector.broadcast %mul3A_32 : i32 to vector<16xi32>
    %sub3A_818 = arith.subi %add3A_796, %sub3A_817 : vector<16xi32>
    %jit3A_819 = arith.constant 0 : i32
    %jit3A_820 = arith.constant 511 : i32
    %max3A_821 = vector.broadcast %jit3A_819 : i32 to vector<16xi32>
    %max3A_822 = arith.maxsi %max3A_821, %sub3A_818 : vector<16xi32>
    %min3A_823 = vector.broadcast %jit3A_820 : i32 to vector<16xi32>
    %min3A_824 = arith.minsi %min3A_823, %max3A_822 : vector<16xi32>
    tpu.vector_store_idx %arg7[%min3A_824], %broadcast_in_dim3A_58 masked %and3A_816 {add = true} : memref<512xi32, #tpu.memory_space<vmem>>[vector<16xi32>], vector<16xi32>, vector<16xi1>
    %get3A_825 = arith.constant 352 : index
    %get3A_826 = tpu.vector_load %arg6[%get3A_825] {strides = array<i32>} : memref<512xi32, #tpu.memory_space<vmem>>, vector<16xi32>,
    %cumsum3A_827 = arith.constant true
    %cumsum3A_828 = vector.broadcast %cumsum3A_827 : i1 to vector<16xi1>
    %cumsum3A_829 = tpu.scan <sum>, %get3A_826 masked %cumsum3A_828 : vector<16xi32>, vector<16xi1> -> vector<16xi32>
    %add3A_830 = vector.broadcast %add3A_801 : i32 to vector<16xi32>
    %add3A_831 = arith.addi %cumsum3A_829, %add3A_830 : vector<16xi32>
    %reduce_sum3A_832 = arith.constant true
    %reduce_sum3A_833 = vector.broadcast %reduce_sum3A_832 : i1 to vector<16xi1>
    %reduce_sum3A_834 = tpu.scan <sum>, %get3A_826 masked %reduce_sum3A_833 : vector<16xi32>, vector<16xi1> -> vector<16xi32>
    %reduce_sum3A_835 = vector.extract %reduce_sum3A_834[15] : i32 from vector<16xi32>
    %add3A_836 = arith.addi %add3A_801, %reduce_sum3A_835 : i32
    %lt3A_837 = vector.broadcast %mul3A_32 : i32 to vector<16xi32>
    %lt3A_838 = arith.cmpi slt, %add3A_831, %lt3A_837 : vector<16xi32>
    %convert_element_type3A_839 = arith.extui %lt3A_838 : vector<16xi1> to vector<16xi32>
    %reduce_sum3A_840 = arith.constant true
    %reduce_sum3A_841 = vector.broadcast %reduce_sum3A_840 : i1 to vector<16xi1>
    %reduce_sum3A_842 = tpu.scan <sum>, %convert_element_type3A_839 masked %reduce_sum3A_841 : vector<16xi32>, vector<16xi1> -> vector<16xi32>
    %reduce_sum3A_843 = vector.extract %reduce_sum3A_842[15] : i32 from vector<16xi32>
    %add3A_844 = arith.addi %add3A_809, %reduce_sum3A_843 : i32
    %ge3A_845 = vector.broadcast %mul3A_32 : i32 to vector<16xi32>
    %ge3A_846 = arith.cmpi sge, %add3A_831, %ge3A_845 : vector<16xi32>
    %add3A_847 = arith.constant 512 : i32
    %add3A_848 = arith.addi %mul3A_32, %add3A_847 : i32
    %lt3A_849 = vector.broadcast %add3A_848 : i32 to vector<16xi32>
    %lt3A_850 = arith.cmpi slt, %add3A_831, %lt3A_849 : vector<16xi32>
    %and3A_851 = arith.andi %ge3A_846, %lt3A_850 : vector<16xi1>
    %sub3A_852 = vector.broadcast %mul3A_32 : i32 to vector<16xi32>
    %sub3A_853 = arith.subi %add3A_831, %sub3A_852 : vector<16xi32>
    %jit3A_854 = arith.constant 0 : i32
    %jit3A_855 = arith.constant 511 : i32
    %max3A_856 = vector.broadcast %jit3A_854 : i32 to vector<16xi32>
    %max3A_857 = arith.maxsi %max3A_856, %sub3A_853 : vector<16xi32>
    %min3A_858 = vector.broadcast %jit3A_855 : i32 to vector<16xi32>
    %min3A_859 = arith.minsi %min3A_858, %max3A_857 : vector<16xi32>
    tpu.vector_store_idx %arg7[%min3A_859], %broadcast_in_dim3A_58 masked %and3A_851 {add = true} : memref<512xi32, #tpu.memory_space<vmem>>[vector<16xi32>], vector<16xi32>, vector<16xi1>
    %get3A_860 = arith.constant 368 : index
    %get3A_861 = tpu.vector_load %arg6[%get3A_860] {strides = array<i32>} : memref<512xi32, #tpu.memory_space<vmem>>, vector<16xi32>,
    %cumsum3A_862 = arith.constant true
    %cumsum3A_863 = vector.broadcast %cumsum3A_862 : i1 to vector<16xi1>
    %cumsum3A_864 = tpu.scan <sum>, %get3A_861 masked %cumsum3A_863 : vector<16xi32>, vector<16xi1> -> vector<16xi32>
    %add3A_865 = vector.broadcast %add3A_836 : i32 to vector<16xi32>
    %add3A_866 = arith.addi %cumsum3A_864, %add3A_865 : vector<16xi32>
    %reduce_sum3A_867 = arith.constant true
    %reduce_sum3A_868 = vector.broadcast %reduce_sum3A_867 : i1 to vector<16xi1>
    %reduce_sum3A_869 = tpu.scan <sum>, %get3A_861 masked %reduce_sum3A_868 : vector<16xi32>, vector<16xi1> -> vector<16xi32>
    %reduce_sum3A_870 = vector.extract %reduce_sum3A_869[15] : i32 from vector<16xi32>
    %add3A_871 = arith.addi %add3A_836, %reduce_sum3A_870 : i32
    %lt3A_872 = vector.broadcast %mul3A_32 : i32 to vector<16xi32>
    %lt3A_873 = arith.cmpi slt, %add3A_866, %lt3A_872 : vector<16xi32>
    %convert_element_type3A_874 = arith.extui %lt3A_873 : vector<16xi1> to vector<16xi32>
    %reduce_sum3A_875 = arith.constant true
    %reduce_sum3A_876 = vector.broadcast %reduce_sum3A_875 : i1 to vector<16xi1>
    %reduce_sum3A_877 = tpu.scan <sum>, %convert_element_type3A_874 masked %reduce_sum3A_876 : vector<16xi32>, vector<16xi1> -> vector<16xi32>
    %reduce_sum3A_878 = vector.extract %reduce_sum3A_877[15] : i32 from vector<16xi32>
    %add3A_879 = arith.addi %add3A_844, %reduce_sum3A_878 : i32
    %ge3A_880 = vector.broadcast %mul3A_32 : i32 to vector<16xi32>
    %ge3A_881 = arith.cmpi sge, %add3A_866, %ge3A_880 : vector<16xi32>
    %add3A_882 = arith.constant 512 : i32
    %add3A_883 = arith.addi %mul3A_32, %add3A_882 : i32
    %lt3A_884 = vector.broadcast %add3A_883 : i32 to vector<16xi32>
    %lt3A_885 = arith.cmpi slt, %add3A_866, %lt3A_884 : vector<16xi32>
    %and3A_886 = arith.andi %ge3A_881, %lt3A_885 : vector<16xi1>
    %sub3A_887 = vector.broadcast %mul3A_32 : i32 to vector<16xi32>
    %sub3A_888 = arith.subi %add3A_866, %sub3A_887 : vector<16xi32>
    %jit3A_889 = arith.constant 0 : i32
    %jit3A_890 = arith.constant 511 : i32
    %max3A_891 = vector.broadcast %jit3A_889 : i32 to vector<16xi32>
    %max3A_892 = arith.maxsi %max3A_891, %sub3A_888 : vector<16xi32>
    %min3A_893 = vector.broadcast %jit3A_890 : i32 to vector<16xi32>
    %min3A_894 = arith.minsi %min3A_893, %max3A_892 : vector<16xi32>
    tpu.vector_store_idx %arg7[%min3A_894], %broadcast_in_dim3A_58 masked %and3A_886 {add = true} : memref<512xi32, #tpu.memory_space<vmem>>[vector<16xi32>], vector<16xi32>, vector<16xi1>
    %get3A_895 = arith.constant 384 : index
    %get3A_896 = tpu.vector_load %arg6[%get3A_895] {strides = array<i32>} : memref<512xi32, #tpu.memory_space<vmem>>, vector<16xi32>,
    %cumsum3A_897 = arith.constant true
    %cumsum3A_898 = vector.broadcast %cumsum3A_897 : i1 to vector<16xi1>
    %cumsum3A_899 = tpu.scan <sum>, %get3A_896 masked %cumsum3A_898 : vector<16xi32>, vector<16xi1> -> vector<16xi32>
    %add3A_900 = vector.broadcast %add3A_871 : i32 to vector<16xi32>
    %add3A_901 = arith.addi %cumsum3A_899, %add3A_900 : vector<16xi32>
    %reduce_sum3A_902 = arith.constant true
    %reduce_sum3A_903 = vector.broadcast %reduce_sum3A_902 : i1 to vector<16xi1>
    %reduce_sum3A_904 = tpu.scan <sum>, %get3A_896 masked %reduce_sum3A_903 : vector<16xi32>, vector<16xi1> -> vector<16xi32>
    %reduce_sum3A_905 = vector.extract %reduce_sum3A_904[15] : i32 from vector<16xi32>
    %add3A_906 = arith.addi %add3A_871, %reduce_sum3A_905 : i32
    %lt3A_907 = vector.broadcast %mul3A_32 : i32 to vector<16xi32>
    %lt3A_908 = arith.cmpi slt, %add3A_901, %lt3A_907 : vector<16xi32>
    %convert_element_type3A_909 = arith.extui %lt3A_908 : vector<16xi1> to vector<16xi32>
    %reduce_sum3A_910 = arith.constant true
    %reduce_sum3A_911 = vector.broadcast %reduce_sum3A_910 : i1 to vector<16xi1>
    %reduce_sum3A_912 = tpu.scan <sum>, %convert_element_type3A_909 masked %reduce_sum3A_911 : vector<16xi32>, vector<16xi1> -> vector<16xi32>
    %reduce_sum3A_913 = vector.extract %reduce_sum3A_912[15] : i32 from vector<16xi32>
    %add3A_914 = arith.addi %add3A_879, %reduce_sum3A_913 : i32
    %ge3A_915 = vector.broadcast %mul3A_32 : i32 to vector<16xi32>
    %ge3A_916 = arith.cmpi sge, %add3A_901, %ge3A_915 : vector<16xi32>
    %add3A_917 = arith.constant 512 : i32
    %add3A_918 = arith.addi %mul3A_32, %add3A_917 : i32
    %lt3A_919 = vector.broadcast %add3A_918 : i32 to vector<16xi32>
    %lt3A_920 = arith.cmpi slt, %add3A_901, %lt3A_919 : vector<16xi32>
    %and3A_921 = arith.andi %ge3A_916, %lt3A_920 : vector<16xi1>
    %sub3A_922 = vector.broadcast %mul3A_32 : i32 to vector<16xi32>
    %sub3A_923 = arith.subi %add3A_901, %sub3A_922 : vector<16xi32>
    %jit3A_924 = arith.constant 0 : i32
    %jit3A_925 = arith.constant 511 : i32
    %max3A_926 = vector.broadcast %jit3A_924 : i32 to vector<16xi32>
    %max3A_927 = arith.maxsi %max3A_926, %sub3A_923 : vector<16xi32>
    %min3A_928 = vector.broadcast %jit3A_925 : i32 to vector<16xi32>
    %min3A_929 = arith.minsi %min3A_928, %max3A_927 : vector<16xi32>
    tpu.vector_store_idx %arg7[%min3A_929], %broadcast_in_dim3A_58 masked %and3A_921 {add = true} : memref<512xi32, #tpu.memory_space<vmem>>[vector<16xi32>], vector<16xi32>, vector<16xi1>
    %get3A_930 = arith.constant 400 : index
    %get3A_931 = tpu.vector_load %arg6[%get3A_930] {strides = array<i32>} : memref<512xi32, #tpu.memory_space<vmem>>, vector<16xi32>,
    %cumsum3A_932 = arith.constant true
    %cumsum3A_933 = vector.broadcast %cumsum3A_932 : i1 to vector<16xi1>
    %cumsum3A_934 = tpu.scan <sum>, %get3A_931 masked %cumsum3A_933 : vector<16xi32>, vector<16xi1> -> vector<16xi32>
    %add3A_935 = vector.broadcast %add3A_906 : i32 to vector<16xi32>
    %add3A_936 = arith.addi %cumsum3A_934, %add3A_935 : vector<16xi32>
    %reduce_sum3A_937 = arith.constant true
    %reduce_sum3A_938 = vector.broadcast %reduce_sum3A_937 : i1 to vector<16xi1>
    %reduce_sum3A_939 = tpu.scan <sum>, %get3A_931 masked %reduce_sum3A_938 : vector<16xi32>, vector<16xi1> -> vector<16xi32>
    %reduce_sum3A_940 = vector.extract %reduce_sum3A_939[15] : i32 from vector<16xi32>
    %add3A_941 = arith.addi %add3A_906, %reduce_sum3A_940 : i32
    %lt3A_942 = vector.broadcast %mul3A_32 : i32 to vector<16xi32>
    %lt3A_943 = arith.cmpi slt, %add3A_936, %lt3A_942 : vector<16xi32>
    %convert_element_type3A_944 = arith.extui %lt3A_943 : vector<16xi1> to vector<16xi32>
    %reduce_sum3A_945 = arith.constant true
    %reduce_sum3A_946 = vector.broadcast %reduce_sum3A_945 : i1 to vector<16xi1>
    %reduce_sum3A_947 = tpu.scan <sum>, %convert_element_type3A_944 masked %reduce_sum3A_946 : vector<16xi32>, vector<16xi1> -> vector<16xi32>
    %reduce_sum3A_948 = vector.extract %reduce_sum3A_947[15] : i32 from vector<16xi32>
    %add3A_949 = arith.addi %add3A_914, %reduce_sum3A_948 : i32
    %ge3A_950 = vector.broadcast %mul3A_32 : i32 to vector<16xi32>
    %ge3A_951 = arith.cmpi sge, %add3A_936, %ge3A_950 : vector<16xi32>
    %add3A_952 = arith.constant 512 : i32
    %add3A_953 = arith.addi %mul3A_32, %add3A_952 : i32
    %lt3A_954 = vector.broadcast %add3A_953 : i32 to vector<16xi32>
    %lt3A_955 = arith.cmpi slt, %add3A_936, %lt3A_954 : vector<16xi32>
    %and3A_956 = arith.andi %ge3A_951, %lt3A_955 : vector<16xi1>
    %sub3A_957 = vector.broadcast %mul3A_32 : i32 to vector<16xi32>
    %sub3A_958 = arith.subi %add3A_936, %sub3A_957 : vector<16xi32>
    %jit3A_959 = arith.constant 0 : i32
    %jit3A_960 = arith.constant 511 : i32
    %max3A_961 = vector.broadcast %jit3A_959 : i32 to vector<16xi32>
    %max3A_962 = arith.maxsi %max3A_961, %sub3A_958 : vector<16xi32>
    %min3A_963 = vector.broadcast %jit3A_960 : i32 to vector<16xi32>
    %min3A_964 = arith.minsi %min3A_963, %max3A_962 : vector<16xi32>
    tpu.vector_store_idx %arg7[%min3A_964], %broadcast_in_dim3A_58 masked %and3A_956 {add = true} : memref<512xi32, #tpu.memory_space<vmem>>[vector<16xi32>], vector<16xi32>, vector<16xi1>
    %get3A_965 = arith.constant 416 : index
    %get3A_966 = tpu.vector_load %arg6[%get3A_965] {strides = array<i32>} : memref<512xi32, #tpu.memory_space<vmem>>, vector<16xi32>,
    %cumsum3A_967 = arith.constant true
    %cumsum3A_968 = vector.broadcast %cumsum3A_967 : i1 to vector<16xi1>
    %cumsum3A_969 = tpu.scan <sum>, %get3A_966 masked %cumsum3A_968 : vector<16xi32>, vector<16xi1> -> vector<16xi32>
    %add3A_970 = vector.broadcast %add3A_941 : i32 to vector<16xi32>
    %add3A_971 = arith.addi %cumsum3A_969, %add3A_970 : vector<16xi32>
    %reduce_sum3A_972 = arith.constant true
    %reduce_sum3A_973 = vector.broadcast %reduce_sum3A_972 : i1 to vector<16xi1>
    %reduce_sum3A_974 = tpu.scan <sum>, %get3A_966 masked %reduce_sum3A_973 : vector<16xi32>, vector<16xi1> -> vector<16xi32>
    %reduce_sum3A_975 = vector.extract %reduce_sum3A_974[15] : i32 from vector<16xi32>
    %add3A_976 = arith.addi %add3A_941, %reduce_sum3A_975 : i32
    %lt3A_977 = vector.broadcast %mul3A_32 : i32 to vector<16xi32>
    %lt3A_978 = arith.cmpi slt, %add3A_971, %lt3A_977 : vector<16xi32>
    %convert_element_type3A_979 = arith.extui %lt3A_978 : vector<16xi1> to vector<16xi32>
    %reduce_sum3A_980 = arith.constant true
    %reduce_sum3A_981 = vector.broadcast %reduce_sum3A_980 : i1 to vector<16xi1>
    %reduce_sum3A_982 = tpu.scan <sum>, %convert_element_type3A_979 masked %reduce_sum3A_981 : vector<16xi32>, vector<16xi1> -> vector<16xi32>
    %reduce_sum3A_983 = vector.extract %reduce_sum3A_982[15] : i32 from vector<16xi32>
    %add3A_984 = arith.addi %add3A_949, %reduce_sum3A_983 : i32
    %ge3A_985 = vector.broadcast %mul3A_32 : i32 to vector<16xi32>
    %ge3A_986 = arith.cmpi sge, %add3A_971, %ge3A_985 : vector<16xi32>
    %add3A_987 = arith.constant 512 : i32
    %add3A_988 = arith.addi %mul3A_32, %add3A_987 : i32
    %lt3A_989 = vector.broadcast %add3A_988 : i32 to vector<16xi32>
    %lt3A_990 = arith.cmpi slt, %add3A_971, %lt3A_989 : vector<16xi32>
    %and3A_991 = arith.andi %ge3A_986, %lt3A_990 : vector<16xi1>
    %sub3A_992 = vector.broadcast %mul3A_32 : i32 to vector<16xi32>
    %sub3A_993 = arith.subi %add3A_971, %sub3A_992 : vector<16xi32>
    %jit3A_994 = arith.constant 0 : i32
    %jit3A_995 = arith.constant 511 : i32
    %max3A_996 = vector.broadcast %jit3A_994 : i32 to vector<16xi32>
    %max3A_997 = arith.maxsi %max3A_996, %sub3A_993 : vector<16xi32>
    %min3A_998 = vector.broadcast %jit3A_995 : i32 to vector<16xi32>
    %min3A_999 = arith.minsi %min3A_998, %max3A_997 : vector<16xi32>
    tpu.vector_store_idx %arg7[%min3A_999], %broadcast_in_dim3A_58 masked %and3A_991 {add = true} : memref<512xi32, #tpu.memory_space<vmem>>[vector<16xi32>], vector<16xi32>, vector<16xi1>
    %get3A_1000 = arith.constant 432 : index
    %get3A_1001 = tpu.vector_load %arg6[%get3A_1000] {strides = array<i32>} : memref<512xi32, #tpu.memory_space<vmem>>, vector<16xi32>,
    %cumsum3A_1002 = arith.constant true
    %cumsum3A_1003 = vector.broadcast %cumsum3A_1002 : i1 to vector<16xi1>
    %cumsum3A_1004 = tpu.scan <sum>, %get3A_1001 masked %cumsum3A_1003 : vector<16xi32>, vector<16xi1> -> vector<16xi32>
    %add3A_1005 = vector.broadcast %add3A_976 : i32 to vector<16xi32>
    %add3A_1006 = arith.addi %cumsum3A_1004, %add3A_1005 : vector<16xi32>
    %reduce_sum3A_1007 = arith.constant true
    %reduce_sum3A_1008 = vector.broadcast %reduce_sum3A_1007 : i1 to vector<16xi1>
    %reduce_sum3A_1009 = tpu.scan <sum>, %get3A_1001 masked %reduce_sum3A_1008 : vector<16xi32>, vector<16xi1> -> vector<16xi32>
    %reduce_sum3A_1010 = vector.extract %reduce_sum3A_1009[15] : i32 from vector<16xi32>
    %add3A_1011 = arith.addi %add3A_976, %reduce_sum3A_1010 : i32
    %lt3A_1012 = vector.broadcast %mul3A_32 : i32 to vector<16xi32>
    %lt3A_1013 = arith.cmpi slt, %add3A_1006, %lt3A_1012 : vector<16xi32>
    %convert_element_type3A_1014 = arith.extui %lt3A_1013 : vector<16xi1> to vector<16xi32>
    %reduce_sum3A_1015 = arith.constant true
    %reduce_sum3A_1016 = vector.broadcast %reduce_sum3A_1015 : i1 to vector<16xi1>
    %reduce_sum3A_1017 = tpu.scan <sum>, %convert_element_type3A_1014 masked %reduce_sum3A_1016 : vector<16xi32>, vector<16xi1> -> vector<16xi32>
    %reduce_sum3A_1018 = vector.extract %reduce_sum3A_1017[15] : i32 from vector<16xi32>
    %add3A_1019 = arith.addi %add3A_984, %reduce_sum3A_1018 : i32
    %ge3A_1020 = vector.broadcast %mul3A_32 : i32 to vector<16xi32>
    %ge3A_1021 = arith.cmpi sge, %add3A_1006, %ge3A_1020 : vector<16xi32>
    %add3A_1022 = arith.constant 512 : i32
    %add3A_1023 = arith.addi %mul3A_32, %add3A_1022 : i32
    %lt3A_1024 = vector.broadcast %add3A_1023 : i32 to vector<16xi32>
    %lt3A_1025 = arith.cmpi slt, %add3A_1006, %lt3A_1024 : vector<16xi32>
    %and3A_1026 = arith.andi %ge3A_1021, %lt3A_1025 : vector<16xi1>
    %sub3A_1027 = vector.broadcast %mul3A_32 : i32 to vector<16xi32>
    %sub3A_1028 = arith.subi %add3A_1006, %sub3A_1027 : vector<16xi32>
    %jit3A_1029 = arith.constant 0 : i32
    %jit3A_1030 = arith.constant 511 : i32
    %max3A_1031 = vector.broadcast %jit3A_1029 : i32 to vector<16xi32>
    %max3A_1032 = arith.maxsi %max3A_1031, %sub3A_1028 : vector<16xi32>
    %min3A_1033 = vector.broadcast %jit3A_1030 : i32 to vector<16xi32>
    %min3A_1034 = arith.minsi %min3A_1033, %max3A_1032 : vector<16xi32>
    tpu.vector_store_idx %arg7[%min3A_1034], %broadcast_in_dim3A_58 masked %and3A_1026 {add = true} : memref<512xi32, #tpu.memory_space<vmem>>[vector<16xi32>], vector<16xi32>, vector<16xi1>
    %get3A_1035 = arith.constant 448 : index
    %get3A_1036 = tpu.vector_load %arg6[%get3A_1035] {strides = array<i32>} : memref<512xi32, #tpu.memory_space<vmem>>, vector<16xi32>,
    %cumsum3A_1037 = arith.constant true
    %cumsum3A_1038 = vector.broadcast %cumsum3A_1037 : i1 to vector<16xi1>
    %cumsum3A_1039 = tpu.scan <sum>, %get3A_1036 masked %cumsum3A_1038 : vector<16xi32>, vector<16xi1> -> vector<16xi32>
    %add3A_1040 = vector.broadcast %add3A_1011 : i32 to vector<16xi32>
    %add3A_1041 = arith.addi %cumsum3A_1039, %add3A_1040 : vector<16xi32>
    %reduce_sum3A_1042 = arith.constant true
    %reduce_sum3A_1043 = vector.broadcast %reduce_sum3A_1042 : i1 to vector<16xi1>
    %reduce_sum3A_1044 = tpu.scan <sum>, %get3A_1036 masked %reduce_sum3A_1043 : vector<16xi32>, vector<16xi1> -> vector<16xi32>
    %reduce_sum3A_1045 = vector.extract %reduce_sum3A_1044[15] : i32 from vector<16xi32>
    %add3A_1046 = arith.addi %add3A_1011, %reduce_sum3A_1045 : i32
    %lt3A_1047 = vector.broadcast %mul3A_32 : i32 to vector<16xi32>
    %lt3A_1048 = arith.cmpi slt, %add3A_1041, %lt3A_1047 : vector<16xi32>
    %convert_element_type3A_1049 = arith.extui %lt3A_1048 : vector<16xi1> to vector<16xi32>
    %reduce_sum3A_1050 = arith.constant true
    %reduce_sum3A_1051 = vector.broadcast %reduce_sum3A_1050 : i1 to vector<16xi1>
    %reduce_sum3A_1052 = tpu.scan <sum>, %convert_element_type3A_1049 masked %reduce_sum3A_1051 : vector<16xi32>, vector<16xi1> -> vector<16xi32>
    %reduce_sum3A_1053 = vector.extract %reduce_sum3A_1052[15] : i32 from vector<16xi32>
    %add3A_1054 = arith.addi %add3A_1019, %reduce_sum3A_1053 : i32
    %ge3A_1055 = vector.broadcast %mul3A_32 : i32 to vector<16xi32>
    %ge3A_1056 = arith.cmpi sge, %add3A_1041, %ge3A_1055 : vector<16xi32>
    %add3A_1057 = arith.constant 512 : i32
    %add3A_1058 = arith.addi %mul3A_32, %add3A_1057 : i32
    %lt3A_1059 = vector.broadcast %add3A_1058 : i32 to vector<16xi32>
    %lt3A_1060 = arith.cmpi slt, %add3A_1041, %lt3A_1059 : vector<16xi32>
    %and3A_1061 = arith.andi %ge3A_1056, %lt3A_1060 : vector<16xi1>
    %sub3A_1062 = vector.broadcast %mul3A_32 : i32 to vector<16xi32>
    %sub3A_1063 = arith.subi %add3A_1041, %sub3A_1062 : vector<16xi32>
    %jit3A_1064 = arith.constant 0 : i32
    %jit3A_1065 = arith.constant 511 : i32
    %max3A_1066 = vector.broadcast %jit3A_1064 : i32 to vector<16xi32>
    %max3A_1067 = arith.maxsi %max3A_1066, %sub3A_1063 : vector<16xi32>
    %min3A_1068 = vector.broadcast %jit3A_1065 : i32 to vector<16xi32>
    %min3A_1069 = arith.minsi %min3A_1068, %max3A_1067 : vector<16xi32>
    tpu.vector_store_idx %arg7[%min3A_1069], %broadcast_in_dim3A_58 masked %and3A_1061 {add = true} : memref<512xi32, #tpu.memory_space<vmem>>[vector<16xi32>], vector<16xi32>, vector<16xi1>
    %get3A_1070 = arith.constant 464 : index
    %get3A_1071 = tpu.vector_load %arg6[%get3A_1070] {strides = array<i32>} : memref<512xi32, #tpu.memory_space<vmem>>, vector<16xi32>,
    %cumsum3A_1072 = arith.constant true
    %cumsum3A_1073 = vector.broadcast %cumsum3A_1072 : i1 to vector<16xi1>
    %cumsum3A_1074 = tpu.scan <sum>, %get3A_1071 masked %cumsum3A_1073 : vector<16xi32>, vector<16xi1> -> vector<16xi32>
    %add3A_1075 = vector.broadcast %add3A_1046 : i32 to vector<16xi32>
    %add3A_1076 = arith.addi %cumsum3A_1074, %add3A_1075 : vector<16xi32>
    %reduce_sum3A_1077 = arith.constant true
    %reduce_sum3A_1078 = vector.broadcast %reduce_sum3A_1077 : i1 to vector<16xi1>
    %reduce_sum3A_1079 = tpu.scan <sum>, %get3A_1071 masked %reduce_sum3A_1078 : vector<16xi32>, vector<16xi1> -> vector<16xi32>
    %reduce_sum3A_1080 = vector.extract %reduce_sum3A_1079[15] : i32 from vector<16xi32>
    %add3A_1081 = arith.addi %add3A_1046, %reduce_sum3A_1080 : i32
    %lt3A_1082 = vector.broadcast %mul3A_32 : i32 to vector<16xi32>
    %lt3A_1083 = arith.cmpi slt, %add3A_1076, %lt3A_1082 : vector<16xi32>
    %convert_element_type3A_1084 = arith.extui %lt3A_1083 : vector<16xi1> to vector<16xi32>
    %reduce_sum3A_1085 = arith.constant true
    %reduce_sum3A_1086 = vector.broadcast %reduce_sum3A_1085 : i1 to vector<16xi1>
    %reduce_sum3A_1087 = tpu.scan <sum>, %convert_element_type3A_1084 masked %reduce_sum3A_1086 : vector<16xi32>, vector<16xi1> -> vector<16xi32>
    %reduce_sum3A_1088 = vector.extract %reduce_sum3A_1087[15] : i32 from vector<16xi32>
    %add3A_1089 = arith.addi %add3A_1054, %reduce_sum3A_1088 : i32
    %ge3A_1090 = vector.broadcast %mul3A_32 : i32 to vector<16xi32>
    %ge3A_1091 = arith.cmpi sge, %add3A_1076, %ge3A_1090 : vector<16xi32>
    %add3A_1092 = arith.constant 512 : i32
    %add3A_1093 = arith.addi %mul3A_32, %add3A_1092 : i32
    %lt3A_1094 = vector.broadcast %add3A_1093 : i32 to vector<16xi32>
    %lt3A_1095 = arith.cmpi slt, %add3A_1076, %lt3A_1094 : vector<16xi32>
    %and3A_1096 = arith.andi %ge3A_1091, %lt3A_1095 : vector<16xi1>
    %sub3A_1097 = vector.broadcast %mul3A_32 : i32 to vector<16xi32>
    %sub3A_1098 = arith.subi %add3A_1076, %sub3A_1097 : vector<16xi32>
    %jit3A_1099 = arith.constant 0 : i32
    %jit3A_1100 = arith.constant 511 : i32
    %max3A_1101 = vector.broadcast %jit3A_1099 : i32 to vector<16xi32>
    %max3A_1102 = arith.maxsi %max3A_1101, %sub3A_1098 : vector<16xi32>
    %min3A_1103 = vector.broadcast %jit3A_1100 : i32 to vector<16xi32>
    %min3A_1104 = arith.minsi %min3A_1103, %max3A_1102 : vector<16xi32>
    tpu.vector_store_idx %arg7[%min3A_1104], %broadcast_in_dim3A_58 masked %and3A_1096 {add = true} : memref<512xi32, #tpu.memory_space<vmem>>[vector<16xi32>], vector<16xi32>, vector<16xi1>
    %get3A_1105 = arith.constant 480 : index
    %get3A_1106 = tpu.vector_load %arg6[%get3A_1105] {strides = array<i32>} : memref<512xi32, #tpu.memory_space<vmem>>, vector<16xi32>,
    %cumsum3A_1107 = arith.constant true
    %cumsum3A_1108 = vector.broadcast %cumsum3A_1107 : i1 to vector<16xi1>
    %cumsum3A_1109 = tpu.scan <sum>, %get3A_1106 masked %cumsum3A_1108 : vector<16xi32>, vector<16xi1> -> vector<16xi32>
    %add3A_1110 = vector.broadcast %add3A_1081 : i32 to vector<16xi32>
    %add3A_1111 = arith.addi %cumsum3A_1109, %add3A_1110 : vector<16xi32>
    %reduce_sum3A_1112 = arith.constant true
    %reduce_sum3A_1113 = vector.broadcast %reduce_sum3A_1112 : i1 to vector<16xi1>
    %reduce_sum3A_1114 = tpu.scan <sum>, %get3A_1106 masked %reduce_sum3A_1113 : vector<16xi32>, vector<16xi1> -> vector<16xi32>
    %reduce_sum3A_1115 = vector.extract %reduce_sum3A_1114[15] : i32 from vector<16xi32>
    %add3A_1116 = arith.addi %add3A_1081, %reduce_sum3A_1115 : i32
    %lt3A_1117 = vector.broadcast %mul3A_32 : i32 to vector<16xi32>
    %lt3A_1118 = arith.cmpi slt, %add3A_1111, %lt3A_1117 : vector<16xi32>
    %convert_element_type3A_1119 = arith.extui %lt3A_1118 : vector<16xi1> to vector<16xi32>
    %reduce_sum3A_1120 = arith.constant true
    %reduce_sum3A_1121 = vector.broadcast %reduce_sum3A_1120 : i1 to vector<16xi1>
    %reduce_sum3A_1122 = tpu.scan <sum>, %convert_element_type3A_1119 masked %reduce_sum3A_1121 : vector<16xi32>, vector<16xi1> -> vector<16xi32>
    %reduce_sum3A_1123 = vector.extract %reduce_sum3A_1122[15] : i32 from vector<16xi32>
    %add3A_1124 = arith.addi %add3A_1089, %reduce_sum3A_1123 : i32
    %ge3A_1125 = vector.broadcast %mul3A_32 : i32 to vector<16xi32>
    %ge3A_1126 = arith.cmpi sge, %add3A_1111, %ge3A_1125 : vector<16xi32>
    %add3A_1127 = arith.constant 512 : i32
    %add3A_1128 = arith.addi %mul3A_32, %add3A_1127 : i32
    %lt3A_1129 = vector.broadcast %add3A_1128 : i32 to vector<16xi32>
    %lt3A_1130 = arith.cmpi slt, %add3A_1111, %lt3A_1129 : vector<16xi32>
    %and3A_1131 = arith.andi %ge3A_1126, %lt3A_1130 : vector<16xi1>
    %sub3A_1132 = vector.broadcast %mul3A_32 : i32 to vector<16xi32>
    %sub3A_1133 = arith.subi %add3A_1111, %sub3A_1132 : vector<16xi32>
    %jit3A_1134 = arith.constant 0 : i32
    %jit3A_1135 = arith.constant 511 : i32
    %max3A_1136 = vector.broadcast %jit3A_1134 : i32 to vector<16xi32>
    %max3A_1137 = arith.maxsi %max3A_1136, %sub3A_1133 : vector<16xi32>
    %min3A_1138 = vector.broadcast %jit3A_1135 : i32 to vector<16xi32>
    %min3A_1139 = arith.minsi %min3A_1138, %max3A_1137 : vector<16xi32>
    tpu.vector_store_idx %arg7[%min3A_1139], %broadcast_in_dim3A_58 masked %and3A_1131 {add = true} : memref<512xi32, #tpu.memory_space<vmem>>[vector<16xi32>], vector<16xi32>, vector<16xi1>
    %get3A_1140 = arith.constant 496 : index
    %get3A_1141 = tpu.vector_load %arg6[%get3A_1140] {strides = array<i32>} : memref<512xi32, #tpu.memory_space<vmem>>, vector<16xi32>,
    %cumsum3A_1142 = arith.constant true
    %cumsum3A_1143 = vector.broadcast %cumsum3A_1142 : i1 to vector<16xi1>
    %cumsum3A_1144 = tpu.scan <sum>, %get3A_1141 masked %cumsum3A_1143 : vector<16xi32>, vector<16xi1> -> vector<16xi32>
    %add3A_1145 = vector.broadcast %add3A_1116 : i32 to vector<16xi32>
    %add3A_1146 = arith.addi %cumsum3A_1144, %add3A_1145 : vector<16xi32>
    %reduce_sum3A_1147 = arith.constant true
    %reduce_sum3A_1148 = vector.broadcast %reduce_sum3A_1147 : i1 to vector<16xi1>
    %reduce_sum3A_1149 = tpu.scan <sum>, %get3A_1141 masked %reduce_sum3A_1148 : vector<16xi32>, vector<16xi1> -> vector<16xi32>
    %reduce_sum3A_1150 = vector.extract %reduce_sum3A_1149[15] : i32 from vector<16xi32>
    %add3A_1151 = arith.addi %add3A_1116, %reduce_sum3A_1150 : i32
    %lt3A_1152 = vector.broadcast %mul3A_32 : i32 to vector<16xi32>
    %lt3A_1153 = arith.cmpi slt, %add3A_1146, %lt3A_1152 : vector<16xi32>
    %convert_element_type3A_1154 = arith.extui %lt3A_1153 : vector<16xi1> to vector<16xi32>
    %reduce_sum3A_1155 = arith.constant true
    %reduce_sum3A_1156 = vector.broadcast %reduce_sum3A_1155 : i1 to vector<16xi1>
    %reduce_sum3A_1157 = tpu.scan <sum>, %convert_element_type3A_1154 masked %reduce_sum3A_1156 : vector<16xi32>, vector<16xi1> -> vector<16xi32>
    %reduce_sum3A_1158 = vector.extract %reduce_sum3A_1157[15] : i32 from vector<16xi32>
    %add3A_1159 = arith.addi %add3A_1124, %reduce_sum3A_1158 : i32
    %ge3A_1160 = vector.broadcast %mul3A_32 : i32 to vector<16xi32>
    %ge3A_1161 = arith.cmpi sge, %add3A_1146, %ge3A_1160 : vector<16xi32>
    %add3A_1162 = arith.constant 512 : i32
    %add3A_1163 = arith.addi %mul3A_32, %add3A_1162 : i32
    %lt3A_1164 = vector.broadcast %add3A_1163 : i32 to vector<16xi32>
    %lt3A_1165 = arith.cmpi slt, %add3A_1146, %lt3A_1164 : vector<16xi32>
    %and3A_1166 = arith.andi %ge3A_1161, %lt3A_1165 : vector<16xi1>
    %sub3A_1167 = vector.broadcast %mul3A_32 : i32 to vector<16xi32>
    %sub3A_1168 = arith.subi %add3A_1146, %sub3A_1167 : vector<16xi32>
    %jit3A_1169 = arith.constant 0 : i32
    %jit3A_1170 = arith.constant 511 : i32
    %max3A_1171 = vector.broadcast %jit3A_1169 : i32 to vector<16xi32>
    %max3A_1172 = arith.maxsi %max3A_1171, %sub3A_1168 : vector<16xi32>
    %min3A_1173 = vector.broadcast %jit3A_1170 : i32 to vector<16xi32>
    %min3A_1174 = arith.minsi %min3A_1173, %max3A_1172 : vector<16xi32>
    tpu.vector_store_idx %arg7[%min3A_1174], %broadcast_in_dim3A_58 masked %and3A_1166 {add = true} : memref<512xi32, #tpu.memory_space<vmem>>[vector<16xi32>], vector<16xi32>, vector<16xi1>
    %mul3A_1175 = arith.constant 512 : i32
    %mul3A_1176 = arith.muli %select_n3A, %mul3A_1175 : i32
    %scan3A_1177 = arith.constant 0 : i32
    %scan3A_1178 = arith.constant 32 : i32
    %scan3A_1179 = arith.addi %scan3A_1177, %scan3A_1178 : i32
    %scan3A_1180 = arith.constant 1 : i32
    %scan3A_1181 = scf.for %scan3A_1232 = %scan3A_1177 to %scan3A_1179 step %scan3A_1180 iter_args(%scan3A_1233 = %add3A_1159) -> (i32)  : i32 {
      %mul3A_1234 = arith.constant 16 : i32
      %mul3A_1235 = arith.muli %scan3A_1232, %mul3A_1234 : i32
      %get3A_1236 = arith.index_cast %mul3A_1235 : i32 to index
      %get3A_1237 = tpu.vector_load %arg7[%get3A_1236] {strides = array<i32>} : memref<512xi32, #tpu.memory_space<vmem>>, vector<16xi32>,
      %cumsum3A_1238 = arith.constant true
      %cumsum3A_1239 = vector.broadcast %cumsum3A_1238 : i1 to vector<16xi1>
      %cumsum3A_1240 = tpu.scan <sum>, %get3A_1237 masked %cumsum3A_1239 : vector<16xi32>, vector<16xi1> -> vector<16xi32>
      %add3A_1241 = vector.broadcast %scan3A_1233 : i32 to vector<16xi32>
      %add3A_1242 = arith.addi %cumsum3A_1240, %add3A_1241 : vector<16xi32>
      %min3A_1243 = arith.constant 511 : i32
      %min3A_1244 = vector.broadcast %min3A_1243 : i32 to vector<16xi32>
      %min3A_1245 = arith.minsi %add3A_1242, %min3A_1244 : vector<16xi32>
      %add3A_1246 = vector.broadcast %mul3A_1176 : i32 to vector<16xi32>
      %add3A_1247 = arith.addi %min3A_1245, %add3A_1246 : vector<16xi32>
      %jit3A_1248 = arith.constant 2 : i32
      %div3A_1249 = arith.divsi %scan3A_1232, %jit3A_1248 : i32
      %sign3A_1250 = arith.constant 0 : i32
      %sign3A_1251 = arith.cmpi sgt, %scan3A_1232, %sign3A_1250 : i32
      %sign3A_1252 = arith.extui %sign3A_1251 : i1 to i32
      %sign3A_1253 = arith.constant 0 : i32
      %sign3A_1254 = arith.cmpi slt, %scan3A_1232, %sign3A_1253 : i32
      %sign3A_1255 = arith.extui %sign3A_1254 : i1 to i32
      %sign3A_1256 = arith.subi %sign3A_1252, %sign3A_1255 : i32
      %sign3A_1257 = arith.constant 0 : i32
      %sign3A_1258 = arith.cmpi sgt, %jit3A_1248, %sign3A_1257 : i32
      %sign3A_1259 = arith.extui %sign3A_1258 : i1 to i32
      %sign3A_1260 = arith.constant 0 : i32
      %sign3A_1261 = arith.cmpi slt, %jit3A_1248, %sign3A_1260 : i32
      %sign3A_1262 = arith.extui %sign3A_1261 : i1 to i32
      %sign3A_1263 = arith.subi %sign3A_1259, %sign3A_1262 : i32
      %ne3A_1264 = arith.cmpi ne, %sign3A_1256, %sign3A_1263 : i32
      %rem3A_1265 = arith.remsi %scan3A_1232, %jit3A_1248 : i32
      %ne3A_1266 = arith.constant 0 : i32
      %ne3A_1267 = arith.cmpi ne, %rem3A_1265, %ne3A_1266 : i32
      %and3A_1268 = arith.andi %ne3A_1264, %ne3A_1267 : i1
      %sub3A_1269 = arith.constant 1 : i32
      %sub3A_1270 = arith.subi %div3A_1249, %sub3A_1269 : i32
      %select_n3A_1271 = arith.select %and3A_1268, %sub3A_1270, %div3A_1249 : i32
      %jit3A_1272 = arith.constant 2 : i32
      %eq3A_1273 = arith.constant 0 : i32
      %eq3A_1274 = arith.cmpi eq, %jit3A_1272, %eq3A_1273 : i32
      %jit3A_1275 = arith.constant 1 : i32
      %select_n3A_1276 = arith.select %eq3A_1274, %jit3A_1275, %jit3A_1272 : i32
      %rem3A_1277 = arith.remsi %scan3A_1232, %select_n3A_1276 : i32
      %ne3A_1278 = arith.constant 0 : i32
      %ne3A_1279 = arith.cmpi ne, %rem3A_1277, %ne3A_1278 : i32
      %lt3A_1280 = arith.constant 0 : i32
      %lt3A_1281 = arith.cmpi slt, %rem3A_1277, %lt3A_1280 : i32
      %lt3A_1282 = arith.constant 0 : i32
      %lt3A_1283 = arith.cmpi slt, %select_n3A_1276, %lt3A_1282 : i32
      %ne3A_1284 = arith.xori %lt3A_1281, %lt3A_1283 : i1
      %and3A_1285 = arith.andi %ne3A_1284, %ne3A_1279 : i1
      %add3A_1286 = arith.addi %rem3A_1277, %select_n3A_1276 : i32
      %select_n3A_1287 = arith.select %and3A_1285, %add3A_1286, %rem3A_1277 : i32
      %mul3A_1288 = arith.constant 16 : i32
      %mul3A_1289 = arith.muli %select_n3A_1287, %mul3A_1288 : i32
      %swap3A = arith.index_cast %select_n3A_1271 : i32 to index
      %swap3A_1290 = arith.index_cast %mul3A_1289 : i32 to index
      %swap3A_1291 = tpu.vector_load %arg8[%swap3A, %swap3A_1290] {strides = array<i32>} : memref<16x32xi32, #tpu.memory_space<vmem>>, vector<16xi32>,
      tpu.vector_store %arg8[%swap3A, %swap3A_1290], %add3A_1247 {strides = array<i32>} : memref<16x32xi32, #tpu.memory_space<vmem>>, vector<16xi32>,
      %reduce_sum3A_1292 = arith.constant true
      %reduce_sum3A_1293 = vector.broadcast %reduce_sum3A_1292 : i1 to vector<16xi1>
      %reduce_sum3A_1294 = tpu.scan <sum>, %get3A_1237 masked %reduce_sum3A_1293 : vector<16xi32>, vector<16xi1> -> vector<16xi32>
      %reduce_sum3A_1295 = vector.extract %reduce_sum3A_1294[15] : i32 from vector<16xi32>
      %add3A_1296 = arith.addi %scan3A_1233, %reduce_sum3A_1295 : i32
      scf.yield %add3A_1296 : i32
    }
    %scan3A_1182 = arith.constant 32 : i32
    %eq3A_1183 = arith.constant 0 : i32
    %eq3A_1184 = arith.cmpi eq, %select_n3A_30, %eq3A_1183 : i32
    %convert_element_type3A_1185 = arith.extui %eq3A_1184 : i1 to i32
    %cond3A = arith.constant 0 : i32
    %cond3A_1186 = arith.cmpi ne, %convert_element_type3A_1185, %cond3A : i32
    scf.if %cond3A_1186 {
      %max3A_1232 = arith.constant 1 : i32
      %max3A_1233 = arith.maxsi %add3A_1151, %max3A_1232 : i32
      %broadcast_in_dim3A_1234 = vector.broadcast %max3A_1233 : i32 to vector<16xi32>
      %swap3A = arith.constant 0 : index
      %swap3A_1235 = tpu.vector_load %arg14[%swap3A] {strides = array<i32>} : memref<16xi32, #tpu.memory_space<vmem>>, vector<16xi32>,
      tpu.vector_store %arg14[%swap3A], %broadcast_in_dim3A_1234 {strides = array<i32>} : memref<16xi32, #tpu.memory_space<vmem>>, vector<16xi32>,
      "tpu.region"() ({
        %run_scoped3A = tpu.sem_alloc : memref<!tpu.dma_semaphore, #tpu.memory_space<semaphore_mem>>
        %dma_start3A_1236 = arith.constant 0 : i32
        %dma_start3A_1237 = tpu.memref_slice %arg5[%select_n3A, %dma_start3A_1236] : memref<8x16xi32, #tpu.memory_space<hbm>> -> memref<1x16xi32, #tpu.memory_space<hbm>>
        %dma_start3A_1238 = tpu.memref_squeeze %dma_start3A_1237 : memref<1x16xi32, #tpu.memory_space<hbm>> -> memref<16xi32, #tpu.memory_space<hbm>>
        %dma_start3A_1239 = arith.constant 0 : i32
        %dma_start3A_1240 = tpu.memref_slice %arg5[%select_n3A, %dma_start3A_1239] : memref<8x16xi32, #tpu.memory_space<hbm>> -> memref<1x16xi32, #tpu.memory_space<hbm>>
        %dma_start3A_1241 = tpu.memref_squeeze %dma_start3A_1240 : memref<1x16xi32, #tpu.memory_space<hbm>> -> memref<16xi32, #tpu.memory_space<hbm>>
        tpu.enqueue_dma source(%arg14 : memref<16xi32, #tpu.memory_space<vmem>>) target(%dma_start3A_1241 : memref<16xi32, #tpu.memory_space<hbm>>) target_semaphore(%run_scoped3A : memref<!tpu.dma_semaphore, #tpu.memory_space<semaphore_mem>>)
        %dma_wait3A_1242 = arith.constant 0 : i32
        %dma_wait3A_1243 = tpu.memref_slice %arg5[%select_n3A, %dma_wait3A_1242] : memref<8x16xi32, #tpu.memory_space<hbm>> -> memref<1x16xi32, #tpu.memory_space<hbm>>
        %dma_wait3A_1244 = tpu.memref_squeeze %dma_wait3A_1243 : memref<1x16xi32, #tpu.memory_space<hbm>> -> memref<16xi32, #tpu.memory_space<hbm>>
        %dma_wait3A_1245 = arith.constant 0 : i32
        %dma_wait3A_1246 = tpu.memref_slice %arg5[%select_n3A, %dma_wait3A_1245] : memref<8x16xi32, #tpu.memory_space<hbm>> -> memref<1x16xi32, #tpu.memory_space<hbm>>
        %dma_wait3A_1247 = tpu.memref_squeeze %dma_wait3A_1246 : memref<1x16xi32, #tpu.memory_space<hbm>> -> memref<16xi32, #tpu.memory_space<hbm>>
        tpu.wait_dma2 semaphore(%run_scoped3A : memref<!tpu.dma_semaphore, #tpu.memory_space<semaphore_mem>>) src(%arg14 : memref<16xi32, #tpu.memory_space<vmem>>) dst(%dma_wait3A_1247 : memref<16xi32, #tpu.memory_space<hbm>>)
        tpu.yield
      }) : () -> ()
    } else {
    }
    %add3A_1187 = arith.constant 0 : i32
    %add3A_1188 = arith.addi %mul3A_32, %add3A_1187 : i32
    %sub3A_1189 = arith.subi %add3A_1151, %add3A_1188 : i32
    %jit3A_1190 = arith.constant 0 : i32
    %jit3A_1191 = arith.constant 32 : i32
    %max3A_1192 = arith.maxsi %jit3A_1190, %sub3A_1189 : i32
    %min3A_1193 = arith.minsi %jit3A_1191, %max3A_1192 : i32
    %gt3A = arith.constant 0 : i32
    %gt3A_1194 = arith.cmpi sgt, %min3A_1193, %gt3A : i32
    %convert_element_type3A_1195 = arith.extui %gt3A_1194 : i1 to i32
    %cond3A_1196 = arith.constant 0 : i32
    %cond3A_1197 = arith.cmpi ne, %convert_element_type3A_1195, %cond3A_1196 : i32
    scf.if %cond3A_1197 {
      %dma_start3A_1232 = arith.constant 0 : i32
      %dma_start3A_1233 = arith.constant 0 : i32
      %dma_start3A_1234 = tpu.memref_slice %arg8[%dma_start3A_1232, %dma_start3A_1233] : memref<16x32xi32, #tpu.memory_space<vmem>> -> memref<1x32xi32, #tpu.memory_space<vmem>>
      %dma_start3A_1235 = tpu.memref_squeeze %dma_start3A_1234 : memref<1x32xi32, #tpu.memory_space<vmem>> -> memref<32xi32, #tpu.memory_space<vmem>>
      %dma_start3A_1236 = arith.constant 0 : i32
      %dma_start3A_1237 = arith.constant 0 : i32
      %dma_start3A_1238 = tpu.memref_slice %arg2[%dma_start3A_1236, %dma_start3A_1237] : memref<4096x512xf32, #tpu.memory_space<hbm>> -> memref<4096x512xf32, #tpu.memory_space<hbm>>
      tpu.enqueue_indirect_dma source(%dma_start3A_1238 : memref<4096x512xf32, #tpu.memory_space<hbm>>) target(%arg9 : memref<32x512xf32, #tpu.memory_space<vmem>>) offsets(%dma_start3A_1235 : memref<32xi32, #tpu.memory_space<vmem>>) semaphore(%arg15 : memref<!tpu.dma_semaphore, #tpu.memory_space<semaphore_mem>>)
    } else {
    }
    %add3A_1198 = arith.constant 32 : i32
    %add3A_1199 = arith.addi %mul3A_32, %add3A_1198 : i32
    %sub3A_1200 = arith.subi %add3A_1151, %add3A_1199 : i32
    %jit3A_1201 = arith.constant 0 : i32
    %jit3A_1202 = arith.constant 32 : i32
    %max3A_1203 = arith.maxsi %jit3A_1201, %sub3A_1200 : i32
    %min3A_1204 = arith.minsi %jit3A_1202, %max3A_1203 : i32
    %gt3A_1205 = arith.constant 0 : i32
    %gt3A_1206 = arith.cmpi sgt, %min3A_1204, %gt3A_1205 : i32
    %convert_element_type3A_1207 = arith.extui %gt3A_1206 : i1 to i32
    %cond3A_1208 = arith.constant 0 : i32
    %cond3A_1209 = arith.cmpi ne, %convert_element_type3A_1207, %cond3A_1208 : i32
    scf.if %cond3A_1209 {
      %dma_start3A_1232 = arith.constant 1 : i32
      %dma_start3A_1233 = arith.constant 0 : i32
      %dma_start3A_1234 = tpu.memref_slice %arg8[%dma_start3A_1232, %dma_start3A_1233] : memref<16x32xi32, #tpu.memory_space<vmem>> -> memref<1x32xi32, #tpu.memory_space<vmem>>
      %dma_start3A_1235 = tpu.memref_squeeze %dma_start3A_1234 : memref<1x32xi32, #tpu.memory_space<vmem>> -> memref<32xi32, #tpu.memory_space<vmem>>
      %dma_start3A_1236 = arith.constant 0 : i32
      %dma_start3A_1237 = arith.constant 0 : i32
      %dma_start3A_1238 = tpu.memref_slice %arg2[%dma_start3A_1236, %dma_start3A_1237] : memref<4096x512xf32, #tpu.memory_space<hbm>> -> memref<4096x512xf32, #tpu.memory_space<hbm>>
      tpu.enqueue_indirect_dma source(%dma_start3A_1238 : memref<4096x512xf32, #tpu.memory_space<hbm>>) target(%arg10 : memref<32x512xf32, #tpu.memory_space<vmem>>) offsets(%dma_start3A_1235 : memref<32xi32, #tpu.memory_space<vmem>>) semaphore(%arg16 : memref<!tpu.dma_semaphore, #tpu.memory_space<semaphore_mem>>)
    } else {
    }
    %scan3A_1210 = arith.constant 0 : i32
    %scan3A_1211 = arith.constant 0 : i32
    %scan3A_1212 = arith.constant 4 : i32
    %scan3A_1213 = arith.addi %scan3A_1211, %scan3A_1212 : i32
    %scan3A_1214 = arith.constant 1 : i32
    scf.for %scan3A_1232 = %scan3A_1211 to %scan3A_1213 step %scan3A_1214  : i32 {
      %mul3A_1233 = arith.constant 4 : i32
      %mul3A_1234 = arith.muli %scan3A_1232, %mul3A_1233 : i32
      %add3A_1235 = arith.constant 0 : i32
      %add3A_1236 = arith.addi %mul3A_1234, %add3A_1235 : i32
      %add3A_1237 = arith.constant 2 : i32
      %add3A_1238 = arith.addi %add3A_1236, %add3A_1237 : i32
      %sub3A_1239 = arith.constant 4 : i32
      %sub3A_1240 = arith.subi %add3A_1238, %sub3A_1239 : i32
      %ge3A_1241 = arith.constant 0 : i32
      %ge3A_1242 = arith.cmpi sge, %sub3A_1240, %ge3A_1241 : i32
      %convert_element_type3A_1243 = arith.extui %ge3A_1242 : i1 to i32
      %cond3A_1244 = arith.constant 0 : i32
      %cond3A_1245 = arith.cmpi ne, %convert_element_type3A_1243, %cond3A_1244 : i32
      scf.if %cond3A_1245 {
        %max3A_1437 = arith.constant 0 : i32
        %max3A_1438 = arith.maxsi %sub3A_1240, %max3A_1437 : i32
        %mul3A_1439 = arith.constant 32 : i32
        %mul3A_1440 = arith.muli %max3A_1438, %mul3A_1439 : i32
        %add3A_1441 = arith.addi %mul3A_32, %mul3A_1440 : i32
        %dma_wait3A_1442 = arith.constant 0 : i32
        %dma_wait3A_1443 = tpu.memref_slice %arg4[%select_n3A, %add3A_1441, %dma_wait3A_1442] : memref<8x2048x512xf32, #tpu.memory_space<hbm>> -> memref<1x32x512xf32, #tpu.memory_space<hbm>>
        %dma_wait3A_1444 = tpu.memref_squeeze %dma_wait3A_1443 : memref<1x32x512xf32, #tpu.memory_space<hbm>> -> memref<32x512xf32, #tpu.memory_space<hbm>>
        %dma_wait3A_1445 = arith.constant 0 : i32
        %dma_wait3A_1446 = tpu.memref_slice %arg4[%select_n3A, %add3A_1441, %dma_wait3A_1445] : memref<8x2048x512xf32, #tpu.memory_space<hbm>> -> memref<1x32x512xf32, #tpu.memory_space<hbm>>
        %dma_wait3A_1447 = tpu.memref_squeeze %dma_wait3A_1446 : memref<1x32x512xf32, #tpu.memory_space<hbm>> -> memref<32x512xf32, #tpu.memory_space<hbm>>
        tpu.wait_dma2 semaphore(%arg21 : memref<!tpu.dma_semaphore, #tpu.memory_space<semaphore_mem>>) src(%arg11 : memref<32x512xf32, #tpu.memory_space<vmem>>) dst(%dma_wait3A_1447 : memref<32x512xf32, #tpu.memory_space<hbm>>)
      } else {
      }
      %add3A_1246 = arith.constant 2 : i32
      %add3A_1247 = arith.addi %add3A_1236, %add3A_1246 : i32
      %lt3A_1248 = arith.constant 16 : i32
      %lt3A_1249 = arith.cmpi slt, %add3A_1247, %lt3A_1248 : i32
      %add3A_1250 = arith.constant 2 : i32
      %add3A_1251 = arith.addi %add3A_1236, %add3A_1250 : i32
      %mul3A_1252 = arith.constant 32 : i32
      %mul3A_1253 = arith.muli %add3A_1251, %mul3A_1252 : i32
      %add3A_1254 = arith.addi %mul3A_32, %mul3A_1253 : i32
      %sub3A_1255 = arith.subi %add3A_1151, %add3A_1254 : i32
      %jit3A_1256 = arith.constant 0 : i32
      %jit3A_1257 = arith.constant 32 : i32
      %max3A_1258 = arith.maxsi %jit3A_1256, %sub3A_1255 : i32
      %min3A_1259 = arith.minsi %jit3A_1257, %max3A_1258 : i32
      %gt3A_1260 = arith.constant 0 : i32
      %gt3A_1261 = arith.cmpi sgt, %min3A_1259, %gt3A_1260 : i32
      %and3A_1262 = arith.andi %lt3A_1249, %gt3A_1261 : i1
      %convert_element_type3A_1263 = arith.extui %and3A_1262 : i1 to i32
      %cond3A_1264 = arith.constant 0 : i32
      %cond3A_1265 = arith.cmpi ne, %convert_element_type3A_1263, %cond3A_1264 : i32
      scf.if %cond3A_1265 {
        %add3A_1437 = arith.constant 2 : i32
        %add3A_1438 = arith.addi %add3A_1236, %add3A_1437 : i32
        %min3A_1439 = arith.constant 15 : i32
        %min3A_1440 = arith.minsi %add3A_1438, %min3A_1439 : i32
        %dma_start3A_1441 = arith.constant 0 : i32
        %dma_start3A_1442 = tpu.memref_slice %arg8[%min3A_1440, %dma_start3A_1441] : memref<16x32xi32, #tpu.memory_space<vmem>> -> memref<1x32xi32, #tpu.memory_space<vmem>>
        %dma_start3A_1443 = tpu.memref_squeeze %dma_start3A_1442 : memref<1x32xi32, #tpu.memory_space<vmem>> -> memref<32xi32, #tpu.memory_space<vmem>>
        %dma_start3A_1444 = arith.constant 0 : i32
        %dma_start3A_1445 = arith.constant 0 : i32
        %dma_start3A_1446 = tpu.memref_slice %arg2[%dma_start3A_1444, %dma_start3A_1445] : memref<4096x512xf32, #tpu.memory_space<hbm>> -> memref<4096x512xf32, #tpu.memory_space<hbm>>
        tpu.enqueue_indirect_dma source(%dma_start3A_1446 : memref<4096x512xf32, #tpu.memory_space<hbm>>) target(%arg11 : memref<32x512xf32, #tpu.memory_space<vmem>>) offsets(%dma_start3A_1443 : memref<32xi32, #tpu.memory_space<vmem>>) semaphore(%arg17 : memref<!tpu.dma_semaphore, #tpu.memory_space<semaphore_mem>>)
      } else {
      }
      %mul3A_1266 = arith.constant 32 : i32
      %mul3A_1267 = arith.muli %add3A_1236, %mul3A_1266 : i32
      %add3A_1268 = arith.addi %mul3A_32, %mul3A_1267 : i32
      %sub3A_1269 = arith.subi %add3A_1151, %add3A_1268 : i32
      %jit3A_1270 = arith.constant 0 : i32
      %jit3A_1271 = arith.constant 32 : i32
      %max3A_1272 = arith.maxsi %jit3A_1270, %sub3A_1269 : i32
      %min3A_1273 = arith.minsi %jit3A_1271, %max3A_1272 : i32
      %gt3A_1274 = arith.constant 0 : i32
      %gt3A_1275 = arith.cmpi sgt, %min3A_1273, %gt3A_1274 : i32
      %convert_element_type3A_1276 = arith.extui %gt3A_1275 : i1 to i32
      %cond3A_1277 = arith.constant 0 : i32
      %cond3A_1278 = arith.cmpi ne, %convert_element_type3A_1276, %cond3A_1277 : i32
      scf.if %cond3A_1278 {
        %dma_wait3A_1437 = arith.constant 0 : i32
        %dma_wait3A_1438 = tpu.memref_slice %arg8[%add3A_1236, %dma_wait3A_1437] : memref<16x32xi32, #tpu.memory_space<vmem>> -> memref<1x32xi32, #tpu.memory_space<vmem>>
        %dma_wait3A_1439 = tpu.memref_squeeze %dma_wait3A_1438 : memref<1x32xi32, #tpu.memory_space<vmem>> -> memref<32xi32, #tpu.memory_space<vmem>>
        %dma_wait3A_1440 = arith.constant 0 : i32
        %dma_wait3A_1441 = arith.constant 0 : i32
        %dma_wait3A_1442 = tpu.memref_slice %arg2[%dma_wait3A_1440, %dma_wait3A_1441] : memref<4096x512xf32, #tpu.memory_space<hbm>> -> memref<4096x512xf32, #tpu.memory_space<hbm>>
        tpu.wait_indirect_dma semaphore(%arg15 : memref<!tpu.dma_semaphore, #tpu.memory_space<semaphore_mem>>) src(%dma_wait3A_1442 : memref<4096x512xf32, #tpu.memory_space<hbm>>) dst(%arg9 : memref<32x512xf32, #tpu.memory_space<vmem>>)
        %lt3A_1443 = arith.constant 32 : i32
        %lt3A_1444 = arith.cmpi slt, %min3A_1273, %lt3A_1443 : i32
        %convert_element_type3A_1445 = arith.extui %lt3A_1444 : i1 to i32
        %cond3A_1446 = arith.constant 0 : i32
        %cond3A_1447 = arith.cmpi ne, %convert_element_type3A_1445, %cond3A_1446 : i32
        scf.if %cond3A_1447 {
          %while3A = arith.constant 0 : i32
          %while3A_1457 = arith.constant 32 : i32
          %while3A_1458 = arith.subi %while3A_1457, %min3A_1273 : i32
          %while3A_1459 = arith.addi %min3A_1273, %while3A_1458 : i32
          %while3A_1460 = arith.constant 1 : i32
          %while3A_1461 = arith.divsi %while3A_1458, %while3A_1460 : i32
          %while3A_1462 = arith.muli %while3A_1461, %while3A_1460 : i32
          %while3A_1463 = arith.addi %min3A_1273, %while3A_1462 : i32
          %while3A_1464 = arith.constant 1 : i32
          scf.for %while3A_1466 = %min3A_1273 to %while3A_1463 step %while3A_1464  : i32 {
            %swap3A = arith.index_cast %while3A_1466 : i32 to index
            %swap3A_1467 = arith.constant 0 : index
            %swap3A_1468 = tpu.vector_load %arg9[%swap3A, %swap3A_1467] {strides = array<i32>} : memref<32x512xf32, #tpu.memory_space<vmem>>, vector<16xf32>,
            tpu.vector_store %arg9[%swap3A, %swap3A_1467], %broadcast_in_dim3A_40 {strides = array<i32>} : memref<32x512xf32, #tpu.memory_space<vmem>>, vector<16xf32>,
            %swap3A_1469 = arith.index_cast %while3A_1466 : i32 to index
            %swap3A_1470 = arith.constant 16 : index
            %swap3A_1471 = tpu.vector_load %arg9[%swap3A_1469, %swap3A_1470] {strides = array<i32>} : memref<32x512xf32, #tpu.memory_space<vmem>>, vector<16xf32>,
            tpu.vector_store %arg9[%swap3A_1469, %swap3A_1470], %broadcast_in_dim3A_40 {strides = array<i32>} : memref<32x512xf32, #tpu.memory_space<vmem>>, vector<16xf32>,
            %swap3A_1472 = arith.index_cast %while3A_1466 : i32 to index
            %swap3A_1473 = arith.constant 32 : index
            %swap3A_1474 = tpu.vector_load %arg9[%swap3A_1472, %swap3A_1473] {strides = array<i32>} : memref<32x512xf32, #tpu.memory_space<vmem>>, vector<16xf32>,
            tpu.vector_store %arg9[%swap3A_1472, %swap3A_1473], %broadcast_in_dim3A_40 {strides = array<i32>} : memref<32x512xf32, #tpu.memory_space<vmem>>, vector<16xf32>,
            %swap3A_1475 = arith.index_cast %while3A_1466 : i32 to index
            %swap3A_1476 = arith.constant 48 : index
            %swap3A_1477 = tpu.vector_load %arg9[%swap3A_1475, %swap3A_1476] {strides = array<i32>} : memref<32x512xf32, #tpu.memory_space<vmem>>, vector<16xf32>,
            tpu.vector_store %arg9[%swap3A_1475, %swap3A_1476], %broadcast_in_dim3A_40 {strides = array<i32>} : memref<32x512xf32, #tpu.memory_space<vmem>>, vector<16xf32>,
            %swap3A_1478 = arith.index_cast %while3A_1466 : i32 to index
            %swap3A_1479 = arith.constant 64 : index
            %swap3A_1480 = tpu.vector_load %arg9[%swap3A_1478, %swap3A_1479] {strides = array<i32>} : memref<32x512xf32, #tpu.memory_space<vmem>>, vector<16xf32>,
            tpu.vector_store %arg9[%swap3A_1478, %swap3A_1479], %broadcast_in_dim3A_40 {strides = array<i32>} : memref<32x512xf32, #tpu.memory_space<vmem>>, vector<16xf32>,
            %swap3A_1481 = arith.index_cast %while3A_1466 : i32 to index
            %swap3A_1482 = arith.constant 80 : index
            %swap3A_1483 = tpu.vector_load %arg9[%swap3A_1481, %swap3A_1482] {strides = array<i32>} : memref<32x512xf32, #tpu.memory_space<vmem>>, vector<16xf32>,
            tpu.vector_store %arg9[%swap3A_1481, %swap3A_1482], %broadcast_in_dim3A_40 {strides = array<i32>} : memref<32x512xf32, #tpu.memory_space<vmem>>, vector<16xf32>,
            %swap3A_1484 = arith.index_cast %while3A_1466 : i32 to index
            %swap3A_1485 = arith.constant 96 : index
            %swap3A_1486 = tpu.vector_load %arg9[%swap3A_1484, %swap3A_1485] {strides = array<i32>} : memref<32x512xf32, #tpu.memory_space<vmem>>, vector<16xf32>,
            tpu.vector_store %arg9[%swap3A_1484, %swap3A_1485], %broadcast_in_dim3A_40 {strides = array<i32>} : memref<32x512xf32, #tpu.memory_space<vmem>>, vector<16xf32>,
            %swap3A_1487 = arith.index_cast %while3A_1466 : i32 to index
            %swap3A_1488 = arith.constant 112 : index
            %swap3A_1489 = tpu.vector_load %arg9[%swap3A_1487, %swap3A_1488] {strides = array<i32>} : memref<32x512xf32, #tpu.memory_space<vmem>>, vector<16xf32>,
            tpu.vector_store %arg9[%swap3A_1487, %swap3A_1488], %broadcast_in_dim3A_40 {strides = array<i32>} : memref<32x512xf32, #tpu.memory_space<vmem>>, vector<16xf32>,
            %swap3A_1490 = arith.index_cast %while3A_1466 : i32 to index
            %swap3A_1491 = arith.constant 128 : index
            %swap3A_1492 = tpu.vector_load %arg9[%swap3A_1490, %swap3A_1491] {strides = array<i32>} : memref<32x512xf32, #tpu.memory_space<vmem>>, vector<16xf32>,
            tpu.vector_store %arg9[%swap3A_1490, %swap3A_1491], %broadcast_in_dim3A_40 {strides = array<i32>} : memref<32x512xf32, #tpu.memory_space<vmem>>, vector<16xf32>,
            %swap3A_1493 = arith.index_cast %while3A_1466 : i32 to index
            %swap3A_1494 = arith.constant 144 : index
            %swap3A_1495 = tpu.vector_load %arg9[%swap3A_1493, %swap3A_1494] {strides = array<i32>} : memref<32x512xf32, #tpu.memory_space<vmem>>, vector<16xf32>,
            tpu.vector_store %arg9[%swap3A_1493, %swap3A_1494], %broadcast_in_dim3A_40 {strides = array<i32>} : memref<32x512xf32, #tpu.memory_space<vmem>>, vector<16xf32>,
            %swap3A_1496 = arith.index_cast %while3A_1466 : i32 to index
            %swap3A_1497 = arith.constant 160 : index
            %swap3A_1498 = tpu.vector_load %arg9[%swap3A_1496, %swap3A_1497] {strides = array<i32>} : memref<32x512xf32, #tpu.memory_space<vmem>>, vector<16xf32>,
            tpu.vector_store %arg9[%swap3A_1496, %swap3A_1497], %broadcast_in_dim3A_40 {strides = array<i32>} : memref<32x512xf32, #tpu.memory_space<vmem>>, vector<16xf32>,
            %swap3A_1499 = arith.index_cast %while3A_1466 : i32 to index
            %swap3A_1500 = arith.constant 176 : index
            %swap3A_1501 = tpu.vector_load %arg9[%swap3A_1499, %swap3A_1500] {strides = array<i32>} : memref<32x512xf32, #tpu.memory_space<vmem>>, vector<16xf32>,
            tpu.vector_store %arg9[%swap3A_1499, %swap3A_1500], %broadcast_in_dim3A_40 {strides = array<i32>} : memref<32x512xf32, #tpu.memory_space<vmem>>, vector<16xf32>,
            %swap3A_1502 = arith.index_cast %while3A_1466 : i32 to index
            %swap3A_1503 = arith.constant 192 : index
            %swap3A_1504 = tpu.vector_load %arg9[%swap3A_1502, %swap3A_1503] {strides = array<i32>} : memref<32x512xf32, #tpu.memory_space<vmem>>, vector<16xf32>,
            tpu.vector_store %arg9[%swap3A_1502, %swap3A_1503], %broadcast_in_dim3A_40 {strides = array<i32>} : memref<32x512xf32, #tpu.memory_space<vmem>>, vector<16xf32>,
            %swap3A_1505 = arith.index_cast %while3A_1466 : i32 to index
            %swap3A_1506 = arith.constant 208 : index
            %swap3A_1507 = tpu.vector_load %arg9[%swap3A_1505, %swap3A_1506] {strides = array<i32>} : memref<32x512xf32, #tpu.memory_space<vmem>>, vector<16xf32>,
            tpu.vector_store %arg9[%swap3A_1505, %swap3A_1506], %broadcast_in_dim3A_40 {strides = array<i32>} : memref<32x512xf32, #tpu.memory_space<vmem>>, vector<16xf32>,
            %swap3A_1508 = arith.index_cast %while3A_1466 : i32 to index
            %swap3A_1509 = arith.constant 224 : index
            %swap3A_1510 = tpu.vector_load %arg9[%swap3A_1508, %swap3A_1509] {strides = array<i32>} : memref<32x512xf32, #tpu.memory_space<vmem>>, vector<16xf32>,
            tpu.vector_store %arg9[%swap3A_1508, %swap3A_1509], %broadcast_in_dim3A_40 {strides = array<i32>} : memref<32x512xf32, #tpu.memory_space<vmem>>, vector<16xf32>,
            %swap3A_1511 = arith.index_cast %while3A_1466 : i32 to index
            %swap3A_1512 = arith.constant 240 : index
            %swap3A_1513 = tpu.vector_load %arg9[%swap3A_1511, %swap3A_1512] {strides = array<i32>} : memref<32x512xf32, #tpu.memory_space<vmem>>, vector<16xf32>,
            tpu.vector_store %arg9[%swap3A_1511, %swap3A_1512], %broadcast_in_dim3A_40 {strides = array<i32>} : memref<32x512xf32, #tpu.memory_space<vmem>>, vector<16xf32>,
            %swap3A_1514 = arith.index_cast %while3A_1466 : i32 to index
            %swap3A_1515 = arith.constant 256 : index
            %swap3A_1516 = tpu.vector_load %arg9[%swap3A_1514, %swap3A_1515] {strides = array<i32>} : memref<32x512xf32, #tpu.memory_space<vmem>>, vector<16xf32>,
            tpu.vector_store %arg9[%swap3A_1514, %swap3A_1515], %broadcast_in_dim3A_40 {strides = array<i32>} : memref<32x512xf32, #tpu.memory_space<vmem>>, vector<16xf32>,
            %swap3A_1517 = arith.index_cast %while3A_1466 : i32 to index
            %swap3A_1518 = arith.constant 272 : index
            %swap3A_1519 = tpu.vector_load %arg9[%swap3A_1517, %swap3A_1518] {strides = array<i32>} : memref<32x512xf32, #tpu.memory_space<vmem>>, vector<16xf32>,
            tpu.vector_store %arg9[%swap3A_1517, %swap3A_1518], %broadcast_in_dim3A_40 {strides = array<i32>} : memref<32x512xf32, #tpu.memory_space<vmem>>, vector<16xf32>,
            %swap3A_1520 = arith.index_cast %while3A_1466 : i32 to index
            %swap3A_1521 = arith.constant 288 : index
            %swap3A_1522 = tpu.vector_load %arg9[%swap3A_1520, %swap3A_1521] {strides = array<i32>} : memref<32x512xf32, #tpu.memory_space<vmem>>, vector<16xf32>,
            tpu.vector_store %arg9[%swap3A_1520, %swap3A_1521], %broadcast_in_dim3A_40 {strides = array<i32>} : memref<32x512xf32, #tpu.memory_space<vmem>>, vector<16xf32>,
            %swap3A_1523 = arith.index_cast %while3A_1466 : i32 to index
            %swap3A_1524 = arith.constant 304 : index
            %swap3A_1525 = tpu.vector_load %arg9[%swap3A_1523, %swap3A_1524] {strides = array<i32>} : memref<32x512xf32, #tpu.memory_space<vmem>>, vector<16xf32>,
            tpu.vector_store %arg9[%swap3A_1523, %swap3A_1524], %broadcast_in_dim3A_40 {strides = array<i32>} : memref<32x512xf32, #tpu.memory_space<vmem>>, vector<16xf32>,
            %swap3A_1526 = arith.index_cast %while3A_1466 : i32 to index
            %swap3A_1527 = arith.constant 320 : index
            %swap3A_1528 = tpu.vector_load %arg9[%swap3A_1526, %swap3A_1527] {strides = array<i32>} : memref<32x512xf32, #tpu.memory_space<vmem>>, vector<16xf32>,
            tpu.vector_store %arg9[%swap3A_1526, %swap3A_1527], %broadcast_in_dim3A_40 {strides = array<i32>} : memref<32x512xf32, #tpu.memory_space<vmem>>, vector<16xf32>,
            %swap3A_1529 = arith.index_cast %while3A_1466 : i32 to index
            %swap3A_1530 = arith.constant 336 : index
            %swap3A_1531 = tpu.vector_load %arg9[%swap3A_1529, %swap3A_1530] {strides = array<i32>} : memref<32x512xf32, #tpu.memory_space<vmem>>, vector<16xf32>,
            tpu.vector_store %arg9[%swap3A_1529, %swap3A_1530], %broadcast_in_dim3A_40 {strides = array<i32>} : memref<32x512xf32, #tpu.memory_space<vmem>>, vector<16xf32>,
            %swap3A_1532 = arith.index_cast %while3A_1466 : i32 to index
            %swap3A_1533 = arith.constant 352 : index
            %swap3A_1534 = tpu.vector_load %arg9[%swap3A_1532, %swap3A_1533] {strides = array<i32>} : memref<32x512xf32, #tpu.memory_space<vmem>>, vector<16xf32>,
            tpu.vector_store %arg9[%swap3A_1532, %swap3A_1533], %broadcast_in_dim3A_40 {strides = array<i32>} : memref<32x512xf32, #tpu.memory_space<vmem>>, vector<16xf32>,
            %swap3A_1535 = arith.index_cast %while3A_1466 : i32 to index
            %swap3A_1536 = arith.constant 368 : index
            %swap3A_1537 = tpu.vector_load %arg9[%swap3A_1535, %swap3A_1536] {strides = array<i32>} : memref<32x512xf32, #tpu.memory_space<vmem>>, vector<16xf32>,
            tpu.vector_store %arg9[%swap3A_1535, %swap3A_1536], %broadcast_in_dim3A_40 {strides = array<i32>} : memref<32x512xf32, #tpu.memory_space<vmem>>, vector<16xf32>,
            %swap3A_1538 = arith.index_cast %while3A_1466 : i32 to index
            %swap3A_1539 = arith.constant 384 : index
            %swap3A_1540 = tpu.vector_load %arg9[%swap3A_1538, %swap3A_1539] {strides = array<i32>} : memref<32x512xf32, #tpu.memory_space<vmem>>, vector<16xf32>,
            tpu.vector_store %arg9[%swap3A_1538, %swap3A_1539], %broadcast_in_dim3A_40 {strides = array<i32>} : memref<32x512xf32, #tpu.memory_space<vmem>>, vector<16xf32>,
            %swap3A_1541 = arith.index_cast %while3A_1466 : i32 to index
            %swap3A_1542 = arith.constant 400 : index
            %swap3A_1543 = tpu.vector_load %arg9[%swap3A_1541, %swap3A_1542] {strides = array<i32>} : memref<32x512xf32, #tpu.memory_space<vmem>>, vector<16xf32>,
            tpu.vector_store %arg9[%swap3A_1541, %swap3A_1542], %broadcast_in_dim3A_40 {strides = array<i32>} : memref<32x512xf32, #tpu.memory_space<vmem>>, vector<16xf32>,
            %swap3A_1544 = arith.index_cast %while3A_1466 : i32 to index
            %swap3A_1545 = arith.constant 416 : index
            %swap3A_1546 = tpu.vector_load %arg9[%swap3A_1544, %swap3A_1545] {strides = array<i32>} : memref<32x512xf32, #tpu.memory_space<vmem>>, vector<16xf32>,
            tpu.vector_store %arg9[%swap3A_1544, %swap3A_1545], %broadcast_in_dim3A_40 {strides = array<i32>} : memref<32x512xf32, #tpu.memory_space<vmem>>, vector<16xf32>,
            %swap3A_1547 = arith.index_cast %while3A_1466 : i32 to index
            %swap3A_1548 = arith.constant 432 : index
            %swap3A_1549 = tpu.vector_load %arg9[%swap3A_1547, %swap3A_1548] {strides = array<i32>} : memref<32x512xf32, #tpu.memory_space<vmem>>, vector<16xf32>,
            tpu.vector_store %arg9[%swap3A_1547, %swap3A_1548], %broadcast_in_dim3A_40 {strides = array<i32>} : memref<32x512xf32, #tpu.memory_space<vmem>>, vector<16xf32>,
            %swap3A_1550 = arith.index_cast %while3A_1466 : i32 to index
            %swap3A_1551 = arith.constant 448 : index
            %swap3A_1552 = tpu.vector_load %arg9[%swap3A_1550, %swap3A_1551] {strides = array<i32>} : memref<32x512xf32, #tpu.memory_space<vmem>>, vector<16xf32>,
            tpu.vector_store %arg9[%swap3A_1550, %swap3A_1551], %broadcast_in_dim3A_40 {strides = array<i32>} : memref<32x512xf32, #tpu.memory_space<vmem>>, vector<16xf32>,
            %swap3A_1553 = arith.index_cast %while3A_1466 : i32 to index
            %swap3A_1554 = arith.constant 464 : index
            %swap3A_1555 = tpu.vector_load %arg9[%swap3A_1553, %swap3A_1554] {strides = array<i32>} : memref<32x512xf32, #tpu.memory_space<vmem>>, vector<16xf32>,
            tpu.vector_store %arg9[%swap3A_1553, %swap3A_1554], %broadcast_in_dim3A_40 {strides = array<i32>} : memref<32x512xf32, #tpu.memory_space<vmem>>, vector<16xf32>,
            %swap3A_1556 = arith.index_cast %while3A_1466 : i32 to index
            %swap3A_1557 = arith.constant 480 : index
            %swap3A_1558 = tpu.vector_load %arg9[%swap3A_1556, %swap3A_1557] {strides = array<i32>} : memref<32x512xf32, #tpu.memory_space<vmem>>, vector<16xf32>,
            tpu.vector_store %arg9[%swap3A_1556, %swap3A_1557], %broadcast_in_dim3A_40 {strides = array<i32>} : memref<32x512xf32, #tpu.memory_space<vmem>>, vector<16xf32>,
            %swap3A_1559 = arith.index_cast %while3A_1466 : i32 to index
            %swap3A_1560 = arith.constant 496 : index
            %swap3A_1561 = tpu.vector_load %arg9[%swap3A_1559, %swap3A_1560] {strides = array<i32>} : memref<32x512xf32, #tpu.memory_space<vmem>>, vector<16xf32>,
            tpu.vector_store %arg9[%swap3A_1559, %swap3A_1560], %broadcast_in_dim3A_40 {strides = array<i32>} : memref<32x512xf32, #tpu.memory_space<vmem>>, vector<16xf32>,
          }
          %while3A_1465 = arith.constant 1 : i32
          scf.for %while3A_1466 = %while3A_1463 to %while3A_1459 step %while3A_1465  : i32 {
            %swap3A = arith.index_cast %while3A_1466 : i32 to index
            %swap3A_1467 = arith.constant 0 : index
            %swap3A_1468 = tpu.vector_load %arg9[%swap3A, %swap3A_1467] {strides = array<i32>} : memref<32x512xf32, #tpu.memory_space<vmem>>, vector<16xf32>,
            tpu.vector_store %arg9[%swap3A, %swap3A_1467], %broadcast_in_dim3A_40 {strides = array<i32>} : memref<32x512xf32, #tpu.memory_space<vmem>>, vector<16xf32>,
            %swap3A_1469 = arith.index_cast %while3A_1466 : i32 to index
            %swap3A_1470 = arith.constant 16 : index
            %swap3A_1471 = tpu.vector_load %arg9[%swap3A_1469, %swap3A_1470] {strides = array<i32>} : memref<32x512xf32, #tpu.memory_space<vmem>>, vector<16xf32>,
            tpu.vector_store %arg9[%swap3A_1469, %swap3A_1470], %broadcast_in_dim3A_40 {strides = array<i32>} : memref<32x512xf32, #tpu.memory_space<vmem>>, vector<16xf32>,
            %swap3A_1472 = arith.index_cast %while3A_1466 : i32 to index
            %swap3A_1473 = arith.constant 32 : index
            %swap3A_1474 = tpu.vector_load %arg9[%swap3A_1472, %swap3A_1473] {strides = array<i32>} : memref<32x512xf32, #tpu.memory_space<vmem>>, vector<16xf32>,
            tpu.vector_store %arg9[%swap3A_1472, %swap3A_1473], %broadcast_in_dim3A_40 {strides = array<i32>} : memref<32x512xf32, #tpu.memory_space<vmem>>, vector<16xf32>,
            %swap3A_1475 = arith.index_cast %while3A_1466 : i32 to index
            %swap3A_1476 = arith.constant 48 : index
            %swap3A_1477 = tpu.vector_load %arg9[%swap3A_1475, %swap3A_1476] {strides = array<i32>} : memref<32x512xf32, #tpu.memory_space<vmem>>, vector<16xf32>,
            tpu.vector_store %arg9[%swap3A_1475, %swap3A_1476], %broadcast_in_dim3A_40 {strides = array<i32>} : memref<32x512xf32, #tpu.memory_space<vmem>>, vector<16xf32>,
            %swap3A_1478 = arith.index_cast %while3A_1466 : i32 to index
            %swap3A_1479 = arith.constant 64 : index
            %swap3A_1480 = tpu.vector_load %arg9[%swap3A_1478, %swap3A_1479] {strides = array<i32>} : memref<32x512xf32, #tpu.memory_space<vmem>>, vector<16xf32>,
            tpu.vector_store %arg9[%swap3A_1478, %swap3A_1479], %broadcast_in_dim3A_40 {strides = array<i32>} : memref<32x512xf32, #tpu.memory_space<vmem>>, vector<16xf32>,
            %swap3A_1481 = arith.index_cast %while3A_1466 : i32 to index
            %swap3A_1482 = arith.constant 80 : index
            %swap3A_1483 = tpu.vector_load %arg9[%swap3A_1481, %swap3A_1482] {strides = array<i32>} : memref<32x512xf32, #tpu.memory_space<vmem>>, vector<16xf32>,
            tpu.vector_store %arg9[%swap3A_1481, %swap3A_1482], %broadcast_in_dim3A_40 {strides = array<i32>} : memref<32x512xf32, #tpu.memory_space<vmem>>, vector<16xf32>,
            %swap3A_1484 = arith.index_cast %while3A_1466 : i32 to index
            %swap3A_1485 = arith.constant 96 : index
            %swap3A_1486 = tpu.vector_load %arg9[%swap3A_1484, %swap3A_1485] {strides = array<i32>} : memref<32x512xf32, #tpu.memory_space<vmem>>, vector<16xf32>,
            tpu.vector_store %arg9[%swap3A_1484, %swap3A_1485], %broadcast_in_dim3A_40 {strides = array<i32>} : memref<32x512xf32, #tpu.memory_space<vmem>>, vector<16xf32>,
            %swap3A_1487 = arith.index_cast %while3A_1466 : i32 to index
            %swap3A_1488 = arith.constant 112 : index
            %swap3A_1489 = tpu.vector_load %arg9[%swap3A_1487, %swap3A_1488] {strides = array<i32>} : memref<32x512xf32, #tpu.memory_space<vmem>>, vector<16xf32>,
            tpu.vector_store %arg9[%swap3A_1487, %swap3A_1488], %broadcast_in_dim3A_40 {strides = array<i32>} : memref<32x512xf32, #tpu.memory_space<vmem>>, vector<16xf32>,
            %swap3A_1490 = arith.index_cast %while3A_1466 : i32 to index
            %swap3A_1491 = arith.constant 128 : index
            %swap3A_1492 = tpu.vector_load %arg9[%swap3A_1490, %swap3A_1491] {strides = array<i32>} : memref<32x512xf32, #tpu.memory_space<vmem>>, vector<16xf32>,
            tpu.vector_store %arg9[%swap3A_1490, %swap3A_1491], %broadcast_in_dim3A_40 {strides = array<i32>} : memref<32x512xf32, #tpu.memory_space<vmem>>, vector<16xf32>,
            %swap3A_1493 = arith.index_cast %while3A_1466 : i32 to index
            %swap3A_1494 = arith.constant 144 : index
            %swap3A_1495 = tpu.vector_load %arg9[%swap3A_1493, %swap3A_1494] {strides = array<i32>} : memref<32x512xf32, #tpu.memory_space<vmem>>, vector<16xf32>,
            tpu.vector_store %arg9[%swap3A_1493, %swap3A_1494], %broadcast_in_dim3A_40 {strides = array<i32>} : memref<32x512xf32, #tpu.memory_space<vmem>>, vector<16xf32>,
            %swap3A_1496 = arith.index_cast %while3A_1466 : i32 to index
            %swap3A_1497 = arith.constant 160 : index
            %swap3A_1498 = tpu.vector_load %arg9[%swap3A_1496, %swap3A_1497] {strides = array<i32>} : memref<32x512xf32, #tpu.memory_space<vmem>>, vector<16xf32>,
            tpu.vector_store %arg9[%swap3A_1496, %swap3A_1497], %broadcast_in_dim3A_40 {strides = array<i32>} : memref<32x512xf32, #tpu.memory_space<vmem>>, vector<16xf32>,
            %swap3A_1499 = arith.index_cast %while3A_1466 : i32 to index
            %swap3A_1500 = arith.constant 176 : index
            %swap3A_1501 = tpu.vector_load %arg9[%swap3A_1499, %swap3A_1500] {strides = array<i32>} : memref<32x512xf32, #tpu.memory_space<vmem>>, vector<16xf32>,
            tpu.vector_store %arg9[%swap3A_1499, %swap3A_1500], %broadcast_in_dim3A_40 {strides = array<i32>} : memref<32x512xf32, #tpu.memory_space<vmem>>, vector<16xf32>,
            %swap3A_1502 = arith.index_cast %while3A_1466 : i32 to index
            %swap3A_1503 = arith.constant 192 : index
            %swap3A_1504 = tpu.vector_load %arg9[%swap3A_1502, %swap3A_1503] {strides = array<i32>} : memref<32x512xf32, #tpu.memory_space<vmem>>, vector<16xf32>,
            tpu.vector_store %arg9[%swap3A_1502, %swap3A_1503], %broadcast_in_dim3A_40 {strides = array<i32>} : memref<32x512xf32, #tpu.memory_space<vmem>>, vector<16xf32>,
            %swap3A_1505 = arith.index_cast %while3A_1466 : i32 to index
            %swap3A_1506 = arith.constant 208 : index
            %swap3A_1507 = tpu.vector_load %arg9[%swap3A_1505, %swap3A_1506] {strides = array<i32>} : memref<32x512xf32, #tpu.memory_space<vmem>>, vector<16xf32>,
            tpu.vector_store %arg9[%swap3A_1505, %swap3A_1506], %broadcast_in_dim3A_40 {strides = array<i32>} : memref<32x512xf32, #tpu.memory_space<vmem>>, vector<16xf32>,
            %swap3A_1508 = arith.index_cast %while3A_1466 : i32 to index
            %swap3A_1509 = arith.constant 224 : index
            %swap3A_1510 = tpu.vector_load %arg9[%swap3A_1508, %swap3A_1509] {strides = array<i32>} : memref<32x512xf32, #tpu.memory_space<vmem>>, vector<16xf32>,
            tpu.vector_store %arg9[%swap3A_1508, %swap3A_1509], %broadcast_in_dim3A_40 {strides = array<i32>} : memref<32x512xf32, #tpu.memory_space<vmem>>, vector<16xf32>,
            %swap3A_1511 = arith.index_cast %while3A_1466 : i32 to index
            %swap3A_1512 = arith.constant 240 : index
            %swap3A_1513 = tpu.vector_load %arg9[%swap3A_1511, %swap3A_1512] {strides = array<i32>} : memref<32x512xf32, #tpu.memory_space<vmem>>, vector<16xf32>,
            tpu.vector_store %arg9[%swap3A_1511, %swap3A_1512], %broadcast_in_dim3A_40 {strides = array<i32>} : memref<32x512xf32, #tpu.memory_space<vmem>>, vector<16xf32>,
            %swap3A_1514 = arith.index_cast %while3A_1466 : i32 to index
            %swap3A_1515 = arith.constant 256 : index
            %swap3A_1516 = tpu.vector_load %arg9[%swap3A_1514, %swap3A_1515] {strides = array<i32>} : memref<32x512xf32, #tpu.memory_space<vmem>>, vector<16xf32>,
            tpu.vector_store %arg9[%swap3A_1514, %swap3A_1515], %broadcast_in_dim3A_40 {strides = array<i32>} : memref<32x512xf32, #tpu.memory_space<vmem>>, vector<16xf32>,
            %swap3A_1517 = arith.index_cast %while3A_1466 : i32 to index
            %swap3A_1518 = arith.constant 272 : index
            %swap3A_1519 = tpu.vector_load %arg9[%swap3A_1517, %swap3A_1518] {strides = array<i32>} : memref<32x512xf32, #tpu.memory_space<vmem>>, vector<16xf32>,
            tpu.vector_store %arg9[%swap3A_1517, %swap3A_1518], %broadcast_in_dim3A_40 {strides = array<i32>} : memref<32x512xf32, #tpu.memory_space<vmem>>, vector<16xf32>,
            %swap3A_1520 = arith.index_cast %while3A_1466 : i32 to index
            %swap3A_1521 = arith.constant 288 : index
            %swap3A_1522 = tpu.vector_load %arg9[%swap3A_1520, %swap3A_1521] {strides = array<i32>} : memref<32x512xf32, #tpu.memory_space<vmem>>, vector<16xf32>,
            tpu.vector_store %arg9[%swap3A_1520, %swap3A_1521], %broadcast_in_dim3A_40 {strides = array<i32>} : memref<32x512xf32, #tpu.memory_space<vmem>>, vector<16xf32>,
            %swap3A_1523 = arith.index_cast %while3A_1466 : i32 to index
            %swap3A_1524 = arith.constant 304 : index
            %swap3A_1525 = tpu.vector_load %arg9[%swap3A_1523, %swap3A_1524] {strides = array<i32>} : memref<32x512xf32, #tpu.memory_space<vmem>>, vector<16xf32>,
            tpu.vector_store %arg9[%swap3A_1523, %swap3A_1524], %broadcast_in_dim3A_40 {strides = array<i32>} : memref<32x512xf32, #tpu.memory_space<vmem>>, vector<16xf32>,
            %swap3A_1526 = arith.index_cast %while3A_1466 : i32 to index
            %swap3A_1527 = arith.constant 320 : index
            %swap3A_1528 = tpu.vector_load %arg9[%swap3A_1526, %swap3A_1527] {strides = array<i32>} : memref<32x512xf32, #tpu.memory_space<vmem>>, vector<16xf32>,
            tpu.vector_store %arg9[%swap3A_1526, %swap3A_1527], %broadcast_in_dim3A_40 {strides = array<i32>} : memref<32x512xf32, #tpu.memory_space<vmem>>, vector<16xf32>,
            %swap3A_1529 = arith.index_cast %while3A_1466 : i32 to index
            %swap3A_1530 = arith.constant 336 : index
            %swap3A_1531 = tpu.vector_load %arg9[%swap3A_1529, %swap3A_1530] {strides = array<i32>} : memref<32x512xf32, #tpu.memory_space<vmem>>, vector<16xf32>,
            tpu.vector_store %arg9[%swap3A_1529, %swap3A_1530], %broadcast_in_dim3A_40 {strides = array<i32>} : memref<32x512xf32, #tpu.memory_space<vmem>>, vector<16xf32>,
            %swap3A_1532 = arith.index_cast %while3A_1466 : i32 to index
            %swap3A_1533 = arith.constant 352 : index
            %swap3A_1534 = tpu.vector_load %arg9[%swap3A_1532, %swap3A_1533] {strides = array<i32>} : memref<32x512xf32, #tpu.memory_space<vmem>>, vector<16xf32>,
            tpu.vector_store %arg9[%swap3A_1532, %swap3A_1533], %broadcast_in_dim3A_40 {strides = array<i32>} : memref<32x512xf32, #tpu.memory_space<vmem>>, vector<16xf32>,
            %swap3A_1535 = arith.index_cast %while3A_1466 : i32 to index
            %swap3A_1536 = arith.constant 368 : index
            %swap3A_1537 = tpu.vector_load %arg9[%swap3A_1535, %swap3A_1536] {strides = array<i32>} : memref<32x512xf32, #tpu.memory_space<vmem>>, vector<16xf32>,
            tpu.vector_store %arg9[%swap3A_1535, %swap3A_1536], %broadcast_in_dim3A_40 {strides = array<i32>} : memref<32x512xf32, #tpu.memory_space<vmem>>, vector<16xf32>,
            %swap3A_1538 = arith.index_cast %while3A_1466 : i32 to index
            %swap3A_1539 = arith.constant 384 : index
            %swap3A_1540 = tpu.vector_load %arg9[%swap3A_1538, %swap3A_1539] {strides = array<i32>} : memref<32x512xf32, #tpu.memory_space<vmem>>, vector<16xf32>,
            tpu.vector_store %arg9[%swap3A_1538, %swap3A_1539], %broadcast_in_dim3A_40 {strides = array<i32>} : memref<32x512xf32, #tpu.memory_space<vmem>>, vector<16xf32>,
            %swap3A_1541 = arith.index_cast %while3A_1466 : i32 to index
            %swap3A_1542 = arith.constant 400 : index
            %swap3A_1543 = tpu.vector_load %arg9[%swap3A_1541, %swap3A_1542] {strides = array<i32>} : memref<32x512xf32, #tpu.memory_space<vmem>>, vector<16xf32>,
            tpu.vector_store %arg9[%swap3A_1541, %swap3A_1542], %broadcast_in_dim3A_40 {strides = array<i32>} : memref<32x512xf32, #tpu.memory_space<vmem>>, vector<16xf32>,
            %swap3A_1544 = arith.index_cast %while3A_1466 : i32 to index
            %swap3A_1545 = arith.constant 416 : index
            %swap3A_1546 = tpu.vector_load %arg9[%swap3A_1544, %swap3A_1545] {strides = array<i32>} : memref<32x512xf32, #tpu.memory_space<vmem>>, vector<16xf32>,
            tpu.vector_store %arg9[%swap3A_1544, %swap3A_1545], %broadcast_in_dim3A_40 {strides = array<i32>} : memref<32x512xf32, #tpu.memory_space<vmem>>, vector<16xf32>,
            %swap3A_1547 = arith.index_cast %while3A_1466 : i32 to index
            %swap3A_1548 = arith.constant 432 : index
            %swap3A_1549 = tpu.vector_load %arg9[%swap3A_1547, %swap3A_1548] {strides = array<i32>} : memref<32x512xf32, #tpu.memory_space<vmem>>, vector<16xf32>,
            tpu.vector_store %arg9[%swap3A_1547, %swap3A_1548], %broadcast_in_dim3A_40 {strides = array<i32>} : memref<32x512xf32, #tpu.memory_space<vmem>>, vector<16xf32>,
            %swap3A_1550 = arith.index_cast %while3A_1466 : i32 to index
            %swap3A_1551 = arith.constant 448 : index
            %swap3A_1552 = tpu.vector_load %arg9[%swap3A_1550, %swap3A_1551] {strides = array<i32>} : memref<32x512xf32, #tpu.memory_space<vmem>>, vector<16xf32>,
            tpu.vector_store %arg9[%swap3A_1550, %swap3A_1551], %broadcast_in_dim3A_40 {strides = array<i32>} : memref<32x512xf32, #tpu.memory_space<vmem>>, vector<16xf32>,
            %swap3A_1553 = arith.index_cast %while3A_1466 : i32 to index
            %swap3A_1554 = arith.constant 464 : index
            %swap3A_1555 = tpu.vector_load %arg9[%swap3A_1553, %swap3A_1554] {strides = array<i32>} : memref<32x512xf32, #tpu.memory_space<vmem>>, vector<16xf32>,
            tpu.vector_store %arg9[%swap3A_1553, %swap3A_1554], %broadcast_in_dim3A_40 {strides = array<i32>} : memref<32x512xf32, #tpu.memory_space<vmem>>, vector<16xf32>,
            %swap3A_1556 = arith.index_cast %while3A_1466 : i32 to index
            %swap3A_1557 = arith.constant 480 : index
            %swap3A_1558 = tpu.vector_load %arg9[%swap3A_1556, %swap3A_1557] {strides = array<i32>} : memref<32x512xf32, #tpu.memory_space<vmem>>, vector<16xf32>,
            tpu.vector_store %arg9[%swap3A_1556, %swap3A_1557], %broadcast_in_dim3A_40 {strides = array<i32>} : memref<32x512xf32, #tpu.memory_space<vmem>>, vector<16xf32>,
            %swap3A_1559 = arith.index_cast %while3A_1466 : i32 to index
            %swap3A_1560 = arith.constant 496 : index
            %swap3A_1561 = tpu.vector_load %arg9[%swap3A_1559, %swap3A_1560] {strides = array<i32>} : memref<32x512xf32, #tpu.memory_space<vmem>>, vector<16xf32>,
            tpu.vector_store %arg9[%swap3A_1559, %swap3A_1560], %broadcast_in_dim3A_40 {strides = array<i32>} : memref<32x512xf32, #tpu.memory_space<vmem>>, vector<16xf32>,
          }
        } else {
        }
        %mul3A_1448 = arith.constant 32 : i32
        %mul3A_1449 = arith.muli %add3A_1236, %mul3A_1448 : i32
        %add3A_1450 = arith.addi %mul3A_32, %mul3A_1449 : i32
        %dma_start3A_1451 = arith.constant 0 : i32
        %dma_start3A_1452 = tpu.memref_slice %arg4[%select_n3A, %add3A_1450, %dma_start3A_1451] : memref<8x2048x512xf32, #tpu.memory_space<hbm>> -> memref<1x32x512xf32, #tpu.memory_space<hbm>>
        %dma_start3A_1453 = tpu.memref_squeeze %dma_start3A_1452 : memref<1x32x512xf32, #tpu.memory_space<hbm>> -> memref<32x512xf32, #tpu.memory_space<hbm>>
        %dma_start3A_1454 = arith.constant 0 : i32
        %dma_start3A_1455 = tpu.memref_slice %arg4[%select_n3A, %add3A_1450, %dma_start3A_1454] : memref<8x2048x512xf32, #tpu.memory_space<hbm>> -> memref<1x32x512xf32, #tpu.memory_space<hbm>>
        %dma_start3A_1456 = tpu.memref_squeeze %dma_start3A_1455 : memref<1x32x512xf32, #tpu.memory_space<hbm>> -> memref<32x512xf32, #tpu.memory_space<hbm>>
        tpu.enqueue_dma source(%arg9 : memref<32x512xf32, #tpu.memory_space<vmem>>) target(%dma_start3A_1456 : memref<32x512xf32, #tpu.memory_space<hbm>>) target_semaphore(%arg19 : memref<!tpu.dma_semaphore, #tpu.memory_space<semaphore_mem>>)
      } else {
      }
      %eq3A_1279 = arith.constant 0 : i32
      %eq3A_1280 = arith.cmpi eq, %min3A_1273, %eq3A_1279 : i32
      %convert_element_type3A_1281 = arith.extui %eq3A_1280 : i1 to i32
      %cond3A_1282 = arith.constant 0 : i32
      %cond3A_1283 = arith.cmpi ne, %convert_element_type3A_1281, %cond3A_1282 : i32
      scf.if %cond3A_1283 {
        %mul3A_1437 = arith.constant 32 : i32
        %mul3A_1438 = arith.muli %add3A_1236, %mul3A_1437 : i32
        %add3A_1439 = arith.addi %mul3A_32, %mul3A_1438 : i32
        %dma_start3A_1440 = arith.constant 0 : i32
        %dma_start3A_1441 = tpu.memref_slice %arg4[%select_n3A, %add3A_1439, %dma_start3A_1440] : memref<8x2048x512xf32, #tpu.memory_space<hbm>> -> memref<1x32x512xf32, #tpu.memory_space<hbm>>
        %dma_start3A_1442 = tpu.memref_squeeze %dma_start3A_1441 : memref<1x32x512xf32, #tpu.memory_space<hbm>> -> memref<32x512xf32, #tpu.memory_space<hbm>>
        %dma_start3A_1443 = arith.constant 0 : i32
        %dma_start3A_1444 = tpu.memref_slice %arg4[%select_n3A, %add3A_1439, %dma_start3A_1443] : memref<8x2048x512xf32, #tpu.memory_space<hbm>> -> memref<1x32x512xf32, #tpu.memory_space<hbm>>
        %dma_start3A_1445 = tpu.memref_squeeze %dma_start3A_1444 : memref<1x32x512xf32, #tpu.memory_space<hbm>> -> memref<32x512xf32, #tpu.memory_space<hbm>>
        tpu.enqueue_dma source(%arg13 : memref<32x512xf32, #tpu.memory_space<vmem>>) target(%dma_start3A_1445 : memref<32x512xf32, #tpu.memory_space<hbm>>) target_semaphore(%arg19 : memref<!tpu.dma_semaphore, #tpu.memory_space<semaphore_mem>>)
      } else {
      }
      %mul3A_1284 = arith.constant 4 : i32
      %mul3A_1285 = arith.muli %scan3A_1232, %mul3A_1284 : i32
      %add3A_1286 = arith.constant 1 : i32
      %add3A_1287 = arith.addi %mul3A_1285, %add3A_1286 : i32
      %add3A_1288 = arith.constant 2 : i32
      %add3A_1289 = arith.addi %add3A_1287, %add3A_1288 : i32
      %sub3A_1290 = arith.constant 4 : i32
      %sub3A_1291 = arith.subi %add3A_1289, %sub3A_1290 : i32
      %ge3A_1292 = arith.constant 0 : i32
      %ge3A_1293 = arith.cmpi sge, %sub3A_1291, %ge3A_1292 : i32
      %convert_element_type3A_1294 = arith.extui %ge3A_1293 : i1 to i32
      %cond3A_1295 = arith.constant 0 : i32
      %cond3A_1296 = arith.cmpi ne, %convert_element_type3A_1294, %cond3A_1295 : i32
      scf.if %cond3A_1296 {
        %max3A_1437 = arith.constant 0 : i32
        %max3A_1438 = arith.maxsi %sub3A_1291, %max3A_1437 : i32
        %mul3A_1439 = arith.constant 32 : i32
        %mul3A_1440 = arith.muli %max3A_1438, %mul3A_1439 : i32
        %add3A_1441 = arith.addi %mul3A_32, %mul3A_1440 : i32
        %dma_wait3A_1442 = arith.constant 0 : i32
        %dma_wait3A_1443 = tpu.memref_slice %arg4[%select_n3A, %add3A_1441, %dma_wait3A_1442] : memref<8x2048x512xf32, #tpu.memory_space<hbm>> -> memref<1x32x512xf32, #tpu.memory_space<hbm>>
        %dma_wait3A_1444 = tpu.memref_squeeze %dma_wait3A_1443 : memref<1x32x512xf32, #tpu.memory_space<hbm>> -> memref<32x512xf32, #tpu.memory_space<hbm>>
        %dma_wait3A_1445 = arith.constant 0 : i32
        %dma_wait3A_1446 = tpu.memref_slice %arg4[%select_n3A, %add3A_1441, %dma_wait3A_1445] : memref<8x2048x512xf32, #tpu.memory_space<hbm>> -> memref<1x32x512xf32, #tpu.memory_space<hbm>>
        %dma_wait3A_1447 = tpu.memref_squeeze %dma_wait3A_1446 : memref<1x32x512xf32, #tpu.memory_space<hbm>> -> memref<32x512xf32, #tpu.memory_space<hbm>>
        tpu.wait_dma2 semaphore(%arg22 : memref<!tpu.dma_semaphore, #tpu.memory_space<semaphore_mem>>) src(%arg12 : memref<32x512xf32, #tpu.memory_space<vmem>>) dst(%dma_wait3A_1447 : memref<32x512xf32, #tpu.memory_space<hbm>>)
      } else {
      }
      %add3A_1297 = arith.constant 2 : i32
      %add3A_1298 = arith.addi %add3A_1287, %add3A_1297 : i32
      %lt3A_1299 = arith.constant 16 : i32
      %lt3A_1300 = arith.cmpi slt, %add3A_1298, %lt3A_1299 : i32
      %add3A_1301 = arith.constant 2 : i32
      %add3A_1302 = arith.addi %add3A_1287, %add3A_1301 : i32
      %mul3A_1303 = arith.constant 32 : i32
      %mul3A_1304 = arith.muli %add3A_1302, %mul3A_1303 : i32
      %add3A_1305 = arith.addi %mul3A_32, %mul3A_1304 : i32
      %sub3A_1306 = arith.subi %add3A_1151, %add3A_1305 : i32
      %jit3A_1307 = arith.constant 0 : i32
      %jit3A_1308 = arith.constant 32 : i32
      %max3A_1309 = arith.maxsi %jit3A_1307, %sub3A_1306 : i32
      %min3A_1310 = arith.minsi %jit3A_1308, %max3A_1309 : i32
      %gt3A_1311 = arith.constant 0 : i32
      %gt3A_1312 = arith.cmpi sgt, %min3A_1310, %gt3A_1311 : i32
      %and3A_1313 = arith.andi %lt3A_1300, %gt3A_1312 : i1
      %convert_element_type3A_1314 = arith.extui %and3A_1313 : i1 to i32
      %cond3A_1315 = arith.constant 0 : i32
      %cond3A_1316 = arith.cmpi ne, %convert_element_type3A_1314, %cond3A_1315 : i32
      scf.if %cond3A_1316 {
        %add3A_1437 = arith.constant 2 : i32
        %add3A_1438 = arith.addi %add3A_1287, %add3A_1437 : i32
        %min3A_1439 = arith.constant 15 : i32
        %min3A_1440 = arith.minsi %add3A_1438, %min3A_1439 : i32
        %dma_start3A_1441 = arith.constant 0 : i32
        %dma_start3A_1442 = tpu.memref_slice %arg8[%min3A_1440, %dma_start3A_1441] : memref<16x32xi32, #tpu.memory_space<vmem>> -> memref<1x32xi32, #tpu.memory_space<vmem>>
        %dma_start3A_1443 = tpu.memref_squeeze %dma_start3A_1442 : memref<1x32xi32, #tpu.memory_space<vmem>> -> memref<32xi32, #tpu.memory_space<vmem>>
        %dma_start3A_1444 = arith.constant 0 : i32
        %dma_start3A_1445 = arith.constant 0 : i32
        %dma_start3A_1446 = tpu.memref_slice %arg2[%dma_start3A_1444, %dma_start3A_1445] : memref<4096x512xf32, #tpu.memory_space<hbm>> -> memref<4096x512xf32, #tpu.memory_space<hbm>>
        tpu.enqueue_indirect_dma source(%dma_start3A_1446 : memref<4096x512xf32, #tpu.memory_space<hbm>>) target(%arg12 : memref<32x512xf32, #tpu.memory_space<vmem>>) offsets(%dma_start3A_1443 : memref<32xi32, #tpu.memory_space<vmem>>) semaphore(%arg18 : memref<!tpu.dma_semaphore, #tpu.memory_space<semaphore_mem>>)
      } else {
      }
      %mul3A_1317 = arith.constant 32 : i32
      %mul3A_1318 = arith.muli %add3A_1287, %mul3A_1317 : i32
      %add3A_1319 = arith.addi %mul3A_32, %mul3A_1318 : i32
      %sub3A_1320 = arith.subi %add3A_1151, %add3A_1319 : i32
      %jit3A_1321 = arith.constant 0 : i32
      %jit3A_1322 = arith.constant 32 : i32
      %max3A_1323 = arith.maxsi %jit3A_1321, %sub3A_1320 : i32
      %min3A_1324 = arith.minsi %jit3A_1322, %max3A_1323 : i32
      %gt3A_1325 = arith.constant 0 : i32
      %gt3A_1326 = arith.cmpi sgt, %min3A_1324, %gt3A_1325 : i32
      %convert_element_type3A_1327 = arith.extui %gt3A_1326 : i1 to i32
      %cond3A_1328 = arith.constant 0 : i32
      %cond3A_1329 = arith.cmpi ne, %convert_element_type3A_1327, %cond3A_1328 : i32
      scf.if %cond3A_1329 {
        %dma_wait3A_1437 = arith.constant 0 : i32
        %dma_wait3A_1438 = tpu.memref_slice %arg8[%add3A_1287, %dma_wait3A_1437] : memref<16x32xi32, #tpu.memory_space<vmem>> -> memref<1x32xi32, #tpu.memory_space<vmem>>
        %dma_wait3A_1439 = tpu.memref_squeeze %dma_wait3A_1438 : memref<1x32xi32, #tpu.memory_space<vmem>> -> memref<32xi32, #tpu.memory_space<vmem>>
        %dma_wait3A_1440 = arith.constant 0 : i32
        %dma_wait3A_1441 = arith.constant 0 : i32
        %dma_wait3A_1442 = tpu.memref_slice %arg2[%dma_wait3A_1440, %dma_wait3A_1441] : memref<4096x512xf32, #tpu.memory_space<hbm>> -> memref<4096x512xf32, #tpu.memory_space<hbm>>
        tpu.wait_indirect_dma semaphore(%arg16 : memref<!tpu.dma_semaphore, #tpu.memory_space<semaphore_mem>>) src(%dma_wait3A_1442 : memref<4096x512xf32, #tpu.memory_space<hbm>>) dst(%arg10 : memref<32x512xf32, #tpu.memory_space<vmem>>)
        %lt3A_1443 = arith.constant 32 : i32
        %lt3A_1444 = arith.cmpi slt, %min3A_1324, %lt3A_1443 : i32
        %convert_element_type3A_1445 = arith.extui %lt3A_1444 : i1 to i32
        %cond3A_1446 = arith.constant 0 : i32
        %cond3A_1447 = arith.cmpi ne, %convert_element_type3A_1445, %cond3A_1446 : i32
        scf.if %cond3A_1447 {
          %while3A = arith.constant 0 : i32
          %while3A_1457 = arith.constant 32 : i32
          %while3A_1458 = arith.subi %while3A_1457, %min3A_1324 : i32
          %while3A_1459 = arith.addi %min3A_1324, %while3A_1458 : i32
          %while3A_1460 = arith.constant 1 : i32
          %while3A_1461 = arith.divsi %while3A_1458, %while3A_1460 : i32
          %while3A_1462 = arith.muli %while3A_1461, %while3A_1460 : i32
          %while3A_1463 = arith.addi %min3A_1324, %while3A_1462 : i32
          %while3A_1464 = arith.constant 1 : i32
          scf.for %while3A_1466 = %min3A_1324 to %while3A_1463 step %while3A_1464  : i32 {
            %swap3A = arith.index_cast %while3A_1466 : i32 to index
            %swap3A_1467 = arith.constant 0 : index
            %swap3A_1468 = tpu.vector_load %arg10[%swap3A, %swap3A_1467] {strides = array<i32>} : memref<32x512xf32, #tpu.memory_space<vmem>>, vector<16xf32>,
            tpu.vector_store %arg10[%swap3A, %swap3A_1467], %broadcast_in_dim3A_40 {strides = array<i32>} : memref<32x512xf32, #tpu.memory_space<vmem>>, vector<16xf32>,
            %swap3A_1469 = arith.index_cast %while3A_1466 : i32 to index
            %swap3A_1470 = arith.constant 16 : index
            %swap3A_1471 = tpu.vector_load %arg10[%swap3A_1469, %swap3A_1470] {strides = array<i32>} : memref<32x512xf32, #tpu.memory_space<vmem>>, vector<16xf32>,
            tpu.vector_store %arg10[%swap3A_1469, %swap3A_1470], %broadcast_in_dim3A_40 {strides = array<i32>} : memref<32x512xf32, #tpu.memory_space<vmem>>, vector<16xf32>,
            %swap3A_1472 = arith.index_cast %while3A_1466 : i32 to index
            %swap3A_1473 = arith.constant 32 : index
            %swap3A_1474 = tpu.vector_load %arg10[%swap3A_1472, %swap3A_1473] {strides = array<i32>} : memref<32x512xf32, #tpu.memory_space<vmem>>, vector<16xf32>,
            tpu.vector_store %arg10[%swap3A_1472, %swap3A_1473], %broadcast_in_dim3A_40 {strides = array<i32>} : memref<32x512xf32, #tpu.memory_space<vmem>>, vector<16xf32>,
            %swap3A_1475 = arith.index_cast %while3A_1466 : i32 to index
            %swap3A_1476 = arith.constant 48 : index
            %swap3A_1477 = tpu.vector_load %arg10[%swap3A_1475, %swap3A_1476] {strides = array<i32>} : memref<32x512xf32, #tpu.memory_space<vmem>>, vector<16xf32>,
            tpu.vector_store %arg10[%swap3A_1475, %swap3A_1476], %broadcast_in_dim3A_40 {strides = array<i32>} : memref<32x512xf32, #tpu.memory_space<vmem>>, vector<16xf32>,
            %swap3A_1478 = arith.index_cast %while3A_1466 : i32 to index
            %swap3A_1479 = arith.constant 64 : index
            %swap3A_1480 = tpu.vector_load %arg10[%swap3A_1478, %swap3A_1479] {strides = array<i32>} : memref<32x512xf32, #tpu.memory_space<vmem>>, vector<16xf32>,
            tpu.vector_store %arg10[%swap3A_1478, %swap3A_1479], %broadcast_in_dim3A_40 {strides = array<i32>} : memref<32x512xf32, #tpu.memory_space<vmem>>, vector<16xf32>,
            %swap3A_1481 = arith.index_cast %while3A_1466 : i32 to index
            %swap3A_1482 = arith.constant 80 : index
            %swap3A_1483 = tpu.vector_load %arg10[%swap3A_1481, %swap3A_1482] {strides = array<i32>} : memref<32x512xf32, #tpu.memory_space<vmem>>, vector<16xf32>,
            tpu.vector_store %arg10[%swap3A_1481, %swap3A_1482], %broadcast_in_dim3A_40 {strides = array<i32>} : memref<32x512xf32, #tpu.memory_space<vmem>>, vector<16xf32>,
            %swap3A_1484 = arith.index_cast %while3A_1466 : i32 to index
            %swap3A_1485 = arith.constant 96 : index
            %swap3A_1486 = tpu.vector_load %arg10[%swap3A_1484, %swap3A_1485] {strides = array<i32>} : memref<32x512xf32, #tpu.memory_space<vmem>>, vector<16xf32>,
            tpu.vector_store %arg10[%swap3A_1484, %swap3A_1485], %broadcast_in_dim3A_40 {strides = array<i32>} : memref<32x512xf32, #tpu.memory_space<vmem>>, vector<16xf32>,
            %swap3A_1487 = arith.index_cast %while3A_1466 : i32 to index
            %swap3A_1488 = arith.constant 112 : index
            %swap3A_1489 = tpu.vector_load %arg10[%swap3A_1487, %swap3A_1488] {strides = array<i32>} : memref<32x512xf32, #tpu.memory_space<vmem>>, vector<16xf32>,
            tpu.vector_store %arg10[%swap3A_1487, %swap3A_1488], %broadcast_in_dim3A_40 {strides = array<i32>} : memref<32x512xf32, #tpu.memory_space<vmem>>, vector<16xf32>,
            %swap3A_1490 = arith.index_cast %while3A_1466 : i32 to index
            %swap3A_1491 = arith.constant 128 : index
            %swap3A_1492 = tpu.vector_load %arg10[%swap3A_1490, %swap3A_1491] {strides = array<i32>} : memref<32x512xf32, #tpu.memory_space<vmem>>, vector<16xf32>,
            tpu.vector_store %arg10[%swap3A_1490, %swap3A_1491], %broadcast_in_dim3A_40 {strides = array<i32>} : memref<32x512xf32, #tpu.memory_space<vmem>>, vector<16xf32>,
            %swap3A_1493 = arith.index_cast %while3A_1466 : i32 to index
            %swap3A_1494 = arith.constant 144 : index
            %swap3A_1495 = tpu.vector_load %arg10[%swap3A_1493, %swap3A_1494] {strides = array<i32>} : memref<32x512xf32, #tpu.memory_space<vmem>>, vector<16xf32>,
            tpu.vector_store %arg10[%swap3A_1493, %swap3A_1494], %broadcast_in_dim3A_40 {strides = array<i32>} : memref<32x512xf32, #tpu.memory_space<vmem>>, vector<16xf32>,
            %swap3A_1496 = arith.index_cast %while3A_1466 : i32 to index
            %swap3A_1497 = arith.constant 160 : index
            %swap3A_1498 = tpu.vector_load %arg10[%swap3A_1496, %swap3A_1497] {strides = array<i32>} : memref<32x512xf32, #tpu.memory_space<vmem>>, vector<16xf32>,
            tpu.vector_store %arg10[%swap3A_1496, %swap3A_1497], %broadcast_in_dim3A_40 {strides = array<i32>} : memref<32x512xf32, #tpu.memory_space<vmem>>, vector<16xf32>,
            %swap3A_1499 = arith.index_cast %while3A_1466 : i32 to index
            %swap3A_1500 = arith.constant 176 : index
            %swap3A_1501 = tpu.vector_load %arg10[%swap3A_1499, %swap3A_1500] {strides = array<i32>} : memref<32x512xf32, #tpu.memory_space<vmem>>, vector<16xf32>,
            tpu.vector_store %arg10[%swap3A_1499, %swap3A_1500], %broadcast_in_dim3A_40 {strides = array<i32>} : memref<32x512xf32, #tpu.memory_space<vmem>>, vector<16xf32>,
            %swap3A_1502 = arith.index_cast %while3A_1466 : i32 to index
            %swap3A_1503 = arith.constant 192 : index
            %swap3A_1504 = tpu.vector_load %arg10[%swap3A_1502, %swap3A_1503] {strides = array<i32>} : memref<32x512xf32, #tpu.memory_space<vmem>>, vector<16xf32>,
            tpu.vector_store %arg10[%swap3A_1502, %swap3A_1503], %broadcast_in_dim3A_40 {strides = array<i32>} : memref<32x512xf32, #tpu.memory_space<vmem>>, vector<16xf32>,
            %swap3A_1505 = arith.index_cast %while3A_1466 : i32 to index
            %swap3A_1506 = arith.constant 208 : index
            %swap3A_1507 = tpu.vector_load %arg10[%swap3A_1505, %swap3A_1506] {strides = array<i32>} : memref<32x512xf32, #tpu.memory_space<vmem>>, vector<16xf32>,
            tpu.vector_store %arg10[%swap3A_1505, %swap3A_1506], %broadcast_in_dim3A_40 {strides = array<i32>} : memref<32x512xf32, #tpu.memory_space<vmem>>, vector<16xf32>,
            %swap3A_1508 = arith.index_cast %while3A_1466 : i32 to index
            %swap3A_1509 = arith.constant 224 : index
            %swap3A_1510 = tpu.vector_load %arg10[%swap3A_1508, %swap3A_1509] {strides = array<i32>} : memref<32x512xf32, #tpu.memory_space<vmem>>, vector<16xf32>,
            tpu.vector_store %arg10[%swap3A_1508, %swap3A_1509], %broadcast_in_dim3A_40 {strides = array<i32>} : memref<32x512xf32, #tpu.memory_space<vmem>>, vector<16xf32>,
            %swap3A_1511 = arith.index_cast %while3A_1466 : i32 to index
            %swap3A_1512 = arith.constant 240 : index
            %swap3A_1513 = tpu.vector_load %arg10[%swap3A_1511, %swap3A_1512] {strides = array<i32>} : memref<32x512xf32, #tpu.memory_space<vmem>>, vector<16xf32>,
            tpu.vector_store %arg10[%swap3A_1511, %swap3A_1512], %broadcast_in_dim3A_40 {strides = array<i32>} : memref<32x512xf32, #tpu.memory_space<vmem>>, vector<16xf32>,
            %swap3A_1514 = arith.index_cast %while3A_1466 : i32 to index
            %swap3A_1515 = arith.constant 256 : index
            %swap3A_1516 = tpu.vector_load %arg10[%swap3A_1514, %swap3A_1515] {strides = array<i32>} : memref<32x512xf32, #tpu.memory_space<vmem>>, vector<16xf32>,
            tpu.vector_store %arg10[%swap3A_1514, %swap3A_1515], %broadcast_in_dim3A_40 {strides = array<i32>} : memref<32x512xf32, #tpu.memory_space<vmem>>, vector<16xf32>,
            %swap3A_1517 = arith.index_cast %while3A_1466 : i32 to index
            %swap3A_1518 = arith.constant 272 : index
            %swap3A_1519 = tpu.vector_load %arg10[%swap3A_1517, %swap3A_1518] {strides = array<i32>} : memref<32x512xf32, #tpu.memory_space<vmem>>, vector<16xf32>,
            tpu.vector_store %arg10[%swap3A_1517, %swap3A_1518], %broadcast_in_dim3A_40 {strides = array<i32>} : memref<32x512xf32, #tpu.memory_space<vmem>>, vector<16xf32>,
            %swap3A_1520 = arith.index_cast %while3A_1466 : i32 to index
            %swap3A_1521 = arith.constant 288 : index
            %swap3A_1522 = tpu.vector_load %arg10[%swap3A_1520, %swap3A_1521] {strides = array<i32>} : memref<32x512xf32, #tpu.memory_space<vmem>>, vector<16xf32>,
            tpu.vector_store %arg10[%swap3A_1520, %swap3A_1521], %broadcast_in_dim3A_40 {strides = array<i32>} : memref<32x512xf32, #tpu.memory_space<vmem>>, vector<16xf32>,
            %swap3A_1523 = arith.index_cast %while3A_1466 : i32 to index
            %swap3A_1524 = arith.constant 304 : index
            %swap3A_1525 = tpu.vector_load %arg10[%swap3A_1523, %swap3A_1524] {strides = array<i32>} : memref<32x512xf32, #tpu.memory_space<vmem>>, vector<16xf32>,
            tpu.vector_store %arg10[%swap3A_1523, %swap3A_1524], %broadcast_in_dim3A_40 {strides = array<i32>} : memref<32x512xf32, #tpu.memory_space<vmem>>, vector<16xf32>,
            %swap3A_1526 = arith.index_cast %while3A_1466 : i32 to index
            %swap3A_1527 = arith.constant 320 : index
            %swap3A_1528 = tpu.vector_load %arg10[%swap3A_1526, %swap3A_1527] {strides = array<i32>} : memref<32x512xf32, #tpu.memory_space<vmem>>, vector<16xf32>,
            tpu.vector_store %arg10[%swap3A_1526, %swap3A_1527], %broadcast_in_dim3A_40 {strides = array<i32>} : memref<32x512xf32, #tpu.memory_space<vmem>>, vector<16xf32>,
            %swap3A_1529 = arith.index_cast %while3A_1466 : i32 to index
            %swap3A_1530 = arith.constant 336 : index
            %swap3A_1531 = tpu.vector_load %arg10[%swap3A_1529, %swap3A_1530] {strides = array<i32>} : memref<32x512xf32, #tpu.memory_space<vmem>>, vector<16xf32>,
            tpu.vector_store %arg10[%swap3A_1529, %swap3A_1530], %broadcast_in_dim3A_40 {strides = array<i32>} : memref<32x512xf32, #tpu.memory_space<vmem>>, vector<16xf32>,
            %swap3A_1532 = arith.index_cast %while3A_1466 : i32 to index
            %swap3A_1533 = arith.constant 352 : index
            %swap3A_1534 = tpu.vector_load %arg10[%swap3A_1532, %swap3A_1533] {strides = array<i32>} : memref<32x512xf32, #tpu.memory_space<vmem>>, vector<16xf32>,
            tpu.vector_store %arg10[%swap3A_1532, %swap3A_1533], %broadcast_in_dim3A_40 {strides = array<i32>} : memref<32x512xf32, #tpu.memory_space<vmem>>, vector<16xf32>,
            %swap3A_1535 = arith.index_cast %while3A_1466 : i32 to index
            %swap3A_1536 = arith.constant 368 : index
            %swap3A_1537 = tpu.vector_load %arg10[%swap3A_1535, %swap3A_1536] {strides = array<i32>} : memref<32x512xf32, #tpu.memory_space<vmem>>, vector<16xf32>,
            tpu.vector_store %arg10[%swap3A_1535, %swap3A_1536], %broadcast_in_dim3A_40 {strides = array<i32>} : memref<32x512xf32, #tpu.memory_space<vmem>>, vector<16xf32>,
            %swap3A_1538 = arith.index_cast %while3A_1466 : i32 to index
            %swap3A_1539 = arith.constant 384 : index
            %swap3A_1540 = tpu.vector_load %arg10[%swap3A_1538, %swap3A_1539] {strides = array<i32>} : memref<32x512xf32, #tpu.memory_space<vmem>>, vector<16xf32>,
            tpu.vector_store %arg10[%swap3A_1538, %swap3A_1539], %broadcast_in_dim3A_40 {strides = array<i32>} : memref<32x512xf32, #tpu.memory_space<vmem>>, vector<16xf32>,
            %swap3A_1541 = arith.index_cast %while3A_1466 : i32 to index
            %swap3A_1542 = arith.constant 400 : index
            %swap3A_1543 = tpu.vector_load %arg10[%swap3A_1541, %swap3A_1542] {strides = array<i32>} : memref<32x512xf32, #tpu.memory_space<vmem>>, vector<16xf32>,
            tpu.vector_store %arg10[%swap3A_1541, %swap3A_1542], %broadcast_in_dim3A_40 {strides = array<i32>} : memref<32x512xf32, #tpu.memory_space<vmem>>, vector<16xf32>,
            %swap3A_1544 = arith.index_cast %while3A_1466 : i32 to index
            %swap3A_1545 = arith.constant 416 : index
            %swap3A_1546 = tpu.vector_load %arg10[%swap3A_1544, %swap3A_1545] {strides = array<i32>} : memref<32x512xf32, #tpu.memory_space<vmem>>, vector<16xf32>,
            tpu.vector_store %arg10[%swap3A_1544, %swap3A_1545], %broadcast_in_dim3A_40 {strides = array<i32>} : memref<32x512xf32, #tpu.memory_space<vmem>>, vector<16xf32>,
            %swap3A_1547 = arith.index_cast %while3A_1466 : i32 to index
            %swap3A_1548 = arith.constant 432 : index
            %swap3A_1549 = tpu.vector_load %arg10[%swap3A_1547, %swap3A_1548] {strides = array<i32>} : memref<32x512xf32, #tpu.memory_space<vmem>>, vector<16xf32>,
            tpu.vector_store %arg10[%swap3A_1547, %swap3A_1548], %broadcast_in_dim3A_40 {strides = array<i32>} : memref<32x512xf32, #tpu.memory_space<vmem>>, vector<16xf32>,
            %swap3A_1550 = arith.index_cast %while3A_1466 : i32 to index
            %swap3A_1551 = arith.constant 448 : index
            %swap3A_1552 = tpu.vector_load %arg10[%swap3A_1550, %swap3A_1551] {strides = array<i32>} : memref<32x512xf32, #tpu.memory_space<vmem>>, vector<16xf32>,
            tpu.vector_store %arg10[%swap3A_1550, %swap3A_1551], %broadcast_in_dim3A_40 {strides = array<i32>} : memref<32x512xf32, #tpu.memory_space<vmem>>, vector<16xf32>,
            %swap3A_1553 = arith.index_cast %while3A_1466 : i32 to index
            %swap3A_1554 = arith.constant 464 : index
            %swap3A_1555 = tpu.vector_load %arg10[%swap3A_1553, %swap3A_1554] {strides = array<i32>} : memref<32x512xf32, #tpu.memory_space<vmem>>, vector<16xf32>,
            tpu.vector_store %arg10[%swap3A_1553, %swap3A_1554], %broadcast_in_dim3A_40 {strides = array<i32>} : memref<32x512xf32, #tpu.memory_space<vmem>>, vector<16xf32>,
            %swap3A_1556 = arith.index_cast %while3A_1466 : i32 to index
            %swap3A_1557 = arith.constant 480 : index
            %swap3A_1558 = tpu.vector_load %arg10[%swap3A_1556, %swap3A_1557] {strides = array<i32>} : memref<32x512xf32, #tpu.memory_space<vmem>>, vector<16xf32>,
            tpu.vector_store %arg10[%swap3A_1556, %swap3A_1557], %broadcast_in_dim3A_40 {strides = array<i32>} : memref<32x512xf32, #tpu.memory_space<vmem>>, vector<16xf32>,
            %swap3A_1559 = arith.index_cast %while3A_1466 : i32 to index
            %swap3A_1560 = arith.constant 496 : index
            %swap3A_1561 = tpu.vector_load %arg10[%swap3A_1559, %swap3A_1560] {strides = array<i32>} : memref<32x512xf32, #tpu.memory_space<vmem>>, vector<16xf32>,
            tpu.vector_store %arg10[%swap3A_1559, %swap3A_1560], %broadcast_in_dim3A_40 {strides = array<i32>} : memref<32x512xf32, #tpu.memory_space<vmem>>, vector<16xf32>,
          }
          %while3A_1465 = arith.constant 1 : i32
          scf.for %while3A_1466 = %while3A_1463 to %while3A_1459 step %while3A_1465  : i32 {
            %swap3A = arith.index_cast %while3A_1466 : i32 to index
            %swap3A_1467 = arith.constant 0 : index
            %swap3A_1468 = tpu.vector_load %arg10[%swap3A, %swap3A_1467] {strides = array<i32>} : memref<32x512xf32, #tpu.memory_space<vmem>>, vector<16xf32>,
            tpu.vector_store %arg10[%swap3A, %swap3A_1467], %broadcast_in_dim3A_40 {strides = array<i32>} : memref<32x512xf32, #tpu.memory_space<vmem>>, vector<16xf32>,
            %swap3A_1469 = arith.index_cast %while3A_1466 : i32 to index
            %swap3A_1470 = arith.constant 16 : index
            %swap3A_1471 = tpu.vector_load %arg10[%swap3A_1469, %swap3A_1470] {strides = array<i32>} : memref<32x512xf32, #tpu.memory_space<vmem>>, vector<16xf32>,
            tpu.vector_store %arg10[%swap3A_1469, %swap3A_1470], %broadcast_in_dim3A_40 {strides = array<i32>} : memref<32x512xf32, #tpu.memory_space<vmem>>, vector<16xf32>,
            %swap3A_1472 = arith.index_cast %while3A_1466 : i32 to index
            %swap3A_1473 = arith.constant 32 : index
            %swap3A_1474 = tpu.vector_load %arg10[%swap3A_1472, %swap3A_1473] {strides = array<i32>} : memref<32x512xf32, #tpu.memory_space<vmem>>, vector<16xf32>,
            tpu.vector_store %arg10[%swap3A_1472, %swap3A_1473], %broadcast_in_dim3A_40 {strides = array<i32>} : memref<32x512xf32, #tpu.memory_space<vmem>>, vector<16xf32>,
            %swap3A_1475 = arith.index_cast %while3A_1466 : i32 to index
            %swap3A_1476 = arith.constant 48 : index
            %swap3A_1477 = tpu.vector_load %arg10[%swap3A_1475, %swap3A_1476] {strides = array<i32>} : memref<32x512xf32, #tpu.memory_space<vmem>>, vector<16xf32>,
            tpu.vector_store %arg10[%swap3A_1475, %swap3A_1476], %broadcast_in_dim3A_40 {strides = array<i32>} : memref<32x512xf32, #tpu.memory_space<vmem>>, vector<16xf32>,
            %swap3A_1478 = arith.index_cast %while3A_1466 : i32 to index
            %swap3A_1479 = arith.constant 64 : index
            %swap3A_1480 = tpu.vector_load %arg10[%swap3A_1478, %swap3A_1479] {strides = array<i32>} : memref<32x512xf32, #tpu.memory_space<vmem>>, vector<16xf32>,
            tpu.vector_store %arg10[%swap3A_1478, %swap3A_1479], %broadcast_in_dim3A_40 {strides = array<i32>} : memref<32x512xf32, #tpu.memory_space<vmem>>, vector<16xf32>,
            %swap3A_1481 = arith.index_cast %while3A_1466 : i32 to index
            %swap3A_1482 = arith.constant 80 : index
            %swap3A_1483 = tpu.vector_load %arg10[%swap3A_1481, %swap3A_1482] {strides = array<i32>} : memref<32x512xf32, #tpu.memory_space<vmem>>, vector<16xf32>,
            tpu.vector_store %arg10[%swap3A_1481, %swap3A_1482], %broadcast_in_dim3A_40 {strides = array<i32>} : memref<32x512xf32, #tpu.memory_space<vmem>>, vector<16xf32>,
            %swap3A_1484 = arith.index_cast %while3A_1466 : i32 to index
            %swap3A_1485 = arith.constant 96 : index
            %swap3A_1486 = tpu.vector_load %arg10[%swap3A_1484, %swap3A_1485] {strides = array<i32>} : memref<32x512xf32, #tpu.memory_space<vmem>>, vector<16xf32>,
            tpu.vector_store %arg10[%swap3A_1484, %swap3A_1485], %broadcast_in_dim3A_40 {strides = array<i32>} : memref<32x512xf32, #tpu.memory_space<vmem>>, vector<16xf32>,
            %swap3A_1487 = arith.index_cast %while3A_1466 : i32 to index
            %swap3A_1488 = arith.constant 112 : index
            %swap3A_1489 = tpu.vector_load %arg10[%swap3A_1487, %swap3A_1488] {strides = array<i32>} : memref<32x512xf32, #tpu.memory_space<vmem>>, vector<16xf32>,
            tpu.vector_store %arg10[%swap3A_1487, %swap3A_1488], %broadcast_in_dim3A_40 {strides = array<i32>} : memref<32x512xf32, #tpu.memory_space<vmem>>, vector<16xf32>,
            %swap3A_1490 = arith.index_cast %while3A_1466 : i32 to index
            %swap3A_1491 = arith.constant 128 : index
            %swap3A_1492 = tpu.vector_load %arg10[%swap3A_1490, %swap3A_1491] {strides = array<i32>} : memref<32x512xf32, #tpu.memory_space<vmem>>, vector<16xf32>,
            tpu.vector_store %arg10[%swap3A_1490, %swap3A_1491], %broadcast_in_dim3A_40 {strides = array<i32>} : memref<32x512xf32, #tpu.memory_space<vmem>>, vector<16xf32>,
            %swap3A_1493 = arith.index_cast %while3A_1466 : i32 to index
            %swap3A_1494 = arith.constant 144 : index
            %swap3A_1495 = tpu.vector_load %arg10[%swap3A_1493, %swap3A_1494] {strides = array<i32>} : memref<32x512xf32, #tpu.memory_space<vmem>>, vector<16xf32>,
            tpu.vector_store %arg10[%swap3A_1493, %swap3A_1494], %broadcast_in_dim3A_40 {strides = array<i32>} : memref<32x512xf32, #tpu.memory_space<vmem>>, vector<16xf32>,
            %swap3A_1496 = arith.index_cast %while3A_1466 : i32 to index
            %swap3A_1497 = arith.constant 160 : index
            %swap3A_1498 = tpu.vector_load %arg10[%swap3A_1496, %swap3A_1497] {strides = array<i32>} : memref<32x512xf32, #tpu.memory_space<vmem>>, vector<16xf32>,
            tpu.vector_store %arg10[%swap3A_1496, %swap3A_1497], %broadcast_in_dim3A_40 {strides = array<i32>} : memref<32x512xf32, #tpu.memory_space<vmem>>, vector<16xf32>,
            %swap3A_1499 = arith.index_cast %while3A_1466 : i32 to index
            %swap3A_1500 = arith.constant 176 : index
            %swap3A_1501 = tpu.vector_load %arg10[%swap3A_1499, %swap3A_1500] {strides = array<i32>} : memref<32x512xf32, #tpu.memory_space<vmem>>, vector<16xf32>,
            tpu.vector_store %arg10[%swap3A_1499, %swap3A_1500], %broadcast_in_dim3A_40 {strides = array<i32>} : memref<32x512xf32, #tpu.memory_space<vmem>>, vector<16xf32>,
            %swap3A_1502 = arith.index_cast %while3A_1466 : i32 to index
            %swap3A_1503 = arith.constant 192 : index
            %swap3A_1504 = tpu.vector_load %arg10[%swap3A_1502, %swap3A_1503] {strides = array<i32>} : memref<32x512xf32, #tpu.memory_space<vmem>>, vector<16xf32>,
            tpu.vector_store %arg10[%swap3A_1502, %swap3A_1503], %broadcast_in_dim3A_40 {strides = array<i32>} : memref<32x512xf32, #tpu.memory_space<vmem>>, vector<16xf32>,
            %swap3A_1505 = arith.index_cast %while3A_1466 : i32 to index
            %swap3A_1506 = arith.constant 208 : index
            %swap3A_1507 = tpu.vector_load %arg10[%swap3A_1505, %swap3A_1506] {strides = array<i32>} : memref<32x512xf32, #tpu.memory_space<vmem>>, vector<16xf32>,
            tpu.vector_store %arg10[%swap3A_1505, %swap3A_1506], %broadcast_in_dim3A_40 {strides = array<i32>} : memref<32x512xf32, #tpu.memory_space<vmem>>, vector<16xf32>,
            %swap3A_1508 = arith.index_cast %while3A_1466 : i32 to index
            %swap3A_1509 = arith.constant 224 : index
            %swap3A_1510 = tpu.vector_load %arg10[%swap3A_1508, %swap3A_1509] {strides = array<i32>} : memref<32x512xf32, #tpu.memory_space<vmem>>, vector<16xf32>,
            tpu.vector_store %arg10[%swap3A_1508, %swap3A_1509], %broadcast_in_dim3A_40 {strides = array<i32>} : memref<32x512xf32, #tpu.memory_space<vmem>>, vector<16xf32>,
            %swap3A_1511 = arith.index_cast %while3A_1466 : i32 to index
            %swap3A_1512 = arith.constant 240 : index
            %swap3A_1513 = tpu.vector_load %arg10[%swap3A_1511, %swap3A_1512] {strides = array<i32>} : memref<32x512xf32, #tpu.memory_space<vmem>>, vector<16xf32>,
            tpu.vector_store %arg10[%swap3A_1511, %swap3A_1512], %broadcast_in_dim3A_40 {strides = array<i32>} : memref<32x512xf32, #tpu.memory_space<vmem>>, vector<16xf32>,
            %swap3A_1514 = arith.index_cast %while3A_1466 : i32 to index
            %swap3A_1515 = arith.constant 256 : index
            %swap3A_1516 = tpu.vector_load %arg10[%swap3A_1514, %swap3A_1515] {strides = array<i32>} : memref<32x512xf32, #tpu.memory_space<vmem>>, vector<16xf32>,
            tpu.vector_store %arg10[%swap3A_1514, %swap3A_1515], %broadcast_in_dim3A_40 {strides = array<i32>} : memref<32x512xf32, #tpu.memory_space<vmem>>, vector<16xf32>,
            %swap3A_1517 = arith.index_cast %while3A_1466 : i32 to index
            %swap3A_1518 = arith.constant 272 : index
            %swap3A_1519 = tpu.vector_load %arg10[%swap3A_1517, %swap3A_1518] {strides = array<i32>} : memref<32x512xf32, #tpu.memory_space<vmem>>, vector<16xf32>,
            tpu.vector_store %arg10[%swap3A_1517, %swap3A_1518], %broadcast_in_dim3A_40 {strides = array<i32>} : memref<32x512xf32, #tpu.memory_space<vmem>>, vector<16xf32>,
            %swap3A_1520 = arith.index_cast %while3A_1466 : i32 to index
            %swap3A_1521 = arith.constant 288 : index
            %swap3A_1522 = tpu.vector_load %arg10[%swap3A_1520, %swap3A_1521] {strides = array<i32>} : memref<32x512xf32, #tpu.memory_space<vmem>>, vector<16xf32>,
            tpu.vector_store %arg10[%swap3A_1520, %swap3A_1521], %broadcast_in_dim3A_40 {strides = array<i32>} : memref<32x512xf32, #tpu.memory_space<vmem>>, vector<16xf32>,
            %swap3A_1523 = arith.index_cast %while3A_1466 : i32 to index
            %swap3A_1524 = arith.constant 304 : index
            %swap3A_1525 = tpu.vector_load %arg10[%swap3A_1523, %swap3A_1524] {strides = array<i32>} : memref<32x512xf32, #tpu.memory_space<vmem>>, vector<16xf32>,
            tpu.vector_store %arg10[%swap3A_1523, %swap3A_1524], %broadcast_in_dim3A_40 {strides = array<i32>} : memref<32x512xf32, #tpu.memory_space<vmem>>, vector<16xf32>,
            %swap3A_1526 = arith.index_cast %while3A_1466 : i32 to index
            %swap3A_1527 = arith.constant 320 : index
            %swap3A_1528 = tpu.vector_load %arg10[%swap3A_1526, %swap3A_1527] {strides = array<i32>} : memref<32x512xf32, #tpu.memory_space<vmem>>, vector<16xf32>,
            tpu.vector_store %arg10[%swap3A_1526, %swap3A_1527], %broadcast_in_dim3A_40 {strides = array<i32>} : memref<32x512xf32, #tpu.memory_space<vmem>>, vector<16xf32>,
            %swap3A_1529 = arith.index_cast %while3A_1466 : i32 to index
            %swap3A_1530 = arith.constant 336 : index
            %swap3A_1531 = tpu.vector_load %arg10[%swap3A_1529, %swap3A_1530] {strides = array<i32>} : memref<32x512xf32, #tpu.memory_space<vmem>>, vector<16xf32>,
            tpu.vector_store %arg10[%swap3A_1529, %swap3A_1530], %broadcast_in_dim3A_40 {strides = array<i32>} : memref<32x512xf32, #tpu.memory_space<vmem>>, vector<16xf32>,
            %swap3A_1532 = arith.index_cast %while3A_1466 : i32 to index
            %swap3A_1533 = arith.constant 352 : index
            %swap3A_1534 = tpu.vector_load %arg10[%swap3A_1532, %swap3A_1533] {strides = array<i32>} : memref<32x512xf32, #tpu.memory_space<vmem>>, vector<16xf32>,
            tpu.vector_store %arg10[%swap3A_1532, %swap3A_1533], %broadcast_in_dim3A_40 {strides = array<i32>} : memref<32x512xf32, #tpu.memory_space<vmem>>, vector<16xf32>,
            %swap3A_1535 = arith.index_cast %while3A_1466 : i32 to index
            %swap3A_1536 = arith.constant 368 : index
            %swap3A_1537 = tpu.vector_load %arg10[%swap3A_1535, %swap3A_1536] {strides = array<i32>} : memref<32x512xf32, #tpu.memory_space<vmem>>, vector<16xf32>,
            tpu.vector_store %arg10[%swap3A_1535, %swap3A_1536], %broadcast_in_dim3A_40 {strides = array<i32>} : memref<32x512xf32, #tpu.memory_space<vmem>>, vector<16xf32>,
            %swap3A_1538 = arith.index_cast %while3A_1466 : i32 to index
            %swap3A_1539 = arith.constant 384 : index
            %swap3A_1540 = tpu.vector_load %arg10[%swap3A_1538, %swap3A_1539] {strides = array<i32>} : memref<32x512xf32, #tpu.memory_space<vmem>>, vector<16xf32>,
            tpu.vector_store %arg10[%swap3A_1538, %swap3A_1539], %broadcast_in_dim3A_40 {strides = array<i32>} : memref<32x512xf32, #tpu.memory_space<vmem>>, vector<16xf32>,
            %swap3A_1541 = arith.index_cast %while3A_1466 : i32 to index
            %swap3A_1542 = arith.constant 400 : index
            %swap3A_1543 = tpu.vector_load %arg10[%swap3A_1541, %swap3A_1542] {strides = array<i32>} : memref<32x512xf32, #tpu.memory_space<vmem>>, vector<16xf32>,
            tpu.vector_store %arg10[%swap3A_1541, %swap3A_1542], %broadcast_in_dim3A_40 {strides = array<i32>} : memref<32x512xf32, #tpu.memory_space<vmem>>, vector<16xf32>,
            %swap3A_1544 = arith.index_cast %while3A_1466 : i32 to index
            %swap3A_1545 = arith.constant 416 : index
            %swap3A_1546 = tpu.vector_load %arg10[%swap3A_1544, %swap3A_1545] {strides = array<i32>} : memref<32x512xf32, #tpu.memory_space<vmem>>, vector<16xf32>,
            tpu.vector_store %arg10[%swap3A_1544, %swap3A_1545], %broadcast_in_dim3A_40 {strides = array<i32>} : memref<32x512xf32, #tpu.memory_space<vmem>>, vector<16xf32>,
            %swap3A_1547 = arith.index_cast %while3A_1466 : i32 to index
            %swap3A_1548 = arith.constant 432 : index
            %swap3A_1549 = tpu.vector_load %arg10[%swap3A_1547, %swap3A_1548] {strides = array<i32>} : memref<32x512xf32, #tpu.memory_space<vmem>>, vector<16xf32>,
            tpu.vector_store %arg10[%swap3A_1547, %swap3A_1548], %broadcast_in_dim3A_40 {strides = array<i32>} : memref<32x512xf32, #tpu.memory_space<vmem>>, vector<16xf32>,
            %swap3A_1550 = arith.index_cast %while3A_1466 : i32 to index
            %swap3A_1551 = arith.constant 448 : index
            %swap3A_1552 = tpu.vector_load %arg10[%swap3A_1550, %swap3A_1551] {strides = array<i32>} : memref<32x512xf32, #tpu.memory_space<vmem>>, vector<16xf32>,
            tpu.vector_store %arg10[%swap3A_1550, %swap3A_1551], %broadcast_in_dim3A_40 {strides = array<i32>} : memref<32x512xf32, #tpu.memory_space<vmem>>, vector<16xf32>,
            %swap3A_1553 = arith.index_cast %while3A_1466 : i32 to index
            %swap3A_1554 = arith.constant 464 : index
            %swap3A_1555 = tpu.vector_load %arg10[%swap3A_1553, %swap3A_1554] {strides = array<i32>} : memref<32x512xf32, #tpu.memory_space<vmem>>, vector<16xf32>,
            tpu.vector_store %arg10[%swap3A_1553, %swap3A_1554], %broadcast_in_dim3A_40 {strides = array<i32>} : memref<32x512xf32, #tpu.memory_space<vmem>>, vector<16xf32>,
            %swap3A_1556 = arith.index_cast %while3A_1466 : i32 to index
            %swap3A_1557 = arith.constant 480 : index
            %swap3A_1558 = tpu.vector_load %arg10[%swap3A_1556, %swap3A_1557] {strides = array<i32>} : memref<32x512xf32, #tpu.memory_space<vmem>>, vector<16xf32>,
            tpu.vector_store %arg10[%swap3A_1556, %swap3A_1557], %broadcast_in_dim3A_40 {strides = array<i32>} : memref<32x512xf32, #tpu.memory_space<vmem>>, vector<16xf32>,
            %swap3A_1559 = arith.index_cast %while3A_1466 : i32 to index
            %swap3A_1560 = arith.constant 496 : index
            %swap3A_1561 = tpu.vector_load %arg10[%swap3A_1559, %swap3A_1560] {strides = array<i32>} : memref<32x512xf32, #tpu.memory_space<vmem>>, vector<16xf32>,
            tpu.vector_store %arg10[%swap3A_1559, %swap3A_1560], %broadcast_in_dim3A_40 {strides = array<i32>} : memref<32x512xf32, #tpu.memory_space<vmem>>, vector<16xf32>,
          }
        } else {
        }
        %mul3A_1448 = arith.constant 32 : i32
        %mul3A_1449 = arith.muli %add3A_1287, %mul3A_1448 : i32
        %add3A_1450 = arith.addi %mul3A_32, %mul3A_1449 : i32
        %dma_start3A_1451 = arith.constant 0 : i32
        %dma_start3A_1452 = tpu.memref_slice %arg4[%select_n3A, %add3A_1450, %dma_start3A_1451] : memref<8x2048x512xf32, #tpu.memory_space<hbm>> -> memref<1x32x512xf32, #tpu.memory_space<hbm>>
        %dma_start3A_1453 = tpu.memref_squeeze %dma_start3A_1452 : memref<1x32x512xf32, #tpu.memory_space<hbm>> -> memref<32x512xf32, #tpu.memory_space<hbm>>
        %dma_start3A_1454 = arith.constant 0 : i32
        %dma_start3A_1455 = tpu.memref_slice %arg4[%select_n3A, %add3A_1450, %dma_start3A_1454] : memref<8x2048x512xf32, #tpu.memory_space<hbm>> -> memref<1x32x512xf32, #tpu.memory_space<hbm>>
        %dma_start3A_1456 = tpu.memref_squeeze %dma_start3A_1455 : memref<1x32x512xf32, #tpu.memory_space<hbm>> -> memref<32x512xf32, #tpu.memory_space<hbm>>
        tpu.enqueue_dma source(%arg10 : memref<32x512xf32, #tpu.memory_space<vmem>>) target(%dma_start3A_1456 : memref<32x512xf32, #tpu.memory_space<hbm>>) target_semaphore(%arg20 : memref<!tpu.dma_semaphore, #tpu.memory_space<semaphore_mem>>)
      } else {
      }
      %eq3A_1330 = arith.constant 0 : i32
      %eq3A_1331 = arith.cmpi eq, %min3A_1324, %eq3A_1330 : i32
      %convert_element_type3A_1332 = arith.extui %eq3A_1331 : i1 to i32
      %cond3A_1333 = arith.constant 0 : i32
      %cond3A_1334 = arith.cmpi ne, %convert_element_type3A_1332, %cond3A_1333 : i32
      scf.if %cond3A_1334 {
        %mul3A_1437 = arith.constant 32 : i32
        %mul3A_1438 = arith.muli %add3A_1287, %mul3A_1437 : i32
        %add3A_1439 = arith.addi %mul3A_32, %mul3A_1438 : i32
        %dma_start3A_1440 = arith.constant 0 : i32
        %dma_start3A_1441 = tpu.memref_slice %arg4[%select_n3A, %add3A_1439, %dma_start3A_1440] : memref<8x2048x512xf32, #tpu.memory_space<hbm>> -> memref<1x32x512xf32, #tpu.memory_space<hbm>>
        %dma_start3A_1442 = tpu.memref_squeeze %dma_start3A_1441 : memref<1x32x512xf32, #tpu.memory_space<hbm>> -> memref<32x512xf32, #tpu.memory_space<hbm>>
        %dma_start3A_1443 = arith.constant 0 : i32
        %dma_start3A_1444 = tpu.memref_slice %arg4[%select_n3A, %add3A_1439, %dma_start3A_1443] : memref<8x2048x512xf32, #tpu.memory_space<hbm>> -> memref<1x32x512xf32, #tpu.memory_space<hbm>>
        %dma_start3A_1445 = tpu.memref_squeeze %dma_start3A_1444 : memref<1x32x512xf32, #tpu.memory_space<hbm>> -> memref<32x512xf32, #tpu.memory_space<hbm>>
        tpu.enqueue_dma source(%arg13 : memref<32x512xf32, #tpu.memory_space<vmem>>) target(%dma_start3A_1445 : memref<32x512xf32, #tpu.memory_space<hbm>>) target_semaphore(%arg20 : memref<!tpu.dma_semaphore, #tpu.memory_space<semaphore_mem>>)
      } else {
      }
      %mul3A_1335 = arith.constant 4 : i32
      %mul3A_1336 = arith.muli %scan3A_1232, %mul3A_1335 : i32
      %add3A_1337 = arith.constant 2 : i32
      %add3A_1338 = arith.addi %mul3A_1336, %add3A_1337 : i32
      %add3A_1339 = arith.constant 2 : i32
      %add3A_1340 = arith.addi %add3A_1338, %add3A_1339 : i32
      %sub3A_1341 = arith.constant 4 : i32
      %sub3A_1342 = arith.subi %add3A_1340, %sub3A_1341 : i32
      %ge3A_1343 = arith.constant 0 : i32
      %ge3A_1344 = arith.cmpi sge, %sub3A_1342, %ge3A_1343 : i32
      %convert_element_type3A_1345 = arith.extui %ge3A_1344 : i1 to i32
      %cond3A_1346 = arith.constant 0 : i32
      %cond3A_1347 = arith.cmpi ne, %convert_element_type3A_1345, %cond3A_1346 : i32
      scf.if %cond3A_1347 {
        %max3A_1437 = arith.constant 0 : i32
        %max3A_1438 = arith.maxsi %sub3A_1342, %max3A_1437 : i32
        %mul3A_1439 = arith.constant 32 : i32
        %mul3A_1440 = arith.muli %max3A_1438, %mul3A_1439 : i32
        %add3A_1441 = arith.addi %mul3A_32, %mul3A_1440 : i32
        %dma_wait3A_1442 = arith.constant 0 : i32
        %dma_wait3A_1443 = tpu.memref_slice %arg4[%select_n3A, %add3A_1441, %dma_wait3A_1442] : memref<8x2048x512xf32, #tpu.memory_space<hbm>> -> memref<1x32x512xf32, #tpu.memory_space<hbm>>
        %dma_wait3A_1444 = tpu.memref_squeeze %dma_wait3A_1443 : memref<1x32x512xf32, #tpu.memory_space<hbm>> -> memref<32x512xf32, #tpu.memory_space<hbm>>
        %dma_wait3A_1445 = arith.constant 0 : i32
        %dma_wait3A_1446 = tpu.memref_slice %arg4[%select_n3A, %add3A_1441, %dma_wait3A_1445] : memref<8x2048x512xf32, #tpu.memory_space<hbm>> -> memref<1x32x512xf32, #tpu.memory_space<hbm>>
        %dma_wait3A_1447 = tpu.memref_squeeze %dma_wait3A_1446 : memref<1x32x512xf32, #tpu.memory_space<hbm>> -> memref<32x512xf32, #tpu.memory_space<hbm>>
        tpu.wait_dma2 semaphore(%arg19 : memref<!tpu.dma_semaphore, #tpu.memory_space<semaphore_mem>>) src(%arg9 : memref<32x512xf32, #tpu.memory_space<vmem>>) dst(%dma_wait3A_1447 : memref<32x512xf32, #tpu.memory_space<hbm>>)
      } else {
      }
      %add3A_1348 = arith.constant 2 : i32
      %add3A_1349 = arith.addi %add3A_1338, %add3A_1348 : i32
      %lt3A_1350 = arith.constant 16 : i32
      %lt3A_1351 = arith.cmpi slt, %add3A_1349, %lt3A_1350 : i32
      %add3A_1352 = arith.constant 2 : i32
      %add3A_1353 = arith.addi %add3A_1338, %add3A_1352 : i32
      %mul3A_1354 = arith.constant 32 : i32
      %mul3A_1355 = arith.muli %add3A_1353, %mul3A_1354 : i32
      %add3A_1356 = arith.addi %mul3A_32, %mul3A_1355 : i32
      %sub3A_1357 = arith.subi %add3A_1151, %add3A_1356 : i32
      %jit3A_1358 = arith.constant 0 : i32
      %jit3A_1359 = arith.constant 32 : i32
      %max3A_1360 = arith.maxsi %jit3A_1358, %sub3A_1357 : i32
      %min3A_1361 = arith.minsi %jit3A_1359, %max3A_1360 : i32
      %gt3A_1362 = arith.constant 0 : i32
      %gt3A_1363 = arith.cmpi sgt, %min3A_1361, %gt3A_1362 : i32
      %and3A_1364 = arith.andi %lt3A_1351, %gt3A_1363 : i1
      %convert_element_type3A_1365 = arith.extui %and3A_1364 : i1 to i32
      %cond3A_1366 = arith.constant 0 : i32
      %cond3A_1367 = arith.cmpi ne, %convert_element_type3A_1365, %cond3A_1366 : i32
      scf.if %cond3A_1367 {
        %add3A_1437 = arith.constant 2 : i32
        %add3A_1438 = arith.addi %add3A_1338, %add3A_1437 : i32
        %min3A_1439 = arith.constant 15 : i32
        %min3A_1440 = arith.minsi %add3A_1438, %min3A_1439 : i32
        %dma_start3A_1441 = arith.constant 0 : i32
        %dma_start3A_1442 = tpu.memref_slice %arg8[%min3A_1440, %dma_start3A_1441] : memref<16x32xi32, #tpu.memory_space<vmem>> -> memref<1x32xi32, #tpu.memory_space<vmem>>
        %dma_start3A_1443 = tpu.memref_squeeze %dma_start3A_1442 : memref<1x32xi32, #tpu.memory_space<vmem>> -> memref<32xi32, #tpu.memory_space<vmem>>
        %dma_start3A_1444 = arith.constant 0 : i32
        %dma_start3A_1445 = arith.constant 0 : i32
        %dma_start3A_1446 = tpu.memref_slice %arg2[%dma_start3A_1444, %dma_start3A_1445] : memref<4096x512xf32, #tpu.memory_space<hbm>> -> memref<4096x512xf32, #tpu.memory_space<hbm>>
        tpu.enqueue_indirect_dma source(%dma_start3A_1446 : memref<4096x512xf32, #tpu.memory_space<hbm>>) target(%arg9 : memref<32x512xf32, #tpu.memory_space<vmem>>) offsets(%dma_start3A_1443 : memref<32xi32, #tpu.memory_space<vmem>>) semaphore(%arg15 : memref<!tpu.dma_semaphore, #tpu.memory_space<semaphore_mem>>)
      } else {
      }
      %mul3A_1368 = arith.constant 32 : i32
      %mul3A_1369 = arith.muli %add3A_1338, %mul3A_1368 : i32
      %add3A_1370 = arith.addi %mul3A_32, %mul3A_1369 : i32
      %sub3A_1371 = arith.subi %add3A_1151, %add3A_1370 : i32
      %jit3A_1372 = arith.constant 0 : i32
      %jit3A_1373 = arith.constant 32 : i32
      %max3A_1374 = arith.maxsi %jit3A_1372, %sub3A_1371 : i32
      %min3A_1375 = arith.minsi %jit3A_1373, %max3A_1374 : i32
      %gt3A_1376 = arith.constant 0 : i32
      %gt3A_1377 = arith.cmpi sgt, %min3A_1375, %gt3A_1376 : i32
      %convert_element_type3A_1378 = arith.extui %gt3A_1377 : i1 to i32
      %cond3A_1379 = arith.constant 0 : i32
      %cond3A_1380 = arith.cmpi ne, %convert_element_type3A_1378, %cond3A_1379 : i32
      scf.if %cond3A_1380 {
        %dma_wait3A_1437 = arith.constant 0 : i32
        %dma_wait3A_1438 = tpu.memref_slice %arg8[%add3A_1338, %dma_wait3A_1437] : memref<16x32xi32, #tpu.memory_space<vmem>> -> memref<1x32xi32, #tpu.memory_space<vmem>>
        %dma_wait3A_1439 = tpu.memref_squeeze %dma_wait3A_1438 : memref<1x32xi32, #tpu.memory_space<vmem>> -> memref<32xi32, #tpu.memory_space<vmem>>
        %dma_wait3A_1440 = arith.constant 0 : i32
        %dma_wait3A_1441 = arith.constant 0 : i32
        %dma_wait3A_1442 = tpu.memref_slice %arg2[%dma_wait3A_1440, %dma_wait3A_1441] : memref<4096x512xf32, #tpu.memory_space<hbm>> -> memref<4096x512xf32, #tpu.memory_space<hbm>>
        tpu.wait_indirect_dma semaphore(%arg17 : memref<!tpu.dma_semaphore, #tpu.memory_space<semaphore_mem>>) src(%dma_wait3A_1442 : memref<4096x512xf32, #tpu.memory_space<hbm>>) dst(%arg11 : memref<32x512xf32, #tpu.memory_space<vmem>>)
        %lt3A_1443 = arith.constant 32 : i32
        %lt3A_1444 = arith.cmpi slt, %min3A_1375, %lt3A_1443 : i32
        %convert_element_type3A_1445 = arith.extui %lt3A_1444 : i1 to i32
        %cond3A_1446 = arith.constant 0 : i32
        %cond3A_1447 = arith.cmpi ne, %convert_element_type3A_1445, %cond3A_1446 : i32
        scf.if %cond3A_1447 {
          %while3A = arith.constant 0 : i32
          %while3A_1457 = arith.constant 32 : i32
          %while3A_1458 = arith.subi %while3A_1457, %min3A_1375 : i32
          %while3A_1459 = arith.addi %min3A_1375, %while3A_1458 : i32
          %while3A_1460 = arith.constant 1 : i32
          %while3A_1461 = arith.divsi %while3A_1458, %while3A_1460 : i32
          %while3A_1462 = arith.muli %while3A_1461, %while3A_1460 : i32
          %while3A_1463 = arith.addi %min3A_1375, %while3A_1462 : i32
          %while3A_1464 = arith.constant 1 : i32
          scf.for %while3A_1466 = %min3A_1375 to %while3A_1463 step %while3A_1464  : i32 {
            %swap3A = arith.index_cast %while3A_1466 : i32 to index
            %swap3A_1467 = arith.constant 0 : index
            %swap3A_1468 = tpu.vector_load %arg11[%swap3A, %swap3A_1467] {strides = array<i32>} : memref<32x512xf32, #tpu.memory_space<vmem>>, vector<16xf32>,
            tpu.vector_store %arg11[%swap3A, %swap3A_1467], %broadcast_in_dim3A_40 {strides = array<i32>} : memref<32x512xf32, #tpu.memory_space<vmem>>, vector<16xf32>,
            %swap3A_1469 = arith.index_cast %while3A_1466 : i32 to index
            %swap3A_1470 = arith.constant 16 : index
            %swap3A_1471 = tpu.vector_load %arg11[%swap3A_1469, %swap3A_1470] {strides = array<i32>} : memref<32x512xf32, #tpu.memory_space<vmem>>, vector<16xf32>,
            tpu.vector_store %arg11[%swap3A_1469, %swap3A_1470], %broadcast_in_dim3A_40 {strides = array<i32>} : memref<32x512xf32, #tpu.memory_space<vmem>>, vector<16xf32>,
            %swap3A_1472 = arith.index_cast %while3A_1466 : i32 to index
            %swap3A_1473 = arith.constant 32 : index
            %swap3A_1474 = tpu.vector_load %arg11[%swap3A_1472, %swap3A_1473] {strides = array<i32>} : memref<32x512xf32, #tpu.memory_space<vmem>>, vector<16xf32>,
            tpu.vector_store %arg11[%swap3A_1472, %swap3A_1473], %broadcast_in_dim3A_40 {strides = array<i32>} : memref<32x512xf32, #tpu.memory_space<vmem>>, vector<16xf32>,
            %swap3A_1475 = arith.index_cast %while3A_1466 : i32 to index
            %swap3A_1476 = arith.constant 48 : index
            %swap3A_1477 = tpu.vector_load %arg11[%swap3A_1475, %swap3A_1476] {strides = array<i32>} : memref<32x512xf32, #tpu.memory_space<vmem>>, vector<16xf32>,
            tpu.vector_store %arg11[%swap3A_1475, %swap3A_1476], %broadcast_in_dim3A_40 {strides = array<i32>} : memref<32x512xf32, #tpu.memory_space<vmem>>, vector<16xf32>,
            %swap3A_1478 = arith.index_cast %while3A_1466 : i32 to index
            %swap3A_1479 = arith.constant 64 : index
            %swap3A_1480 = tpu.vector_load %arg11[%swap3A_1478, %swap3A_1479] {strides = array<i32>} : memref<32x512xf32, #tpu.memory_space<vmem>>, vector<16xf32>,
            tpu.vector_store %arg11[%swap3A_1478, %swap3A_1479], %broadcast_in_dim3A_40 {strides = array<i32>} : memref<32x512xf32, #tpu.memory_space<vmem>>, vector<16xf32>,
            %swap3A_1481 = arith.index_cast %while3A_1466 : i32 to index
            %swap3A_1482 = arith.constant 80 : index
            %swap3A_1483 = tpu.vector_load %arg11[%swap3A_1481, %swap3A_1482] {strides = array<i32>} : memref<32x512xf32, #tpu.memory_space<vmem>>, vector<16xf32>,
            tpu.vector_store %arg11[%swap3A_1481, %swap3A_1482], %broadcast_in_dim3A_40 {strides = array<i32>} : memref<32x512xf32, #tpu.memory_space<vmem>>, vector<16xf32>,
            %swap3A_1484 = arith.index_cast %while3A_1466 : i32 to index
            %swap3A_1485 = arith.constant 96 : index
            %swap3A_1486 = tpu.vector_load %arg11[%swap3A_1484, %swap3A_1485] {strides = array<i32>} : memref<32x512xf32, #tpu.memory_space<vmem>>, vector<16xf32>,
            tpu.vector_store %arg11[%swap3A_1484, %swap3A_1485], %broadcast_in_dim3A_40 {strides = array<i32>} : memref<32x512xf32, #tpu.memory_space<vmem>>, vector<16xf32>,
            %swap3A_1487 = arith.index_cast %while3A_1466 : i32 to index
            %swap3A_1488 = arith.constant 112 : index
            %swap3A_1489 = tpu.vector_load %arg11[%swap3A_1487, %swap3A_1488] {strides = array<i32>} : memref<32x512xf32, #tpu.memory_space<vmem>>, vector<16xf32>,
            tpu.vector_store %arg11[%swap3A_1487, %swap3A_1488], %broadcast_in_dim3A_40 {strides = array<i32>} : memref<32x512xf32, #tpu.memory_space<vmem>>, vector<16xf32>,
            %swap3A_1490 = arith.index_cast %while3A_1466 : i32 to index
            %swap3A_1491 = arith.constant 128 : index
            %swap3A_1492 = tpu.vector_load %arg11[%swap3A_1490, %swap3A_1491] {strides = array<i32>} : memref<32x512xf32, #tpu.memory_space<vmem>>, vector<16xf32>,
            tpu.vector_store %arg11[%swap3A_1490, %swap3A_1491], %broadcast_in_dim3A_40 {strides = array<i32>} : memref<32x512xf32, #tpu.memory_space<vmem>>, vector<16xf32>,
            %swap3A_1493 = arith.index_cast %while3A_1466 : i32 to index
            %swap3A_1494 = arith.constant 144 : index
            %swap3A_1495 = tpu.vector_load %arg11[%swap3A_1493, %swap3A_1494] {strides = array<i32>} : memref<32x512xf32, #tpu.memory_space<vmem>>, vector<16xf32>,
            tpu.vector_store %arg11[%swap3A_1493, %swap3A_1494], %broadcast_in_dim3A_40 {strides = array<i32>} : memref<32x512xf32, #tpu.memory_space<vmem>>, vector<16xf32>,
            %swap3A_1496 = arith.index_cast %while3A_1466 : i32 to index
            %swap3A_1497 = arith.constant 160 : index
            %swap3A_1498 = tpu.vector_load %arg11[%swap3A_1496, %swap3A_1497] {strides = array<i32>} : memref<32x512xf32, #tpu.memory_space<vmem>>, vector<16xf32>,
            tpu.vector_store %arg11[%swap3A_1496, %swap3A_1497], %broadcast_in_dim3A_40 {strides = array<i32>} : memref<32x512xf32, #tpu.memory_space<vmem>>, vector<16xf32>,
            %swap3A_1499 = arith.index_cast %while3A_1466 : i32 to index
            %swap3A_1500 = arith.constant 176 : index
            %swap3A_1501 = tpu.vector_load %arg11[%swap3A_1499, %swap3A_1500] {strides = array<i32>} : memref<32x512xf32, #tpu.memory_space<vmem>>, vector<16xf32>,
            tpu.vector_store %arg11[%swap3A_1499, %swap3A_1500], %broadcast_in_dim3A_40 {strides = array<i32>} : memref<32x512xf32, #tpu.memory_space<vmem>>, vector<16xf32>,
            %swap3A_1502 = arith.index_cast %while3A_1466 : i32 to index
            %swap3A_1503 = arith.constant 192 : index
            %swap3A_1504 = tpu.vector_load %arg11[%swap3A_1502, %swap3A_1503] {strides = array<i32>} : memref<32x512xf32, #tpu.memory_space<vmem>>, vector<16xf32>,
            tpu.vector_store %arg11[%swap3A_1502, %swap3A_1503], %broadcast_in_dim3A_40 {strides = array<i32>} : memref<32x512xf32, #tpu.memory_space<vmem>>, vector<16xf32>,
            %swap3A_1505 = arith.index_cast %while3A_1466 : i32 to index
            %swap3A_1506 = arith.constant 208 : index
            %swap3A_1507 = tpu.vector_load %arg11[%swap3A_1505, %swap3A_1506] {strides = array<i32>} : memref<32x512xf32, #tpu.memory_space<vmem>>, vector<16xf32>,
            tpu.vector_store %arg11[%swap3A_1505, %swap3A_1506], %broadcast_in_dim3A_40 {strides = array<i32>} : memref<32x512xf32, #tpu.memory_space<vmem>>, vector<16xf32>,
            %swap3A_1508 = arith.index_cast %while3A_1466 : i32 to index
            %swap3A_1509 = arith.constant 224 : index
            %swap3A_1510 = tpu.vector_load %arg11[%swap3A_1508, %swap3A_1509] {strides = array<i32>} : memref<32x512xf32, #tpu.memory_space<vmem>>, vector<16xf32>,
            tpu.vector_store %arg11[%swap3A_1508, %swap3A_1509], %broadcast_in_dim3A_40 {strides = array<i32>} : memref<32x512xf32, #tpu.memory_space<vmem>>, vector<16xf32>,
            %swap3A_1511 = arith.index_cast %while3A_1466 : i32 to index
            %swap3A_1512 = arith.constant 240 : index
            %swap3A_1513 = tpu.vector_load %arg11[%swap3A_1511, %swap3A_1512] {strides = array<i32>} : memref<32x512xf32, #tpu.memory_space<vmem>>, vector<16xf32>,
            tpu.vector_store %arg11[%swap3A_1511, %swap3A_1512], %broadcast_in_dim3A_40 {strides = array<i32>} : memref<32x512xf32, #tpu.memory_space<vmem>>, vector<16xf32>,
            %swap3A_1514 = arith.index_cast %while3A_1466 : i32 to index
            %swap3A_1515 = arith.constant 256 : index
            %swap3A_1516 = tpu.vector_load %arg11[%swap3A_1514, %swap3A_1515] {strides = array<i32>} : memref<32x512xf32, #tpu.memory_space<vmem>>, vector<16xf32>,
            tpu.vector_store %arg11[%swap3A_1514, %swap3A_1515], %broadcast_in_dim3A_40 {strides = array<i32>} : memref<32x512xf32, #tpu.memory_space<vmem>>, vector<16xf32>,
            %swap3A_1517 = arith.index_cast %while3A_1466 : i32 to index
            %swap3A_1518 = arith.constant 272 : index
            %swap3A_1519 = tpu.vector_load %arg11[%swap3A_1517, %swap3A_1518] {strides = array<i32>} : memref<32x512xf32, #tpu.memory_space<vmem>>, vector<16xf32>,
            tpu.vector_store %arg11[%swap3A_1517, %swap3A_1518], %broadcast_in_dim3A_40 {strides = array<i32>} : memref<32x512xf32, #tpu.memory_space<vmem>>, vector<16xf32>,
            %swap3A_1520 = arith.index_cast %while3A_1466 : i32 to index
            %swap3A_1521 = arith.constant 288 : index
            %swap3A_1522 = tpu.vector_load %arg11[%swap3A_1520, %swap3A_1521] {strides = array<i32>} : memref<32x512xf32, #tpu.memory_space<vmem>>, vector<16xf32>,
            tpu.vector_store %arg11[%swap3A_1520, %swap3A_1521], %broadcast_in_dim3A_40 {strides = array<i32>} : memref<32x512xf32, #tpu.memory_space<vmem>>, vector<16xf32>,
            %swap3A_1523 = arith.index_cast %while3A_1466 : i32 to index
            %swap3A_1524 = arith.constant 304 : index
            %swap3A_1525 = tpu.vector_load %arg11[%swap3A_1523, %swap3A_1524] {strides = array<i32>} : memref<32x512xf32, #tpu.memory_space<vmem>>, vector<16xf32>,
            tpu.vector_store %arg11[%swap3A_1523, %swap3A_1524], %broadcast_in_dim3A_40 {strides = array<i32>} : memref<32x512xf32, #tpu.memory_space<vmem>>, vector<16xf32>,
            %swap3A_1526 = arith.index_cast %while3A_1466 : i32 to index
            %swap3A_1527 = arith.constant 320 : index
            %swap3A_1528 = tpu.vector_load %arg11[%swap3A_1526, %swap3A_1527] {strides = array<i32>} : memref<32x512xf32, #tpu.memory_space<vmem>>, vector<16xf32>,
            tpu.vector_store %arg11[%swap3A_1526, %swap3A_1527], %broadcast_in_dim3A_40 {strides = array<i32>} : memref<32x512xf32, #tpu.memory_space<vmem>>, vector<16xf32>,
            %swap3A_1529 = arith.index_cast %while3A_1466 : i32 to index
            %swap3A_1530 = arith.constant 336 : index
            %swap3A_1531 = tpu.vector_load %arg11[%swap3A_1529, %swap3A_1530] {strides = array<i32>} : memref<32x512xf32, #tpu.memory_space<vmem>>, vector<16xf32>,
            tpu.vector_store %arg11[%swap3A_1529, %swap3A_1530], %broadcast_in_dim3A_40 {strides = array<i32>} : memref<32x512xf32, #tpu.memory_space<vmem>>, vector<16xf32>,
            %swap3A_1532 = arith.index_cast %while3A_1466 : i32 to index
            %swap3A_1533 = arith.constant 352 : index
            %swap3A_1534 = tpu.vector_load %arg11[%swap3A_1532, %swap3A_1533] {strides = array<i32>} : memref<32x512xf32, #tpu.memory_space<vmem>>, vector<16xf32>,
            tpu.vector_store %arg11[%swap3A_1532, %swap3A_1533], %broadcast_in_dim3A_40 {strides = array<i32>} : memref<32x512xf32, #tpu.memory_space<vmem>>, vector<16xf32>,
            %swap3A_1535 = arith.index_cast %while3A_1466 : i32 to index
            %swap3A_1536 = arith.constant 368 : index
            %swap3A_1537 = tpu.vector_load %arg11[%swap3A_1535, %swap3A_1536] {strides = array<i32>} : memref<32x512xf32, #tpu.memory_space<vmem>>, vector<16xf32>,
            tpu.vector_store %arg11[%swap3A_1535, %swap3A_1536], %broadcast_in_dim3A_40 {strides = array<i32>} : memref<32x512xf32, #tpu.memory_space<vmem>>, vector<16xf32>,
            %swap3A_1538 = arith.index_cast %while3A_1466 : i32 to index
            %swap3A_1539 = arith.constant 384 : index
            %swap3A_1540 = tpu.vector_load %arg11[%swap3A_1538, %swap3A_1539] {strides = array<i32>} : memref<32x512xf32, #tpu.memory_space<vmem>>, vector<16xf32>,
            tpu.vector_store %arg11[%swap3A_1538, %swap3A_1539], %broadcast_in_dim3A_40 {strides = array<i32>} : memref<32x512xf32, #tpu.memory_space<vmem>>, vector<16xf32>,
            %swap3A_1541 = arith.index_cast %while3A_1466 : i32 to index
            %swap3A_1542 = arith.constant 400 : index
            %swap3A_1543 = tpu.vector_load %arg11[%swap3A_1541, %swap3A_1542] {strides = array<i32>} : memref<32x512xf32, #tpu.memory_space<vmem>>, vector<16xf32>,
            tpu.vector_store %arg11[%swap3A_1541, %swap3A_1542], %broadcast_in_dim3A_40 {strides = array<i32>} : memref<32x512xf32, #tpu.memory_space<vmem>>, vector<16xf32>,
            %swap3A_1544 = arith.index_cast %while3A_1466 : i32 to index
            %swap3A_1545 = arith.constant 416 : index
            %swap3A_1546 = tpu.vector_load %arg11[%swap3A_1544, %swap3A_1545] {strides = array<i32>} : memref<32x512xf32, #tpu.memory_space<vmem>>, vector<16xf32>,
            tpu.vector_store %arg11[%swap3A_1544, %swap3A_1545], %broadcast_in_dim3A_40 {strides = array<i32>} : memref<32x512xf32, #tpu.memory_space<vmem>>, vector<16xf32>,
            %swap3A_1547 = arith.index_cast %while3A_1466 : i32 to index
            %swap3A_1548 = arith.constant 432 : index
            %swap3A_1549 = tpu.vector_load %arg11[%swap3A_1547, %swap3A_1548] {strides = array<i32>} : memref<32x512xf32, #tpu.memory_space<vmem>>, vector<16xf32>,
            tpu.vector_store %arg11[%swap3A_1547, %swap3A_1548], %broadcast_in_dim3A_40 {strides = array<i32>} : memref<32x512xf32, #tpu.memory_space<vmem>>, vector<16xf32>,
            %swap3A_1550 = arith.index_cast %while3A_1466 : i32 to index
            %swap3A_1551 = arith.constant 448 : index
            %swap3A_1552 = tpu.vector_load %arg11[%swap3A_1550, %swap3A_1551] {strides = array<i32>} : memref<32x512xf32, #tpu.memory_space<vmem>>, vector<16xf32>,
            tpu.vector_store %arg11[%swap3A_1550, %swap3A_1551], %broadcast_in_dim3A_40 {strides = array<i32>} : memref<32x512xf32, #tpu.memory_space<vmem>>, vector<16xf32>,
            %swap3A_1553 = arith.index_cast %while3A_1466 : i32 to index
            %swap3A_1554 = arith.constant 464 : index
            %swap3A_1555 = tpu.vector_load %arg11[%swap3A_1553, %swap3A_1554] {strides = array<i32>} : memref<32x512xf32, #tpu.memory_space<vmem>>, vector<16xf32>,
            tpu.vector_store %arg11[%swap3A_1553, %swap3A_1554], %broadcast_in_dim3A_40 {strides = array<i32>} : memref<32x512xf32, #tpu.memory_space<vmem>>, vector<16xf32>,
            %swap3A_1556 = arith.index_cast %while3A_1466 : i32 to index
            %swap3A_1557 = arith.constant 480 : index
            %swap3A_1558 = tpu.vector_load %arg11[%swap3A_1556, %swap3A_1557] {strides = array<i32>} : memref<32x512xf32, #tpu.memory_space<vmem>>, vector<16xf32>,
            tpu.vector_store %arg11[%swap3A_1556, %swap3A_1557], %broadcast_in_dim3A_40 {strides = array<i32>} : memref<32x512xf32, #tpu.memory_space<vmem>>, vector<16xf32>,
            %swap3A_1559 = arith.index_cast %while3A_1466 : i32 to index
            %swap3A_1560 = arith.constant 496 : index
            %swap3A_1561 = tpu.vector_load %arg11[%swap3A_1559, %swap3A_1560] {strides = array<i32>} : memref<32x512xf32, #tpu.memory_space<vmem>>, vector<16xf32>,
            tpu.vector_store %arg11[%swap3A_1559, %swap3A_1560], %broadcast_in_dim3A_40 {strides = array<i32>} : memref<32x512xf32, #tpu.memory_space<vmem>>, vector<16xf32>,
          }
          %while3A_1465 = arith.constant 1 : i32
          scf.for %while3A_1466 = %while3A_1463 to %while3A_1459 step %while3A_1465  : i32 {
            %swap3A = arith.index_cast %while3A_1466 : i32 to index
            %swap3A_1467 = arith.constant 0 : index
            %swap3A_1468 = tpu.vector_load %arg11[%swap3A, %swap3A_1467] {strides = array<i32>} : memref<32x512xf32, #tpu.memory_space<vmem>>, vector<16xf32>,
            tpu.vector_store %arg11[%swap3A, %swap3A_1467], %broadcast_in_dim3A_40 {strides = array<i32>} : memref<32x512xf32, #tpu.memory_space<vmem>>, vector<16xf32>,
            %swap3A_1469 = arith.index_cast %while3A_1466 : i32 to index
            %swap3A_1470 = arith.constant 16 : index
            %swap3A_1471 = tpu.vector_load %arg11[%swap3A_1469, %swap3A_1470] {strides = array<i32>} : memref<32x512xf32, #tpu.memory_space<vmem>>, vector<16xf32>,
            tpu.vector_store %arg11[%swap3A_1469, %swap3A_1470], %broadcast_in_dim3A_40 {strides = array<i32>} : memref<32x512xf32, #tpu.memory_space<vmem>>, vector<16xf32>,
            %swap3A_1472 = arith.index_cast %while3A_1466 : i32 to index
            %swap3A_1473 = arith.constant 32 : index
            %swap3A_1474 = tpu.vector_load %arg11[%swap3A_1472, %swap3A_1473] {strides = array<i32>} : memref<32x512xf32, #tpu.memory_space<vmem>>, vector<16xf32>,
            tpu.vector_store %arg11[%swap3A_1472, %swap3A_1473], %broadcast_in_dim3A_40 {strides = array<i32>} : memref<32x512xf32, #tpu.memory_space<vmem>>, vector<16xf32>,
            %swap3A_1475 = arith.index_cast %while3A_1466 : i32 to index
            %swap3A_1476 = arith.constant 48 : index
            %swap3A_1477 = tpu.vector_load %arg11[%swap3A_1475, %swap3A_1476] {strides = array<i32>} : memref<32x512xf32, #tpu.memory_space<vmem>>, vector<16xf32>,
            tpu.vector_store %arg11[%swap3A_1475, %swap3A_1476], %broadcast_in_dim3A_40 {strides = array<i32>} : memref<32x512xf32, #tpu.memory_space<vmem>>, vector<16xf32>,
            %swap3A_1478 = arith.index_cast %while3A_1466 : i32 to index
            %swap3A_1479 = arith.constant 64 : index
            %swap3A_1480 = tpu.vector_load %arg11[%swap3A_1478, %swap3A_1479] {strides = array<i32>} : memref<32x512xf32, #tpu.memory_space<vmem>>, vector<16xf32>,
            tpu.vector_store %arg11[%swap3A_1478, %swap3A_1479], %broadcast_in_dim3A_40 {strides = array<i32>} : memref<32x512xf32, #tpu.memory_space<vmem>>, vector<16xf32>,
            %swap3A_1481 = arith.index_cast %while3A_1466 : i32 to index
            %swap3A_1482 = arith.constant 80 : index
            %swap3A_1483 = tpu.vector_load %arg11[%swap3A_1481, %swap3A_1482] {strides = array<i32>} : memref<32x512xf32, #tpu.memory_space<vmem>>, vector<16xf32>,
            tpu.vector_store %arg11[%swap3A_1481, %swap3A_1482], %broadcast_in_dim3A_40 {strides = array<i32>} : memref<32x512xf32, #tpu.memory_space<vmem>>, vector<16xf32>,
            %swap3A_1484 = arith.index_cast %while3A_1466 : i32 to index
            %swap3A_1485 = arith.constant 96 : index
            %swap3A_1486 = tpu.vector_load %arg11[%swap3A_1484, %swap3A_1485] {strides = array<i32>} : memref<32x512xf32, #tpu.memory_space<vmem>>, vector<16xf32>,
            tpu.vector_store %arg11[%swap3A_1484, %swap3A_1485], %broadcast_in_dim3A_40 {strides = array<i32>} : memref<32x512xf32, #tpu.memory_space<vmem>>, vector<16xf32>,
            %swap3A_1487 = arith.index_cast %while3A_1466 : i32 to index
            %swap3A_1488 = arith.constant 112 : index
            %swap3A_1489 = tpu.vector_load %arg11[%swap3A_1487, %swap3A_1488] {strides = array<i32>} : memref<32x512xf32, #tpu.memory_space<vmem>>, vector<16xf32>,
            tpu.vector_store %arg11[%swap3A_1487, %swap3A_1488], %broadcast_in_dim3A_40 {strides = array<i32>} : memref<32x512xf32, #tpu.memory_space<vmem>>, vector<16xf32>,
            %swap3A_1490 = arith.index_cast %while3A_1466 : i32 to index
            %swap3A_1491 = arith.constant 128 : index
            %swap3A_1492 = tpu.vector_load %arg11[%swap3A_1490, %swap3A_1491] {strides = array<i32>} : memref<32x512xf32, #tpu.memory_space<vmem>>, vector<16xf32>,
            tpu.vector_store %arg11[%swap3A_1490, %swap3A_1491], %broadcast_in_dim3A_40 {strides = array<i32>} : memref<32x512xf32, #tpu.memory_space<vmem>>, vector<16xf32>,
            %swap3A_1493 = arith.index_cast %while3A_1466 : i32 to index
            %swap3A_1494 = arith.constant 144 : index
            %swap3A_1495 = tpu.vector_load %arg11[%swap3A_1493, %swap3A_1494] {strides = array<i32>} : memref<32x512xf32, #tpu.memory_space<vmem>>, vector<16xf32>,
            tpu.vector_store %arg11[%swap3A_1493, %swap3A_1494], %broadcast_in_dim3A_40 {strides = array<i32>} : memref<32x512xf32, #tpu.memory_space<vmem>>, vector<16xf32>,
            %swap3A_1496 = arith.index_cast %while3A_1466 : i32 to index
            %swap3A_1497 = arith.constant 160 : index
            %swap3A_1498 = tpu.vector_load %arg11[%swap3A_1496, %swap3A_1497] {strides = array<i32>} : memref<32x512xf32, #tpu.memory_space<vmem>>, vector<16xf32>,
            tpu.vector_store %arg11[%swap3A_1496, %swap3A_1497], %broadcast_in_dim3A_40 {strides = array<i32>} : memref<32x512xf32, #tpu.memory_space<vmem>>, vector<16xf32>,
            %swap3A_1499 = arith.index_cast %while3A_1466 : i32 to index
            %swap3A_1500 = arith.constant 176 : index
            %swap3A_1501 = tpu.vector_load %arg11[%swap3A_1499, %swap3A_1500] {strides = array<i32>} : memref<32x512xf32, #tpu.memory_space<vmem>>, vector<16xf32>,
            tpu.vector_store %arg11[%swap3A_1499, %swap3A_1500], %broadcast_in_dim3A_40 {strides = array<i32>} : memref<32x512xf32, #tpu.memory_space<vmem>>, vector<16xf32>,
            %swap3A_1502 = arith.index_cast %while3A_1466 : i32 to index
            %swap3A_1503 = arith.constant 192 : index
            %swap3A_1504 = tpu.vector_load %arg11[%swap3A_1502, %swap3A_1503] {strides = array<i32>} : memref<32x512xf32, #tpu.memory_space<vmem>>, vector<16xf32>,
            tpu.vector_store %arg11[%swap3A_1502, %swap3A_1503], %broadcast_in_dim3A_40 {strides = array<i32>} : memref<32x512xf32, #tpu.memory_space<vmem>>, vector<16xf32>,
            %swap3A_1505 = arith.index_cast %while3A_1466 : i32 to index
            %swap3A_1506 = arith.constant 208 : index
            %swap3A_1507 = tpu.vector_load %arg11[%swap3A_1505, %swap3A_1506] {strides = array<i32>} : memref<32x512xf32, #tpu.memory_space<vmem>>, vector<16xf32>,
            tpu.vector_store %arg11[%swap3A_1505, %swap3A_1506], %broadcast_in_dim3A_40 {strides = array<i32>} : memref<32x512xf32, #tpu.memory_space<vmem>>, vector<16xf32>,
            %swap3A_1508 = arith.index_cast %while3A_1466 : i32 to index
            %swap3A_1509 = arith.constant 224 : index
            %swap3A_1510 = tpu.vector_load %arg11[%swap3A_1508, %swap3A_1509] {strides = array<i32>} : memref<32x512xf32, #tpu.memory_space<vmem>>, vector<16xf32>,
            tpu.vector_store %arg11[%swap3A_1508, %swap3A_1509], %broadcast_in_dim3A_40 {strides = array<i32>} : memref<32x512xf32, #tpu.memory_space<vmem>>, vector<16xf32>,
            %swap3A_1511 = arith.index_cast %while3A_1466 : i32 to index
            %swap3A_1512 = arith.constant 240 : index
            %swap3A_1513 = tpu.vector_load %arg11[%swap3A_1511, %swap3A_1512] {strides = array<i32>} : memref<32x512xf32, #tpu.memory_space<vmem>>, vector<16xf32>,
            tpu.vector_store %arg11[%swap3A_1511, %swap3A_1512], %broadcast_in_dim3A_40 {strides = array<i32>} : memref<32x512xf32, #tpu.memory_space<vmem>>, vector<16xf32>,
            %swap3A_1514 = arith.index_cast %while3A_1466 : i32 to index
            %swap3A_1515 = arith.constant 256 : index
            %swap3A_1516 = tpu.vector_load %arg11[%swap3A_1514, %swap3A_1515] {strides = array<i32>} : memref<32x512xf32, #tpu.memory_space<vmem>>, vector<16xf32>,
            tpu.vector_store %arg11[%swap3A_1514, %swap3A_1515], %broadcast_in_dim3A_40 {strides = array<i32>} : memref<32x512xf32, #tpu.memory_space<vmem>>, vector<16xf32>,
            %swap3A_1517 = arith.index_cast %while3A_1466 : i32 to index
            %swap3A_1518 = arith.constant 272 : index
            %swap3A_1519 = tpu.vector_load %arg11[%swap3A_1517, %swap3A_1518] {strides = array<i32>} : memref<32x512xf32, #tpu.memory_space<vmem>>, vector<16xf32>,
            tpu.vector_store %arg11[%swap3A_1517, %swap3A_1518], %broadcast_in_dim3A_40 {strides = array<i32>} : memref<32x512xf32, #tpu.memory_space<vmem>>, vector<16xf32>,
            %swap3A_1520 = arith.index_cast %while3A_1466 : i32 to index
            %swap3A_1521 = arith.constant 288 : index
            %swap3A_1522 = tpu.vector_load %arg11[%swap3A_1520, %swap3A_1521] {strides = array<i32>} : memref<32x512xf32, #tpu.memory_space<vmem>>, vector<16xf32>,
            tpu.vector_store %arg11[%swap3A_1520, %swap3A_1521], %broadcast_in_dim3A_40 {strides = array<i32>} : memref<32x512xf32, #tpu.memory_space<vmem>>, vector<16xf32>,
            %swap3A_1523 = arith.index_cast %while3A_1466 : i32 to index
            %swap3A_1524 = arith.constant 304 : index
            %swap3A_1525 = tpu.vector_load %arg11[%swap3A_1523, %swap3A_1524] {strides = array<i32>} : memref<32x512xf32, #tpu.memory_space<vmem>>, vector<16xf32>,
            tpu.vector_store %arg11[%swap3A_1523, %swap3A_1524], %broadcast_in_dim3A_40 {strides = array<i32>} : memref<32x512xf32, #tpu.memory_space<vmem>>, vector<16xf32>,
            %swap3A_1526 = arith.index_cast %while3A_1466 : i32 to index
            %swap3A_1527 = arith.constant 320 : index
            %swap3A_1528 = tpu.vector_load %arg11[%swap3A_1526, %swap3A_1527] {strides = array<i32>} : memref<32x512xf32, #tpu.memory_space<vmem>>, vector<16xf32>,
            tpu.vector_store %arg11[%swap3A_1526, %swap3A_1527], %broadcast_in_dim3A_40 {strides = array<i32>} : memref<32x512xf32, #tpu.memory_space<vmem>>, vector<16xf32>,
            %swap3A_1529 = arith.index_cast %while3A_1466 : i32 to index
            %swap3A_1530 = arith.constant 336 : index
            %swap3A_1531 = tpu.vector_load %arg11[%swap3A_1529, %swap3A_1530] {strides = array<i32>} : memref<32x512xf32, #tpu.memory_space<vmem>>, vector<16xf32>,
            tpu.vector_store %arg11[%swap3A_1529, %swap3A_1530], %broadcast_in_dim3A_40 {strides = array<i32>} : memref<32x512xf32, #tpu.memory_space<vmem>>, vector<16xf32>,
            %swap3A_1532 = arith.index_cast %while3A_1466 : i32 to index
            %swap3A_1533 = arith.constant 352 : index
            %swap3A_1534 = tpu.vector_load %arg11[%swap3A_1532, %swap3A_1533] {strides = array<i32>} : memref<32x512xf32, #tpu.memory_space<vmem>>, vector<16xf32>,
            tpu.vector_store %arg11[%swap3A_1532, %swap3A_1533], %broadcast_in_dim3A_40 {strides = array<i32>} : memref<32x512xf32, #tpu.memory_space<vmem>>, vector<16xf32>,
            %swap3A_1535 = arith.index_cast %while3A_1466 : i32 to index
            %swap3A_1536 = arith.constant 368 : index
            %swap3A_1537 = tpu.vector_load %arg11[%swap3A_1535, %swap3A_1536] {strides = array<i32>} : memref<32x512xf32, #tpu.memory_space<vmem>>, vector<16xf32>,
            tpu.vector_store %arg11[%swap3A_1535, %swap3A_1536], %broadcast_in_dim3A_40 {strides = array<i32>} : memref<32x512xf32, #tpu.memory_space<vmem>>, vector<16xf32>,
            %swap3A_1538 = arith.index_cast %while3A_1466 : i32 to index
            %swap3A_1539 = arith.constant 384 : index
            %swap3A_1540 = tpu.vector_load %arg11[%swap3A_1538, %swap3A_1539] {strides = array<i32>} : memref<32x512xf32, #tpu.memory_space<vmem>>, vector<16xf32>,
            tpu.vector_store %arg11[%swap3A_1538, %swap3A_1539], %broadcast_in_dim3A_40 {strides = array<i32>} : memref<32x512xf32, #tpu.memory_space<vmem>>, vector<16xf32>,
            %swap3A_1541 = arith.index_cast %while3A_1466 : i32 to index
            %swap3A_1542 = arith.constant 400 : index
            %swap3A_1543 = tpu.vector_load %arg11[%swap3A_1541, %swap3A_1542] {strides = array<i32>} : memref<32x512xf32, #tpu.memory_space<vmem>>, vector<16xf32>,
            tpu.vector_store %arg11[%swap3A_1541, %swap3A_1542], %broadcast_in_dim3A_40 {strides = array<i32>} : memref<32x512xf32, #tpu.memory_space<vmem>>, vector<16xf32>,
            %swap3A_1544 = arith.index_cast %while3A_1466 : i32 to index
            %swap3A_1545 = arith.constant 416 : index
            %swap3A_1546 = tpu.vector_load %arg11[%swap3A_1544, %swap3A_1545] {strides = array<i32>} : memref<32x512xf32, #tpu.memory_space<vmem>>, vector<16xf32>,
            tpu.vector_store %arg11[%swap3A_1544, %swap3A_1545], %broadcast_in_dim3A_40 {strides = array<i32>} : memref<32x512xf32, #tpu.memory_space<vmem>>, vector<16xf32>,
            %swap3A_1547 = arith.index_cast %while3A_1466 : i32 to index
            %swap3A_1548 = arith.constant 432 : index
            %swap3A_1549 = tpu.vector_load %arg11[%swap3A_1547, %swap3A_1548] {strides = array<i32>} : memref<32x512xf32, #tpu.memory_space<vmem>>, vector<16xf32>,
            tpu.vector_store %arg11[%swap3A_1547, %swap3A_1548], %broadcast_in_dim3A_40 {strides = array<i32>} : memref<32x512xf32, #tpu.memory_space<vmem>>, vector<16xf32>,
            %swap3A_1550 = arith.index_cast %while3A_1466 : i32 to index
            %swap3A_1551 = arith.constant 448 : index
            %swap3A_1552 = tpu.vector_load %arg11[%swap3A_1550, %swap3A_1551] {strides = array<i32>} : memref<32x512xf32, #tpu.memory_space<vmem>>, vector<16xf32>,
            tpu.vector_store %arg11[%swap3A_1550, %swap3A_1551], %broadcast_in_dim3A_40 {strides = array<i32>} : memref<32x512xf32, #tpu.memory_space<vmem>>, vector<16xf32>,
            %swap3A_1553 = arith.index_cast %while3A_1466 : i32 to index
            %swap3A_1554 = arith.constant 464 : index
            %swap3A_1555 = tpu.vector_load %arg11[%swap3A_1553, %swap3A_1554] {strides = array<i32>} : memref<32x512xf32, #tpu.memory_space<vmem>>, vector<16xf32>,
            tpu.vector_store %arg11[%swap3A_1553, %swap3A_1554], %broadcast_in_dim3A_40 {strides = array<i32>} : memref<32x512xf32, #tpu.memory_space<vmem>>, vector<16xf32>,
            %swap3A_1556 = arith.index_cast %while3A_1466 : i32 to index
            %swap3A_1557 = arith.constant 480 : index
            %swap3A_1558 = tpu.vector_load %arg11[%swap3A_1556, %swap3A_1557] {strides = array<i32>} : memref<32x512xf32, #tpu.memory_space<vmem>>, vector<16xf32>,
            tpu.vector_store %arg11[%swap3A_1556, %swap3A_1557], %broadcast_in_dim3A_40 {strides = array<i32>} : memref<32x512xf32, #tpu.memory_space<vmem>>, vector<16xf32>,
            %swap3A_1559 = arith.index_cast %while3A_1466 : i32 to index
            %swap3A_1560 = arith.constant 496 : index
            %swap3A_1561 = tpu.vector_load %arg11[%swap3A_1559, %swap3A_1560] {strides = array<i32>} : memref<32x512xf32, #tpu.memory_space<vmem>>, vector<16xf32>,
            tpu.vector_store %arg11[%swap3A_1559, %swap3A_1560], %broadcast_in_dim3A_40 {strides = array<i32>} : memref<32x512xf32, #tpu.memory_space<vmem>>, vector<16xf32>,
          }
        } else {
        }
        %mul3A_1448 = arith.constant 32 : i32
        %mul3A_1449 = arith.muli %add3A_1338, %mul3A_1448 : i32
        %add3A_1450 = arith.addi %mul3A_32, %mul3A_1449 : i32
        %dma_start3A_1451 = arith.constant 0 : i32
        %dma_start3A_1452 = tpu.memref_slice %arg4[%select_n3A, %add3A_1450, %dma_start3A_1451] : memref<8x2048x512xf32, #tpu.memory_space<hbm>> -> memref<1x32x512xf32, #tpu.memory_space<hbm>>
        %dma_start3A_1453 = tpu.memref_squeeze %dma_start3A_1452 : memref<1x32x512xf32, #tpu.memory_space<hbm>> -> memref<32x512xf32, #tpu.memory_space<hbm>>
        %dma_start3A_1454 = arith.constant 0 : i32
        %dma_start3A_1455 = tpu.memref_slice %arg4[%select_n3A, %add3A_1450, %dma_start3A_1454] : memref<8x2048x512xf32, #tpu.memory_space<hbm>> -> memref<1x32x512xf32, #tpu.memory_space<hbm>>
        %dma_start3A_1456 = tpu.memref_squeeze %dma_start3A_1455 : memref<1x32x512xf32, #tpu.memory_space<hbm>> -> memref<32x512xf32, #tpu.memory_space<hbm>>
        tpu.enqueue_dma source(%arg11 : memref<32x512xf32, #tpu.memory_space<vmem>>) target(%dma_start3A_1456 : memref<32x512xf32, #tpu.memory_space<hbm>>) target_semaphore(%arg21 : memref<!tpu.dma_semaphore, #tpu.memory_space<semaphore_mem>>)
      } else {
      }
      %eq3A_1381 = arith.constant 0 : i32
      %eq3A_1382 = arith.cmpi eq, %min3A_1375, %eq3A_1381 : i32
      %convert_element_type3A_1383 = arith.extui %eq3A_1382 : i1 to i32
      %cond3A_1384 = arith.constant 0 : i32
      %cond3A_1385 = arith.cmpi ne, %convert_element_type3A_1383, %cond3A_1384 : i32
      scf.if %cond3A_1385 {
        %mul3A_1437 = arith.constant 32 : i32
        %mul3A_1438 = arith.muli %add3A_1338, %mul3A_1437 : i32
        %add3A_1439 = arith.addi %mul3A_32, %mul3A_1438 : i32
        %dma_start3A_1440 = arith.constant 0 : i32
        %dma_start3A_1441 = tpu.memref_slice %arg4[%select_n3A, %add3A_1439, %dma_start3A_1440] : memref<8x2048x512xf32, #tpu.memory_space<hbm>> -> memref<1x32x512xf32, #tpu.memory_space<hbm>>
        %dma_start3A_1442 = tpu.memref_squeeze %dma_start3A_1441 : memref<1x32x512xf32, #tpu.memory_space<hbm>> -> memref<32x512xf32, #tpu.memory_space<hbm>>
        %dma_start3A_1443 = arith.constant 0 : i32
        %dma_start3A_1444 = tpu.memref_slice %arg4[%select_n3A, %add3A_1439, %dma_start3A_1443] : memref<8x2048x512xf32, #tpu.memory_space<hbm>> -> memref<1x32x512xf32, #tpu.memory_space<hbm>>
        %dma_start3A_1445 = tpu.memref_squeeze %dma_start3A_1444 : memref<1x32x512xf32, #tpu.memory_space<hbm>> -> memref<32x512xf32, #tpu.memory_space<hbm>>
        tpu.enqueue_dma source(%arg13 : memref<32x512xf32, #tpu.memory_space<vmem>>) target(%dma_start3A_1445 : memref<32x512xf32, #tpu.memory_space<hbm>>) target_semaphore(%arg21 : memref<!tpu.dma_semaphore, #tpu.memory_space<semaphore_mem>>)
      } else {
      }
      %mul3A_1386 = arith.constant 4 : i32
      %mul3A_1387 = arith.muli %scan3A_1232, %mul3A_1386 : i32
      %add3A_1388 = arith.constant 3 : i32
      %add3A_1389 = arith.addi %mul3A_1387, %add3A_1388 : i32
      %add3A_1390 = arith.constant 2 : i32
      %add3A_1391 = arith.addi %add3A_1389, %add3A_1390 : i32
      %sub3A_1392 = arith.constant 4 : i32
      %sub3A_1393 = arith.subi %add3A_1391, %sub3A_1392 : i32
      %ge3A_1394 = arith.constant 0 : i32
      %ge3A_1395 = arith.cmpi sge, %sub3A_1393, %ge3A_1394 : i32
      %convert_element_type3A_1396 = arith.extui %ge3A_1395 : i1 to i32
      %cond3A_1397 = arith.constant 0 : i32
      %cond3A_1398 = arith.cmpi ne, %convert_element_type3A_1396, %cond3A_1397 : i32
      scf.if %cond3A_1398 {
        %max3A_1437 = arith.constant 0 : i32
        %max3A_1438 = arith.maxsi %sub3A_1393, %max3A_1437 : i32
        %mul3A_1439 = arith.constant 32 : i32
        %mul3A_1440 = arith.muli %max3A_1438, %mul3A_1439 : i32
        %add3A_1441 = arith.addi %mul3A_32, %mul3A_1440 : i32
        %dma_wait3A_1442 = arith.constant 0 : i32
        %dma_wait3A_1443 = tpu.memref_slice %arg4[%select_n3A, %add3A_1441, %dma_wait3A_1442] : memref<8x2048x512xf32, #tpu.memory_space<hbm>> -> memref<1x32x512xf32, #tpu.memory_space<hbm>>
        %dma_wait3A_1444 = tpu.memref_squeeze %dma_wait3A_1443 : memref<1x32x512xf32, #tpu.memory_space<hbm>> -> memref<32x512xf32, #tpu.memory_space<hbm>>
        %dma_wait3A_1445 = arith.constant 0 : i32
        %dma_wait3A_1446 = tpu.memref_slice %arg4[%select_n3A, %add3A_1441, %dma_wait3A_1445] : memref<8x2048x512xf32, #tpu.memory_space<hbm>> -> memref<1x32x512xf32, #tpu.memory_space<hbm>>
        %dma_wait3A_1447 = tpu.memref_squeeze %dma_wait3A_1446 : memref<1x32x512xf32, #tpu.memory_space<hbm>> -> memref<32x512xf32, #tpu.memory_space<hbm>>
        tpu.wait_dma2 semaphore(%arg20 : memref<!tpu.dma_semaphore, #tpu.memory_space<semaphore_mem>>) src(%arg10 : memref<32x512xf32, #tpu.memory_space<vmem>>) dst(%dma_wait3A_1447 : memref<32x512xf32, #tpu.memory_space<hbm>>)
      } else {
      }
      %add3A_1399 = arith.constant 2 : i32
      %add3A_1400 = arith.addi %add3A_1389, %add3A_1399 : i32
      %lt3A_1401 = arith.constant 16 : i32
      %lt3A_1402 = arith.cmpi slt, %add3A_1400, %lt3A_1401 : i32
      %add3A_1403 = arith.constant 2 : i32
      %add3A_1404 = arith.addi %add3A_1389, %add3A_1403 : i32
      %mul3A_1405 = arith.constant 32 : i32
      %mul3A_1406 = arith.muli %add3A_1404, %mul3A_1405 : i32
      %add3A_1407 = arith.addi %mul3A_32, %mul3A_1406 : i32
      %sub3A_1408 = arith.subi %add3A_1151, %add3A_1407 : i32
      %jit3A_1409 = arith.constant 0 : i32
      %jit3A_1410 = arith.constant 32 : i32
      %max3A_1411 = arith.maxsi %jit3A_1409, %sub3A_1408 : i32
      %min3A_1412 = arith.minsi %jit3A_1410, %max3A_1411 : i32
      %gt3A_1413 = arith.constant 0 : i32
      %gt3A_1414 = arith.cmpi sgt, %min3A_1412, %gt3A_1413 : i32
      %and3A_1415 = arith.andi %lt3A_1402, %gt3A_1414 : i1
      %convert_element_type3A_1416 = arith.extui %and3A_1415 : i1 to i32
      %cond3A_1417 = arith.constant 0 : i32
      %cond3A_1418 = arith.cmpi ne, %convert_element_type3A_1416, %cond3A_1417 : i32
      scf.if %cond3A_1418 {
        %add3A_1437 = arith.constant 2 : i32
        %add3A_1438 = arith.addi %add3A_1389, %add3A_1437 : i32
        %min3A_1439 = arith.constant 15 : i32
        %min3A_1440 = arith.minsi %add3A_1438, %min3A_1439 : i32
        %dma_start3A_1441 = arith.constant 0 : i32
        %dma_start3A_1442 = tpu.memref_slice %arg8[%min3A_1440, %dma_start3A_1441] : memref<16x32xi32, #tpu.memory_space<vmem>> -> memref<1x32xi32, #tpu.memory_space<vmem>>
        %dma_start3A_1443 = tpu.memref_squeeze %dma_start3A_1442 : memref<1x32xi32, #tpu.memory_space<vmem>> -> memref<32xi32, #tpu.memory_space<vmem>>
        %dma_start3A_1444 = arith.constant 0 : i32
        %dma_start3A_1445 = arith.constant 0 : i32
        %dma_start3A_1446 = tpu.memref_slice %arg2[%dma_start3A_1444, %dma_start3A_1445] : memref<4096x512xf32, #tpu.memory_space<hbm>> -> memref<4096x512xf32, #tpu.memory_space<hbm>>
        tpu.enqueue_indirect_dma source(%dma_start3A_1446 : memref<4096x512xf32, #tpu.memory_space<hbm>>) target(%arg10 : memref<32x512xf32, #tpu.memory_space<vmem>>) offsets(%dma_start3A_1443 : memref<32xi32, #tpu.memory_space<vmem>>) semaphore(%arg16 : memref<!tpu.dma_semaphore, #tpu.memory_space<semaphore_mem>>)
      } else {
      }
      %mul3A_1419 = arith.constant 32 : i32
      %mul3A_1420 = arith.muli %add3A_1389, %mul3A_1419 : i32
      %add3A_1421 = arith.addi %mul3A_32, %mul3A_1420 : i32
      %sub3A_1422 = arith.subi %add3A_1151, %add3A_1421 : i32
      %jit3A_1423 = arith.constant 0 : i32
      %jit3A_1424 = arith.constant 32 : i32
      %max3A_1425 = arith.maxsi %jit3A_1423, %sub3A_1422 : i32
      %min3A_1426 = arith.minsi %jit3A_1424, %max3A_1425 : i32
      %gt3A_1427 = arith.constant 0 : i32
      %gt3A_1428 = arith.cmpi sgt, %min3A_1426, %gt3A_1427 : i32
      %convert_element_type3A_1429 = arith.extui %gt3A_1428 : i1 to i32
      %cond3A_1430 = arith.constant 0 : i32
      %cond3A_1431 = arith.cmpi ne, %convert_element_type3A_1429, %cond3A_1430 : i32
      scf.if %cond3A_1431 {
        %dma_wait3A_1437 = arith.constant 0 : i32
        %dma_wait3A_1438 = tpu.memref_slice %arg8[%add3A_1389, %dma_wait3A_1437] : memref<16x32xi32, #tpu.memory_space<vmem>> -> memref<1x32xi32, #tpu.memory_space<vmem>>
        %dma_wait3A_1439 = tpu.memref_squeeze %dma_wait3A_1438 : memref<1x32xi32, #tpu.memory_space<vmem>> -> memref<32xi32, #tpu.memory_space<vmem>>
        %dma_wait3A_1440 = arith.constant 0 : i32
        %dma_wait3A_1441 = arith.constant 0 : i32
        %dma_wait3A_1442 = tpu.memref_slice %arg2[%dma_wait3A_1440, %dma_wait3A_1441] : memref<4096x512xf32, #tpu.memory_space<hbm>> -> memref<4096x512xf32, #tpu.memory_space<hbm>>
        tpu.wait_indirect_dma semaphore(%arg18 : memref<!tpu.dma_semaphore, #tpu.memory_space<semaphore_mem>>) src(%dma_wait3A_1442 : memref<4096x512xf32, #tpu.memory_space<hbm>>) dst(%arg12 : memref<32x512xf32, #tpu.memory_space<vmem>>)
        %lt3A_1443 = arith.constant 32 : i32
        %lt3A_1444 = arith.cmpi slt, %min3A_1426, %lt3A_1443 : i32
        %convert_element_type3A_1445 = arith.extui %lt3A_1444 : i1 to i32
        %cond3A_1446 = arith.constant 0 : i32
        %cond3A_1447 = arith.cmpi ne, %convert_element_type3A_1445, %cond3A_1446 : i32
        scf.if %cond3A_1447 {
          %while3A = arith.constant 0 : i32
          %while3A_1457 = arith.constant 32 : i32
          %while3A_1458 = arith.subi %while3A_1457, %min3A_1426 : i32
          %while3A_1459 = arith.addi %min3A_1426, %while3A_1458 : i32
          %while3A_1460 = arith.constant 1 : i32
          %while3A_1461 = arith.divsi %while3A_1458, %while3A_1460 : i32
          %while3A_1462 = arith.muli %while3A_1461, %while3A_1460 : i32
          %while3A_1463 = arith.addi %min3A_1426, %while3A_1462 : i32
          %while3A_1464 = arith.constant 1 : i32
          scf.for %while3A_1466 = %min3A_1426 to %while3A_1463 step %while3A_1464  : i32 {
            %swap3A = arith.index_cast %while3A_1466 : i32 to index
            %swap3A_1467 = arith.constant 0 : index
            %swap3A_1468 = tpu.vector_load %arg12[%swap3A, %swap3A_1467] {strides = array<i32>} : memref<32x512xf32, #tpu.memory_space<vmem>>, vector<16xf32>,
            tpu.vector_store %arg12[%swap3A, %swap3A_1467], %broadcast_in_dim3A_40 {strides = array<i32>} : memref<32x512xf32, #tpu.memory_space<vmem>>, vector<16xf32>,
            %swap3A_1469 = arith.index_cast %while3A_1466 : i32 to index
            %swap3A_1470 = arith.constant 16 : index
            %swap3A_1471 = tpu.vector_load %arg12[%swap3A_1469, %swap3A_1470] {strides = array<i32>} : memref<32x512xf32, #tpu.memory_space<vmem>>, vector<16xf32>,
            tpu.vector_store %arg12[%swap3A_1469, %swap3A_1470], %broadcast_in_dim3A_40 {strides = array<i32>} : memref<32x512xf32, #tpu.memory_space<vmem>>, vector<16xf32>,
            %swap3A_1472 = arith.index_cast %while3A_1466 : i32 to index
            %swap3A_1473 = arith.constant 32 : index
            %swap3A_1474 = tpu.vector_load %arg12[%swap3A_1472, %swap3A_1473] {strides = array<i32>} : memref<32x512xf32, #tpu.memory_space<vmem>>, vector<16xf32>,
            tpu.vector_store %arg12[%swap3A_1472, %swap3A_1473], %broadcast_in_dim3A_40 {strides = array<i32>} : memref<32x512xf32, #tpu.memory_space<vmem>>, vector<16xf32>,
            %swap3A_1475 = arith.index_cast %while3A_1466 : i32 to index
            %swap3A_1476 = arith.constant 48 : index
            %swap3A_1477 = tpu.vector_load %arg12[%swap3A_1475, %swap3A_1476] {strides = array<i32>} : memref<32x512xf32, #tpu.memory_space<vmem>>, vector<16xf32>,
            tpu.vector_store %arg12[%swap3A_1475, %swap3A_1476], %broadcast_in_dim3A_40 {strides = array<i32>} : memref<32x512xf32, #tpu.memory_space<vmem>>, vector<16xf32>,
            %swap3A_1478 = arith.index_cast %while3A_1466 : i32 to index
            %swap3A_1479 = arith.constant 64 : index
            %swap3A_1480 = tpu.vector_load %arg12[%swap3A_1478, %swap3A_1479] {strides = array<i32>} : memref<32x512xf32, #tpu.memory_space<vmem>>, vector<16xf32>,
            tpu.vector_store %arg12[%swap3A_1478, %swap3A_1479], %broadcast_in_dim3A_40 {strides = array<i32>} : memref<32x512xf32, #tpu.memory_space<vmem>>, vector<16xf32>,
            %swap3A_1481 = arith.index_cast %while3A_1466 : i32 to index
            %swap3A_1482 = arith.constant 80 : index
            %swap3A_1483 = tpu.vector_load %arg12[%swap3A_1481, %swap3A_1482] {strides = array<i32>} : memref<32x512xf32, #tpu.memory_space<vmem>>, vector<16xf32>,
            tpu.vector_store %arg12[%swap3A_1481, %swap3A_1482], %broadcast_in_dim3A_40 {strides = array<i32>} : memref<32x512xf32, #tpu.memory_space<vmem>>, vector<16xf32>,
            %swap3A_1484 = arith.index_cast %while3A_1466 : i32 to index
            %swap3A_1485 = arith.constant 96 : index
            %swap3A_1486 = tpu.vector_load %arg12[%swap3A_1484, %swap3A_1485] {strides = array<i32>} : memref<32x512xf32, #tpu.memory_space<vmem>>, vector<16xf32>,
            tpu.vector_store %arg12[%swap3A_1484, %swap3A_1485], %broadcast_in_dim3A_40 {strides = array<i32>} : memref<32x512xf32, #tpu.memory_space<vmem>>, vector<16xf32>,
            %swap3A_1487 = arith.index_cast %while3A_1466 : i32 to index
            %swap3A_1488 = arith.constant 112 : index
            %swap3A_1489 = tpu.vector_load %arg12[%swap3A_1487, %swap3A_1488] {strides = array<i32>} : memref<32x512xf32, #tpu.memory_space<vmem>>, vector<16xf32>,
            tpu.vector_store %arg12[%swap3A_1487, %swap3A_1488], %broadcast_in_dim3A_40 {strides = array<i32>} : memref<32x512xf32, #tpu.memory_space<vmem>>, vector<16xf32>,
            %swap3A_1490 = arith.index_cast %while3A_1466 : i32 to index
            %swap3A_1491 = arith.constant 128 : index
            %swap3A_1492 = tpu.vector_load %arg12[%swap3A_1490, %swap3A_1491] {strides = array<i32>} : memref<32x512xf32, #tpu.memory_space<vmem>>, vector<16xf32>,
            tpu.vector_store %arg12[%swap3A_1490, %swap3A_1491], %broadcast_in_dim3A_40 {strides = array<i32>} : memref<32x512xf32, #tpu.memory_space<vmem>>, vector<16xf32>,
            %swap3A_1493 = arith.index_cast %while3A_1466 : i32 to index
            %swap3A_1494 = arith.constant 144 : index
            %swap3A_1495 = tpu.vector_load %arg12[%swap3A_1493, %swap3A_1494] {strides = array<i32>} : memref<32x512xf32, #tpu.memory_space<vmem>>, vector<16xf32>,
            tpu.vector_store %arg12[%swap3A_1493, %swap3A_1494], %broadcast_in_dim3A_40 {strides = array<i32>} : memref<32x512xf32, #tpu.memory_space<vmem>>, vector<16xf32>,
            %swap3A_1496 = arith.index_cast %while3A_1466 : i32 to index
            %swap3A_1497 = arith.constant 160 : index
            %swap3A_1498 = tpu.vector_load %arg12[%swap3A_1496, %swap3A_1497] {strides = array<i32>} : memref<32x512xf32, #tpu.memory_space<vmem>>, vector<16xf32>,
            tpu.vector_store %arg12[%swap3A_1496, %swap3A_1497], %broadcast_in_dim3A_40 {strides = array<i32>} : memref<32x512xf32, #tpu.memory_space<vmem>>, vector<16xf32>,
            %swap3A_1499 = arith.index_cast %while3A_1466 : i32 to index
            %swap3A_1500 = arith.constant 176 : index
            %swap3A_1501 = tpu.vector_load %arg12[%swap3A_1499, %swap3A_1500] {strides = array<i32>} : memref<32x512xf32, #tpu.memory_space<vmem>>, vector<16xf32>,
            tpu.vector_store %arg12[%swap3A_1499, %swap3A_1500], %broadcast_in_dim3A_40 {strides = array<i32>} : memref<32x512xf32, #tpu.memory_space<vmem>>, vector<16xf32>,
            %swap3A_1502 = arith.index_cast %while3A_1466 : i32 to index
            %swap3A_1503 = arith.constant 192 : index
            %swap3A_1504 = tpu.vector_load %arg12[%swap3A_1502, %swap3A_1503] {strides = array<i32>} : memref<32x512xf32, #tpu.memory_space<vmem>>, vector<16xf32>,
            tpu.vector_store %arg12[%swap3A_1502, %swap3A_1503], %broadcast_in_dim3A_40 {strides = array<i32>} : memref<32x512xf32, #tpu.memory_space<vmem>>, vector<16xf32>,
            %swap3A_1505 = arith.index_cast %while3A_1466 : i32 to index
            %swap3A_1506 = arith.constant 208 : index
            %swap3A_1507 = tpu.vector_load %arg12[%swap3A_1505, %swap3A_1506] {strides = array<i32>} : memref<32x512xf32, #tpu.memory_space<vmem>>, vector<16xf32>,
            tpu.vector_store %arg12[%swap3A_1505, %swap3A_1506], %broadcast_in_dim3A_40 {strides = array<i32>} : memref<32x512xf32, #tpu.memory_space<vmem>>, vector<16xf32>,
            %swap3A_1508 = arith.index_cast %while3A_1466 : i32 to index
            %swap3A_1509 = arith.constant 224 : index
            %swap3A_1510 = tpu.vector_load %arg12[%swap3A_1508, %swap3A_1509] {strides = array<i32>} : memref<32x512xf32, #tpu.memory_space<vmem>>, vector<16xf32>,
            tpu.vector_store %arg12[%swap3A_1508, %swap3A_1509], %broadcast_in_dim3A_40 {strides = array<i32>} : memref<32x512xf32, #tpu.memory_space<vmem>>, vector<16xf32>,
            %swap3A_1511 = arith.index_cast %while3A_1466 : i32 to index
            %swap3A_1512 = arith.constant 240 : index
            %swap3A_1513 = tpu.vector_load %arg12[%swap3A_1511, %swap3A_1512] {strides = array<i32>} : memref<32x512xf32, #tpu.memory_space<vmem>>, vector<16xf32>,
            tpu.vector_store %arg12[%swap3A_1511, %swap3A_1512], %broadcast_in_dim3A_40 {strides = array<i32>} : memref<32x512xf32, #tpu.memory_space<vmem>>, vector<16xf32>,
            %swap3A_1514 = arith.index_cast %while3A_1466 : i32 to index
            %swap3A_1515 = arith.constant 256 : index
            %swap3A_1516 = tpu.vector_load %arg12[%swap3A_1514, %swap3A_1515] {strides = array<i32>} : memref<32x512xf32, #tpu.memory_space<vmem>>, vector<16xf32>,
            tpu.vector_store %arg12[%swap3A_1514, %swap3A_1515], %broadcast_in_dim3A_40 {strides = array<i32>} : memref<32x512xf32, #tpu.memory_space<vmem>>, vector<16xf32>,
            %swap3A_1517 = arith.index_cast %while3A_1466 : i32 to index
            %swap3A_1518 = arith.constant 272 : index
            %swap3A_1519 = tpu.vector_load %arg12[%swap3A_1517, %swap3A_1518] {strides = array<i32>} : memref<32x512xf32, #tpu.memory_space<vmem>>, vector<16xf32>,
            tpu.vector_store %arg12[%swap3A_1517, %swap3A_1518], %broadcast_in_dim3A_40 {strides = array<i32>} : memref<32x512xf32, #tpu.memory_space<vmem>>, vector<16xf32>,
            %swap3A_1520 = arith.index_cast %while3A_1466 : i32 to index
            %swap3A_1521 = arith.constant 288 : index
            %swap3A_1522 = tpu.vector_load %arg12[%swap3A_1520, %swap3A_1521] {strides = array<i32>} : memref<32x512xf32, #tpu.memory_space<vmem>>, vector<16xf32>,
            tpu.vector_store %arg12[%swap3A_1520, %swap3A_1521], %broadcast_in_dim3A_40 {strides = array<i32>} : memref<32x512xf32, #tpu.memory_space<vmem>>, vector<16xf32>,
            %swap3A_1523 = arith.index_cast %while3A_1466 : i32 to index
            %swap3A_1524 = arith.constant 304 : index
            %swap3A_1525 = tpu.vector_load %arg12[%swap3A_1523, %swap3A_1524] {strides = array<i32>} : memref<32x512xf32, #tpu.memory_space<vmem>>, vector<16xf32>,
            tpu.vector_store %arg12[%swap3A_1523, %swap3A_1524], %broadcast_in_dim3A_40 {strides = array<i32>} : memref<32x512xf32, #tpu.memory_space<vmem>>, vector<16xf32>,
            %swap3A_1526 = arith.index_cast %while3A_1466 : i32 to index
            %swap3A_1527 = arith.constant 320 : index
            %swap3A_1528 = tpu.vector_load %arg12[%swap3A_1526, %swap3A_1527] {strides = array<i32>} : memref<32x512xf32, #tpu.memory_space<vmem>>, vector<16xf32>,
            tpu.vector_store %arg12[%swap3A_1526, %swap3A_1527], %broadcast_in_dim3A_40 {strides = array<i32>} : memref<32x512xf32, #tpu.memory_space<vmem>>, vector<16xf32>,
            %swap3A_1529 = arith.index_cast %while3A_1466 : i32 to index
            %swap3A_1530 = arith.constant 336 : index
            %swap3A_1531 = tpu.vector_load %arg12[%swap3A_1529, %swap3A_1530] {strides = array<i32>} : memref<32x512xf32, #tpu.memory_space<vmem>>, vector<16xf32>,
            tpu.vector_store %arg12[%swap3A_1529, %swap3A_1530], %broadcast_in_dim3A_40 {strides = array<i32>} : memref<32x512xf32, #tpu.memory_space<vmem>>, vector<16xf32>,
            %swap3A_1532 = arith.index_cast %while3A_1466 : i32 to index
            %swap3A_1533 = arith.constant 352 : index
            %swap3A_1534 = tpu.vector_load %arg12[%swap3A_1532, %swap3A_1533] {strides = array<i32>} : memref<32x512xf32, #tpu.memory_space<vmem>>, vector<16xf32>,
            tpu.vector_store %arg12[%swap3A_1532, %swap3A_1533], %broadcast_in_dim3A_40 {strides = array<i32>} : memref<32x512xf32, #tpu.memory_space<vmem>>, vector<16xf32>,
            %swap3A_1535 = arith.index_cast %while3A_1466 : i32 to index
            %swap3A_1536 = arith.constant 368 : index
            %swap3A_1537 = tpu.vector_load %arg12[%swap3A_1535, %swap3A_1536] {strides = array<i32>} : memref<32x512xf32, #tpu.memory_space<vmem>>, vector<16xf32>,
            tpu.vector_store %arg12[%swap3A_1535, %swap3A_1536], %broadcast_in_dim3A_40 {strides = array<i32>} : memref<32x512xf32, #tpu.memory_space<vmem>>, vector<16xf32>,
            %swap3A_1538 = arith.index_cast %while3A_1466 : i32 to index
            %swap3A_1539 = arith.constant 384 : index
            %swap3A_1540 = tpu.vector_load %arg12[%swap3A_1538, %swap3A_1539] {strides = array<i32>} : memref<32x512xf32, #tpu.memory_space<vmem>>, vector<16xf32>,
            tpu.vector_store %arg12[%swap3A_1538, %swap3A_1539], %broadcast_in_dim3A_40 {strides = array<i32>} : memref<32x512xf32, #tpu.memory_space<vmem>>, vector<16xf32>,
            %swap3A_1541 = arith.index_cast %while3A_1466 : i32 to index
            %swap3A_1542 = arith.constant 400 : index
            %swap3A_1543 = tpu.vector_load %arg12[%swap3A_1541, %swap3A_1542] {strides = array<i32>} : memref<32x512xf32, #tpu.memory_space<vmem>>, vector<16xf32>,
            tpu.vector_store %arg12[%swap3A_1541, %swap3A_1542], %broadcast_in_dim3A_40 {strides = array<i32>} : memref<32x512xf32, #tpu.memory_space<vmem>>, vector<16xf32>,
            %swap3A_1544 = arith.index_cast %while3A_1466 : i32 to index
            %swap3A_1545 = arith.constant 416 : index
            %swap3A_1546 = tpu.vector_load %arg12[%swap3A_1544, %swap3A_1545] {strides = array<i32>} : memref<32x512xf32, #tpu.memory_space<vmem>>, vector<16xf32>,
            tpu.vector_store %arg12[%swap3A_1544, %swap3A_1545], %broadcast_in_dim3A_40 {strides = array<i32>} : memref<32x512xf32, #tpu.memory_space<vmem>>, vector<16xf32>,
            %swap3A_1547 = arith.index_cast %while3A_1466 : i32 to index
            %swap3A_1548 = arith.constant 432 : index
            %swap3A_1549 = tpu.vector_load %arg12[%swap3A_1547, %swap3A_1548] {strides = array<i32>} : memref<32x512xf32, #tpu.memory_space<vmem>>, vector<16xf32>,
            tpu.vector_store %arg12[%swap3A_1547, %swap3A_1548], %broadcast_in_dim3A_40 {strides = array<i32>} : memref<32x512xf32, #tpu.memory_space<vmem>>, vector<16xf32>,
            %swap3A_1550 = arith.index_cast %while3A_1466 : i32 to index
            %swap3A_1551 = arith.constant 448 : index
            %swap3A_1552 = tpu.vector_load %arg12[%swap3A_1550, %swap3A_1551] {strides = array<i32>} : memref<32x512xf32, #tpu.memory_space<vmem>>, vector<16xf32>,
            tpu.vector_store %arg12[%swap3A_1550, %swap3A_1551], %broadcast_in_dim3A_40 {strides = array<i32>} : memref<32x512xf32, #tpu.memory_space<vmem>>, vector<16xf32>,
            %swap3A_1553 = arith.index_cast %while3A_1466 : i32 to index
            %swap3A_1554 = arith.constant 464 : index
            %swap3A_1555 = tpu.vector_load %arg12[%swap3A_1553, %swap3A_1554] {strides = array<i32>} : memref<32x512xf32, #tpu.memory_space<vmem>>, vector<16xf32>,
            tpu.vector_store %arg12[%swap3A_1553, %swap3A_1554], %broadcast_in_dim3A_40 {strides = array<i32>} : memref<32x512xf32, #tpu.memory_space<vmem>>, vector<16xf32>,
            %swap3A_1556 = arith.index_cast %while3A_1466 : i32 to index
            %swap3A_1557 = arith.constant 480 : index
            %swap3A_1558 = tpu.vector_load %arg12[%swap3A_1556, %swap3A_1557] {strides = array<i32>} : memref<32x512xf32, #tpu.memory_space<vmem>>, vector<16xf32>,
            tpu.vector_store %arg12[%swap3A_1556, %swap3A_1557], %broadcast_in_dim3A_40 {strides = array<i32>} : memref<32x512xf32, #tpu.memory_space<vmem>>, vector<16xf32>,
            %swap3A_1559 = arith.index_cast %while3A_1466 : i32 to index
            %swap3A_1560 = arith.constant 496 : index
            %swap3A_1561 = tpu.vector_load %arg12[%swap3A_1559, %swap3A_1560] {strides = array<i32>} : memref<32x512xf32, #tpu.memory_space<vmem>>, vector<16xf32>,
            tpu.vector_store %arg12[%swap3A_1559, %swap3A_1560], %broadcast_in_dim3A_40 {strides = array<i32>} : memref<32x512xf32, #tpu.memory_space<vmem>>, vector<16xf32>,
          }
          %while3A_1465 = arith.constant 1 : i32
          scf.for %while3A_1466 = %while3A_1463 to %while3A_1459 step %while3A_1465  : i32 {
            %swap3A = arith.index_cast %while3A_1466 : i32 to index
            %swap3A_1467 = arith.constant 0 : index
            %swap3A_1468 = tpu.vector_load %arg12[%swap3A, %swap3A_1467] {strides = array<i32>} : memref<32x512xf32, #tpu.memory_space<vmem>>, vector<16xf32>,
            tpu.vector_store %arg12[%swap3A, %swap3A_1467], %broadcast_in_dim3A_40 {strides = array<i32>} : memref<32x512xf32, #tpu.memory_space<vmem>>, vector<16xf32>,
            %swap3A_1469 = arith.index_cast %while3A_1466 : i32 to index
            %swap3A_1470 = arith.constant 16 : index
            %swap3A_1471 = tpu.vector_load %arg12[%swap3A_1469, %swap3A_1470] {strides = array<i32>} : memref<32x512xf32, #tpu.memory_space<vmem>>, vector<16xf32>,
            tpu.vector_store %arg12[%swap3A_1469, %swap3A_1470], %broadcast_in_dim3A_40 {strides = array<i32>} : memref<32x512xf32, #tpu.memory_space<vmem>>, vector<16xf32>,
            %swap3A_1472 = arith.index_cast %while3A_1466 : i32 to index
            %swap3A_1473 = arith.constant 32 : index
            %swap3A_1474 = tpu.vector_load %arg12[%swap3A_1472, %swap3A_1473] {strides = array<i32>} : memref<32x512xf32, #tpu.memory_space<vmem>>, vector<16xf32>,
            tpu.vector_store %arg12[%swap3A_1472, %swap3A_1473], %broadcast_in_dim3A_40 {strides = array<i32>} : memref<32x512xf32, #tpu.memory_space<vmem>>, vector<16xf32>,
            %swap3A_1475 = arith.index_cast %while3A_1466 : i32 to index
            %swap3A_1476 = arith.constant 48 : index
            %swap3A_1477 = tpu.vector_load %arg12[%swap3A_1475, %swap3A_1476] {strides = array<i32>} : memref<32x512xf32, #tpu.memory_space<vmem>>, vector<16xf32>,
            tpu.vector_store %arg12[%swap3A_1475, %swap3A_1476], %broadcast_in_dim3A_40 {strides = array<i32>} : memref<32x512xf32, #tpu.memory_space<vmem>>, vector<16xf32>,
            %swap3A_1478 = arith.index_cast %while3A_1466 : i32 to index
            %swap3A_1479 = arith.constant 64 : index
            %swap3A_1480 = tpu.vector_load %arg12[%swap3A_1478, %swap3A_1479] {strides = array<i32>} : memref<32x512xf32, #tpu.memory_space<vmem>>, vector<16xf32>,
            tpu.vector_store %arg12[%swap3A_1478, %swap3A_1479], %broadcast_in_dim3A_40 {strides = array<i32>} : memref<32x512xf32, #tpu.memory_space<vmem>>, vector<16xf32>,
            %swap3A_1481 = arith.index_cast %while3A_1466 : i32 to index
            %swap3A_1482 = arith.constant 80 : index
            %swap3A_1483 = tpu.vector_load %arg12[%swap3A_1481, %swap3A_1482] {strides = array<i32>} : memref<32x512xf32, #tpu.memory_space<vmem>>, vector<16xf32>,
            tpu.vector_store %arg12[%swap3A_1481, %swap3A_1482], %broadcast_in_dim3A_40 {strides = array<i32>} : memref<32x512xf32, #tpu.memory_space<vmem>>, vector<16xf32>,
            %swap3A_1484 = arith.index_cast %while3A_1466 : i32 to index
            %swap3A_1485 = arith.constant 96 : index
            %swap3A_1486 = tpu.vector_load %arg12[%swap3A_1484, %swap3A_1485] {strides = array<i32>} : memref<32x512xf32, #tpu.memory_space<vmem>>, vector<16xf32>,
            tpu.vector_store %arg12[%swap3A_1484, %swap3A_1485], %broadcast_in_dim3A_40 {strides = array<i32>} : memref<32x512xf32, #tpu.memory_space<vmem>>, vector<16xf32>,
            %swap3A_1487 = arith.index_cast %while3A_1466 : i32 to index
            %swap3A_1488 = arith.constant 112 : index
            %swap3A_1489 = tpu.vector_load %arg12[%swap3A_1487, %swap3A_1488] {strides = array<i32>} : memref<32x512xf32, #tpu.memory_space<vmem>>, vector<16xf32>,
            tpu.vector_store %arg12[%swap3A_1487, %swap3A_1488], %broadcast_in_dim3A_40 {strides = array<i32>} : memref<32x512xf32, #tpu.memory_space<vmem>>, vector<16xf32>,
            %swap3A_1490 = arith.index_cast %while3A_1466 : i32 to index
            %swap3A_1491 = arith.constant 128 : index
            %swap3A_1492 = tpu.vector_load %arg12[%swap3A_1490, %swap3A_1491] {strides = array<i32>} : memref<32x512xf32, #tpu.memory_space<vmem>>, vector<16xf32>,
            tpu.vector_store %arg12[%swap3A_1490, %swap3A_1491], %broadcast_in_dim3A_40 {strides = array<i32>} : memref<32x512xf32, #tpu.memory_space<vmem>>, vector<16xf32>,
            %swap3A_1493 = arith.index_cast %while3A_1466 : i32 to index
            %swap3A_1494 = arith.constant 144 : index
            %swap3A_1495 = tpu.vector_load %arg12[%swap3A_1493, %swap3A_1494] {strides = array<i32>} : memref<32x512xf32, #tpu.memory_space<vmem>>, vector<16xf32>,
            tpu.vector_store %arg12[%swap3A_1493, %swap3A_1494], %broadcast_in_dim3A_40 {strides = array<i32>} : memref<32x512xf32, #tpu.memory_space<vmem>>, vector<16xf32>,
            %swap3A_1496 = arith.index_cast %while3A_1466 : i32 to index
            %swap3A_1497 = arith.constant 160 : index
            %swap3A_1498 = tpu.vector_load %arg12[%swap3A_1496, %swap3A_1497] {strides = array<i32>} : memref<32x512xf32, #tpu.memory_space<vmem>>, vector<16xf32>,
            tpu.vector_store %arg12[%swap3A_1496, %swap3A_1497], %broadcast_in_dim3A_40 {strides = array<i32>} : memref<32x512xf32, #tpu.memory_space<vmem>>, vector<16xf32>,
            %swap3A_1499 = arith.index_cast %while3A_1466 : i32 to index
            %swap3A_1500 = arith.constant 176 : index
            %swap3A_1501 = tpu.vector_load %arg12[%swap3A_1499, %swap3A_1500] {strides = array<i32>} : memref<32x512xf32, #tpu.memory_space<vmem>>, vector<16xf32>,
            tpu.vector_store %arg12[%swap3A_1499, %swap3A_1500], %broadcast_in_dim3A_40 {strides = array<i32>} : memref<32x512xf32, #tpu.memory_space<vmem>>, vector<16xf32>,
            %swap3A_1502 = arith.index_cast %while3A_1466 : i32 to index
            %swap3A_1503 = arith.constant 192 : index
            %swap3A_1504 = tpu.vector_load %arg12[%swap3A_1502, %swap3A_1503] {strides = array<i32>} : memref<32x512xf32, #tpu.memory_space<vmem>>, vector<16xf32>,
            tpu.vector_store %arg12[%swap3A_1502, %swap3A_1503], %broadcast_in_dim3A_40 {strides = array<i32>} : memref<32x512xf32, #tpu.memory_space<vmem>>, vector<16xf32>,
            %swap3A_1505 = arith.index_cast %while3A_1466 : i32 to index
            %swap3A_1506 = arith.constant 208 : index
            %swap3A_1507 = tpu.vector_load %arg12[%swap3A_1505, %swap3A_1506] {strides = array<i32>} : memref<32x512xf32, #tpu.memory_space<vmem>>, vector<16xf32>,
            tpu.vector_store %arg12[%swap3A_1505, %swap3A_1506], %broadcast_in_dim3A_40 {strides = array<i32>} : memref<32x512xf32, #tpu.memory_space<vmem>>, vector<16xf32>,
            %swap3A_1508 = arith.index_cast %while3A_1466 : i32 to index
            %swap3A_1509 = arith.constant 224 : index
            %swap3A_1510 = tpu.vector_load %arg12[%swap3A_1508, %swap3A_1509] {strides = array<i32>} : memref<32x512xf32, #tpu.memory_space<vmem>>, vector<16xf32>,
            tpu.vector_store %arg12[%swap3A_1508, %swap3A_1509], %broadcast_in_dim3A_40 {strides = array<i32>} : memref<32x512xf32, #tpu.memory_space<vmem>>, vector<16xf32>,
            %swap3A_1511 = arith.index_cast %while3A_1466 : i32 to index
            %swap3A_1512 = arith.constant 240 : index
            %swap3A_1513 = tpu.vector_load %arg12[%swap3A_1511, %swap3A_1512] {strides = array<i32>} : memref<32x512xf32, #tpu.memory_space<vmem>>, vector<16xf32>,
            tpu.vector_store %arg12[%swap3A_1511, %swap3A_1512], %broadcast_in_dim3A_40 {strides = array<i32>} : memref<32x512xf32, #tpu.memory_space<vmem>>, vector<16xf32>,
            %swap3A_1514 = arith.index_cast %while3A_1466 : i32 to index
            %swap3A_1515 = arith.constant 256 : index
            %swap3A_1516 = tpu.vector_load %arg12[%swap3A_1514, %swap3A_1515] {strides = array<i32>} : memref<32x512xf32, #tpu.memory_space<vmem>>, vector<16xf32>,
            tpu.vector_store %arg12[%swap3A_1514, %swap3A_1515], %broadcast_in_dim3A_40 {strides = array<i32>} : memref<32x512xf32, #tpu.memory_space<vmem>>, vector<16xf32>,
            %swap3A_1517 = arith.index_cast %while3A_1466 : i32 to index
            %swap3A_1518 = arith.constant 272 : index
            %swap3A_1519 = tpu.vector_load %arg12[%swap3A_1517, %swap3A_1518] {strides = array<i32>} : memref<32x512xf32, #tpu.memory_space<vmem>>, vector<16xf32>,
            tpu.vector_store %arg12[%swap3A_1517, %swap3A_1518], %broadcast_in_dim3A_40 {strides = array<i32>} : memref<32x512xf32, #tpu.memory_space<vmem>>, vector<16xf32>,
            %swap3A_1520 = arith.index_cast %while3A_1466 : i32 to index
            %swap3A_1521 = arith.constant 288 : index
            %swap3A_1522 = tpu.vector_load %arg12[%swap3A_1520, %swap3A_1521] {strides = array<i32>} : memref<32x512xf32, #tpu.memory_space<vmem>>, vector<16xf32>,
            tpu.vector_store %arg12[%swap3A_1520, %swap3A_1521], %broadcast_in_dim3A_40 {strides = array<i32>} : memref<32x512xf32, #tpu.memory_space<vmem>>, vector<16xf32>,
            %swap3A_1523 = arith.index_cast %while3A_1466 : i32 to index
            %swap3A_1524 = arith.constant 304 : index
            %swap3A_1525 = tpu.vector_load %arg12[%swap3A_1523, %swap3A_1524] {strides = array<i32>} : memref<32x512xf32, #tpu.memory_space<vmem>>, vector<16xf32>,
            tpu.vector_store %arg12[%swap3A_1523, %swap3A_1524], %broadcast_in_dim3A_40 {strides = array<i32>} : memref<32x512xf32, #tpu.memory_space<vmem>>, vector<16xf32>,
            %swap3A_1526 = arith.index_cast %while3A_1466 : i32 to index
            %swap3A_1527 = arith.constant 320 : index
            %swap3A_1528 = tpu.vector_load %arg12[%swap3A_1526, %swap3A_1527] {strides = array<i32>} : memref<32x512xf32, #tpu.memory_space<vmem>>, vector<16xf32>,
            tpu.vector_store %arg12[%swap3A_1526, %swap3A_1527], %broadcast_in_dim3A_40 {strides = array<i32>} : memref<32x512xf32, #tpu.memory_space<vmem>>, vector<16xf32>,
            %swap3A_1529 = arith.index_cast %while3A_1466 : i32 to index
            %swap3A_1530 = arith.constant 336 : index
            %swap3A_1531 = tpu.vector_load %arg12[%swap3A_1529, %swap3A_1530] {strides = array<i32>} : memref<32x512xf32, #tpu.memory_space<vmem>>, vector<16xf32>,
            tpu.vector_store %arg12[%swap3A_1529, %swap3A_1530], %broadcast_in_dim3A_40 {strides = array<i32>} : memref<32x512xf32, #tpu.memory_space<vmem>>, vector<16xf32>,
            %swap3A_1532 = arith.index_cast %while3A_1466 : i32 to index
            %swap3A_1533 = arith.constant 352 : index
            %swap3A_1534 = tpu.vector_load %arg12[%swap3A_1532, %swap3A_1533] {strides = array<i32>} : memref<32x512xf32, #tpu.memory_space<vmem>>, vector<16xf32>,
            tpu.vector_store %arg12[%swap3A_1532, %swap3A_1533], %broadcast_in_dim3A_40 {strides = array<i32>} : memref<32x512xf32, #tpu.memory_space<vmem>>, vector<16xf32>,
            %swap3A_1535 = arith.index_cast %while3A_1466 : i32 to index
            %swap3A_1536 = arith.constant 368 : index
            %swap3A_1537 = tpu.vector_load %arg12[%swap3A_1535, %swap3A_1536] {strides = array<i32>} : memref<32x512xf32, #tpu.memory_space<vmem>>, vector<16xf32>,
            tpu.vector_store %arg12[%swap3A_1535, %swap3A_1536], %broadcast_in_dim3A_40 {strides = array<i32>} : memref<32x512xf32, #tpu.memory_space<vmem>>, vector<16xf32>,
            %swap3A_1538 = arith.index_cast %while3A_1466 : i32 to index
            %swap3A_1539 = arith.constant 384 : index
            %swap3A_1540 = tpu.vector_load %arg12[%swap3A_1538, %swap3A_1539] {strides = array<i32>} : memref<32x512xf32, #tpu.memory_space<vmem>>, vector<16xf32>,
            tpu.vector_store %arg12[%swap3A_1538, %swap3A_1539], %broadcast_in_dim3A_40 {strides = array<i32>} : memref<32x512xf32, #tpu.memory_space<vmem>>, vector<16xf32>,
            %swap3A_1541 = arith.index_cast %while3A_1466 : i32 to index
            %swap3A_1542 = arith.constant 400 : index
            %swap3A_1543 = tpu.vector_load %arg12[%swap3A_1541, %swap3A_1542] {strides = array<i32>} : memref<32x512xf32, #tpu.memory_space<vmem>>, vector<16xf32>,
            tpu.vector_store %arg12[%swap3A_1541, %swap3A_1542], %broadcast_in_dim3A_40 {strides = array<i32>} : memref<32x512xf32, #tpu.memory_space<vmem>>, vector<16xf32>,
            %swap3A_1544 = arith.index_cast %while3A_1466 : i32 to index
            %swap3A_1545 = arith.constant 416 : index
            %swap3A_1546 = tpu.vector_load %arg12[%swap3A_1544, %swap3A_1545] {strides = array<i32>} : memref<32x512xf32, #tpu.memory_space<vmem>>, vector<16xf32>,
            tpu.vector_store %arg12[%swap3A_1544, %swap3A_1545], %broadcast_in_dim3A_40 {strides = array<i32>} : memref<32x512xf32, #tpu.memory_space<vmem>>, vector<16xf32>,
            %swap3A_1547 = arith.index_cast %while3A_1466 : i32 to index
            %swap3A_1548 = arith.constant 432 : index
            %swap3A_1549 = tpu.vector_load %arg12[%swap3A_1547, %swap3A_1548] {strides = array<i32>} : memref<32x512xf32, #tpu.memory_space<vmem>>, vector<16xf32>,
            tpu.vector_store %arg12[%swap3A_1547, %swap3A_1548], %broadcast_in_dim3A_40 {strides = array<i32>} : memref<32x512xf32, #tpu.memory_space<vmem>>, vector<16xf32>,
            %swap3A_1550 = arith.index_cast %while3A_1466 : i32 to index
            %swap3A_1551 = arith.constant 448 : index
            %swap3A_1552 = tpu.vector_load %arg12[%swap3A_1550, %swap3A_1551] {strides = array<i32>} : memref<32x512xf32, #tpu.memory_space<vmem>>, vector<16xf32>,
            tpu.vector_store %arg12[%swap3A_1550, %swap3A_1551], %broadcast_in_dim3A_40 {strides = array<i32>} : memref<32x512xf32, #tpu.memory_space<vmem>>, vector<16xf32>,
            %swap3A_1553 = arith.index_cast %while3A_1466 : i32 to index
            %swap3A_1554 = arith.constant 464 : index
            %swap3A_1555 = tpu.vector_load %arg12[%swap3A_1553, %swap3A_1554] {strides = array<i32>} : memref<32x512xf32, #tpu.memory_space<vmem>>, vector<16xf32>,
            tpu.vector_store %arg12[%swap3A_1553, %swap3A_1554], %broadcast_in_dim3A_40 {strides = array<i32>} : memref<32x512xf32, #tpu.memory_space<vmem>>, vector<16xf32>,
            %swap3A_1556 = arith.index_cast %while3A_1466 : i32 to index
            %swap3A_1557 = arith.constant 480 : index
            %swap3A_1558 = tpu.vector_load %arg12[%swap3A_1556, %swap3A_1557] {strides = array<i32>} : memref<32x512xf32, #tpu.memory_space<vmem>>, vector<16xf32>,
            tpu.vector_store %arg12[%swap3A_1556, %swap3A_1557], %broadcast_in_dim3A_40 {strides = array<i32>} : memref<32x512xf32, #tpu.memory_space<vmem>>, vector<16xf32>,
            %swap3A_1559 = arith.index_cast %while3A_1466 : i32 to index
            %swap3A_1560 = arith.constant 496 : index
            %swap3A_1561 = tpu.vector_load %arg12[%swap3A_1559, %swap3A_1560] {strides = array<i32>} : memref<32x512xf32, #tpu.memory_space<vmem>>, vector<16xf32>,
            tpu.vector_store %arg12[%swap3A_1559, %swap3A_1560], %broadcast_in_dim3A_40 {strides = array<i32>} : memref<32x512xf32, #tpu.memory_space<vmem>>, vector<16xf32>,
          }
        } else {
        }
        %mul3A_1448 = arith.constant 32 : i32
        %mul3A_1449 = arith.muli %add3A_1389, %mul3A_1448 : i32
        %add3A_1450 = arith.addi %mul3A_32, %mul3A_1449 : i32
        %dma_start3A_1451 = arith.constant 0 : i32
        %dma_start3A_1452 = tpu.memref_slice %arg4[%select_n3A, %add3A_1450, %dma_start3A_1451] : memref<8x2048x512xf32, #tpu.memory_space<hbm>> -> memref<1x32x512xf32, #tpu.memory_space<hbm>>
        %dma_start3A_1453 = tpu.memref_squeeze %dma_start3A_1452 : memref<1x32x512xf32, #tpu.memory_space<hbm>> -> memref<32x512xf32, #tpu.memory_space<hbm>>
        %dma_start3A_1454 = arith.constant 0 : i32
        %dma_start3A_1455 = tpu.memref_slice %arg4[%select_n3A, %add3A_1450, %dma_start3A_1454] : memref<8x2048x512xf32, #tpu.memory_space<hbm>> -> memref<1x32x512xf32, #tpu.memory_space<hbm>>
        %dma_start3A_1456 = tpu.memref_squeeze %dma_start3A_1455 : memref<1x32x512xf32, #tpu.memory_space<hbm>> -> memref<32x512xf32, #tpu.memory_space<hbm>>
        tpu.enqueue_dma source(%arg12 : memref<32x512xf32, #tpu.memory_space<vmem>>) target(%dma_start3A_1456 : memref<32x512xf32, #tpu.memory_space<hbm>>) target_semaphore(%arg22 : memref<!tpu.dma_semaphore, #tpu.memory_space<semaphore_mem>>)
      } else {
      }
      %eq3A_1432 = arith.constant 0 : i32
      %eq3A_1433 = arith.cmpi eq, %min3A_1426, %eq3A_1432 : i32
      %convert_element_type3A_1434 = arith.extui %eq3A_1433 : i1 to i32
      %cond3A_1435 = arith.constant 0 : i32
      %cond3A_1436 = arith.cmpi ne, %convert_element_type3A_1434, %cond3A_1435 : i32
      scf.if %cond3A_1436 {
        %mul3A_1437 = arith.constant 32 : i32
        %mul3A_1438 = arith.muli %add3A_1389, %mul3A_1437 : i32
        %add3A_1439 = arith.addi %mul3A_32, %mul3A_1438 : i32
        %dma_start3A_1440 = arith.constant 0 : i32
        %dma_start3A_1441 = tpu.memref_slice %arg4[%select_n3A, %add3A_1439, %dma_start3A_1440] : memref<8x2048x512xf32, #tpu.memory_space<hbm>> -> memref<1x32x512xf32, #tpu.memory_space<hbm>>
        %dma_start3A_1442 = tpu.memref_squeeze %dma_start3A_1441 : memref<1x32x512xf32, #tpu.memory_space<hbm>> -> memref<32x512xf32, #tpu.memory_space<hbm>>
        %dma_start3A_1443 = arith.constant 0 : i32
        %dma_start3A_1444 = tpu.memref_slice %arg4[%select_n3A, %add3A_1439, %dma_start3A_1443] : memref<8x2048x512xf32, #tpu.memory_space<hbm>> -> memref<1x32x512xf32, #tpu.memory_space<hbm>>
        %dma_start3A_1445 = tpu.memref_squeeze %dma_start3A_1444 : memref<1x32x512xf32, #tpu.memory_space<hbm>> -> memref<32x512xf32, #tpu.memory_space<hbm>>
        tpu.enqueue_dma source(%arg13 : memref<32x512xf32, #tpu.memory_space<vmem>>) target(%dma_start3A_1445 : memref<32x512xf32, #tpu.memory_space<hbm>>) target_semaphore(%arg22 : memref<!tpu.dma_semaphore, #tpu.memory_space<semaphore_mem>>)
      } else {
      }
    }
    %scan3A_1215 = arith.constant 4 : i32
    %add3A_1216 = arith.constant 448 : i32
    %add3A_1217 = arith.addi %mul3A_32, %add3A_1216 : i32
    %dma_wait3A_1218 = arith.constant 0 : i32
    %dma_wait3A_1219 = tpu.memref_slice %arg4[%select_n3A, %add3A_1217, %dma_wait3A_1218] : memref<8x2048x512xf32, #tpu.memory_space<hbm>> -> memref<1x32x512xf32, #tpu.memory_space<hbm>>
    %dma_wait3A_1220 = tpu.memref_squeeze %dma_wait3A_1219 : memref<1x32x512xf32, #tpu.memory_space<hbm>> -> memref<32x512xf32, #tpu.memory_space<hbm>>
    %dma_wait3A_1221 = arith.constant 0 : i32
    %dma_wait3A_1222 = tpu.memref_slice %arg4[%select_n3A, %add3A_1217, %dma_wait3A_1221] : memref<8x2048x512xf32, #tpu.memory_space<hbm>> -> memref<1x32x512xf32, #tpu.memory_space<hbm>>
    %dma_wait3A_1223 = tpu.memref_squeeze %dma_wait3A_1222 : memref<1x32x512xf32, #tpu.memory_space<hbm>> -> memref<32x512xf32, #tpu.memory_space<hbm>>
    tpu.wait_dma2 semaphore(%arg21 : memref<!tpu.dma_semaphore, #tpu.memory_space<semaphore_mem>>) src(%arg11 : memref<32x512xf32, #tpu.memory_space<vmem>>) dst(%dma_wait3A_1223 : memref<32x512xf32, #tpu.memory_space<hbm>>)
    %add3A_1224 = arith.constant 480 : i32
    %add3A_1225 = arith.addi %mul3A_32, %add3A_1224 : i32
    %dma_wait3A_1226 = arith.constant 0 : i32
    %dma_wait3A_1227 = tpu.memref_slice %arg4[%select_n3A, %add3A_1225, %dma_wait3A_1226] : memref<8x2048x512xf32, #tpu.memory_space<hbm>> -> memref<1x32x512xf32, #tpu.memory_space<hbm>>
    %dma_wait3A_1228 = tpu.memref_squeeze %dma_wait3A_1227 : memref<1x32x512xf32, #tpu.memory_space<hbm>> -> memref<32x512xf32, #tpu.memory_space<hbm>>
    %dma_wait3A_1229 = arith.constant 0 : i32
    %dma_wait3A_1230 = tpu.memref_slice %arg4[%select_n3A, %add3A_1225, %dma_wait3A_1229] : memref<8x2048x512xf32, #tpu.memory_space<hbm>> -> memref<1x32x512xf32, #tpu.memory_space<hbm>>
    %dma_wait3A_1231 = tpu.memref_squeeze %dma_wait3A_1230 : memref<1x32x512xf32, #tpu.memory_space<hbm>> -> memref<32x512xf32, #tpu.memory_space<hbm>>
    tpu.wait_dma2 semaphore(%arg22 : memref<!tpu.dma_semaphore, #tpu.memory_space<semaphore_mem>>) src(%arg12 : memref<32x512xf32, #tpu.memory_space<vmem>>) dst(%dma_wait3A_1231 : memref<32x512xf32, #tpu.memory_space<hbm>>)
    return
  }
}

</mosaic_0001>

<sc_bundles>
// kernel: _length_regulate.3.cloned.1.call-start
scs
__scs_entry_jumppad:
0x0: {  	(pc) =	sbr.rel $0x88, $3  }
0x1: {  	(tag) =	ssettag $0x0;
	lr =	simm.s32 $0x1  }
0x2: {  	[smem:$0x3F9F] =	sst lr;
	_ =	strace $0xD0000000  }
0x3: {  	_ = 	snop  }
0x4: {  	_ = 	snop  }
0x5: {  	_ = 	snop  }
0x6: {  	_ = 	snop  }
0x7: {  	_ = 	snop  }
__scs_overlays_trampoline_lowered:
0x8: {  	[smem:$0x3FAE] =	sst s0  }
0x9: {  	[smem:$0x3FAF] =	sst s1  }
0xa: {  	[smem:$0x3FB0] =	sst s2  }
0xb: {  	[smem:$0x3FB1] =	sst s3  }
0xc: {  	[smem:$0x3FB2] =	sst s4  }
0xd: {  	[smem:$0x3FB3] =	sst s5  }
0xe: {  	[smem:$0x3FB4] =	sst s6  }
0xf: {  	[smem:$0x3FB5] =	sst s7  }
0x10: {  	[smem:$0x3FB6] =	sst s8  }
0x11: {  	[smem:$0x3FB7] =	sst s9;
	s0 =	simm.s32 @!p0 $0x0  }
0x12: {  	s1 =	sld [smem:$0x3F9D];
	s0 =	simm.s32 @p0 $0x1  }
0x13: {  	[smem:$0x3FB8] =	sst s0;
	s0 =	simm.s32 @!p1 $0x0  }
0x14: {  	s2 =	sld [smem:$0x3F9C];
	s0 =	simm.s32 @p1 $0x1  }
0x15: {  	[smem:$0x3FB9] =	sst s0;
	s0 =	simm.s32 @!p2 $0x0  }
0x16: {  	s3 =	sld [smem:$0x3FDB];
	s0 =	simm.s32 @p2 $0x1  }
0x17: {  	s4 =	simm.s32 $0x1BF5;
	[smem:$0x3FBB] =	sst s0  }
0x18: {  	s0 =	sld [smem:$0x3F9E];
	_ =	swait.ge [sflag:s4], $0x0  }
0x19: {  	s7 =	sld [smem:$0x3F9F]  }
0x1a: {  	s8 =	sadd.s32 $0xFFFFE003, lr  }
0x1b: {  	s9 =	sadd.s32 $0xFFFFFEF7, lr;
	s5 =	simm.s32 $0xFFFFFFFF;
	p2 =	slt.u32 s8, $0xFFFFF086  }
0x1c: {  	p1 =	slt.u32 s9, $0xF7A;
	s5 =	simm.s32 @!p2 $0x0  }
0x1d: {  	s5 =	simm.s32 @p1 $0x1;
	p0 =	seq.s32 s7, s2  }
0x1e: {  	s7 =	smul.u32 @!p0 $0xF7A, s2;
	p2 =	seq.s32 @!p0 s5, $0x0  }
0x1f: {  	s9 =	smul.u32 $0xF7A, s1;
	s8 =	simm.s32 @!p0 $0x1BF5;
	p2 =	por !p2, p0  }
0x20: {  	[sflag:s8] =	ssyncset.s32 @!p0 $0xFFFFF086;
	s6 =	sadd.s32 @!p0 s3, s7;
	s7 =	simm.s32 @!p0 $0x108  }
0x21: {  	s3 =	sadd.s32 s3, s9;
	s6 =	sadd.s32 @!p0 $0x88, s6;
	s7 =	simm.s32 @p2 $0x1082  }
0x22: {  	[simem:s7], [sflag:s8] =	dma.local @!p0 [hbm:s6], $0xF7A  }
0x23: {  	s9 =	sor.u32 $0xD0000000, s2;
	s6 =	simm.s32 $0x108;
	_ =	swait.ge @!p0 [sflag:s8], $0x0  }
0x24: {  	s3 =	sadd.s32 $0x88, s3;
	s6 =	simm.s32 @!p1 $0x1082;
	[sflag:s4] =	ssyncset.s32 $0xFFFFF086  }
0x25: {  	[simem:s6], [sflag:s4] =	dma.local [hbm:s3], $0xF7A  }
0x26: {  	[smem:$0x3F9F] =	sst s1;
	(tag) =	ssettag s2;
	_ =	strace s9  }
0x27: {  	s1 =	sld [smem:$0x3FAF]  }
0x28: {  	s2 =	sld [smem:$0x3FB0]  }
0x29: {  	s4 =	sld [smem:$0x3FB2]  }
0x2a: {  	p0 =	seq.s32 s5, $0x0;
	s5 =	sld [smem:$0x3FB3]  }
0x2b: {  	s6 =	sld [smem:$0x3FB4]  }
0x2c: {  	s7 =	sld [smem:$0x3FB5]  }
0x2d: {  	s3 =	simm.s32 $0x108;
	s8 =	sld [smem:$0x3FB6]  }
0x2e: {  	s3 =	simm.s32 @!p0 $0x1082;
	s9 =	sld [smem:$0x3FB7]  }
0x2f: {  	lr =	sadd.s32 s0, s3;
	s0 =	sld [smem:$0x3FAE]  }
0x30: {  	s3 =	sld [smem:$0x3FB1]  }
0x31: {  	[smem:$0x3FBA] =	sst s10  }
0x32: {  	s10 =	sld [smem:$0x3FB8];
	_ =	sdelay $0x3  }
0x33: {  	p0 =	seq.s32 s10, $0x1;
	s10 =	sld [smem:$0x3FBA];
	_ =	sdelay $0x3  }
0x34: {  	[smem:$0x3FBA] =	sst s10  }
0x35: {  	s10 =	sld [smem:$0x3FB9];
	_ =	sdelay $0x3  }
0x36: {  	p1 =	seq.s32 s10, $0x1;
	s10 =	sld [smem:$0x3FBA];
	_ =	sdelay $0x3  }
0x37: {  	[smem:$0x3FBA] =	sst s10  }
0x38: {  	s10 =	sld [smem:$0x3FBB]  }
0x39: {  	_ = 	snop;
	(pc) =	sbr.ind lr, $3  }
0x3a: {  	_ = 	snop  }
0x3b: {  	_ = 	snop  }
0x3c: {  	p2 =	seq.s32 s10, $0x1;
	s10 =	sld [smem:$0x3FBA]  }
0x3d: {  	_ =	shalt  }
0x3e: {  	_ =	shalt  }
0x3f: {  	_ =	shalt  }
0x40: {  	_ =	shalt  }
0x41: {  	_ =	shalt  }
0x42: {  	_ =	shalt  }
0x43: {  	_ =	shalt  }
0x44: {  	_ =	shalt  }
0x45: {  	_ =	shalt  }
0x46: {  	_ =	shalt  }
0x47: {  	_ =	shalt  }
0x48: {  	_ =	shalt  }
0x49: {  	_ =	shalt  }
0x4a: {  	_ =	shalt  }
0x4b: {  	_ =	shalt  }
0x4c: {  	_ =	shalt  }
0x4d: {  	_ =	shalt  }
0x4e: {  	_ =	shalt  }
0x4f: {  	_ =	shalt  }
0x50: {  	_ =	shalt  }
0x51: {  	_ =	shalt  }
0x52: {  	_ =	shalt  }
0x53: {  	_ =	shalt  }
0x54: {  	_ =	shalt  }
0x55: {  	_ =	shalt  }
0x56: {  	_ =	shalt  }
0x57: {  	_ =	shalt  }
0x58: {  	_ =	shalt  }
0x59: {  	_ =	shalt  }
0x5a: {  	_ =	shalt  }
0x5b: {  	_ =	shalt  }
0x5c: {  	_ =	shalt  }
0x5d: {  	_ =	shalt  }
0x5e: {  	_ =	shalt  }
0x5f: {  	_ =	shalt  }
0x60: {  	_ =	shalt  }
0x61: {  	_ =	shalt  }
0x62: {  	_ =	shalt  }
0x63: {  	_ =	shalt  }
0x64: {  	_ =	shalt  }
0x65: {  	_ =	shalt  }
0x66: {  	_ =	shalt  }
0x67: {  	_ =	shalt  }
0x68: {  	_ =	shalt  }
0x69: {  	_ =	shalt  }
0x6a: {  	_ =	shalt  }
0x6b: {  	_ =	shalt  }
0x6c: {  	_ =	shalt  }
0x6d: {  	_ =	shalt  }
0x6e: {  	_ =	shalt  }
0x6f: {  	_ =	shalt  }
0x70: {  	_ =	shalt  }
0x71: {  	_ =	shalt  }
0x72: {  	_ =	shalt  }
0x73: {  	_ =	shalt  }
0x74: {  	_ =	shalt  }
0x75: {  	_ =	shalt  }
0x76: {  	_ =	shalt  }
0x77: {  	_ =	shalt  }
0x78: {  	_ =	shalt  }
0x79: {  	_ =	shalt  }
0x7a: {  	_ =	shalt  }
0x7b: {  	_ =	shalt  }
0x7c: {  	_ =	shalt  }
0x7d: {  	_ =	shalt  }
0x7e: {  	_ =	shalt  }
0x7f: {  	_ =	shalt  }
0x80: {  	_ =	shalt  }
0x81: {  	_ =	shalt  }
0x82: {  	_ =	shalt  }
0x83: {  	_ =	shalt  }
0x84: {  	_ =	shalt  }
0x85: {  	_ =	shalt  }
0x86: {  	_ =	shalt  }
0x87: {  	_ =	shalt  }
.Lfunc_end0:
.L_simem_size_0:
called_computation_lowered:
.L_overlay_start_0:
0x88: {  	s2 =	sld [smem:$0x3FD9]  }
0x89: {  	s3 =	sld [smem:$0x3FFE];
	_ =	sdelay $0x1  }
0x8a: {  	s1 =	srdreg.scid  }
0x8b: {  	s0 =	sand.u32 $0x1, s1  }
0x8c: {  	s15 =	sshll.u32 s0, $0xA;
	s2 =	sadd.s32 s3, s2  }
0x8d: {  	s2 =	sadd.s32 s2, s15  }
0x8e: {  	[smem:$0x3FC6] =	sst s2  }
0x8f: {  	_ = 	snop  }
0x90: {  	s2 =	sld [smem:$0x3FD0];
	_ =	sdelay $0x1  }
0x91: {  	s16 =	sld [smem:$0x3FC9]  }
0x92: {  	s5 =	simm.s32 $0xA;
	s6 =	simm.s32 $0x10;
	s4 =	sld [smem:$0x3FC8]  }
0x93: {  	[smem:s6], [sflag:s5] =	dma.local [hbm:s2], $0x1  }
0x94: {  	_ =	swait.eq [sflag:s5], $0x1  }
0x95: {  	[sflag:s5] =	ssyncset.done $0x0  }
0x96: {  	s17 =	sld [smem:$0x10];
	[sflag:s5] =	ssyncadd.s32 $0xFFFFFFFF  }
0x97: {  	s18 =	sld [smem:$0x11];
	(tm) =	ssettm $0x1  }
0x98: {  	s19 =	sld [smem:$0x3FFB];
	_ =	sdelay $0x3  }
0x99: {  	_ =	strace s19  }
0x9a: {  	s6 =	sld [smem:$0x3FFC];
	_ =	sdelay $0x3  }
0x9b: {  	_ =	strace s6  }
0x9c: {  	s6 =	sld [smem:$0x3FFD];
	_ =	sdelay $0x3  }
0x9d: {  	_ =	strace s6  }
0x9e: {  	_ =	strace $0x8FFFFFFF  }
0x9f: {  	s20 =	sld [smem:$0x3FDB];
	_ =	sdelay $0x1  }
0xa0: {  	s7 =	simm.s32 $_scs_section_size  }
0xa1: {  	s8 =	simm.s32 $_size__tile_overlayer_lowered;
	s9 =	simm.s32 $_tile_overlayer_lowered  }
0xa2: {  	s23 =	simm.s32 $0x1BFF;
	s22 =	sshll.u32 s9, $0x1;
	s6 =	sadd.s32 s7, s20  }
0xa3: {  	s10 =	simm.s32 $0x0;
	s21 =	sshll.u32 s8, $0x1;
	s8 =	sadd.s32 s22, s6  }
0xa4: {  	[timem:s10], [sflag:s23] =	dma.local [hbm:s8], s21  }
0xa5: {  	_ =	swait.ge [sflag:s23], s21  }
0xa6: {  	s7 =	ssub.s32 $0x0, s21;
	[sflag:s23] =	ssyncset.done $0x0  }
0xa7: {  	[sflag:s23] =	ssyncadd.s32 s7;
	_ =	sdelay $0x1  }
0xa8: {  	s24 =	simm.s32 $0x1B8B  }
0xa9: {  	_ =	swait.ge [sflag:s24], $0x1  }
0xaa: {  	[sflag:s24] =	ssyncset.done $0x0  }
0xab: {  	s25 =	simm.s32 $0x1B8E;
	[sflag:s24] =	ssyncadd.s32 $0xFFFFFFFF  }
0xac: {  	s26 =	simm.s32 $execute0_lowered;
	[smem:$0x3FD2] =	sst s25  }
0xad: {  	s7 =	sshll.u32 s26, $0x1;
	_ =	strace $0x80000046;
	[dreg:$0x1] =	wrdreg $0xFFFFFFFF  }
0xae: {  	s28 =	simm.s32 $_size_execute0_lowered;
	s6 =	sadd.s32 s6, s7;
	[dreg:$0x0] =	wrdreg $0x0  }
0xaf: {  	s7 =	sshll.u32 s28, $0x1;
	[dreg:$0x2] =	wrdreg s6  }
0xb0: {  	[dreg:$0x3] =	wrdreg s7  }
0xb1: {  	[dreg:$0x4] =	wrdreg $0xC0  }
0xb2: {  	_ =	task [dreg:s10], $0x5FFFF  }
0xb3: {  	[dreg:$0x1] =	wrdreg $0xFFFFFFFF  }
0xb4: {  	[dreg:$0x0] =	wrdreg $0x60  }
0xb5: {  	[dreg:$0x2] =	wrdreg s16  }
0xb6: {  	[dreg:$0x3] =	wrdreg s4  }
0xb7: {  	[dreg:$0x4] =	wrdreg s17  }
0xb8: {  	[dreg:$0x5] =	wrdreg s18  }
0xb9: {  	[dreg:$0x6] =	wrdreg $0x9  }
0xba: {  	_ =	task.clear_ibuf [dreg:s10], $0x7FFFF;
	_ =	strace $0x90000046  }
0xbb: {  	s29 =	simm.s32 $0x9;
	_ =	strace $0x80000048  }
0xbc: {  	_ =	swait.ge [sflag:s29], $0x1  }
0xbd: {  	[sflag:s29] =	ssyncadd.s32 $0xFFFFFFFF  }
0xbe: {  	_ =	strace $0x90000048  }
0xbf: {  	_ =	sfence  }
0xc0: {  	s30 =	sld [smem:$0x0];
	_ =	sdelay $0x2  }
0xc1: {  	s31 =	sshll.u32 s1, $0xD;
	s1 =	sshrl.u32 s1, $0x2  }
0xc2: {  	s3 =	sand.u32 $0x4000, s31;
	s1 =	sadd.s32 s1, s30  }
0xc3: {  	s0 =	sor.u32 s3, s0;
	s1 =	sshll.u32 s1, $0x11  }
0xc4: {  	s0 =	sor.u32 s1, s0  }
0xc5: {  	s0 =	sadd.s32 $0x8F2B, s0  }
0xc6: {  	[sflag:s0] =	ssyncadd.remote.s32 $0x1  }
0xc7: {  	_ =	sfence.sel $0xFFFF  }
0xc8: {  	[dreg:$0x0] =	wrdreg $0xFFFFFFFF;
	(pc) =	sbr.abs _section_cstart, $3  }
0xc9: {  	[dreg:$0x1] =	wrdreg $0xFFFFFFFF  }
0xca: {  	_ =	task.clear_ibuf [dreg:s10], $0x2FFFF;
	_ =	strace $0x9FFFFFFF  }
0xcb: {  	(tm) =	ssettm $0x7FFFFFFF  }
tec
execute0_lowered:
.L_overlay_start_1:
0x0: {  	(tag) =	ssettag $0x1  }
0x1: {  	s1 =	rddreg [dreg:$0x0]  }
0x2: {  	s0 =	rddreg [dreg:$0x1]  }
0x3: {  	s2 =	rddreg [dreg:$0x2]  }
0x4: {  	s5 =	rddreg [dreg:$0x3];
	s3 =	simm.s32 $0x0;
	s4 =	srdreg.scid  }
0x5: {  	s13 =	stileid.u32;
	s19 =	simm.s32 $0x5;
	[smem:$0x7FF] =	sst s3  }
0x6: {  	s6 =	sand.u32 $0x1, s4;
	s20 =	sshll.u32 s13, $0x1;
	s9 =	sshrl.u32 s13, $0x1  }
0x7: {  	s23 =	sand.u32 $0x1, s13;
	_ =	strace $0x80000047;
	s7 =	ssub.s32 $0x2, s6  }
0x8: {  	s4 =	sand.u32 $0x2, s20;
	s21 =	sshll.u32 s9, $0x4;
	s12 =	sshll.u32 s9, $0x9  }
0x9: {  	s24 =	sshll.u32 s9, $0x11;
	s8 =	sshrl.u32 s7, $0x1;
	s10 =	sor.u32 s6, s4  }
0xa: {  	s0 =	sadd.s32 s0, s21;
	s5 =	sadd.s32 s5, s21;
	s6 =	sshll.u32 s6, $0x9  }
0xb: {  	s11 =	ssub.s32 s7, s8;
	[dreg:$0x6] =	wrdreg s5;
	s5 =	sshll.u32 s23, $0xA  }
0xc: {  	[dreg:$0x5] =	wrdreg s0;
	s25 =	smax.u32 s11, $0x1;
	s26 =	sor.u32 s5, s6  }
0xd: {  	s20 =	simm.s32 $0x6;
	[dreg:$0x7] =	wrdreg s25;
	s5 =	sxor.u32 $0xFFFFFFFF, s26  }
0xe: {  	s4 =	sshll.u32 s10, $0x9;
	s28 =	ssub.s32 $0x0, s26;
	[dreg:$0x8] =	wrdreg s5  }
.Ltmp0:
0xf: {  	s29 =	sxor.u32 $0xFFFFFFDF, s26;
	[dreg:$0x9] =	wrdreg s28;
	(pc) =	sbr.rel .LBB2_1-.Ltmp0, $4  }
0x10: {  	s7 =	sadd.s32 $0x100, s1;
	s30 =	sxor.u32 $0xFFFFFFE0, s26;
	[dreg:$0xa] =	wrdreg s29  }
0x11: {  	s8 =	sadd.s32 s2, s24;
	s31 =	sxor.u32 $0xFFFFFFC0, s26;
	[dreg:$0xb] =	wrdreg s30  }
0x12: {  	v3 =	vimm.s32 $0x0;
	v4 =	vimm.f32 $0.0e+00;
	v5 =	vimm.s32 $0x1;
	s22 =	sadd.s32 $0x200, s4;
	s2 =	sxor.u32 $0xFFFFFFA0, s26;
	[dreg:$0xc] =	wrdreg s31  }
0x13: {  	v2 =	vmov s12;
	p0 =	sne.s32 s10, $0x0;
	v0 =	vmov s4;
	v1 =	vmov s22;
	[dreg:$0xd] =	wrdreg s2;
	s5 =	simm.s32 $0x0  }
.LBB2_25:
0x14: {  	s0 =	simm.s32 $0x7  }
0x15: {  	_ =	swait.ge [sflag:s0], $0x4000  }
0x16: {  	[sflag:s0] =	ssyncset.done $0x0  }
0x17: {  	s2 =	simm.s32 $0x8;
	[sflag:s0] =	ssyncadd.s32 $0xFFFFC000  }
0x18: {  	_ =	swait.ge [sflag:s2], $0x4000  }
0x19: {  	s5 =	rddreg [dreg:$0xe]  }
0x1a: {  	s31 =	rddreg [dreg:$0x7];
	s5 =	sadd.s32 $0x1, s5  }
0x1b: {  	p1 =	sne.s32 s5, s31  }
.Ltmp1:
0x1c: {  	_ = 	snop;
	(pc) =	sbr.rel @!p1 .LBB2_26-.Ltmp1, $3  }
0x1d: {  	_ =	sdelay $0x1  }
0x1e: {  	[sflag:s2] =	ssyncset.done $0x0  }
0x1f: {  	[sflag:s2] =	ssyncadd.s32 $0xFFFFC000  }
.LBB2_1:
0x20: {  	s0 =	rddreg [dreg:$0x5];
	s2 =	simm.s32 $0x80;
	s28 =	simm.s32 $0x400  }
0x21: {  	[tilespmem:s3], [sflag:$0x9] =	stream.strided.gather [hbm4b:s0+s2], $0x200, s28, s2, $0x38;
	[tilespmem:$0x14C80] =	vst v63  }
0x22: {  	[tilespmem:$0x200] =	vst v3  }
0x23: {  	[tilespmem:$0x210] =	vst v3  }
0x24: {  	[tilespmem:$0x220] =	vst v3  }
0x25: {  	[tilespmem:$0x230] =	vst v3  }
0x26: {  	[tilespmem:$0x240] =	vst v3  }
0x27: {  	[tilespmem:$0x250] =	vst v3  }
0x28: {  	[tilespmem:$0x260] =	vst v3  }
0x29: {  	[tilespmem:$0x270] =	vst v3  }
0x2a: {  	[tilespmem:$0x280] =	vst v3  }
0x2b: {  	[tilespmem:$0x290] =	vst v3  }
0x2c: {  	[tilespmem:$0x2A0] =	vst v3  }
0x2d: {  	[tilespmem:$0x2B0] =	vst v3  }
0x2e: {  	[tilespmem:$0x2C0] =	vst v3  }
0x2f: {  	[tilespmem:$0x2D0] =	vst v3  }
0x30: {  	[tilespmem:$0x2E0] =	vst v3  }
0x31: {  	[tilespmem:$0x2F0] =	vst v3  }
0x32: {  	[tilespmem:$0x300] =	vst v3  }
0x33: {  	[tilespmem:$0x310] =	vst v3  }
0x34: {  	[tilespmem:$0x320] =	vst v3  }
0x35: {  	[tilespmem:$0x330] =	vst v3  }
0x36: {  	[tilespmem:$0x340] =	vst v3  }
0x37: {  	[tilespmem:$0x350] =	vst v3  }
0x38: {  	[tilespmem:$0x360] =	vst v3  }
0x39: {  	[tilespmem:$0x370] =	vst v3  }
0x3a: {  	[tilespmem:$0x380] =	vst v3  }
0x3b: {  	[tilespmem:$0x390] =	vst v3  }
0x3c: {  	[tilespmem:$0x3A0] =	vst v3  }
0x3d: {  	[tilespmem:$0x3B0] =	vst v3  }
0x3e: {  	[tilespmem:$0x3C0] =	vst v3  }
0x3f: {  	[tilespmem:$0x3D0] =	vst v3  }
0x40: {  	s29 =	sand.u32 $0x3000, s3;
	s30 =	sand.u32 $0x380, s3;
	[tilespmem:$0x3E0] =	vst v3  }
0x41: {  	s0 =	sor.u32 s30, s29;
	[tilespmem:$0x3F0] =	vst v3  }
0x42: {  	[tilespmem:s0+$0x11870] =	vst v4  }
0x43: {  	[tilespmem:s0+$0x10C00] =	vst v4  }
0x44: {  	[tilespmem:s0+$0x10C10] =	vst v4  }
0x45: {  	[tilespmem:s0+$0x10C20] =	vst v4  }
0x46: {  	[tilespmem:s0+$0x10C30] =	vst v4  }
0x47: {  	[tilespmem:s0+$0x10C40] =	vst v4  }
0x48: {  	[tilespmem:s0+$0x10C50] =	vst v4  }
0x49: {  	[tilespmem:s0+$0x10C60] =	vst v4  }
0x4a: {  	[tilespmem:s0+$0x10C70] =	vst v4  }
0x4b: {  	[tilespmem:s0+$0x11000] =	vst v4  }
0x4c: {  	[tilespmem:s0+$0x11010] =	vst v4  }
0x4d: {  	[tilespmem:s0+$0x11020] =	vst v4  }
0x4e: {  	[tilespmem:s0+$0x11030] =	vst v4  }
0x4f: {  	[tilespmem:s0+$0x11040] =	vst v4  }
0x50: {  	[tilespmem:s0+$0x11050] =	vst v4  }
0x51: {  	[tilespmem:s0+$0x11060] =	vst v4  }
0x52: {  	[tilespmem:s0+$0x11070] =	vst v4  }
0x53: {  	[tilespmem:s0+$0x11400] =	vst v4  }
0x54: {  	[tilespmem:s0+$0x11410] =	vst v4  }
0x55: {  	[tilespmem:s0+$0x11420] =	vst v4  }
0x56: {  	[tilespmem:s0+$0x11430] =	vst v4  }
0x57: {  	[tilespmem:s0+$0x11440] =	vst v4  }
0x58: {  	[tilespmem:s0+$0x11450] =	vst v4  }
0x59: {  	[tilespmem:s0+$0x11460] =	vst v4  }
0x5a: {  	[tilespmem:s0+$0x11470] =	vst v4  }
0x5b: {  	[tilespmem:s0+$0x11800] =	vst v4  }
0x5c: {  	[tilespmem:s0+$0x11810] =	vst v4  }
0x5d: {  	[tilespmem:s0+$0x11820] =	vst v4  }
0x5e: {  	[tilespmem:s0+$0x11830] =	vst v4  }
0x5f: {  	[dreg:$0xe] =	wrdreg s5;
	s31 =	simm.s32 $0x200;
	s2 =	simm.s32 $0x80;
	[tilespmem:s0+$0x11840] =	vst v4  }
0x60: {  	s5 =	simm.s32 $0x400;
	s6 =	sand.u32 $0x3000, s31;
	s9 =	sand.u32 $0x380, s2;
	[tilespmem:s0+$0x11850] =	vst v4  }
.LBB2_2:
0x61: {  	p1 =	sne.s32 s5, $0x3E00;
	[tilespmem:s0+$0x11860] =	vst v4;
	s0 =	sor.u32 s9, s6  }
0x62: {  	[tilespmem:s0+$0x11870] =	vst v4  }
0x63: {  	[tilespmem:s0+$0x10C00] =	vst v4  }
0x64: {  	[tilespmem:s0+$0x10C10] =	vst v4  }
0x65: {  	[tilespmem:s0+$0x10C20] =	vst v4  }
0x66: {  	[tilespmem:s0+$0x10C30] =	vst v4  }
0x67: {  	[tilespmem:s0+$0x10C40] =	vst v4  }
0x68: {  	[tilespmem:s0+$0x10C50] =	vst v4  }
0x69: {  	[tilespmem:s0+$0x10C60] =	vst v4  }
0x6a: {  	[tilespmem:s0+$0x10C70] =	vst v4  }
0x6b: {  	[tilespmem:s0+$0x11000] =	vst v4  }
0x6c: {  	[tilespmem:s0+$0x11010] =	vst v4  }
0x6d: {  	[tilespmem:s0+$0x11020] =	vst v4  }
0x6e: {  	[tilespmem:s0+$0x11030] =	vst v4  }
0x6f: {  	[tilespmem:s0+$0x11040] =	vst v4  }
0x70: {  	[tilespmem:s0+$0x11050] =	vst v4  }
0x71: {  	[tilespmem:s0+$0x11060] =	vst v4  }
0x72: {  	[tilespmem:s0+$0x11070] =	vst v4  }
0x73: {  	[tilespmem:s0+$0x11400] =	vst v4  }
0x74: {  	[tilespmem:s0+$0x11410] =	vst v4  }
0x75: {  	[tilespmem:s0+$0x11420] =	vst v4  }
0x76: {  	[tilespmem:s0+$0x11430] =	vst v4  }
0x77: {  	[tilespmem:s0+$0x11440] =	vst v4  }
0x78: {  	[tilespmem:s0+$0x11450] =	vst v4  }
0x79: {  	[tilespmem:s0+$0x11460] =	vst v4  }
0x7a: {  	[tilespmem:s0+$0x11470] =	vst v4  }
0x7b: {  	[tilespmem:s0+$0x11800] =	vst v4  }
.Ltmp2:
0x7c: {  	[tilespmem:s0+$0x11810] =	vst v4;
	(pc) =	sbr.rel @p1 .LBB2_2-.Ltmp2, $4  }
0x7d: {  	[tilespmem:s0+$0x11820] =	vst v4  }
0x7e: {  	[tilespmem:s0+$0x11830] =	vst v4  }
0x7f: {  	s2 =	sadd.s32 $0x80, s2;
	[tilespmem:s0+$0x11840] =	vst v4  }
0x80: {  	s6 =	sand.u32 $0x3000, s5;
	s5 =	sadd.s32 $0x200, s5;
	s9 =	sand.u32 $0x380, s2;
	[tilespmem:s0+$0x11850] =	vst v4  }
0x81: {  	s2 =	sor.u32 s9, s6;
	[tilespmem:s0+$0x11860] =	vst v4  }
0x82: {  	[tilespmem:s2+$0x11870] =	vst v4  }
0x83: {  	[tilespmem:s2+$0x10C00] =	vst v4  }
0x84: {  	[tilespmem:s2+$0x10C10] =	vst v4  }
0x85: {  	[tilespmem:s2+$0x10C20] =	vst v4  }
0x86: {  	[tilespmem:s2+$0x10C30] =	vst v4  }
0x87: {  	[tilespmem:s2+$0x10C40] =	vst v4  }
0x88: {  	[tilespmem:s2+$0x10C50] =	vst v4  }
0x89: {  	[tilespmem:s2+$0x10C60] =	vst v4  }
0x8a: {  	[tilespmem:s2+$0x10C70] =	vst v4  }
0x8b: {  	[tilespmem:s2+$0x11000] =	vst v4  }
0x8c: {  	[tilespmem:s2+$0x11010] =	vst v4  }
0x8d: {  	[tilespmem:s2+$0x11020] =	vst v4  }
0x8e: {  	[tilespmem:s2+$0x11030] =	vst v4  }
0x8f: {  	[tilespmem:s2+$0x11040] =	vst v4  }
0x90: {  	[tilespmem:s2+$0x11050] =	vst v4  }
0x91: {  	[tilespmem:s2+$0x11060] =	vst v4  }
0x92: {  	[tilespmem:s2+$0x11070] =	vst v4  }
0x93: {  	[tilespmem:s2+$0x11400] =	vst v4  }
0x94: {  	[tilespmem:s2+$0x11410] =	vst v4  }
0x95: {  	[tilespmem:s2+$0x11420] =	vst v4  }
0x96: {  	[tilespmem:s2+$0x11430] =	vst v4  }
0x97: {  	[tilespmem:s2+$0x11440] =	vst v4  }
0x98: {  	[tilespmem:s2+$0x11450] =	vst v4  }
0x99: {  	[tilespmem:s2+$0x11460] =	vst v4  }
0x9a: {  	[tilespmem:s2+$0x11470] =	vst v4  }
0x9b: {  	[tilespmem:s2+$0x11800] =	vst v4  }
0x9c: {  	[tilespmem:s2+$0x11810] =	vst v4  }
0x9d: {  	[tilespmem:s2+$0x11820] =	vst v4  }
0x9e: {  	[tilespmem:s2+$0x11830] =	vst v4  }
0x9f: {  	[tilespmem:s2+$0x11840] =	vst v4  }
0xa0: {  	[tilespmem:s2+$0x11850] =	vst v4  }
0xa1: {  	[tilespmem:s2+$0x11860] =	vst v4;
	s2 =	simm.s32 $0x9  }
0xa2: {  	_ =	swait.ge [sflag:s2], $0x200  }
0xa3: {  	[sflag:s2] =	ssyncset.done $0x0  }
0xa4: {  	[sflag:s2] =	ssyncadd.s32 $0xFFFFFE00  }
0xa5: {  	v6 =	vld [tilespmem:$0x0];
	_ =	sdelay $0x4  }
0xa6: {  	(xrf0) =	vadd.scan.msk.s32 $0xffff, v6;
	_ =	sdelay $0x5  }
0xa7: {  	v6, _, _ =	vpop (xrf0)  }
0xa8: {  	v7 =	vsub.s32 v6, v0  }
0xa9: {  	vm0 =	vge.s32 v6, v0;
	vm1 =	vlt.s32 v6, v1;
	vm2 =	vgt.s32 v7, $0x0  }
0xaa: {  	vm0 =	vmand vm0, vm1;
	v7 =	vnsel vm2, $0x0, v7  }
0xab: {  	v7 =	vmin.u32 v7, $0x1FF;
	_ =	sdelay $0x3  }
0xac: {  	s24 =	simm.s32 $0x200  }
0xad: {  	[tilespmem:v7+s24+$0x0] =	vst.idx.add.s32.msk vm0, v5  }
0xae: {  	v7 =	vld [tilespmem:$0x10];
	_ =	sdelay $0x1  }
0xaf: {  	vm10 =	vlt.s32 v6, v0  }
0xb0: {  	v8 =	vsel vm10, $0x1, v3  }
0xb1: {  	(xrf0) =	vadd.scan.msk.s32 $0xffff, v8  }
0xb2: {  	(xrf0) =	vadd.scan.msk.s32 $0xffff, v7;
	_ =	sdelay $0x4  }
0xb3: {  	v8 =	vbroadcast v6, $0xF;
	v7, _, _ =	vpop (xrf0)  }
0xb4: {  	v9, _, _ =	vpop (xrf0)  }
0xb5: {  	v8 =	vadd.s32 v8, v9  }
0xb6: {  	v10 =	vsub.s32 v8, v0  }
0xb7: {  	vm11 =	vge.s32 v8, v0;
	vm12 =	vlt.s32 v8, v1;
	vm13 =	vgt.s32 v10, $0x0  }
0xb8: {  	(v2sf) =	vpush v6, $0xF;
	vm0 =	vmand vm11, vm12;
	v6 =	vnsel vm13, $0x0, v10  }
0xb9: {  	(v2sf) =	vpush v7, $0xF;
	v6 =	vmin.u32 v6, $0x1FF  }
0xba: {  	(v2sf) =	vpush v9, $0xF;
	_ =	sdelay $0x3  }
0xbb: {  	[tilespmem:v6+s24+$0x0] =	vst.idx.add.s32.msk vm0, v5  }
0xbc: {  	v6 =	vld [tilespmem:$0x20];
	_ =	sdelay $0x1  }
0xbd: {  	vm14 =	vlt.s32 v8, v0  }
0xbe: {  	v7 =	vsel vm14, $0x1, v3  }
0xbf: {  	(xrf0) =	vadd.scan.msk.s32 $0xffff, v7  }
0xc0: {  	(xrf0) =	vadd.scan.msk.s32 $0xffff, v6;
	_ =	sdelay $0x2  }
0xc1: {  	s5 =	spop (v2sf)  }
0xc2: {  	s12 =	spop (v2sf)  }
0xc3: {  	s6 =	spop (v2sf);
	v6, _, _ =	vpop (xrf0)  }
0xc4: {  	s0 =	sadd.s32 s5, s6;
	v7, _, _ =	vpop (xrf0)  }
0xc5: {  	v8 =	vadd.s32 s0, v7  }
0xc6: {  	v33 =	vsub.s32 v8, v0  }
0xc7: {  	vm15 =	vge.s32 v8, v0;
	vm4 =	vlt.s32 v8, v1;
	vm5 =	vgt.s32 v33, $0x0  }
0xc8: {  	vm0 =	vmand vm15, vm4;
	v9 =	vnsel vm5, $0x0, v33  }
0xc9: {  	(v2sf) =	vpush v6, $0xF;
	v6 =	vmin.u32 v9, $0x1FF  }
0xca: {  	(v2sf) =	vpush v7, $0xF;
	_ =	sdelay $0x3  }
0xcb: {  	[tilespmem:v6+s24+$0x0] =	vst.idx.add.s32.msk vm0, v5  }
0xcc: {  	v6 =	vld [tilespmem:$0x30];
	_ =	sdelay $0x1  }
0xcd: {  	vm6 =	vlt.s32 v8, v0  }
0xce: {  	v7 =	vsel vm6, $0x1, v3  }
0xcf: {  	(xrf0) =	vadd.scan.msk.s32 $0xffff, v7  }
0xd0: {  	(xrf0) =	vadd.scan.msk.s32 $0xffff, v6;
	_ =	sdelay $0x3  }
0xd1: {  	s13 =	spop (v2sf)  }
0xd2: {  	s9 =	spop (v2sf);
	v6, _, _ =	vpop (xrf0)  }
0xd3: {  	s0 =	sadd.s32 s0, s9;
	v7, _, _ =	vpop (xrf0)  }
0xd4: {  	v8 =	vadd.s32 s0, v7  }
0xd5: {  	v34 =	vsub.s32 v8, v0  }
0xd6: {  	vm7 =	vge.s32 v8, v0;
	vm8 =	vlt.s32 v8, v1;
	vm9 =	vgt.s32 v34, $0x0  }
0xd7: {  	vm0 =	vmand vm7, vm8;
	v9 =	vnsel vm9, $0x0, v34  }
0xd8: {  	(v2sf) =	vpush v6, $0xF;
	v6 =	vmin.u32 v9, $0x1FF  }
0xd9: {  	(v2sf) =	vpush v7, $0xF;
	_ =	sdelay $0x3  }
0xda: {  	[tilespmem:v6+s24+$0x0] =	vst.idx.add.s32.msk vm0, v5  }
0xdb: {  	v6 =	vld [tilespmem:$0x40];
	_ =	sdelay $0x1  }
0xdc: {  	vm10 =	vlt.s32 v8, v0  }
0xdd: {  	v7 =	vsel vm10, $0x1, v3  }
0xde: {  	(xrf0) =	vadd.scan.msk.s32 $0xffff, v7  }
0xdf: {  	(xrf0) =	vadd.scan.msk.s32 $0xffff, v6;
	_ =	sdelay $0x3  }
0xe0: {  	s14 =	spop (v2sf)  }
0xe1: {  	s10 =	spop (v2sf);
	v6, _, _ =	vpop (xrf0)  }
0xe2: {  	s0 =	sadd.s32 s0, s10;
	v7, _, _ =	vpop (xrf0)  }
0xe3: {  	v8 =	vadd.s32 s0, v7  }
0xe4: {  	v35 =	vsub.s32 v8, v0  }
0xe5: {  	vm11 =	vge.s32 v8, v0;
	vm12 =	vlt.s32 v8, v1;
	vm13 =	vgt.s32 v35, $0x0  }
0xe6: {  	vm0 =	vmand vm11, vm12;
	v9 =	vnsel vm13, $0x0, v35  }
0xe7: {  	(v2sf) =	vpush v6, $0xF;
	v6 =	vmin.u32 v9, $0x1FF  }
0xe8: {  	(v2sf) =	vpush v7, $0xF;
	_ =	sdelay $0x3  }
0xe9: {  	[tilespmem:v6+s24+$0x0] =	vst.idx.add.s32.msk vm0, v5  }
0xea: {  	v6 =	vld [tilespmem:$0x50];
	_ =	sdelay $0x1  }
0xeb: {  	vm14 =	vlt.s32 v8, v0  }
0xec: {  	v7 =	vsel vm14, $0x1, v3  }
0xed: {  	(xrf0) =	vadd.scan.msk.s32 $0xffff, v7  }
0xee: {  	(xrf0) =	vadd.scan.msk.s32 $0xffff, v6;
	_ =	sdelay $0x3  }
0xef: {  	s18 =	spop (v2sf)  }
0xf0: {  	s11 =	spop (v2sf);
	v6, _, _ =	vpop (xrf0)  }
0xf1: {  	s0 =	sadd.s32 s0, s11;
	v7, _, _ =	vpop (xrf0)  }
0xf2: {  	v8 =	vadd.s32 s0, v7  }
0xf3: {  	v36 =	vsub.s32 v8, v0  }
0xf4: {  	vm15 =	vge.s32 v8, v0;
	vm4 =	vlt.s32 v8, v1;
	vm5 =	vgt.s32 v36, $0x0  }
0xf5: {  	vm0 =	vmand vm15, vm4;
	v9 =	vnsel vm5, $0x0, v36  }
0xf6: {  	(v2sf) =	vpush v6, $0xF;
	v6 =	vmin.u32 v9, $0x1FF  }
0xf7: {  	(v2sf) =	vpush v7, $0xF;
	_ =	sdelay $0x3  }
0xf8: {  	[tilespmem:v6+s24+$0x0] =	vst.idx.add.s32.msk vm0, v5  }
0xf9: {  	v6 =	vld [tilespmem:$0x60];
	_ =	sdelay $0x1  }
0xfa: {  	vm6 =	vlt.s32 v8, v0  }
0xfb: {  	v7 =	vsel vm6, $0x1, v3  }
0xfc: {  	(xrf0) =	vadd.scan.msk.s32 $0xffff, v7  }
0xfd: {  	(xrf0) =	vadd.scan.msk.s32 $0xffff, v6;
	_ =	sdelay $0x3  }
0xfe: {  	s15 =	spop (v2sf)  }
0xff: {  	s16 =	spop (v2sf);
	v6, _, _ =	vpop (xrf0)  }
0x100: {  	s0 =	sadd.s32 s0, s16;
	v7, _, _ =	vpop (xrf0)  }
0x101: {  	v8 =	vadd.s32 s0, v7  }
0x102: {  	v37 =	vsub.s32 v8, v0  }
0x103: {  	vm7 =	vge.s32 v8, v0;
	vm8 =	vlt.s32 v8, v1;
	vm9 =	vgt.s32 v37, $0x0  }
0x104: {  	vm0 =	vmand vm7, vm8;
	v9 =	vnsel vm9, $0x0, v37  }
0x105: {  	(v2sf) =	vpush v6, $0xF;
	v6 =	vmin.u32 v9, $0x1FF  }
0x106: {  	(v2sf) =	vpush v7, $0xF;
	_ =	sdelay $0x3  }
0x107: {  	[tilespmem:v6+s24+$0x0] =	vst.idx.add.s32.msk vm0, v5  }
0x108: {  	v6 =	vld [tilespmem:$0x70];
	_ =	sdelay $0x1  }
0x109: {  	vm10 =	vlt.s32 v8, v0  }
0x10a: {  	v7 =	vsel vm10, $0x1, v3  }
0x10b: {  	(xrf0) =	vadd.scan.msk.s32 $0xffff, v7  }
0x10c: {  	(xrf0) =	vadd.scan.msk.s32 $0xffff, v6;
	_ =	sdelay $0x3  }
0x10d: {  	s17 =	spop (v2sf)  }
0x10e: {  	s21 =	spop (v2sf);
	v6, _, _ =	vpop (xrf0)  }
0x10f: {  	s0 =	sadd.s32 s0, s21;
	v7, _, _ =	vpop (xrf0)  }
0x110: {  	v8 =	vadd.s32 s0, v7  }
0x111: {  	v38 =	vsub.s32 v8, v0  }
0x112: {  	vm11 =	vge.s32 v8, v0;
	vm12 =	vlt.s32 v8, v1;
	vm13 =	vgt.s32 v38, $0x0  }
0x113: {  	vm0 =	vmand vm11, vm12;
	v9 =	vnsel vm13, $0x0, v38  }
0x114: {  	(v2sf) =	vpush v6, $0xF;
	v6 =	vmin.u32 v9, $0x1FF  }
0x115: {  	(v2sf) =	vpush v7, $0xF;
	_ =	sdelay $0x3  }
0x116: {  	[tilespmem:v6+s24+$0x0] =	vst.idx.add.s32.msk vm0, v5  }
0x117: {  	v6 =	vld [tilespmem:$0x80];
	_ =	sdelay $0x1  }
0x118: {  	vm14 =	vlt.s32 v8, v0  }
0x119: {  	v7 =	vsel vm14, $0x1, v3  }
0x11a: {  	(xrf0) =	vadd.scan.msk.s32 $0xffff, v7  }
0x11b: {  	(xrf0) =	vadd.scan.msk.s32 $0xffff, v6;
	_ =	sdelay $0x3  }
0x11c: {  	s22 =	spop (v2sf)  }
0x11d: {  	s23 =	spop (v2sf);
	v6, _, _ =	vpop (xrf0)  }
0x11e: {  	s0 =	sadd.s32 s0, s23;
	v7, _, _ =	vpop (xrf0)  }
0x11f: {  	v8 =	vadd.s32 s0, v7  }
0x120: {  	v39 =	vsub.s32 v8, v0  }
0x121: {  	vm15 =	vge.s32 v8, v0;
	vm4 =	vlt.s32 v8, v1;
	vm5 =	vgt.s32 v39, $0x0  }
0x122: {  	vm0 =	vmand vm15, vm4;
	v9 =	vnsel vm5, $0x0, v39  }
0x123: {  	(v2sf) =	vpush v6, $0xF;
	v6 =	vmin.u32 v9, $0x1FF  }
0x124: {  	(v2sf) =	vpush v7, $0xF;
	_ =	sdelay $0x3  }
0x125: {  	[tilespmem:v6+s24+$0x0] =	vst.idx.add.s32.msk vm0, v5  }
0x126: {  	v6 =	vld [tilespmem:$0x90];
	_ =	sdelay $0x1  }
0x127: {  	vm6 =	vlt.s32 v8, v0  }
0x128: {  	v7 =	vsel vm6, $0x1, v3  }
0x129: {  	(xrf0) =	vadd.scan.msk.s32 $0xffff, v7  }
0x12a: {  	(xrf0) =	vadd.scan.msk.s32 $0xffff, v6;
	_ =	sdelay $0x3  }
0x12b: {  	s25 =	spop (v2sf)  }
0x12c: {  	s26 =	spop (v2sf);
	v6, _, _ =	vpop (xrf0)  }
0x12d: {  	s0 =	sadd.s32 s0, s26;
	v7, _, _ =	vpop (xrf0)  }
0x12e: {  	v8 =	vadd.s32 s0, v7  }
0x12f: {  	v40 =	vsub.s32 v8, v0  }
0x130: {  	vm7 =	vge.s32 v8, v0;
	vm8 =	vlt.s32 v8, v1;
	vm9 =	vgt.s32 v40, $0x0  }
0x131: {  	vm0 =	vmand vm7, vm8;
	v9 =	vnsel vm9, $0x0, v40  }
0x132: {  	(v2sf) =	vpush v6, $0xF;
	v6 =	vmin.u32 v9, $0x1FF  }
0x133: {  	(v2sf) =	vpush v7, $0xF;
	_ =	sdelay $0x3  }
0x134: {  	[tilespmem:v6+s24+$0x0] =	vst.idx.add.s32.msk vm0, v5  }
0x135: {  	v6 =	vld [tilespmem:$0xA0];
	_ =	sdelay $0x1  }
0x136: {  	vm10 =	vlt.s32 v8, v0  }
0x137: {  	v7 =	vsel vm10, $0x1, v3  }
0x138: {  	(xrf0) =	vadd.scan.msk.s32 $0xffff, v7  }
0x139: {  	(xrf0) =	vadd.scan.msk.s32 $0xffff, v6;
	_ =	sdelay $0x3  }
0x13a: {  	[dreg:$0xf] =	wrdreg s5;
	s5 =	spop (v2sf)  }
0x13b: {  	[dreg:$0x10] =	wrdreg s6;
	s6 =	spop (v2sf);
	v6, _, _ =	vpop (xrf0)  }
0x13c: {  	s0 =	sadd.s32 s0, s6;
	v7, _, _ =	vpop (xrf0)  }
0x13d: {  	v8 =	vadd.s32 s0, v7  }
0x13e: {  	v41 =	vsub.s32 v8, v0  }
0x13f: {  	vm11 =	vge.s32 v8, v0;
	vm12 =	vlt.s32 v8, v1;
	vm13 =	vgt.s32 v41, $0x0  }
0x140: {  	vm0 =	vmand vm11, vm12;
	v9 =	vnsel vm13, $0x0, v41  }
0x141: {  	(v2sf) =	vpush v6, $0xF;
	v6 =	vmin.u32 v9, $0x1FF  }
0x142: {  	(v2sf) =	vpush v7, $0xF;
	_ =	sdelay $0x3  }
0x143: {  	[tilespmem:v6+s24+$0x0] =	vst.idx.add.s32.msk vm0, v5  }
0x144: {  	v6 =	vld [tilespmem:$0xB0];
	_ =	sdelay $0x1  }
0x145: {  	vm14 =	vlt.s32 v8, v0  }
0x146: {  	v7 =	vsel vm14, $0x1, v3  }
0x147: {  	(xrf0) =	vadd.scan.msk.s32 $0xffff, v7  }
0x148: {  	(xrf0) =	vadd.scan.msk.s32 $0xffff, v6;
	_ =	sdelay $0x3  }
0x149: {  	[dreg:$0x11] =	wrdreg s9;
	s9 =	spop (v2sf)  }
0x14a: {  	[dreg:$0x12] =	wrdreg s10;
	s10 =	spop (v2sf);
	v6, _, _ =	vpop (xrf0)  }
0x14b: {  	s0 =	sadd.s32 s0, s10;
	v7, _, _ =	vpop (xrf0)  }
0x14c: {  	v8 =	vadd.s32 s0, v7  }
0x14d: {  	v42 =	vsub.s32 v8, v0  }
0x14e: {  	vm15 =	vge.s32 v8, v0;
	vm4 =	vlt.s32 v8, v1;
	vm5 =	vgt.s32 v42, $0x0  }
0x14f: {  	vm0 =	vmand vm15, vm4;
	v9 =	vnsel vm5, $0x0, v42  }
0x150: {  	(v2sf) =	vpush v6, $0xF;
	v6 =	vmin.u32 v9, $0x1FF  }
0x151: {  	(v2sf) =	vpush v7, $0xF;
	_ =	sdelay $0x3  }
0x152: {  	[tilespmem:v6+s24+$0x0] =	vst.idx.add.s32.msk vm0, v5  }
0x153: {  	v6 =	vld [tilespmem:$0xC0];
	_ =	sdelay $0x1  }
0x154: {  	vm6 =	vlt.s32 v8, v0  }
0x155: {  	v7 =	vsel vm6, $0x1, v3  }
0x156: {  	(xrf0) =	vadd.scan.msk.s32 $0xffff, v7  }
0x157: {  	(xrf0) =	vadd.scan.msk.s32 $0xffff, v6;
	_ =	sdelay $0x3  }
0x158: {  	[dreg:$0x13] =	wrdreg s11;
	s11 =	spop (v2sf)  }
0x159: {  	[smem:$0x7EA] =	sst s15;
	s15 =	spop (v2sf);
	v6, _, _ =	vpop (xrf0)  }
0x15a: {  	s0 =	sadd.s32 s0, s15;
	v7, _, _ =	vpop (xrf0)  }
0x15b: {  	v8 =	vadd.s32 s0, v7  }
0x15c: {  	v43 =	vsub.s32 v8, v0  }
0x15d: {  	vm7 =	vge.s32 v8, v0;
	vm8 =	vlt.s32 v8, v1;
	vm9 =	vgt.s32 v43, $0x0  }
0x15e: {  	vm0 =	vmand vm7, vm8;
	v9 =	vnsel vm9, $0x0, v43  }
0x15f: {  	(v2sf) =	vpush v6, $0xF;
	v6 =	vmin.u32 v9, $0x1FF  }
0x160: {  	(v2sf) =	vpush v7, $0xF;
	_ =	sdelay $0x3  }
0x161: {  	[tilespmem:v6+s24+$0x0] =	vst.idx.add.s32.msk vm0, v5  }
0x162: {  	v6 =	vld [tilespmem:$0xD0];
	_ =	sdelay $0x1  }
0x163: {  	vm10 =	vlt.s32 v8, v0  }
0x164: {  	v7 =	vsel vm10, $0x1, v3  }
0x165: {  	(xrf0) =	vadd.scan.msk.s32 $0xffff, v7  }
0x166: {  	(xrf0) =	vadd.scan.msk.s32 $0xffff, v6;
	_ =	sdelay $0x3  }
0x167: {  	[dreg:$0x14] =	wrdreg s16;
	s16 =	spop (v2sf)  }
0x168: {  	[smem:$0x7EB] =	sst s17;
	v6, _, _ =	vpop (xrf0);
	s17 =	spop (v2sf)  }
0x169: {  	s0 =	sadd.s32 s0, s17;
	v7, _, _ =	vpop (xrf0)  }
0x16a: {  	v8 =	vadd.s32 s0, v7  }
0x16b: {  	v44 =	vsub.s32 v8, v0  }
0x16c: {  	vm11 =	vge.s32 v8, v0;
	vm12 =	vlt.s32 v8, v1;
	vm13 =	vgt.s32 v44, $0x0  }
0x16d: {  	vm0 =	vmand vm11, vm12;
	v9 =	vnsel vm13, $0x0, v44  }
0x16e: {  	(v2sf) =	vpush v6, $0xF;
	v6 =	vmin.u32 v9, $0x1FF  }
0x16f: {  	(v2sf) =	vpush v7, $0xF;
	_ =	sdelay $0x3  }
0x170: {  	[tilespmem:v6+s24+$0x0] =	vst.idx.add.s32.msk vm0, v5  }
0x171: {  	v6 =	vld [tilespmem:$0xE0];
	_ =	sdelay $0x1  }
0x172: {  	vm14 =	vlt.s32 v8, v0  }
0x173: {  	v7 =	vsel vm14, $0x1, v3  }
0x174: {  	(xrf0) =	vadd.scan.msk.s32 $0xffff, v7  }
0x175: {  	(xrf0) =	vadd.scan.msk.s32 $0xffff, v6;
	_ =	sdelay $0x3  }
0x176: {  	[dreg:$0x15] =	wrdreg s21;
	s21 =	spop (v2sf)  }
0x177: {  	[smem:$0x7EC] =	sst s22;
	v6, _, _ =	vpop (xrf0);
	s22 =	spop (v2sf)  }
0x178: {  	s0 =	sadd.s32 s0, s22;
	v7, _, _ =	vpop (xrf0)  }
0x179: {  	v8 =	vadd.s32 s0, v7  }
0x17a: {  	v45 =	vsub.s32 v8, v0  }
0x17b: {  	vm15 =	vge.s32 v8, v0;
	vm4 =	vlt.s32 v8, v1;
	vm5 =	vgt.s32 v45, $0x0  }
0x17c: {  	vm0 =	vmand vm15, vm4;
	v9 =	vnsel vm5, $0x0, v45  }
0x17d: {  	(v2sf) =	vpush v6, $0xF;
	v6 =	vmin.u32 v9, $0x1FF  }
0x17e: {  	(v2sf) =	vpush v7, $0xF;
	_ =	sdelay $0x3  }
0x17f: {  	[tilespmem:v6+s24+$0x0] =	vst.idx.add.s32.msk vm0, v5  }
0x180: {  	v6 =	vld [tilespmem:$0xF0];
	_ =	sdelay $0x1  }
0x181: {  	vm6 =	vlt.s32 v8, v0  }
0x182: {  	v7 =	vsel vm6, $0x1, v3  }
0x183: {  	(xrf0) =	vadd.scan.msk.s32 $0xffff, v7  }
0x184: {  	(xrf0) =	vadd.scan.msk.s32 $0xffff, v6;
	_ =	sdelay $0x3  }
0x185: {  	[dreg:$0x16] =	wrdreg s23;
	s23 =	spop (v2sf)  }
0x186: {  	[smem:$0x7ED] =	sst s25;
	v6, _, _ =	vpop (xrf0);
	s25 =	spop (v2sf)  }
0x187: {  	s0 =	sadd.s32 s0, s25;
	v7, _, _ =	vpop (xrf0)  }
0x188: {  	v8 =	vadd.s32 s0, v7  }
0x189: {  	v46 =	vsub.s32 v8, v0  }
0x18a: {  	vm7 =	vge.s32 v8, v0;
	vm8 =	vlt.s32 v8, v1;
	vm9 =	vgt.s32 v46, $0x0  }
0x18b: {  	vm0 =	vmand vm7, vm8;
	v9 =	vnsel vm9, $0x0, v46  }
0x18c: {  	(v2sf) =	vpush v6, $0xF;
	v6 =	vmin.u32 v9, $0x1FF  }
0x18d: {  	(v2sf) =	vpush v7, $0xF;
	_ =	sdelay $0x3  }
0x18e: {  	[tilespmem:v6+s24+$0x0] =	vst.idx.add.s32.msk vm0, v5  }
0x18f: {  	v6 =	vld [tilespmem:$0x100];
	_ =	sdelay $0x1  }
0x190: {  	vm10 =	vlt.s32 v8, v0  }
0x191: {  	v7 =	vsel vm10, $0x1, v3  }
0x192: {  	(xrf0) =	vadd.scan.msk.s32 $0xffff, v7  }
0x193: {  	(xrf0) =	vadd.scan.msk.s32 $0xffff, v6;
	_ =	sdelay $0x3  }
0x194: {  	[dreg:$0x17] =	wrdreg s26;
	s26 =	spop (v2sf)  }
0x195: {  	[smem:$0x7EE] =	sst s5;
	v6, _, _ =	vpop (xrf0);
	s5 =	spop (v2sf)  }
0x196: {  	s0 =	sadd.s32 s0, s5;
	v7, _, _ =	vpop (xrf0)  }
0x197: {  	v8 =	vadd.s32 s0, v7  }
0x198: {  	v47 =	vsub.s32 v8, v0  }
0x199: {  	vm11 =	vge.s32 v8, v0;
	vm12 =	vlt.s32 v8, v1;
	vm13 =	vgt.s32 v47, $0x0  }
0x19a: {  	vm0 =	vmand vm11, vm12;
	v9 =	vnsel vm13, $0x0, v47  }
0x19b: {  	(v2sf) =	vpush v6, $0xF;
	v6 =	vmin.u32 v9, $0x1FF  }
0x19c: {  	(v2sf) =	vpush v7, $0xF;
	_ =	sdelay $0x3  }
0x19d: {  	[tilespmem:v6+s24+$0x0] =	vst.idx.add.s32.msk vm0, v5  }
0x19e: {  	v6 =	vld [tilespmem:$0x110];
	_ =	sdelay $0x1  }
0x19f: {  	vm14 =	vlt.s32 v8, v0  }
0x1a0: {  	v7 =	vsel vm14, $0x1, v3  }
0x1a1: {  	(xrf0) =	vadd.scan.msk.s32 $0xffff, v7  }
0x1a2: {  	(xrf0) =	vadd.scan.msk.s32 $0xffff, v6;
	_ =	sdelay $0x3  }
0x1a3: {  	[dreg:$0x18] =	wrdreg s6;
	s6 =	spop (v2sf)  }
0x1a4: {  	[smem:$0x7EF] =	sst s9;
	v6, _, _ =	vpop (xrf0);
	s9 =	spop (v2sf)  }
0x1a5: {  	s0 =	sadd.s32 s0, s9;
	v7, _, _ =	vpop (xrf0)  }
0x1a6: {  	v8 =	vadd.s32 s0, v7  }
0x1a7: {  	v48 =	vsub.s32 v8, v0  }
0x1a8: {  	vm15 =	vge.s32 v8, v0;
	vm4 =	vlt.s32 v8, v1;
	vm5 =	vgt.s32 v48, $0x0  }
0x1a9: {  	vm0 =	vmand vm15, vm4;
	v9 =	vnsel vm5, $0x0, v48  }
0x1aa: {  	(v2sf) =	vpush v6, $0xF;
	v6 =	vmin.u32 v9, $0x1FF  }
0x1ab: {  	(v2sf) =	vpush v7, $0xF;
	_ =	sdelay $0x3  }
0x1ac: {  	[tilespmem:v6+s24+$0x0] =	vst.idx.add.s32.msk vm0, v5  }
0x1ad: {  	v6 =	vld [tilespmem:$0x120];
	_ =	sdelay $0x1  }
0x1ae: {  	vm6 =	vlt.s32 v8, v0  }
0x1af: {  	v7 =	vsel vm6, $0x1, v3  }
0x1b0: {  	(xrf0) =	vadd.scan.msk.s32 $0xffff, v7  }
0x1b1: {  	(xrf0) =	vadd.scan.msk.s32 $0xffff, v6;
	_ =	sdelay $0x3  }
0x1b2: {  	[dreg:$0x19] =	wrdreg s10;
	s10 =	spop (v2sf)  }
0x1b3: {  	[smem:$0x7F0] =	sst s11;
	v6, _, _ =	vpop (xrf0);
	s11 =	spop (v2sf)  }
0x1b4: {  	s0 =	sadd.s32 s0, s11;
	v7, _, _ =	vpop (xrf0)  }
0x1b5: {  	v8 =	vadd.s32 s0, v7  }
0x1b6: {  	v49 =	vsub.s32 v8, v0  }
0x1b7: {  	vm7 =	vge.s32 v8, v0;
	vm8 =	vlt.s32 v8, v1;
	vm9 =	vgt.s32 v49, $0x0  }
0x1b8: {  	vm0 =	vmand vm7, vm8;
	v9 =	vnsel vm9, $0x0, v49  }
0x1b9: {  	(v2sf) =	vpush v6, $0xF;
	v6 =	vmin.u32 v9, $0x1FF  }
0x1ba: {  	(v2sf) =	vpush v7, $0xF;
	_ =	sdelay $0x3  }
0x1bb: {  	[tilespmem:v6+s24+$0x0] =	vst.idx.add.s32.msk vm0, v5  }
0x1bc: {  	v6 =	vld [tilespmem:$0x130];
	_ =	sdelay $0x1  }
0x1bd: {  	vm10 =	vlt.s32 v8, v0  }
0x1be: {  	v7 =	vsel vm10, $0x1, v3  }
0x1bf: {  	(xrf0) =	vadd.scan.msk.s32 $0xffff, v7  }
0x1c0: {  	(xrf0) =	vadd.scan.msk.s32 $0xffff, v6;
	_ =	sdelay $0x3  }
0x1c1: {  	[dreg:$0x1a] =	wrdreg s15;
	s15 =	spop (v2sf)  }
0x1c2: {  	[smem:$0x7F1] =	sst s16;
	v6, _, _ =	vpop (xrf0);
	s16 =	spop (v2sf)  }
0x1c3: {  	s0 =	sadd.s32 s0, s16;
	v7, _, _ =	vpop (xrf0)  }
0x1c4: {  	v8 =	vadd.s32 s0, v7  }
0x1c5: {  	v50 =	vsub.s32 v8, v0  }
0x1c6: {  	vm11 =	vge.s32 v8, v0;
	vm12 =	vlt.s32 v8, v1;
	vm13 =	vgt.s32 v50, $0x0  }
0x1c7: {  	vm0 =	vmand vm11, vm12;
	v9 =	vnsel vm13, $0x0, v50  }
0x1c8: {  	(v2sf) =	vpush v6, $0xF;
	v6 =	vmin.u32 v9, $0x1FF  }
0x1c9: {  	(v2sf) =	vpush v7, $0xF;
	_ =	sdelay $0x3  }
0x1ca: {  	[tilespmem:v6+s24+$0x0] =	vst.idx.add.s32.msk vm0, v5  }
0x1cb: {  	v6 =	vld [tilespmem:$0x140];
	_ =	sdelay $0x1  }
0x1cc: {  	vm14 =	vlt.s32 v8, v0  }
0x1cd: {  	v7 =	vsel vm14, $0x1, v3  }
0x1ce: {  	(xrf0) =	vadd.scan.msk.s32 $0xffff, v7  }
0x1cf: {  	(xrf0) =	vadd.scan.msk.s32 $0xffff, v6;
	_ =	sdelay $0x3  }
0x1d0: {  	[dreg:$0x1b] =	wrdreg s17;
	s17 =	spop (v2sf)  }
0x1d1: {  	[dreg:$0x1c] =	wrdreg s22;
	v6, _, _ =	vpop (xrf0);
	s22 =	spop (v2sf)  }
0x1d2: {  	s0 =	sadd.s32 s0, s22;
	v7, _, _ =	vpop (xrf0)  }
0x1d3: {  	v8 =	vadd.s32 s0, v7  }
0x1d4: {  	v51 =	vsub.s32 v8, v0  }
0x1d5: {  	vm15 =	vge.s32 v8, v0;
	vm4 =	vlt.s32 v8, v1;
	vm5 =	vgt.s32 v51, $0x0  }
0x1d6: {  	vm0 =	vmand vm15, vm4;
	v9 =	vnsel vm5, $0x0, v51  }
0x1d7: {  	(v2sf) =	vpush v6, $0xF;
	v6 =	vmin.u32 v9, $0x1FF  }
0x1d8: {  	(v2sf) =	vpush v7, $0xF;
	_ =	sdelay $0x3  }
0x1d9: {  	[tilespmem:v6+s24+$0x0] =	vst.idx.add.s32.msk vm0, v5  }
0x1da: {  	v6 =	vld [tilespmem:$0x150];
	_ =	sdelay $0x1  }
0x1db: {  	vm6 =	vlt.s32 v8, v0  }
0x1dc: {  	v7 =	vsel vm6, $0x1, v3  }
0x1dd: {  	(xrf0) =	vadd.scan.msk.s32 $0xffff, v7  }
0x1de: {  	(xrf0) =	vadd.scan.msk.s32 $0xffff, v6;
	_ =	sdelay $0x3  }
0x1df: {  	[smem:$0x7F2] =	sst s21;
	s21 =	spop (v2sf)  }
0x1e0: {  	[smem:$0x7F9] =	sst s21;
	v6, _, _ =	vpop (xrf0);
	s21 =	spop (v2sf)  }
0x1e1: {  	s0 =	sadd.s32 s0, s21;
	v7, _, _ =	vpop (xrf0)  }
0x1e2: {  	v8 =	vadd.s32 s0, v7  }
0x1e3: {  	v52 =	vsub.s32 v8, v0  }
0x1e4: {  	vm7 =	vge.s32 v8, v0;
	vm8 =	vlt.s32 v8, v1;
	vm9 =	vgt.s32 v52, $0x0  }
0x1e5: {  	vm0 =	vmand vm7, vm8;
	v9 =	vnsel vm9, $0x0, v52  }
0x1e6: {  	(v2sf) =	vpush v6, $0xF;
	v6 =	vmin.u32 v9, $0x1FF  }
0x1e7: {  	(v2sf) =	vpush v7, $0xF;
	_ =	sdelay $0x3  }
0x1e8: {  	[tilespmem:v6+s24+$0x0] =	vst.idx.add.s32.msk vm0, v5  }
0x1e9: {  	v6 =	vld [tilespmem:$0x160];
	_ =	sdelay $0x1  }
0x1ea: {  	vm10 =	vlt.s32 v8, v0  }
0x1eb: {  	v7 =	vsel vm10, $0x1, v3  }
0x1ec: {  	(xrf0) =	vadd.scan.msk.s32 $0xffff, v7  }
0x1ed: {  	(xrf0) =	vadd.scan.msk.s32 $0xffff, v6;
	_ =	sdelay $0x3  }
0x1ee: {  	[smem:$0x7F3] =	sst s23;
	s23 =	spop (v2sf)  }
0x1ef: {  	[smem:$0x7F7] =	sst s15;
	v6, _, _ =	vpop (xrf0);
	s15 =	spop (v2sf)  }
0x1f0: {  	s0 =	sadd.s32 s0, s15;
	v7, _, _ =	vpop (xrf0)  }
0x1f1: {  	v8 =	vadd.s32 s0, v7  }
0x1f2: {  	v53 =	vsub.s32 v8, v0  }
0x1f3: {  	vm11 =	vge.s32 v8, v0;
	vm12 =	vlt.s32 v8, v1;
	vm13 =	vgt.s32 v53, $0x0  }
0x1f4: {  	vm0 =	vmand vm11, vm12;
	v9 =	vnsel vm13, $0x0, v53  }
0x1f5: {  	(v2sf) =	vpush v6, $0xF;
	v6 =	vmin.u32 v9, $0x1FF  }
0x1f6: {  	(v2sf) =	vpush v7, $0xF;
	_ =	sdelay $0x3  }
0x1f7: {  	[tilespmem:v6+s24+$0x0] =	vst.idx.add.s32.msk vm0, v5  }
0x1f8: {  	v6 =	vld [tilespmem:$0x170];
	_ =	sdelay $0x1  }
0x1f9: {  	vm14 =	vlt.s32 v8, v0  }
0x1fa: {  	v7 =	vsel vm14, $0x1, v3  }
0x1fb: {  	(xrf0) =	vadd.scan.msk.s32 $0xffff, v7  }
0x1fc: {  	(xrf0) =	vadd.scan.msk.s32 $0xffff, v6;
	_ =	sdelay $0x3  }
0x1fd: {  	[dreg:$0x1d] =	wrdreg s25;
	s25 =	spop (v2sf)  }
0x1fe: {  	[smem:$0x7FA] =	sst s23;
	v6, _, _ =	vpop (xrf0);
	s23 =	spop (v2sf)  }
0x1ff: {  	s0 =	sadd.s32 s0, s23;
	v7, _, _ =	vpop (xrf0)  }
0x200: {  	v8 =	vadd.s32 s0, v7  }
0x201: {  	v54 =	vsub.s32 v8, v0  }
0x202: {  	vm15 =	vge.s32 v8, v0;
	vm4 =	vlt.s32 v8, v1;
	vm5 =	vgt.s32 v54, $0x0  }
0x203: {  	vm0 =	vmand vm15, vm4;
	v9 =	vnsel vm5, $0x0, v54  }
0x204: {  	(v2sf) =	vpush v6, $0xF;
	v6 =	vmin.u32 v9, $0x1FF  }
0x205: {  	(v2sf) =	vpush v7, $0xF;
	_ =	sdelay $0x3  }
0x206: {  	[tilespmem:v6+s24+$0x0] =	vst.idx.add.s32.msk vm0, v5  }
0x207: {  	v6 =	vld [tilespmem:$0x180];
	_ =	sdelay $0x1  }
0x208: {  	vm6 =	vlt.s32 v8, v0  }
0x209: {  	v7 =	vsel vm6, $0x1, v3  }
0x20a: {  	(xrf0) =	vadd.scan.msk.s32 $0xffff, v7  }
0x20b: {  	(xrf0) =	vadd.scan.msk.s32 $0xffff, v6;
	_ =	sdelay $0x3  }
0x20c: {  	[smem:$0x7F4] =	sst s26;
	s26 =	spop (v2sf)  }
0x20d: {  	[smem:$0x7FB] =	sst s25;
	v6, _, _ =	vpop (xrf0);
	s25 =	spop (v2sf)  }
0x20e: {  	s0 =	sadd.s32 s0, s25;
	v7, _, _ =	vpop (xrf0)  }
0x20f: {  	v8 =	vadd.s32 s0, v7  }
0x210: {  	v55 =	vsub.s32 v8, v0  }
0x211: {  	vm7 =	vge.s32 v8, v0;
	vm8 =	vlt.s32 v8, v1;
	vm9 =	vgt.s32 v55, $0x0  }
0x212: {  	vm0 =	vmand vm7, vm8;
	v9 =	vnsel vm9, $0x0, v55  }
0x213: {  	(v2sf) =	vpush v6, $0xF;
	v6 =	vmin.u32 v9, $0x1FF  }
0x214: {  	(v2sf) =	vpush v7, $0xF;
	_ =	sdelay $0x3  }
0x215: {  	[tilespmem:v6+s24+$0x0] =	vst.idx.add.s32.msk vm0, v5  }
0x216: {  	v6 =	vld [tilespmem:$0x190];
	_ =	sdelay $0x1  }
0x217: {  	vm10 =	vlt.s32 v8, v0  }
0x218: {  	v7 =	vsel vm10, $0x1, v3  }
0x219: {  	(xrf0) =	vadd.scan.msk.s32 $0xffff, v7  }
0x21a: {  	(xrf0) =	vadd.scan.msk.s32 $0xffff, v6;
	_ =	sdelay $0x3  }
0x21b: {  	[dreg:$0x1e] =	wrdreg s5;
	s5 =	spop (v2sf)  }
0x21c: {  	[smem:$0x7FC] =	sst s26;
	v6, _, _ =	vpop (xrf0);
	s26 =	spop (v2sf)  }
0x21d: {  	s0 =	sadd.s32 s0, s26;
	v7, _, _ =	vpop (xrf0)  }
0x21e: {  	v8 =	vadd.s32 s0, v7  }
0x21f: {  	v56 =	vsub.s32 v8, v0  }
0x220: {  	vm11 =	vge.s32 v8, v0;
	vm12 =	vlt.s32 v8, v1;
	vm13 =	vgt.s32 v56, $0x0  }
0x221: {  	vm0 =	vmand vm11, vm12;
	v9 =	vnsel vm13, $0x0, v56  }
0x222: {  	(v2sf) =	vpush v6, $0xF;
	v6 =	vmin.u32 v9, $0x1FF  }
0x223: {  	(v2sf) =	vpush v7, $0xF;
	_ =	sdelay $0x3  }
0x224: {  	[tilespmem:v6+s24+$0x0] =	vst.idx.add.s32.msk vm0, v5  }
0x225: {  	v6 =	vld [tilespmem:$0x1A0];
	_ =	sdelay $0x1  }
0x226: {  	vm14 =	vlt.s32 v8, v0  }
0x227: {  	v7 =	vsel vm14, $0x1, v3  }
0x228: {  	(xrf0) =	vadd.scan.msk.s32 $0xffff, v7  }
0x229: {  	(xrf0) =	vadd.scan.msk.s32 $0xffff, v6;
	_ =	sdelay $0x3  }
0x22a: {  	[smem:$0x7E9] =	sst s16;
	s16 =	spop (v2sf)  }
0x22b: {  	v6, _, _ =	vpop (xrf0);
	s28 =	spop (v2sf)  }
0x22c: {  	s0 =	sadd.s32 s0, s28;
	v7, _, _ =	vpop (xrf0)  }
0x22d: {  	v8 =	vadd.s32 s0, v7  }
0x22e: {  	v57 =	vsub.s32 v8, v0  }
0x22f: {  	vm15 =	vge.s32 v8, v0;
	vm4 =	vlt.s32 v8, v1;
	vm5 =	vgt.s32 v57, $0x0  }
0x230: {  	vm0 =	vmand vm15, vm4;
	v9 =	vnsel vm5, $0x0, v57  }
0x231: {  	(v2sf) =	vpush v6, $0xF;
	v6 =	vmin.u32 v9, $0x1FF  }
0x232: {  	(v2sf) =	vpush v7, $0xF;
	_ =	sdelay $0x3  }
0x233: {  	[tilespmem:v6+s24+$0x0] =	vst.idx.add.s32.msk vm0, v5  }
0x234: {  	v6 =	vld [tilespmem:$0x1B0];
	_ =	sdelay $0x1  }
0x235: {  	vm6 =	vlt.s32 v8, v0  }
0x236: {  	v7 =	vsel vm6, $0x1, v3  }
0x237: {  	(xrf0) =	vadd.scan.msk.s32 $0xffff, v7  }
0x238: {  	(xrf0) =	vadd.scan.msk.s32 $0xffff, v6;
	_ =	sdelay $0x3  }
0x239: {  	[smem:$0x7FD] =	sst s5;
	s5 =	spop (v2sf)  }
0x23a: {  	v6, _, _ =	vpop (xrf0);
	s29 =	spop (v2sf)  }
0x23b: {  	s0 =	sadd.s32 s0, s29;
	v7, _, _ =	vpop (xrf0)  }
0x23c: {  	v8 =	vadd.s32 s0, v7  }
0x23d: {  	v58 =	vsub.s32 v8, v0  }
0x23e: {  	vm7 =	vge.s32 v8, v0;
	vm8 =	vlt.s32 v8, v1;
	vm9 =	vgt.s32 v58, $0x0  }
0x23f: {  	vm0 =	vmand vm7, vm8;
	v9 =	vnsel vm9, $0x0, v58  }
0x240: {  	(v2sf) =	vpush v6, $0xF;
	v6 =	vmin.u32 v9, $0x1FF  }
0x241: {  	(v2sf) =	vpush v7, $0xF;
	_ =	sdelay $0x3  }
0x242: {  	[tilespmem:v6+s24+$0x0] =	vst.idx.add.s32.msk vm0, v5  }
0x243: {  	v6 =	vld [tilespmem:$0x1C0];
	_ =	sdelay $0x1  }
0x244: {  	vm10 =	vlt.s32 v8, v0  }
0x245: {  	v7 =	vsel vm10, $0x1, v3  }
0x246: {  	(xrf0) =	vadd.scan.msk.s32 $0xffff, v7  }
0x247: {  	(xrf0) =	vadd.scan.msk.s32 $0xffff, v6;
	_ =	sdelay $0x3  }
0x248: {  	[dreg:$0x1f] =	wrdreg s9;
	s9 =	spop (v2sf)  }
0x249: {  	v6, _, _ =	vpop (xrf0);
	s30 =	spop (v2sf)  }
0x24a: {  	s0 =	sadd.s32 s0, s30;
	v7, _, _ =	vpop (xrf0)  }
0x24b: {  	v8 =	vadd.s32 s0, v7  }
0x24c: {  	v59 =	vsub.s32 v8, v0  }
0x24d: {  	vm11 =	vge.s32 v8, v0;
	vm12 =	vlt.s32 v8, v1;
	vm13 =	vgt.s32 v59, $0x0  }
0x24e: {  	vm0 =	vmand vm11, vm12;
	v9 =	vnsel vm13, $0x0, v59  }
0x24f: {  	(v2sf) =	vpush v6, $0xF;
	v6 =	vmin.u32 v9, $0x1FF  }
0x250: {  	(v2sf) =	vpush v7, $0xF;
	_ =	sdelay $0x3  }
0x251: {  	[tilespmem:v6+s24+$0x0] =	vst.idx.add.s32.msk vm0, v5  }
0x252: {  	v6 =	vld [tilespmem:$0x1D0];
	_ =	sdelay $0x1  }
0x253: {  	vm14 =	vlt.s32 v8, v0  }
0x254: {  	v7 =	vsel vm14, $0x1, v3  }
0x255: {  	(xrf0) =	vadd.scan.msk.s32 $0xffff, v7  }
0x256: {  	(xrf0) =	vadd.scan.msk.s32 $0xffff, v6;
	_ =	sdelay $0x3  }
0x257: {  	[smem:$0x7F6] =	sst s10;
	s10 =	spop (v2sf)  }
0x258: {  	v6, _, _ =	vpop (xrf0);
	s31 =	spop (v2sf)  }
0x259: {  	[smem:$0x7F5] =	sst s6;
	s6 =	sadd.s32 s0, s31;
	v7, _, _ =	vpop (xrf0)  }
0x25a: {  	v8 =	vadd.s32 s6, v7  }
0x25b: {  	v60 =	vsub.s32 v8, v0  }
0x25c: {  	vm15 =	vge.s32 v8, v0;
	vm4 =	vlt.s32 v8, v1;
	vm5 =	vgt.s32 v60, $0x0  }
0x25d: {  	vm0 =	vmand vm15, vm4;
	v9 =	vnsel vm5, $0x0, v60  }
0x25e: {  	(v2sf) =	vpush v6, $0xF;
	v6 =	vmin.u32 v9, $0x1FF  }
0x25f: {  	(v2sf) =	vpush v7, $0xF;
	_ =	sdelay $0x3  }
0x260: {  	[tilespmem:v6+s24+$0x0] =	vst.idx.add.s32.msk vm0, v5  }
0x261: {  	v6 =	vld [tilespmem:$0x1E0];
	_ =	sdelay $0x1  }
0x262: {  	vm6 =	vlt.s32 v8, v0  }
0x263: {  	v7 =	vsel vm6, $0x1, v3  }
0x264: {  	(xrf0) =	vadd.scan.msk.s32 $0xffff, v7  }
0x265: {  	(xrf0) =	vadd.scan.msk.s32 $0xffff, v6;
	_ =	sdelay $0x3  }
0x266: {  	[smem:$0x7E8] =	sst s11;
	s11 =	spop (v2sf)  }
0x267: {  	v6, _, _ =	vpop (xrf0);
	s0 =	spop (v2sf)  }
0x268: {  	s6 =	sadd.s32 s6, s0;
	v7, _, _ =	vpop (xrf0)  }
0x269: {  	v8 =	vadd.s32 s6, v7  }
0x26a: {  	v61 =	vsub.s32 v8, v0  }
0x26b: {  	vm7 =	vge.s32 v8, v0;
	vm8 =	vlt.s32 v8, v1;
	vm9 =	vgt.s32 v61, $0x0  }
0x26c: {  	vm0 =	vmand vm7, vm8;
	v9 =	vnsel vm9, $0x0, v61  }
0x26d: {  	(v2sf) =	vpush v6, $0xF;
	v6 =	vmin.u32 v9, $0x1FF  }
0x26e: {  	(v2sf) =	vpush v7, $0xF;
	_ =	sdelay $0x2  }
0x26f: {  	s12 =	sadd.s32 s12, s13  }
0x270: {  	s2 =	sadd.s32 s14, s12;
	s14 =	sld [smem:$0x7EA];
	[tilespmem:v6+s24+$0x0] =	vst.idx.add.s32.msk vm0, v5  }
0x271: {  	v6 =	vld [tilespmem:$0x1F0]  }
0x272: {  	s13 =	sadd.s32 s18, s2;
	s18 =	sld [smem:$0x7EB]  }
0x273: {  	s12 =	sadd.s32 s14, s13;
	s14 =	sld [smem:$0x7EC];
	vm10 =	vlt.s32 v8, v0  }
0x274: {  	v7 =	vsel vm10, $0x1, v3  }
0x275: {  	s12 =	sadd.s32 s18, s12;
	s18 =	sld [smem:$0x7ED];
	(xrf0) =	vadd.scan.msk.s32 $0xffff, v7  }
0x276: {  	s12 =	sadd.s32 s14, s12;
	s14 =	sld [smem:$0x7EE];
	(xrf0) =	vadd.scan.msk.s32 $0xffff, v6;
	_ =	sdelay $0x1  }
0x277: {  	s12 =	sadd.s32 s18, s12;
	s18 =	sld [smem:$0x7EF]  }
0x278: {  	s12 =	sadd.s32 s14, s12;
	s14 =	sld [smem:$0x7F0]  }
0x279: {  	[smem:$0x7F8] =	sst s17;
	s17 =	spop (v2sf)  }
0x27a: {  	s12 =	sadd.s32 s18, s12;
	s18 =	sld [smem:$0x7F1];
	v7, _, _ =	vpop (xrf0);
	s2 =	spop (v2sf)  }
0x27b: {  	s6 =	sadd.s32 s6, s2;
	v6, _, _ =	vpop (xrf0)  }
0x27c: {  	s12 =	sadd.s32 s14, s12;
	s14 =	sld [smem:$0x7F2];
	v8 =	vadd.s32 s6, v6  }
0x27d: {  	s12 =	sadd.s32 s18, s12;
	s18 =	sld [smem:$0x7F3];
	vm11 =	vlt.s32 v8, v0  }
0x27e: {  	v62 =	vsel vm11, $0x1, v3  }
0x27f: {  	s12 =	sadd.s32 s14, s12;
	s14 =	sld [smem:$0x7F4];
	(xrf0) =	vadd.scan.msk.s32 $0xffff, v62  }
0x280: {  	s12 =	sadd.s32 s18, s12;
	s18 =	sld [smem:$0x7F5]  }
0x281: {  	v63 =	vsub.s32 v8, v0  }
0x282: {  	s12 =	sadd.s32 s14, s12;
	s14 =	sld [smem:$0x7F6];
	vm12 =	vge.s32 v8, v0;
	vm13 =	vlt.s32 v8, v1;
	vm14 =	vgt.s32 v63, $0x0  }
0x283: {  	s12 =	sadd.s32 s18, s12;
	s18 =	sld [smem:$0x7F7];
	vm0 =	vmand vm12, vm13;
	v8 =	vnsel vm14, $0x0, v63  }
0x284: {  	v8 =	vmin.u32 v8, $0x1FF  }
0x285: {  	s12 =	sadd.s32 s14, s12;
	s14 =	sld [smem:$0x7F8];
	(v2sf) =	vpush v7, $0xF;
	v7, _, _ =	vpop (xrf0)  }
0x286: {  	s12 =	sadd.s32 s18, s12;
	s18 =	sld [smem:$0x7F9];
	(v2sf) =	vpush v7, $0xF;
	_ =	sdelay $0x1  }
0x287: {  	s12 =	sadd.s32 s14, s12;
	s14 =	sld [smem:$0x7FA]  }
0x288: {  	s12 =	sadd.s32 s18, s12;
	s18 =	sld [smem:$0x7FB];
	[tilespmem:v8+s24+$0x0] =	vst.idx.add.s32.msk vm0, v5  }
0x289: {  	v7 =	vld [tilespmem:s24+$0x0];
	s24 =	sld [smem:$0x7FC]  }
0x28a: {  	s12 =	sadd.s32 s14, s12;
	s14 =	sld [smem:$0x7FD]  }
0x28b: {  	s12 =	sadd.s32 s18, s12  }
0x28c: {  	s12 =	sadd.s32 s24, s12  }
0x28d: {  	s12 =	sadd.s32 s14, s12  }
0x28e: {  	s12 =	sadd.s32 s16, s12  }
0x28f: {  	(xrf0) =	vadd.scan.msk.s32 $0xffff, v7;
	s5 =	sadd.s32 s5, s12  }
0x290: {  	s5 =	sadd.s32 s9, s5  }
0x291: {  	s5 =	sadd.s32 s10, s5  }
0x292: {  	s5 =	sadd.s32 s11, s5  }
0x293: {  	s16 =	spop (v2sf);
	s5 =	sadd.s32 s17, s5  }
0x294: {  	s5 =	sadd.s32 s16, s5;
	s17 =	spop (v2sf)  }
0x295: {  	v7, _, _ =	vpop (xrf0);
	s9 =	sadd.s32 s17, s5  }
0x296: {  	(v2sf) =	vpush v7, $0xF;
	s5 =	simm.s32 $0x0;
	v8 =	vadd.s32 s9, v7  }
0x297: {  	s18 =	sand.u32 $0x1E00, s5;
	vm15 =	vlt.s32 v8, $0x1FF  }
0x298: {  	s24 =	sand.u32 $0x10, s5;
	s10 =	sshrl.u32 s18, $0x2;
	v8 =	vnsel vm15, $0x1FF, v8  }
0x299: {  	s10 =	sor.u32 s24, s10;
	v8 =	vadd.s32 v2, v8  }
0x29a: {  	s11 =	simm.s32 $0x210;
	[tilespmem:s10+$0x400] =	vst v8  }
0x29b: {  	s16 =	simm.s32 $0x200;
	s10 =	simm.s32 $0x100;
	v7 =	vld [tilespmem:s11+$0x0]  }
.LBB2_4:
0x29c: {  	p1 =	sne.s32 s16, $0x1F00;
	_ =	sdelay $0x3  }
0x29d: {  	(xrf0) =	vadd.scan.msk.s32 $0xffff, v7;
	_ =	sdelay $0x4  }
0x29e: {  	s12 =	spop (v2sf)  }
0x29f: {  	v7, _, _ =	vpop (xrf0);
	s9 =	sadd.s32 s9, s12  }
0x2a0: {  	v8 =	vadd.s32 s9, v7;
	(v2sf) =	vpush v7, $0xF  }
.Ltmp3:
0x2a1: {  	s10 =	sand.u32 $0x1E00, s10;
	s5 =	sadd.s32 $0x10, s5;
	vm0 =	vlt.s32 v8, $0x1FF;
	(pc) =	sbr.rel @p1 .LBB2_4-.Ltmp3, $4  }
0x2a2: {  	s17 =	sshrl.u32 s10, $0x2;
	s10 =	smov.u32 s16;
	s12 =	sand.u32 $0x10, s5;
	v7 =	vnsel vm0, $0x1FF, v8  }
0x2a3: {  	s12 =	sor.u32 s12, s17;
	v7 =	vadd.s32 v2, v7  }
0x2a4: {  	s11 =	sadd.s32 $0x10, s11;
	[tilespmem:s12+$0x400] =	vst v7  }
0x2a5: {  	s16 =	sadd.s32 $0x100, s16;
	v7 =	vld [tilespmem:s11+$0x0]  }
0x2a6: {  	_ =	sdelay $0x3  }
0x2a7: {  	(xrf0) =	vadd.scan.msk.s32 $0xffff, v7;
	_ =	sdelay $0x5  }
0x2a8: {  	v7, _, _ =	vpop (xrf0)  }
0x2a9: {  	(v2sf) =	vpush v7, $0xF  }
0x2aa: {  	(v2sf) =	vpush v6, $0xF;
	_ =	sdelay $0xc  }
0x2ab: {  	s11 =	spop (v2sf)  }
0x2ac: {  	s12 =	spop (v2sf)  }
0x2ad: {  	s9 =	sadd.s32 s9, s11;
	s16 =	spop (v2sf)  }
0x2ae: {  	s5 =	sadd.s32 $0x10, s5;
	v6 =	vadd.s32 s9, v7;
	s24 =	sadd.s32 s6, s16  }
0x2af: {  	s14 =	sand.u32 $0x1E00, s10;
	s5 =	sand.u32 $0x10, s5;
	vm0 =	vlt.s32 v6, $0x1FF;
	p1 =	sgt.s32 @!p0 s24, $0x1  }
0x2b0: {  	v6 =	vnsel vm0, $0x1FF, v6;
	s6 =	sshrl.u32 s14, $0x2;
	s9 =	smov.u32 s24;
	p1 =	por !p1, p0  }
0x2b1: {  	v6 =	vadd.s32 v2, v6;
	s5 =	sor.u32 s5, s6;
	s9 =	simm.s32 @p1 $0x1  }
0x2b2: {  	[tilespmem:s5+$0x400] =	vst v6;
	v6 =	vmov @!p0 s9  }
0x2b3: {  	s6 =	simm.s32 @!p0 $0x14C00;
	s5 =	simm.s32 @!p0 $0x0;
	s9 =	rddreg [dreg:$0x6];
	[tilespmem:$0x14C00] =	vst @!p0 v6  }
0x2b4: {  	[hbm4b:s9+s5] =	stream.linear.scatter @!p0 [tilespmem:s6], [sflag:$0xA], $0x80, $0x38;
	[tilespmem:$0x14C80] =	vst v63  }
0x2b5: {  	s5 =	simm.s32 @!p0 $0xA  }
0x2b6: {  	_ =	swait.ge @!p0 [sflag:s5], $0x80  }
0x2b7: {  	s17 =	ssub.s32 s24, s4;
	[sflag:s5] =	ssyncset.done @!p0 $0x0  }
0x2b8: {  	p1 =	slt.s32 s17, $0x1;
	[sflag:s5] =	ssyncadd.s32 @!p0 $0xFFFFFF80  }
0x2b9: {  	v6 =	vld @!p1 [tilespmem:$0x400];
	_ =	sdelay $0x4  }
0x2ba: {  	v7 =	vshll.u32 @!p1 v6, $0x2  }
0x2bb: {  	v8 =	vlaneseq.u32 @!p1;
	v6 =	vand.u32 @!p1 $0x7, v6;
	v7 =	vand.u32 @!p1 $0xFFFFFFE0, v7  }
0x2bc: {  	v9 =	vshrl.u32 @!p1 v8, $0x3;
	v6 =	vor.u32 @!p1 v6, v7;
	v7 =	vand.u32 @!p1 $0x7, v8  }
0x2bd: {  	v9 =	vmul.u32 @!p1 $0x8, v9;
	v10 =	vperm.xlane @!p1 v6, v7;
	_ =	sdelay $0x1  }
0x2be: {  	v10 =	vadd.s32 @!p1 v9, v10  }
0x2bf: {  	v8 =	vor.u32 @!p1 $0x8, v8  }
0x2c0: {  	v6 =	vperm.xlane @!p1 v6, v8;
	_ =	sdelay $0x1  }
0x2c1: {  	vm0 =	vmmov @!p1 $0xffff;
	s9 =	simm.s32 @!p1 $0xC00;
	s5 =	simm.s32 @!p1 $0x0;
	v6 =	vadd.s32 @!p1 v9, v6  }
0x2c2: {  	[tilespmem:s9], [sflag:$0x1] =	stream.indirect_vreg.gather @!p1 [hbm4b:s1+s5], $0x80, v10, vm0, $0xb8;
	[tilespmem:$0x14C80] =	vst v63  }
0x2c3: {  	s9 =	simm.s32 @!p1 $0x1400  }
0x2c4: {  	[tilespmem:s9], [sflag:$0x1] =	stream.indirect_vreg.gather @!p1 [hbm4b:s7+s5], $0x80, v10, vm0, $0xb8;
	[tilespmem:$0x14C80] =	vst v63  }
0x2c5: {  	s9 =	simm.s32 @!p1 $0x1C00  }
0x2c6: {  	[tilespmem:s9], [sflag:$0x1] =	stream.indirect_vreg.gather @!p1 [hbm4b:s1+s5], $0x80, v6, vm0, $0xb8;
	[tilespmem:$0x14C80] =	vst v63  }
0x2c7: {  	s9 =	simm.s32 @!p1 $0x2400  }
0x2c8: {  	[tilespmem:s9], [sflag:$0x1] =	stream.indirect_vreg.gather @!p1 [hbm4b:s7+s5], $0x80, v6, vm0, $0xb8;
	[tilespmem:$0x14C80] =	vst v63  }
0x2c9: {  	v6 =	vld @!p1 [tilespmem:$0x410];
	_ =	sdelay $0x4  }
0x2ca: {  	v10 =	vshll.u32 @!p1 v6, $0x2  }
0x2cb: {  	v6 =	vand.u32 @!p1 $0x7, v6;
	v10 =	vand.u32 @!p1 $0xFFFFFFE0, v10  }
0x2cc: {  	v6 =	vor.u32 @!p1 v6, v10  }
0x2cd: {  	v7 =	vperm.xlane @!p1 v6, v7;
	_ =	sdelay $0x1  }
0x2ce: {  	v7 =	vadd.s32 @!p1 v9, v7;
	_ =	sdelay $0x1  }
0x2cf: {  	v6 =	vperm.xlane @!p1 v6, v8;
	_ =	sdelay $0x1  }
0x2d0: {  	s9 =	simm.s32 @!p1 $0x2C00;
	v6 =	vadd.s32 @!p1 v9, v6  }
0x2d1: {  	[tilespmem:s9], [sflag:$0x1] =	stream.indirect_vreg.gather @!p1 [hbm4b:s1+s5], $0x80, v7, vm0, $0xb8;
	[tilespmem:$0x14C80] =	vst v63  }
0x2d2: {  	s9 =	simm.s32 @!p1 $0x3400  }
0x2d3: {  	[tilespmem:s9], [sflag:$0x1] =	stream.indirect_vreg.gather @!p1 [hbm4b:s7+s5], $0x80, v7, vm0, $0xb8;
	[tilespmem:$0x14C80] =	vst v63  }
0x2d4: {  	s9 =	simm.s32 @!p1 $0x3C00  }
0x2d5: {  	[tilespmem:s9], [sflag:$0x1] =	stream.indirect_vreg.gather @!p1 [hbm4b:s1+s5], $0x80, v6, vm0, $0xb8;
	[tilespmem:$0x14C80] =	vst v63  }
0x2d6: {  	s18 =	sadd.s32 $0xFFFFFFE0, s17;
	s9 =	simm.s32 @!p1 $0x4400  }
0x2d7: {  	[tilespmem:s9], [sflag:$0x1] =	stream.indirect_vreg.gather @!p1 [hbm4b:s7+s5], $0x80, v6, vm0, $0xb8;
	[tilespmem:$0x14C80] =	vst v63  }
0x2d8: {  	p1 =	slt.s32 s18, $0x1  }
0x2d9: {  	v6 =	vld @!p1 [tilespmem:$0x480];
	_ =	sdelay $0x4  }
0x2da: {  	v7 =	vshll.u32 @!p1 v6, $0x2  }
0x2db: {  	v8 =	vlaneseq.u32 @!p1;
	v6 =	vand.u32 @!p1 $0x7, v6;
	v7 =	vand.u32 @!p1 $0xFFFFFFE0, v7  }
0x2dc: {  	v9 =	vshrl.u32 @!p1 v8, $0x3;
	v6 =	vor.u32 @!p1 v6, v7;
	v7 =	vand.u32 @!p1 $0x7, v8  }
0x2dd: {  	v9 =	vmul.u32 @!p1 $0x8, v9;
	v10 =	vperm.xlane @!p1 v6, v7;
	_ =	sdelay $0x1  }
0x2de: {  	v10 =	vadd.s32 @!p1 v9, v10  }
0x2df: {  	v8 =	vor.u32 @!p1 $0x8, v8  }
0x2e0: {  	v6 =	vperm.xlane @!p1 v6, v8;
	_ =	sdelay $0x1  }
0x2e1: {  	vm0 =	vmmov @!p1 $0xffff;
	s5 =	simm.s32 @!p1 $0x0;
	s6 =	simm.s32 @!p1 $0x4C00;
	v6 =	vadd.s32 @!p1 v9, v6  }
0x2e2: {  	[tilespmem:s6], [sflag:$0x2] =	stream.indirect_vreg.gather @!p1 [hbm4b:s1+s5], $0x80, v10, vm0, $0xb8;
	[tilespmem:$0x14C80] =	vst v63  }
0x2e3: {  	s6 =	simm.s32 @!p1 $0x5400  }
0x2e4: {  	[tilespmem:s6], [sflag:$0x2] =	stream.indirect_vreg.gather @!p1 [hbm4b:s7+s5], $0x80, v10, vm0, $0xb8;
	[tilespmem:$0x14C80] =	vst v63  }
0x2e5: {  	s6 =	simm.s32 @!p1 $0x5C00  }
0x2e6: {  	[tilespmem:s6], [sflag:$0x2] =	stream.indirect_vreg.gather @!p1 [hbm4b:s1+s5], $0x80, v6, vm0, $0xb8;
	[tilespmem:$0x14C80] =	vst v63  }
0x2e7: {  	s6 =	simm.s32 @!p1 $0x6400  }
0x2e8: {  	[tilespmem:s6], [sflag:$0x2] =	stream.indirect_vreg.gather @!p1 [hbm4b:s7+s5], $0x80, v6, vm0, $0xb8;
	[tilespmem:$0x14C80] =	vst v63  }
0x2e9: {  	v6 =	vld @!p1 [tilespmem:$0x490];
	_ =	sdelay $0x4  }
0x2ea: {  	v10 =	vshll.u32 @!p1 v6, $0x2  }
0x2eb: {  	v6 =	vand.u32 @!p1 $0x7, v6;
	v10 =	vand.u32 @!p1 $0xFFFFFFE0, v10  }
0x2ec: {  	v6 =	vor.u32 @!p1 v6, v10  }
0x2ed: {  	v7 =	vperm.xlane @!p1 v6, v7;
	_ =	sdelay $0x1  }
0x2ee: {  	v7 =	vadd.s32 @!p1 v9, v7  }
0x2ef: {  	s13 =	rddreg [dreg:$0x10]  }
0x2f0: {  	s17 =	rddreg [dreg:$0xf];
	v6 =	vperm.xlane @!p1 v6, v8  }
0x2f1: {  	s14 =	rddreg [dreg:$0x11]  }
0x2f2: {  	s10 =	rddreg [dreg:$0xa];
	s6 =	simm.s32 @!p1 $0x6C00;
	v6 =	vadd.s32 @!p1 v9, v6  }
0x2f3: {  	[tilespmem:s6], [sflag:$0x2] =	stream.indirect_vreg.gather @!p1 [hbm4b:s1+s5], $0x80, v7, vm0, $0xb8;
	[tilespmem:$0x14C80] =	vst v63  }
0x2f4: {  	s11 =	rddreg [dreg:$0xb];
	s6 =	simm.s32 @!p1 $0x7400  }
0x2f5: {  	[tilespmem:s6], [sflag:$0x2] =	stream.indirect_vreg.gather @!p1 [hbm4b:s7+s5], $0x80, v7, vm0, $0xb8;
	[tilespmem:$0x14C80] =	vst v63  }
0x2f6: {  	s12 =	rddreg [dreg:$0xc];
	s6 =	simm.s32 @!p1 $0x7C00  }
0x2f7: {  	[tilespmem:s6], [sflag:$0x2] =	stream.indirect_vreg.gather @!p1 [hbm4b:s1+s5], $0x80, v6, vm0, $0xb8;
	[tilespmem:$0x14C80] =	vst v63  }
0x2f8: {  	s9 =	rddreg [dreg:$0x9];
	s6 =	simm.s32 @!p1 $0x8400  }
0x2f9: {  	[tilespmem:s6], [sflag:$0x2] =	stream.indirect_vreg.gather @!p1 [hbm4b:s7+s5], $0x80, v6, vm0, $0xb8;
	[tilespmem:$0x14C80] =	vst v63  }
0x2fa: {  	s6 =	rddreg [dreg:$0x8]  }
0x2fb: {  	s18 =	rddreg [dreg:$0x12];
	s5 =	sadd.s32 s13, s6  }
0x2fc: {  	s6 =	sadd.s32 s13, s9;
	s9 =	sadd.s32 s13, s10;
	s10 =	sadd.s32 s13, s11  }
0x2fd: {  	s11 =	sadd.s32 s13, s12;
	s12 =	rddreg [dreg:$0xd];
	s5 =	sadd.s32 s17, s5  }
0x2fe: {  	s6 =	sadd.s32 s17, s6;
	s9 =	sadd.s32 s17, s9;
	s10 =	sadd.s32 s17, s10  }
0x2ff: {  	s11 =	sadd.s32 s17, s11;
	s12 =	sadd.s32 s13, s12;
	s13 =	rddreg [dreg:$0x13]  }
0x300: {  	s5 =	sadd.s32 s14, s5;
	s6 =	sadd.s32 s14, s6;
	s12 =	sadd.s32 s17, s12  }
0x301: {  	s9 =	sadd.s32 s14, s9;
	s10 =	sadd.s32 s14, s10;
	s11 =	sadd.s32 s14, s11  }
0x302: {  	s17 =	rddreg [dreg:$0x14];
	s5 =	sadd.s32 s18, s5;
	s6 =	sadd.s32 s18, s6  }
0x303: {  	s12 =	sadd.s32 s14, s12;
	s9 =	sadd.s32 s18, s9;
	s10 =	sadd.s32 s18, s10  }
0x304: {  	s11 =	sadd.s32 s18, s11;
	s14 =	rddreg [dreg:$0x17];
	s5 =	sadd.s32 s13, s5  }
0x305: {  	s6 =	sadd.s32 s13, s6;
	s12 =	sadd.s32 s18, s12;
	s18 =	rddreg [dreg:$0x15]  }
0x306: {  	s9 =	sadd.s32 s13, s9;
	s10 =	sadd.s32 s13, s10;
	s11 =	sadd.s32 s13, s11  }
0x307: {  	s5 =	sadd.s32 s17, s5;
	s6 =	sadd.s32 s17, s6;
	s12 =	sadd.s32 s13, s12  }
0x308: {  	s13 =	rddreg [dreg:$0x16];
	s9 =	sadd.s32 s17, s9;
	s10 =	sadd.s32 s17, s10  }
0x309: {  	s11 =	sadd.s32 s17, s11;
	s5 =	sadd.s32 s18, s5;
	s6 =	sadd.s32 s18, s6  }
0x30a: {  	s12 =	sadd.s32 s17, s12;
	s9 =	sadd.s32 s18, s9;
	s10 =	sadd.s32 s18, s10  }
0x30b: {  	s11 =	sadd.s32 s18, s11;
	s5 =	sadd.s32 s13, s5;
	s6 =	sadd.s32 s13, s6  }
0x30c: {  	s12 =	sadd.s32 s18, s12;
	s18 =	rddreg [dreg:$0x18];
	s9 =	sadd.s32 s13, s9  }
0x30d: {  	s10 =	sadd.s32 s13, s10;
	s11 =	sadd.s32 s13, s11;
	s5 =	sadd.s32 s14, s5  }
0x30e: {  	s6 =	sadd.s32 s14, s6;
	s12 =	sadd.s32 s13, s12;
	s13 =	rddreg [dreg:$0x19]  }
0x30f: {  	s9 =	sadd.s32 s14, s9;
	s10 =	sadd.s32 s14, s10;
	s11 =	sadd.s32 s14, s11  }
0x310: {  	s5 =	sadd.s32 s18, s5;
	s6 =	sadd.s32 s18, s6;
	s12 =	sadd.s32 s14, s12  }
0x311: {  	s14 =	rddreg [dreg:$0x1a];
	s9 =	sadd.s32 s18, s9;
	s10 =	sadd.s32 s18, s10  }
0x312: {  	s11 =	sadd.s32 s18, s11;
	s5 =	sadd.s32 s13, s5;
	s6 =	sadd.s32 s13, s6  }
0x313: {  	s12 =	sadd.s32 s18, s12;
	s18 =	rddreg [dreg:$0x1b];
	s9 =	sadd.s32 s13, s9  }
0x314: {  	s10 =	sadd.s32 s13, s10;
	s11 =	sadd.s32 s13, s11;
	s5 =	sadd.s32 s14, s5  }
0x315: {  	s6 =	sadd.s32 s14, s6;
	s12 =	sadd.s32 s13, s12;
	s13 =	rddreg [dreg:$0x1c]  }
0x316: {  	s9 =	sadd.s32 s14, s9;
	s10 =	sadd.s32 s14, s10;
	s11 =	sadd.s32 s14, s11  }
0x317: {  	s5 =	sadd.s32 s18, s5;
	s6 =	sadd.s32 s18, s6;
	s12 =	sadd.s32 s14, s12  }
0x318: {  	s14 =	rddreg [dreg:$0x1d];
	s9 =	sadd.s32 s18, s9;
	s10 =	sadd.s32 s18, s10  }
0x319: {  	s11 =	sadd.s32 s18, s11;
	s5 =	sadd.s32 s13, s5;
	s6 =	sadd.s32 s13, s6  }
0x31a: {  	s12 =	sadd.s32 s18, s12;
	s18 =	rddreg [dreg:$0x1e];
	s9 =	sadd.s32 s13, s9  }
0x31b: {  	s10 =	sadd.s32 s13, s10;
	s11 =	sadd.s32 s13, s11;
	s5 =	sadd.s32 s14, s5  }
0x31c: {  	s6 =	sadd.s32 s14, s6;
	s12 =	sadd.s32 s13, s12;
	s13 =	rddreg [dreg:$0x1f]  }
0x31d: {  	s9 =	sadd.s32 s14, s9;
	s10 =	sadd.s32 s14, s10;
	s11 =	sadd.s32 s14, s11  }
0x31e: {  	s5 =	sadd.s32 s18, s5;
	s6 =	sadd.s32 s18, s6;
	s12 =	sadd.s32 s14, s12  }
0x31f: {  	s14 =	sld [smem:$0x7E8];
	s9 =	sadd.s32 s18, s9;
	s10 =	sadd.s32 s18, s10  }
0x320: {  	s11 =	sadd.s32 s18, s11;
	s5 =	sadd.s32 s13, s5;
	s6 =	sadd.s32 s13, s6  }
0x321: {  	s12 =	sadd.s32 s18, s12;
	s18 =	sld [smem:$0x7E9];
	s9 =	sadd.s32 s13, s9  }
0x322: {  	s10 =	sadd.s32 s13, s10;
	s11 =	sadd.s32 s13, s11;
	s12 =	sadd.s32 s13, s12  }
0x323: {  	s5 =	sadd.s32 s14, s5;
	s6 =	sadd.s32 s14, s6;
	s9 =	sadd.s32 s14, s9  }
0x324: {  	s10 =	sadd.s32 s14, s10;
	s11 =	sadd.s32 s14, s11;
	s12 =	sadd.s32 s14, s12  }
0x325: {  	s5 =	sadd.s32 s18, s5;
	s6 =	sadd.s32 s18, s6;
	s9 =	sadd.s32 s18, s9  }
0x326: {  	s10 =	sadd.s32 s18, s10;
	s11 =	sadd.s32 s18, s11;
	s12 =	sadd.s32 s18, s12  }
0x327: {  	s5 =	sadd.s32 s22, s5;
	s6 =	sadd.s32 s22, s6;
	s9 =	sadd.s32 s22, s9  }
0x328: {  	s10 =	sadd.s32 s22, s10;
	s11 =	sadd.s32 s22, s11;
	s12 =	sadd.s32 s22, s12  }
0x329: {  	s5 =	sadd.s32 s21, s5;
	s6 =	sadd.s32 s21, s6;
	s9 =	sadd.s32 s21, s9  }
0x32a: {  	s10 =	sadd.s32 s21, s10;
	s11 =	sadd.s32 s21, s11;
	s12 =	sadd.s32 s21, s12  }
0x32b: {  	s5 =	sadd.s32 s15, s5;
	s6 =	sadd.s32 s15, s6;
	s9 =	sadd.s32 s15, s9  }
0x32c: {  	s10 =	sadd.s32 s15, s10;
	s11 =	sadd.s32 s15, s11;
	s12 =	sadd.s32 s15, s12  }
0x32d: {  	s5 =	sadd.s32 s23, s5;
	s6 =	sadd.s32 s23, s6;
	s9 =	sadd.s32 s23, s9  }
0x32e: {  	s10 =	sadd.s32 s23, s10;
	s11 =	sadd.s32 s23, s11;
	s12 =	sadd.s32 s23, s12  }
0x32f: {  	s5 =	sadd.s32 s25, s5;
	s6 =	sadd.s32 s25, s6;
	s9 =	sadd.s32 s25, s9  }
0x330: {  	s10 =	sadd.s32 s25, s10;
	s11 =	sadd.s32 s25, s11;
	s12 =	sadd.s32 s25, s12  }
0x331: {  	s5 =	sadd.s32 s26, s5;
	s6 =	sadd.s32 s26, s6;
	s9 =	sadd.s32 s26, s9  }
0x332: {  	s10 =	sadd.s32 s26, s10;
	s11 =	sadd.s32 s26, s11;
	s12 =	sadd.s32 s26, s12  }
0x333: {  	s5 =	sadd.s32 s28, s5;
	s6 =	sadd.s32 s28, s6;
	s9 =	sadd.s32 s28, s9  }
0x334: {  	s10 =	sadd.s32 s28, s10;
	s11 =	sadd.s32 s28, s11;
	s12 =	sadd.s32 s28, s12  }
0x335: {  	s5 =	sadd.s32 s29, s5;
	s6 =	sadd.s32 s29, s6;
	s9 =	sadd.s32 s29, s9  }
0x336: {  	s10 =	sadd.s32 s29, s10;
	s11 =	sadd.s32 s29, s11;
	s12 =	sadd.s32 s29, s12  }
0x337: {  	s5 =	sadd.s32 s30, s5;
	s6 =	sadd.s32 s30, s6;
	s9 =	sadd.s32 s30, s9  }
0x338: {  	s10 =	sadd.s32 s30, s10;
	s11 =	sadd.s32 s30, s11;
	s12 =	sadd.s32 s30, s12  }
0x339: {  	s5 =	sadd.s32 s31, s5;
	s6 =	sadd.s32 s31, s6;
	s9 =	sadd.s32 s31, s9  }
0x33a: {  	s10 =	sadd.s32 s31, s10;
	s11 =	sadd.s32 s31, s11;
	s12 =	sadd.s32 s31, s12  }
0x33b: {  	s5 =	sadd.s32 s0, s5;
	s6 =	sadd.s32 s0, s6;
	s9 =	sadd.s32 s0, s9  }
0x33c: {  	s13 =	sadd.s32 s0, s10;
	s14 =	sadd.s32 s0, s11;
	s15 =	sadd.s32 s0, s12  }
0x33d: {  	s5 =	sadd.s32 s2, s5;
	s6 =	sadd.s32 s2, s6;
	s17 =	sadd.s32 s2, s9  }
.Ltmp4:
0x33e: {  	s18 =	sadd.s32 s2, s13;
	s22 =	sadd.s32 s2, s14;
	(pc) =	sbr.rel .LBB2_6-.Ltmp4, $4  }
0x33f: {  	s23 =	sadd.s32 s2, s15;
	s25 =	sadd.s32 s16, s5;
	s5 =	sadd.s32 s16, s6  }
0x340: {  	s29 =	sadd.s32 s16, s17;
	s21 =	sadd.s32 s16, s18;
	s0 =	sadd.s32 s16, s22  }
0x341: {  	s2 =	sadd.s32 s16, s23;
	s16 =	simm.s32 $0x0;
	s26 =	sshll.u32 s5, $0x7  }
0x342: {  	s28 =	sshll.u32 s5, $0x9;
	s30 =	sshll.u32 s21, $0x7;
	s31 =	sshll.u32 s21, $0x9  }
.LBB2_28:
0x343: {  	s5 =	simm.s32 @!p1 $0xCC00  }
0x344: {  	s5 =	simm.s32 @p1 $0x10C00  }
.LBB2_24:
0x345: {  	s16 =	sadd.s32 $0x1, s16  }
0x346: {  	p1 =	sne.s32 s16, $0x4  }
.Ltmp5:
0x347: {  	s6 =	sshll.u32 s6, $0x6;
	(pc) =	sbr.rel @!p1 .LBB2_25-.Ltmp5, $4  }
0x348: {  	s25 =	sadd.s32 $0xFFFFFF80, s25;
	s26 =	sadd.s32 $0xFFFFC000, s26;
	s28 =	sadd.s32 $0xFFFF0000, s28  }
0x349: {  	s29 =	sadd.s32 $0xFFFFFF80, s29;
	s30 =	sadd.s32 $0xFFFFC000, s30;
	s31 =	sadd.s32 $0xFFFF0000, s31  }
0x34a: {  	s0 =	sadd.s32 $0xFFFFFF80, s0;
	s2 =	sadd.s32 $0xFFFFFF80, s2;
	s6 =	sadd.s32 s6, s8  }
0x34b: {  	[hbm4b:s6+s3] =	stream.linear.scatter [tilespmem:s5], [sflag:$0x8], $0x4000, $0x38;
	[tilespmem:$0x14C80] =	vst v63  }
.LBB2_6:
0x34c: {  	s5 =	sshll.u32 s16, $0x2  }
0x34d: {  	s6 =	sor.u32 $0x2, s5  }
0x34e: {  	s9 =	sshll.u32 s6, $0x5  }
0x34f: {  	p3 =	seq.s32 s16, $0x0;
	s9 =	sadd.s32 s4, s9  }
0x350: {  	s10 =	simm.s32 @!p3 $0x7;
	s11 =	ssub.s32 s24, s9  }
0x351: {  	_ =	swait.ge @!p3 [sflag:s10], $0x4000;
	p2 =	slt.s32 s11, $0x1  }
0x352: {  	[sflag:s10] =	ssyncset.done @!p3 $0x0;
	s6 =	sshll.u32 @!p2 s6, $0x7  }
0x353: {  	[sflag:s10] =	ssyncadd.s32 @!p3 $0xFFFFC000;
	s6 =	sand.u32 @!p2 $0x3FFFFF80, s6  }
0x354: {  	v6 =	vld @!p2 [tilespmem:s6+$0x400];
	_ =	sdelay $0x4  }
0x355: {  	v7 =	vshll.u32 @!p2 v6, $0x2  }
0x356: {  	v8 =	vlaneseq.u32 @!p2;
	v6 =	vand.u32 @!p2 $0x7, v6;
	v7 =	vand.u32 @!p2 $0xFFFFFFE0, v7  }
0x357: {  	v9 =	vshrl.u32 @!p2 v8, $0x3;
	v6 =	vor.u32 @!p2 v6, v7;
	v7 =	vand.u32 @!p2 $0x7, v8  }
0x358: {  	v9 =	vmul.u32 @!p2 $0x8, v9;
	v10 =	vperm.xlane @!p2 v6, v7;
	_ =	sdelay $0x1  }
0x359: {  	v10 =	vadd.s32 @!p2 v9, v10  }
0x35a: {  	v8 =	vor.u32 @!p2 $0x8, v8  }
0x35b: {  	v6 =	vperm.xlane @!p2 v6, v8;
	_ =	sdelay $0x1  }
0x35c: {  	vm0 =	vmmov @!p2 $0xffff;
	s10 =	simm.s32 @!p2 $0x0;
	s12 =	simm.s32 @!p2 $0x8C00;
	v6 =	vadd.s32 @!p2 v9, v6  }
0x35d: {  	[tilespmem:s12], [sflag:$0x3] =	stream.indirect_vreg.gather @!p2 [hbm4b:s1+s10], $0x80, v10, vm0, $0xb8;
	[tilespmem:$0x14C80] =	vst v63  }
0x35e: {  	s12 =	simm.s32 @!p2 $0x9400  }
0x35f: {  	[tilespmem:s12], [sflag:$0x3] =	stream.indirect_vreg.gather @!p2 [hbm4b:s7+s10], $0x80, v10, vm0, $0xb8;
	[tilespmem:$0x14C80] =	vst v63  }
0x360: {  	s12 =	simm.s32 @!p2 $0x9C00  }
0x361: {  	[tilespmem:s12], [sflag:$0x3] =	stream.indirect_vreg.gather @!p2 [hbm4b:s1+s10], $0x80, v6, vm0, $0xb8;
	[tilespmem:$0x14C80] =	vst v63  }
0x362: {  	s12 =	simm.s32 @!p2 $0xA400  }
0x363: {  	[tilespmem:s12], [sflag:$0x3] =	stream.indirect_vreg.gather @!p2 [hbm4b:s7+s10], $0x80, v6, vm0, $0xb8;
	[tilespmem:$0x14C80] =	vst v63  }
0x364: {  	v6 =	vld @!p2 [tilespmem:s6+$0x410];
	_ =	sdelay $0x4  }
0x365: {  	v10 =	vshll.u32 @!p2 v6, $0x2  }
0x366: {  	v6 =	vand.u32 @!p2 $0x7, v6;
	v10 =	vand.u32 @!p2 $0xFFFFFFE0, v10  }
0x367: {  	v6 =	vor.u32 @!p2 v6, v10  }
0x368: {  	v7 =	vperm.xlane @!p2 v6, v7;
	_ =	sdelay $0x1  }
0x369: {  	v7 =	vadd.s32 @!p2 v9, v7;
	_ =	sdelay $0x1  }
0x36a: {  	v6 =	vperm.xlane @!p2 v6, v8;
	_ =	sdelay $0x1  }
0x36b: {  	s6 =	simm.s32 @!p2 $0xAC00;
	v6 =	vadd.s32 @!p2 v9, v6  }
0x36c: {  	[tilespmem:s6], [sflag:$0x3] =	stream.indirect_vreg.gather @!p2 [hbm4b:s1+s10], $0x80, v7, vm0, $0xb8;
	[tilespmem:$0x14C80] =	vst v63  }
0x36d: {  	s6 =	simm.s32 @!p2 $0xB400  }
0x36e: {  	[tilespmem:s6], [sflag:$0x3] =	stream.indirect_vreg.gather @!p2 [hbm4b:s7+s10], $0x80, v7, vm0, $0xb8;
	[tilespmem:$0x14C80] =	vst v63  }
0x36f: {  	s23 =	sshll.u32 s16, $0x7;
	s6 =	simm.s32 @!p2 $0xBC00  }
0x370: {  	[tilespmem:s6], [sflag:$0x3] =	stream.indirect_vreg.gather @!p2 [hbm4b:s1+s10], $0x80, v6, vm0, $0xb8;
	[tilespmem:$0x14C80] =	vst v63  }
0x371: {  	s12 =	sor.u32 s4, s23;
	s6 =	simm.s32 @!p2 $0xC400  }
0x372: {  	[tilespmem:s6], [sflag:$0x3] =	stream.indirect_vreg.gather @!p2 [hbm4b:s7+s10], $0x80, v6, vm0, $0xb8;
	[tilespmem:$0x14C80] =	vst v63  }
0x373: {  	s6 =	ssub.s32 s24, s12  }
0x374: {  	p1 =	slt.s32 s6, $0x1  }
0x375: {  	p4 =	sgt.u32 @!p1 s6, $0x1F  }
0x376: {  	p4 =	por p1, p4  }
.Ltmp6:
0x377: {  	_ = 	snop;
	(pc) =	sbr.rel @p4 .LBB2_7-.Ltmp6, $4  }
0x378: {  	s10 =	simm.s32 @!p1 $0x1  }
0x379: {  	_ =	swait.ge @!p1 [sflag:s10], $0x4000  }
0x37a: {  	[sflag:s10] =	ssyncset.done @!p1 $0x0  }
0x37b: {  	[sflag:s10] =	ssyncadd.s32 @!p1 $0xFFFFC000  }
0x37c: {  	s6 =	sand.u32 $0x7FFFF000, s28;
	s10 =	sand.u32 $0x380, s26  }
0x37d: {  	s6 =	sor.u32 s10, s6  }
0x37e: {  	[tilespmem:s6+$0x1870] =	vst v4  }
0x37f: {  	[tilespmem:s6+$0xC00] =	vst v4  }
0x380: {  	[tilespmem:s6+$0xC10] =	vst v4  }
0x381: {  	[tilespmem:s6+$0xC20] =	vst v4  }
0x382: {  	[tilespmem:s6+$0xC30] =	vst v4  }
0x383: {  	[tilespmem:s6+$0xC40] =	vst v4  }
0x384: {  	[tilespmem:s6+$0xC50] =	vst v4  }
0x385: {  	[tilespmem:s6+$0xC60] =	vst v4  }
0x386: {  	[tilespmem:s6+$0xC70] =	vst v4  }
0x387: {  	[tilespmem:s6+$0x1000] =	vst v4  }
0x388: {  	[tilespmem:s6+$0x1010] =	vst v4  }
0x389: {  	[tilespmem:s6+$0x1020] =	vst v4  }
0x38a: {  	[tilespmem:s6+$0x1030] =	vst v4  }
0x38b: {  	[tilespmem:s6+$0x1040] =	vst v4  }
0x38c: {  	[tilespmem:s6+$0x1050] =	vst v4  }
0x38d: {  	[tilespmem:s6+$0x1060] =	vst v4  }
0x38e: {  	[tilespmem:s6+$0x1070] =	vst v4  }
0x38f: {  	[tilespmem:s6+$0x1400] =	vst v4  }
0x390: {  	[tilespmem:s6+$0x1410] =	vst v4  }
0x391: {  	[tilespmem:s6+$0x1420] =	vst v4  }
0x392: {  	[tilespmem:s6+$0x1430] =	vst v4  }
0x393: {  	[tilespmem:s6+$0x1440] =	vst v4  }
0x394: {  	[tilespmem:s6+$0x1450] =	vst v4  }
0x395: {  	s10 =	sadd.s32 $0x1, s25;
	[tilespmem:s6+$0x1460] =	vst v4  }
0x396: {  	[tilespmem:s6+$0x1470] =	vst v4;
	p1 =	slt.s32 s10, $0x1F  }
.Ltmp7:
0x397: {  	[tilespmem:s6+$0x1800] =	vst v4;
	(pc) =	sbr.rel @!p1 .LBB2_10-.Ltmp7, $4  }
0x398: {  	[tilespmem:s6+$0x1810] =	vst v4  }
0x399: {  	[tilespmem:s6+$0x1820] =	vst v4  }
0x39a: {  	[tilespmem:s6+$0x1830] =	vst v4  }
0x39b: {  	s13 =	sadd.s32 $0x80, s26;
	s14 =	sadd.s32 $0x200, s28;
	[tilespmem:s6+$0x1840] =	vst v4  }
.LBB2_9:
0x39c: {  	s15 =	sand.u32 $0x7FFFF000, s14;
	s17 =	sand.u32 $0x380, s13;
	s10 =	sadd.s32 $0x1, s10;
	[tilespmem:s6+$0x1850] =	vst v4  }
0x39d: {  	p1 =	slt.s32 s10, $0x1F;
	[tilespmem:s6+$0x1860] =	vst v4;
	s6 =	sor.u32 s17, s15  }
0x39e: {  	[tilespmem:s6+$0x1870] =	vst v4  }
0x39f: {  	[tilespmem:s6+$0xC00] =	vst v4  }
0x3a0: {  	[tilespmem:s6+$0xC10] =	vst v4  }
0x3a1: {  	[tilespmem:s6+$0xC20] =	vst v4  }
0x3a2: {  	[tilespmem:s6+$0xC30] =	vst v4  }
0x3a3: {  	[tilespmem:s6+$0xC40] =	vst v4  }
0x3a4: {  	[tilespmem:s6+$0xC50] =	vst v4  }
0x3a5: {  	[tilespmem:s6+$0xC60] =	vst v4  }
0x3a6: {  	[tilespmem:s6+$0xC70] =	vst v4  }
0x3a7: {  	[tilespmem:s6+$0x1000] =	vst v4  }
0x3a8: {  	[tilespmem:s6+$0x1010] =	vst v4  }
0x3a9: {  	[tilespmem:s6+$0x1020] =	vst v4  }
0x3aa: {  	[tilespmem:s6+$0x1030] =	vst v4  }
0x3ab: {  	[tilespmem:s6+$0x1040] =	vst v4  }
0x3ac: {  	[tilespmem:s6+$0x1050] =	vst v4  }
0x3ad: {  	[tilespmem:s6+$0x1060] =	vst v4  }
0x3ae: {  	[tilespmem:s6+$0x1070] =	vst v4  }
0x3af: {  	[tilespmem:s6+$0x1400] =	vst v4  }
0x3b0: {  	[tilespmem:s6+$0x1410] =	vst v4  }
0x3b1: {  	[tilespmem:s6+$0x1420] =	vst v4  }
0x3b2: {  	[tilespmem:s6+$0x1430] =	vst v4  }
0x3b3: {  	[tilespmem:s6+$0x1440] =	vst v4  }
0x3b4: {  	[tilespmem:s6+$0x1450] =	vst v4  }
0x3b5: {  	[tilespmem:s6+$0x1460] =	vst v4  }
0x3b6: {  	[tilespmem:s6+$0x1470] =	vst v4  }
.Ltmp8:
0x3b7: {  	[tilespmem:s6+$0x1800] =	vst v4;
	(pc) =	sbr.rel @p1 .LBB2_9-.Ltmp8, $4  }
0x3b8: {  	[tilespmem:s6+$0x1810] =	vst v4  }
0x3b9: {  	[tilespmem:s6+$0x1820] =	vst v4  }
0x3ba: {  	[tilespmem:s6+$0x1830] =	vst v4  }
0x3bb: {  	s13 =	sadd.s32 $0x80, s13;
	s14 =	sadd.s32 $0x200, s14;
	[tilespmem:s6+$0x1840] =	vst v4  }
.LBB2_10:
.Ltmp9:
0x3bc: {  	(pc) =	sbr.rel .LBB2_11-.Ltmp9, $3  }
0x3bd: {  	_ =	sdelay $0x1  }
0x3be: {  	[tilespmem:s6+$0x1850] =	vst v4  }
0x3bf: {  	[tilespmem:s6+$0x1860] =	vst v4;
	s6 =	simm.s32 $0xC00  }
.LBB2_7:
0x3c0: {  	s6 =	simm.s32 @!p1 $0xC00  }
0x3c1: {  	s6 =	simm.s32 @p1 $0x10C00  }
.LBB2_11:
0x3c2: {  	s10 =	sshll.u32 s12, $0x6;
	s13 =	sor.u32 $0x3, s5  }
0x3c3: {  	s10 =	sadd.s32 s10, s8;
	s23 =	sshll.u32 s13, $0x5  }
0x3c4: {  	[hbm4b:s10+s3] =	stream.linear.scatter [tilespmem:s6], [sflag:$0x5], $0x4000, $0x38;
	[tilespmem:$0x14C80] =	vst v63  }
0x3c5: {  	s6 =	sadd.s32 s4, s23  }
0x3c6: {  	s14 =	simm.s32 @!p3 $0x8;
	s10 =	ssub.s32 s24, s6  }
0x3c7: {  	_ =	swait.ge @!p3 [sflag:s14], $0x4000;
	p1 =	slt.s32 s10, $0x1  }
0x3c8: {  	[sflag:s14] =	ssyncset.done @!p3 $0x0;
	s13 =	sshll.u32 @!p1 s13, $0x7  }
0x3c9: {  	[sflag:s14] =	ssyncadd.s32 @!p3 $0xFFFFC000;
	s13 =	sand.u32 @!p1 $0x3FFFFF80, s13  }
0x3ca: {  	v6 =	vld @!p1 [tilespmem:s13+$0x400];
	_ =	sdelay $0x4  }
0x3cb: {  	v7 =	vshll.u32 @!p1 v6, $0x2  }
0x3cc: {  	v8 =	vlaneseq.u32 @!p1;
	v6 =	vand.u32 @!p1 $0x7, v6;
	v7 =	vand.u32 @!p1 $0xFFFFFFE0, v7  }
0x3cd: {  	v9 =	vshrl.u32 @!p1 v8, $0x3;
	v6 =	vor.u32 @!p1 v6, v7;
	v7 =	vand.u32 @!p1 $0x7, v8  }
0x3ce: {  	v9 =	vmul.u32 @!p1 $0x8, v9;
	v10 =	vperm.xlane @!p1 v6, v7;
	_ =	sdelay $0x1  }
0x3cf: {  	v10 =	vadd.s32 @!p1 v9, v10  }
0x3d0: {  	v8 =	vor.u32 @!p1 $0x8, v8  }
0x3d1: {  	v6 =	vperm.xlane @!p1 v6, v8;
	_ =	sdelay $0x1  }
0x3d2: {  	vm0 =	vmmov @!p1 $0xffff;
	s14 =	simm.s32 @!p1 $0x0;
	s15 =	simm.s32 @!p1 $0xCC00;
	v6 =	vadd.s32 @!p1 v9, v6  }
0x3d3: {  	[tilespmem:s15], [sflag:$0x4] =	stream.indirect_vreg.gather @!p1 [hbm4b:s1+s14], $0x80, v10, vm0, $0xb8;
	[tilespmem:$0x14C80] =	vst v63  }
0x3d4: {  	s15 =	simm.s32 @!p1 $0xD400  }
0x3d5: {  	[tilespmem:s15], [sflag:$0x4] =	stream.indirect_vreg.gather @!p1 [hbm4b:s7+s14], $0x80, v10, vm0, $0xb8;
	[tilespmem:$0x14C80] =	vst v63  }
0x3d6: {  	s15 =	simm.s32 @!p1 $0xDC00  }
0x3d7: {  	[tilespmem:s15], [sflag:$0x4] =	stream.indirect_vreg.gather @!p1 [hbm4b:s1+s14], $0x80, v6, vm0, $0xb8;
	[tilespmem:$0x14C80] =	vst v63  }
0x3d8: {  	s15 =	simm.s32 @!p1 $0xE400  }
0x3d9: {  	[tilespmem:s15], [sflag:$0x4] =	stream.indirect_vreg.gather @!p1 [hbm4b:s7+s14], $0x80, v6, vm0, $0xb8;
	[tilespmem:$0x14C80] =	vst v63  }
0x3da: {  	v6 =	vld @!p1 [tilespmem:s13+$0x410];
	_ =	sdelay $0x4  }
0x3db: {  	v10 =	vshll.u32 @!p1 v6, $0x2  }
0x3dc: {  	v6 =	vand.u32 @!p1 $0x7, v6;
	v10 =	vand.u32 @!p1 $0xFFFFFFE0, v10  }
0x3dd: {  	v6 =	vor.u32 @!p1 v6, v10  }
0x3de: {  	v7 =	vperm.xlane @!p1 v6, v7;
	_ =	sdelay $0x1  }
0x3df: {  	v7 =	vadd.s32 @!p1 v9, v7;
	_ =	sdelay $0x1  }
0x3e0: {  	v6 =	vperm.xlane @!p1 v6, v8;
	_ =	sdelay $0x1  }
0x3e1: {  	s13 =	simm.s32 @!p1 $0xEC00;
	v6 =	vadd.s32 @!p1 v9, v6  }
0x3e2: {  	[tilespmem:s13], [sflag:$0x4] =	stream.indirect_vreg.gather @!p1 [hbm4b:s1+s14], $0x80, v7, vm0, $0xb8;
	[tilespmem:$0x14C80] =	vst v63  }
0x3e3: {  	s13 =	simm.s32 @!p1 $0xF400  }
0x3e4: {  	[tilespmem:s13], [sflag:$0x4] =	stream.indirect_vreg.gather @!p1 [hbm4b:s7+s14], $0x80, v7, vm0, $0xb8;
	[tilespmem:$0x14C80] =	vst v63  }
0x3e5: {  	s13 =	simm.s32 @!p1 $0xFC00  }
0x3e6: {  	[tilespmem:s13], [sflag:$0x4] =	stream.indirect_vreg.gather @!p1 [hbm4b:s1+s14], $0x80, v6, vm0, $0xb8;
	[tilespmem:$0x14C80] =	vst v63  }
0x3e7: {  	s12 =	sor.u32 $0x20, s12;
	s13 =	simm.s32 @!p1 $0x10400  }
0x3e8: {  	[tilespmem:s13], [sflag:$0x4] =	stream.indirect_vreg.gather @!p1 [hbm4b:s7+s14], $0x80, v6, vm0, $0xb8;
	[tilespmem:$0x14C80] =	vst v63  }
0x3e9: {  	s13 =	ssub.s32 s24, s12  }
0x3ea: {  	p3 =	slt.s32 s13, $0x1  }
0x3eb: {  	p4 =	sgt.u32 @!p3 s13, $0x1F  }
0x3ec: {  	p4 =	por p3, p4  }
.Ltmp10:
0x3ed: {  	_ = 	snop;
	(pc) =	sbr.rel @p4 .LBB2_12-.Ltmp10, $4  }
0x3ee: {  	s14 =	simm.s32 @!p3 $0x2  }
0x3ef: {  	_ =	swait.ge @!p3 [sflag:s14], $0x4000  }
0x3f0: {  	[sflag:s14] =	ssyncset.done @!p3 $0x0  }
0x3f1: {  	[sflag:s14] =	ssyncadd.s32 @!p3 $0xFFFFC000  }
0x3f2: {  	s13 =	sand.u32 $0x7FFFF000, s31;
	s14 =	sand.u32 $0x380, s30  }
0x3f3: {  	s13 =	sor.u32 s14, s13  }
0x3f4: {  	[tilespmem:s13+$0x5870] =	vst v4  }
0x3f5: {  	[tilespmem:s13+$0x4C00] =	vst v4  }
0x3f6: {  	[tilespmem:s13+$0x4C10] =	vst v4  }
0x3f7: {  	[tilespmem:s13+$0x4C20] =	vst v4  }
0x3f8: {  	[tilespmem:s13+$0x4C30] =	vst v4  }
0x3f9: {  	[tilespmem:s13+$0x4C40] =	vst v4  }
0x3fa: {  	[tilespmem:s13+$0x4C50] =	vst v4  }
0x3fb: {  	[tilespmem:s13+$0x4C60] =	vst v4  }
0x3fc: {  	[tilespmem:s13+$0x4C70] =	vst v4  }
0x3fd: {  	[tilespmem:s13+$0x5000] =	vst v4  }
0x3fe: {  	[tilespmem:s13+$0x5010] =	vst v4  }
0x3ff: {  	[tilespmem:s13+$0x5020] =	vst v4  }
0x400: {  	[tilespmem:s13+$0x5030] =	vst v4  }
0x401: {  	[tilespmem:s13+$0x5040] =	vst v4  }
0x402: {  	[tilespmem:s13+$0x5050] =	vst v4  }
0x403: {  	[tilespmem:s13+$0x5060] =	vst v4  }
0x404: {  	[tilespmem:s13+$0x5070] =	vst v4  }
0x405: {  	[tilespmem:s13+$0x5400] =	vst v4  }
0x406: {  	[tilespmem:s13+$0x5410] =	vst v4  }
0x407: {  	[tilespmem:s13+$0x5420] =	vst v4  }
0x408: {  	[tilespmem:s13+$0x5430] =	vst v4  }
0x409: {  	[tilespmem:s13+$0x5440] =	vst v4  }
0x40a: {  	[tilespmem:s13+$0x5450] =	vst v4  }
0x40b: {  	s14 =	sadd.s32 $0x1, s29;
	[tilespmem:s13+$0x5460] =	vst v4  }
0x40c: {  	[tilespmem:s13+$0x5470] =	vst v4;
	p3 =	slt.s32 s14, $0x1F  }
.Ltmp11:
0x40d: {  	[tilespmem:s13+$0x5800] =	vst v4;
	(pc) =	sbr.rel @!p3 .LBB2_15-.Ltmp11, $4  }
0x40e: {  	[tilespmem:s13+$0x5810] =	vst v4  }
0x40f: {  	[tilespmem:s13+$0x5820] =	vst v4  }
0x410: {  	[tilespmem:s13+$0x5830] =	vst v4  }
0x411: {  	s15 =	sadd.s32 $0x80, s30;
	s17 =	sadd.s32 $0x200, s31;
	[tilespmem:s13+$0x5840] =	vst v4  }
.LBB2_14:
0x412: {  	s18 =	sand.u32 $0x7FFFF000, s17;
	s21 =	sand.u32 $0x380, s15;
	s14 =	sadd.s32 $0x1, s14;
	[tilespmem:s13+$0x5850] =	vst v4  }
0x413: {  	p3 =	slt.s32 s14, $0x1F;
	[tilespmem:s13+$0x5860] =	vst v4;
	s13 =	sor.u32 s21, s18  }
0x414: {  	[tilespmem:s13+$0x5870] =	vst v4  }
0x415: {  	[tilespmem:s13+$0x4C00] =	vst v4  }
0x416: {  	[tilespmem:s13+$0x4C10] =	vst v4  }
0x417: {  	[tilespmem:s13+$0x4C20] =	vst v4  }
0x418: {  	[tilespmem:s13+$0x4C30] =	vst v4  }
0x419: {  	[tilespmem:s13+$0x4C40] =	vst v4  }
0x41a: {  	[tilespmem:s13+$0x4C50] =	vst v4  }
0x41b: {  	[tilespmem:s13+$0x4C60] =	vst v4  }
0x41c: {  	[tilespmem:s13+$0x4C70] =	vst v4  }
0x41d: {  	[tilespmem:s13+$0x5000] =	vst v4  }
0x41e: {  	[tilespmem:s13+$0x5010] =	vst v4  }
0x41f: {  	[tilespmem:s13+$0x5020] =	vst v4  }
0x420: {  	[tilespmem:s13+$0x5030] =	vst v4  }
0x421: {  	[tilespmem:s13+$0x5040] =	vst v4  }
0x422: {  	[tilespmem:s13+$0x5050] =	vst v4  }
0x423: {  	[tilespmem:s13+$0x5060] =	vst v4  }
0x424: {  	[tilespmem:s13+$0x5070] =	vst v4  }
0x425: {  	[tilespmem:s13+$0x5400] =	vst v4  }
0x426: {  	[tilespmem:s13+$0x5410] =	vst v4  }
0x427: {  	[tilespmem:s13+$0x5420] =	vst v4  }
0x428: {  	[tilespmem:s13+$0x5430] =	vst v4  }
0x429: {  	[tilespmem:s13+$0x5440] =	vst v4  }
0x42a: {  	[tilespmem:s13+$0x5450] =	vst v4  }
0x42b: {  	[tilespmem:s13+$0x5460] =	vst v4  }
0x42c: {  	[tilespmem:s13+$0x5470] =	vst v4  }
.Ltmp12:
0x42d: {  	[tilespmem:s13+$0x5800] =	vst v4;
	(pc) =	sbr.rel @p3 .LBB2_14-.Ltmp12, $4  }
0x42e: {  	[tilespmem:s13+$0x5810] =	vst v4  }
0x42f: {  	[tilespmem:s13+$0x5820] =	vst v4  }
0x430: {  	[tilespmem:s13+$0x5830] =	vst v4  }
0x431: {  	s15 =	sadd.s32 $0x80, s15;
	s17 =	sadd.s32 $0x200, s17;
	[tilespmem:s13+$0x5840] =	vst v4  }
.LBB2_15:
.Ltmp13:
0x432: {  	(pc) =	sbr.rel .LBB2_16-.Ltmp13, $3  }
0x433: {  	_ =	sdelay $0x1  }
0x434: {  	[tilespmem:s13+$0x5850] =	vst v4  }
0x435: {  	[tilespmem:s13+$0x5860] =	vst v4;
	s13 =	simm.s32 $0x4C00  }
.LBB2_12:
0x436: {  	s13 =	simm.s32 @!p3 $0x4C00  }
0x437: {  	s13 =	simm.s32 @p3 $0x10C00  }
.LBB2_16:
0x438: {  	s12 =	sshll.u32 s12, $0x6  }
0x439: {  	s12 =	sadd.s32 s12, s8  }
0x43a: {  	[hbm4b:s12+s3] =	stream.linear.scatter [tilespmem:s13], [sflag:$0x6], $0x4000, $0x38;
	[tilespmem:$0x14C80] =	vst v63  }
0x43b: {  	s12 =	sadd.s32 $0x4, s5  }
0x43c: {  	s23 =	sshll.u32 s12, $0x5  }
0x43d: {  	s13 =	sadd.s32 s23, s4  }
0x43e: {  	p3 =	seq.s32 s16, $0x3;
	s13 =	ssub.s32 s24, s13  }
0x43f: {  	p4 =	slt.s32 @!p3 s13, $0x1  }
0x440: {  	_ =	swait.ge [sflag:s19], $0x4000;
	p4 =	por p4, p3  }
0x441: {  	[sflag:s19] =	ssyncset.done $0x0;
	s12 =	sshll.u32 @!p4 s12, $0x7  }
0x442: {  	[sflag:s19] =	ssyncadd.s32 $0xFFFFC000;
	s12 =	sand.u32 @!p4 $0x3FFFFF80, s12  }
0x443: {  	v6 =	vld @!p4 [tilespmem:s12+$0x400];
	_ =	sdelay $0x4  }
0x444: {  	v7 =	vshll.u32 @!p4 v6, $0x2  }
0x445: {  	v8 =	vlaneseq.u32 @!p4;
	v6 =	vand.u32 @!p4 $0x7, v6;
	v7 =	vand.u32 @!p4 $0xFFFFFFE0, v7  }
0x446: {  	v9 =	vshrl.u32 @!p4 v8, $0x3;
	v6 =	vor.u32 @!p4 v6, v7;
	v7 =	vand.u32 @!p4 $0x7, v8  }
0x447: {  	v9 =	vmul.u32 @!p4 $0x8, v9;
	v10 =	vperm.xlane @!p4 v6, v7;
	_ =	sdelay $0x1  }
0x448: {  	v10 =	vadd.s32 @!p4 v9, v10  }
0x449: {  	v8 =	vor.u32 @!p4 $0x8, v8  }
0x44a: {  	v6 =	vperm.xlane @!p4 v6, v8;
	_ =	sdelay $0x1  }
0x44b: {  	vm0 =	vmmov @!p4 $0xffff;
	s13 =	simm.s32 @!p4 $0x0;
	s14 =	simm.s32 @!p4 $0xC00;
	v6 =	vadd.s32 @!p4 v9, v6  }
0x44c: {  	[tilespmem:s14], [sflag:$0x1] =	stream.indirect_vreg.gather @!p4 [hbm4b:s1+s13], $0x80, v10, vm0, $0xb8;
	[tilespmem:$0x14C80] =	vst v63  }
0x44d: {  	s14 =	simm.s32 @!p4 $0x1400  }
0x44e: {  	[tilespmem:s14], [sflag:$0x1] =	stream.indirect_vreg.gather @!p4 [hbm4b:s7+s13], $0x80, v10, vm0, $0xb8;
	[tilespmem:$0x14C80] =	vst v63  }
0x44f: {  	s14 =	simm.s32 @!p4 $0x1C00  }
0x450: {  	[tilespmem:s14], [sflag:$0x1] =	stream.indirect_vreg.gather @!p4 [hbm4b:s1+s13], $0x80, v6, vm0, $0xb8;
	[tilespmem:$0x14C80] =	vst v63  }
0x451: {  	s14 =	simm.s32 @!p4 $0x2400  }
0x452: {  	[tilespmem:s14], [sflag:$0x1] =	stream.indirect_vreg.gather @!p4 [hbm4b:s7+s13], $0x80, v6, vm0, $0xb8;
	[tilespmem:$0x14C80] =	vst v63  }
0x453: {  	v6 =	vld @!p4 [tilespmem:s12+$0x410];
	_ =	sdelay $0x4  }
0x454: {  	v10 =	vshll.u32 @!p4 v6, $0x2  }
0x455: {  	v6 =	vand.u32 @!p4 $0x7, v6;
	v10 =	vand.u32 @!p4 $0xFFFFFFE0, v10  }
0x456: {  	v6 =	vor.u32 @!p4 v6, v10  }
0x457: {  	v7 =	vperm.xlane @!p4 v6, v7;
	_ =	sdelay $0x1  }
0x458: {  	v7 =	vadd.s32 @!p4 v9, v7;
	_ =	sdelay $0x1  }
0x459: {  	v6 =	vperm.xlane @!p4 v6, v8;
	_ =	sdelay $0x1  }
0x45a: {  	s12 =	simm.s32 @!p4 $0x2C00;
	v6 =	vadd.s32 @!p4 v9, v6  }
0x45b: {  	[tilespmem:s12], [sflag:$0x1] =	stream.indirect_vreg.gather @!p4 [hbm4b:s1+s13], $0x80, v7, vm0, $0xb8;
	[tilespmem:$0x14C80] =	vst v63  }
0x45c: {  	s12 =	simm.s32 @!p4 $0x3400  }
0x45d: {  	[tilespmem:s12], [sflag:$0x1] =	stream.indirect_vreg.gather @!p4 [hbm4b:s7+s13], $0x80, v7, vm0, $0xb8;
	[tilespmem:$0x14C80] =	vst v63  }
0x45e: {  	s12 =	simm.s32 @!p4 $0x3C00  }
0x45f: {  	[tilespmem:s12], [sflag:$0x1] =	stream.indirect_vreg.gather @!p4 [hbm4b:s1+s13], $0x80, v6, vm0, $0xb8;
	[tilespmem:$0x14C80] =	vst v63  }
0x460: {  	s12 =	simm.s32 @!p4 $0x4400  }
0x461: {  	[tilespmem:s12], [sflag:$0x1] =	stream.indirect_vreg.gather @!p4 [hbm4b:s7+s13], $0x80, v6, vm0, $0xb8;
	[tilespmem:$0x14C80] =	vst v63  }
0x462: {  	p4 =	sgt.u32 @!p2 s11, $0x1F  }
0x463: {  	p4 =	por p2, p4  }
.Ltmp14:
0x464: {  	_ = 	snop;
	(pc) =	sbr.rel @p4 .LBB2_27-.Ltmp14, $4  }
0x465: {  	s12 =	simm.s32 @!p2 $0x3  }
0x466: {  	_ =	swait.ge @!p2 [sflag:s12], $0x4000  }
0x467: {  	[sflag:s12] =	ssyncset.done @!p2 $0x0  }
0x468: {  	[sflag:s12] =	ssyncadd.s32 @!p2 $0xFFFFC000  }
0x469: {  	p2 =	sgt.s32 s0, $0x0;
	s11 =	smov.u32 s0  }
0x46a: {  	s11 =	simm.s32 @!p2 $0x0  }
0x46b: {  	s11 =	smin.u32 s11, $0x20  }
0x46c: {  	s13 =	sshll.u32 s11, $0x7;
	s14 =	sshll.u32 s11, $0x9  }
0x46d: {  	s12 =	sadd.s32 $0xFFFFFFFF, s11;
	s11 =	sand.u32 $0x3000, s14;
	s15 =	sand.u32 $0x380, s13  }
0x46e: {  	s11 =	sor.u32 s15, s11  }
0x46f: {  	[tilespmem:s11+$0x9870] =	vst v4  }
0x470: {  	[tilespmem:s11+$0x8C00] =	vst v4  }
0x471: {  	[tilespmem:s11+$0x8C10] =	vst v4  }
0x472: {  	[tilespmem:s11+$0x8C20] =	vst v4  }
0x473: {  	[tilespmem:s11+$0x8C30] =	vst v4  }
0x474: {  	[tilespmem:s11+$0x8C40] =	vst v4  }
0x475: {  	[tilespmem:s11+$0x8C50] =	vst v4  }
0x476: {  	[tilespmem:s11+$0x8C60] =	vst v4  }
0x477: {  	[tilespmem:s11+$0x8C70] =	vst v4  }
0x478: {  	[tilespmem:s11+$0x9000] =	vst v4  }
0x479: {  	[tilespmem:s11+$0x9010] =	vst v4  }
0x47a: {  	[tilespmem:s11+$0x9020] =	vst v4  }
0x47b: {  	[tilespmem:s11+$0x9030] =	vst v4  }
0x47c: {  	[tilespmem:s11+$0x9040] =	vst v4  }
0x47d: {  	[tilespmem:s11+$0x9050] =	vst v4  }
0x47e: {  	[tilespmem:s11+$0x9060] =	vst v4  }
0x47f: {  	[tilespmem:s11+$0x9070] =	vst v4  }
0x480: {  	[tilespmem:s11+$0x9400] =	vst v4  }
0x481: {  	[tilespmem:s11+$0x9410] =	vst v4  }
0x482: {  	[tilespmem:s11+$0x9420] =	vst v4  }
0x483: {  	[tilespmem:s11+$0x9430] =	vst v4  }
0x484: {  	[tilespmem:s11+$0x9440] =	vst v4  }
0x485: {  	[tilespmem:s11+$0x9450] =	vst v4  }
0x486: {  	s12 =	sadd.s32 $0x1, s12;
	[tilespmem:s11+$0x9460] =	vst v4  }
0x487: {  	p2 =	slt.u32 s12, $0x1F;
	[tilespmem:s11+$0x9470] =	vst v4  }
.Ltmp15:
0x488: {  	[tilespmem:s11+$0x9800] =	vst v4;
	(pc) =	sbr.rel @!p2 .LBB2_19-.Ltmp15, $4  }
0x489: {  	[tilespmem:s11+$0x9810] =	vst v4  }
0x48a: {  	[tilespmem:s11+$0x9820] =	vst v4  }
0x48b: {  	[tilespmem:s11+$0x9830] =	vst v4  }
0x48c: {  	s13 =	sadd.s32 $0x80, s13;
	s14 =	sadd.s32 $0x200, s14;
	[tilespmem:s11+$0x9840] =	vst v4  }
.LBB2_18:
0x48d: {  	s15 =	sand.u32 $0x3000, s14;
	s17 =	sand.u32 $0x380, s13;
	s12 =	sadd.s32 $0x1, s12;
	[tilespmem:s11+$0x9850] =	vst v4  }
0x48e: {  	p2 =	slt.u32 s12, $0x1F;
	[tilespmem:s11+$0x9860] =	vst v4;
	s11 =	sor.u32 s17, s15  }
0x48f: {  	[tilespmem:s11+$0x9870] =	vst v4  }
0x490: {  	[tilespmem:s11+$0x8C00] =	vst v4  }
0x491: {  	[tilespmem:s11+$0x8C10] =	vst v4  }
0x492: {  	[tilespmem:s11+$0x8C20] =	vst v4  }
0x493: {  	[tilespmem:s11+$0x8C30] =	vst v4  }
0x494: {  	[tilespmem:s11+$0x8C40] =	vst v4  }
0x495: {  	[tilespmem:s11+$0x8C50] =	vst v4  }
0x496: {  	[tilespmem:s11+$0x8C60] =	vst v4  }
0x497: {  	[tilespmem:s11+$0x8C70] =	vst v4  }
0x498: {  	[tilespmem:s11+$0x9000] =	vst v4  }
0x499: {  	[tilespmem:s11+$0x9010] =	vst v4  }
0x49a: {  	[tilespmem:s11+$0x9020] =	vst v4  }
0x49b: {  	[tilespmem:s11+$0x9030] =	vst v4  }
0x49c: {  	[tilespmem:s11+$0x9040] =	vst v4  }
0x49d: {  	[tilespmem:s11+$0x9050] =	vst v4  }
0x49e: {  	[tilespmem:s11+$0x9060] =	vst v4  }
0x49f: {  	[tilespmem:s11+$0x9070] =	vst v4  }
0x4a0: {  	[tilespmem:s11+$0x9400] =	vst v4  }
0x4a1: {  	[tilespmem:s11+$0x9410] =	vst v4  }
0x4a2: {  	[tilespmem:s11+$0x9420] =	vst v4  }
0x4a3: {  	[tilespmem:s11+$0x9430] =	vst v4  }
0x4a4: {  	[tilespmem:s11+$0x9440] =	vst v4  }
0x4a5: {  	[tilespmem:s11+$0x9450] =	vst v4  }
0x4a6: {  	[tilespmem:s11+$0x9460] =	vst v4  }
0x4a7: {  	[tilespmem:s11+$0x9470] =	vst v4  }
.Ltmp16:
0x4a8: {  	[tilespmem:s11+$0x9800] =	vst v4;
	(pc) =	sbr.rel @p2 .LBB2_18-.Ltmp16, $4  }
0x4a9: {  	[tilespmem:s11+$0x9810] =	vst v4  }
0x4aa: {  	[tilespmem:s11+$0x9820] =	vst v4  }
0x4ab: {  	[tilespmem:s11+$0x9830] =	vst v4  }
0x4ac: {  	s13 =	sadd.s32 $0x80, s13;
	s14 =	sadd.s32 $0x200, s14;
	[tilespmem:s11+$0x9840] =	vst v4  }
.LBB2_19:
.Ltmp17:
0x4ad: {  	(pc) =	sbr.rel .LBB2_20-.Ltmp17, $3  }
0x4ae: {  	_ =	sdelay $0x1  }
0x4af: {  	[tilespmem:s11+$0x9850] =	vst v4  }
0x4b0: {  	[tilespmem:s11+$0x9860] =	vst v4;
	s11 =	simm.s32 $0x8C00  }
.LBB2_27:
0x4b1: {  	s11 =	simm.s32 @!p2 $0x8C00  }
0x4b2: {  	s11 =	simm.s32 @p2 $0x10C00  }
.LBB2_20:
0x4b3: {  	s9 =	sshll.u32 s9, $0x6;
	s5 =	sadd.s32 $0x5, s5  }
0x4b4: {  	s9 =	sadd.s32 s9, s8;
	s23 =	sshll.u32 s5, $0x5  }
0x4b5: {  	[hbm4b:s9+s3] =	stream.linear.scatter [tilespmem:s11], [sflag:$0x7], $0x4000, $0x38;
	[tilespmem:$0x14C80] =	vst v63  }
0x4b6: {  	s9 =	sadd.s32 s23, s4  }
0x4b7: {  	s9 =	ssub.s32 s24, s9  }
0x4b8: {  	p2 =	slt.s32 @!p3 s9, $0x1  }
0x4b9: {  	_ =	swait.ge [sflag:s20], $0x4000;
	p2 =	por p2, p3  }
0x4ba: {  	[sflag:s20] =	ssyncset.done $0x0;
	s5 =	sshll.u32 @!p2 s5, $0x7  }
0x4bb: {  	[sflag:s20] =	ssyncadd.s32 $0xFFFFC000;
	s5 =	sand.u32 @!p2 $0x3FFFFF80, s5  }
0x4bc: {  	v6 =	vld @!p2 [tilespmem:s5+$0x400];
	_ =	sdelay $0x4  }
0x4bd: {  	v7 =	vshll.u32 @!p2 v6, $0x2  }
0x4be: {  	v8 =	vlaneseq.u32 @!p2;
	v6 =	vand.u32 @!p2 $0x7, v6;
	v7 =	vand.u32 @!p2 $0xFFFFFFE0, v7  }
0x4bf: {  	v9 =	vshrl.u32 @!p2 v8, $0x3;
	v6 =	vor.u32 @!p2 v6, v7;
	v7 =	vand.u32 @!p2 $0x7, v8  }
0x4c0: {  	v9 =	vmul.u32 @!p2 $0x8, v9;
	v10 =	vperm.xlane @!p2 v6, v7;
	_ =	sdelay $0x1  }
0x4c1: {  	v10 =	vadd.s32 @!p2 v9, v10  }
0x4c2: {  	v8 =	vor.u32 @!p2 $0x8, v8  }
0x4c3: {  	v6 =	vperm.xlane @!p2 v6, v8;
	_ =	sdelay $0x1  }
0x4c4: {  	vm0 =	vmmov @!p2 $0xffff;
	s9 =	simm.s32 @!p2 $0x0;
	s11 =	simm.s32 @!p2 $0x4C00;
	v6 =	vadd.s32 @!p2 v9, v6  }
0x4c5: {  	[tilespmem:s11], [sflag:$0x2] =	stream.indirect_vreg.gather @!p2 [hbm4b:s1+s9], $0x80, v10, vm0, $0xb8;
	[tilespmem:$0x14C80] =	vst v63  }
0x4c6: {  	s11 =	simm.s32 @!p2 $0x5400  }
0x4c7: {  	[tilespmem:s11], [sflag:$0x2] =	stream.indirect_vreg.gather @!p2 [hbm4b:s7+s9], $0x80, v10, vm0, $0xb8;
	[tilespmem:$0x14C80] =	vst v63  }
0x4c8: {  	s11 =	simm.s32 @!p2 $0x5C00  }
0x4c9: {  	[tilespmem:s11], [sflag:$0x2] =	stream.indirect_vreg.gather @!p2 [hbm4b:s1+s9], $0x80, v6, vm0, $0xb8;
	[tilespmem:$0x14C80] =	vst v63  }
0x4ca: {  	s11 =	simm.s32 @!p2 $0x6400  }
0x4cb: {  	[tilespmem:s11], [sflag:$0x2] =	stream.indirect_vreg.gather @!p2 [hbm4b:s7+s9], $0x80, v6, vm0, $0xb8;
	[tilespmem:$0x14C80] =	vst v63  }
0x4cc: {  	v6 =	vld @!p2 [tilespmem:s5+$0x410];
	_ =	sdelay $0x4  }
0x4cd: {  	v10 =	vshll.u32 @!p2 v6, $0x2  }
0x4ce: {  	v6 =	vand.u32 @!p2 $0x7, v6;
	v10 =	vand.u32 @!p2 $0xFFFFFFE0, v10  }
0x4cf: {  	v6 =	vor.u32 @!p2 v6, v10  }
0x4d0: {  	v7 =	vperm.xlane @!p2 v6, v7;
	_ =	sdelay $0x1  }
0x4d1: {  	v7 =	vadd.s32 @!p2 v9, v7;
	_ =	sdelay $0x1  }
0x4d2: {  	v6 =	vperm.xlane @!p2 v6, v8;
	_ =	sdelay $0x1  }
0x4d3: {  	s5 =	simm.s32 @!p2 $0x6C00;
	v6 =	vadd.s32 @!p2 v9, v6  }
0x4d4: {  	[tilespmem:s5], [sflag:$0x2] =	stream.indirect_vreg.gather @!p2 [hbm4b:s1+s9], $0x80, v7, vm0, $0xb8;
	[tilespmem:$0x14C80] =	vst v63  }
0x4d5: {  	s5 =	simm.s32 @!p2 $0x7400  }
0x4d6: {  	[tilespmem:s5], [sflag:$0x2] =	stream.indirect_vreg.gather @!p2 [hbm4b:s7+s9], $0x80, v7, vm0, $0xb8;
	[tilespmem:$0x14C80] =	vst v63  }
0x4d7: {  	s5 =	simm.s32 @!p2 $0x7C00  }
0x4d8: {  	[tilespmem:s5], [sflag:$0x2] =	stream.indirect_vreg.gather @!p2 [hbm4b:s1+s9], $0x80, v6, vm0, $0xb8;
	[tilespmem:$0x14C80] =	vst v63  }
0x4d9: {  	s5 =	simm.s32 @!p2 $0x8400  }
0x4da: {  	[tilespmem:s5], [sflag:$0x2] =	stream.indirect_vreg.gather @!p2 [hbm4b:s7+s9], $0x80, v6, vm0, $0xb8;
	[tilespmem:$0x14C80] =	vst v63  }
0x4db: {  	p2 =	sgt.u32 @!p1 s10, $0x1F  }
0x4dc: {  	p2 =	por p1, p2  }
.Ltmp18:
0x4dd: {  	_ = 	snop;
	(pc) =	sbr.rel @p2 .LBB2_28-.Ltmp18, $4  }
0x4de: {  	s5 =	simm.s32 @!p1 $0x4  }
0x4df: {  	_ =	swait.ge @!p1 [sflag:s5], $0x4000  }
0x4e0: {  	[sflag:s5] =	ssyncset.done @!p1 $0x0  }
0x4e1: {  	[sflag:s5] =	ssyncadd.s32 @!p1 $0xFFFFC000  }
0x4e2: {  	p1 =	sgt.s32 s2, $0x0;
	s5 =	smov.u32 s2  }
0x4e3: {  	s5 =	simm.s32 @!p1 $0x0  }
0x4e4: {  	s5 =	smin.u32 s5, $0x20  }
0x4e5: {  	s10 =	sshll.u32 s5, $0x7;
	s11 =	sshll.u32 s5, $0x9  }
0x4e6: {  	s9 =	sadd.s32 $0xFFFFFFFF, s5;
	s5 =	sand.u32 $0x3000, s11;
	s12 =	sand.u32 $0x380, s10  }
0x4e7: {  	s5 =	sor.u32 s12, s5  }
0x4e8: {  	[tilespmem:s5+$0xD870] =	vst v4  }
0x4e9: {  	[tilespmem:s5+$0xCC00] =	vst v4  }
0x4ea: {  	[tilespmem:s5+$0xCC10] =	vst v4  }
0x4eb: {  	[tilespmem:s5+$0xCC20] =	vst v4  }
0x4ec: {  	[tilespmem:s5+$0xCC30] =	vst v4  }
0x4ed: {  	[tilespmem:s5+$0xCC40] =	vst v4  }
0x4ee: {  	[tilespmem:s5+$0xCC50] =	vst v4  }
0x4ef: {  	[tilespmem:s5+$0xCC60] =	vst v4  }
0x4f0: {  	[tilespmem:s5+$0xCC70] =	vst v4  }
0x4f1: {  	[tilespmem:s5+$0xD000] =	vst v4  }
0x4f2: {  	[tilespmem:s5+$0xD010] =	vst v4  }
0x4f3: {  	[tilespmem:s5+$0xD020] =	vst v4  }
0x4f4: {  	[tilespmem:s5+$0xD030] =	vst v4  }
0x4f5: {  	[tilespmem:s5+$0xD040] =	vst v4  }
0x4f6: {  	[tilespmem:s5+$0xD050] =	vst v4  }
0x4f7: {  	[tilespmem:s5+$0xD060] =	vst v4  }
0x4f8: {  	[tilespmem:s5+$0xD070] =	vst v4  }
0x4f9: {  	[tilespmem:s5+$0xD400] =	vst v4  }
0x4fa: {  	[tilespmem:s5+$0xD410] =	vst v4  }
0x4fb: {  	[tilespmem:s5+$0xD420] =	vst v4  }
0x4fc: {  	[tilespmem:s5+$0xD430] =	vst v4  }
0x4fd: {  	[tilespmem:s5+$0xD440] =	vst v4  }
0x4fe: {  	[tilespmem:s5+$0xD450] =	vst v4  }
0x4ff: {  	s9 =	sadd.s32 $0x1, s9;
	[tilespmem:s5+$0xD460] =	vst v4  }
0x500: {  	p1 =	slt.u32 s9, $0x1F;
	[tilespmem:s5+$0xD470] =	vst v4  }
.Ltmp19:
0x501: {  	[tilespmem:s5+$0xD800] =	vst v4;
	(pc) =	sbr.rel @!p1 .LBB2_23-.Ltmp19, $4  }
0x502: {  	[tilespmem:s5+$0xD810] =	vst v4  }
0x503: {  	[tilespmem:s5+$0xD820] =	vst v4  }
0x504: {  	[tilespmem:s5+$0xD830] =	vst v4  }
0x505: {  	s10 =	sadd.s32 $0x80, s10;
	s11 =	sadd.s32 $0x200, s11;
	[tilespmem:s5+$0xD840] =	vst v4  }
.LBB2_22:
0x506: {  	s12 =	sand.u32 $0x3000, s11;
	s13 =	sand.u32 $0x380, s10;
	s9 =	sadd.s32 $0x1, s9;
	[tilespmem:s5+$0xD850] =	vst v4  }
0x507: {  	p1 =	slt.u32 s9, $0x1F;
	[tilespmem:s5+$0xD860] =	vst v4;
	s5 =	sor.u32 s13, s12  }
0x508: {  	[tilespmem:s5+$0xD870] =	vst v4  }
0x509: {  	[tilespmem:s5+$0xCC00] =	vst v4  }
0x50a: {  	[tilespmem:s5+$0xCC10] =	vst v4  }
0x50b: {  	[tilespmem:s5+$0xCC20] =	vst v4  }
0x50c: {  	[tilespmem:s5+$0xCC30] =	vst v4  }
0x50d: {  	[tilespmem:s5+$0xCC40] =	vst v4  }
0x50e: {  	[tilespmem:s5+$0xCC50] =	vst v4  }
0x50f: {  	[tilespmem:s5+$0xCC60] =	vst v4  }
0x510: {  	[tilespmem:s5+$0xCC70] =	vst v4  }
0x511: {  	[tilespmem:s5+$0xD000] =	vst v4  }
0x512: {  	[tilespmem:s5+$0xD010] =	vst v4  }
0x513: {  	[tilespmem:s5+$0xD020] =	vst v4  }
0x514: {  	[tilespmem:s5+$0xD030] =	vst v4  }
0x515: {  	[tilespmem:s5+$0xD040] =	vst v4  }
0x516: {  	[tilespmem:s5+$0xD050] =	vst v4  }
0x517: {  	[tilespmem:s5+$0xD060] =	vst v4  }
0x518: {  	[tilespmem:s5+$0xD070] =	vst v4  }
0x519: {  	[tilespmem:s5+$0xD400] =	vst v4  }
0x51a: {  	[tilespmem:s5+$0xD410] =	vst v4  }
0x51b: {  	[tilespmem:s5+$0xD420] =	vst v4  }
0x51c: {  	[tilespmem:s5+$0xD430] =	vst v4  }
0x51d: {  	[tilespmem:s5+$0xD440] =	vst v4  }
0x51e: {  	[tilespmem:s5+$0xD450] =	vst v4  }
0x51f: {  	[tilespmem:s5+$0xD460] =	vst v4  }
0x520: {  	[tilespmem:s5+$0xD470] =	vst v4  }
.Ltmp20:
0x521: {  	[tilespmem:s5+$0xD800] =	vst v4;
	(pc) =	sbr.rel @p1 .LBB2_22-.Ltmp20, $4  }
0x522: {  	[tilespmem:s5+$0xD810] =	vst v4  }
0x523: {  	[tilespmem:s5+$0xD820] =	vst v4  }
0x524: {  	[tilespmem:s5+$0xD830] =	vst v4  }
0x525: {  	s10 =	sadd.s32 $0x80, s10;
	s11 =	sadd.s32 $0x200, s11;
	[tilespmem:s5+$0xD840] =	vst v4  }
.LBB2_23:
.Ltmp21:
0x526: {  	(pc) =	sbr.rel .LBB2_24-.Ltmp21, $3  }
0x527: {  	_ =	sdelay $0x1  }
0x528: {  	[tilespmem:s5+$0xD850] =	vst v4  }
0x529: {  	[tilespmem:s5+$0xD860] =	vst v4;
	s5 =	simm.s32 $0xCC00  }
.LBB2_26:
0x52a: {  	_ =	sfence.sel $0x180000  }
0x52b: {  	[bflag:$0x0] =	sbarrier.arrive $0xFFFF  }
0x52c: {  	_ =	strace $0x90000047  }
0x52d: {  	s0 =	stileid.u32;
	[bflag:$0x2] =	sbarrier.arrive $0xFFFF  }
0x52e: {  	p0 =	sne.s32 s0, $0x0;
	s0 =	rddreg [dreg:$0x4]  }
0x52f: {  	s0 =	sadd.s32 @!p0 $0x100000, s0  }
0x530: {  	[sflag:s0] =	ssyncadd.tile.s32 @!p0 $0x1;
	_ =	shalt  }
.Lfunc_end2:
_tile_overlayer_lowered:
.L_overlay_start_2:
0x531: {  	(tag) =	ssettag $0x2  }
0x532: {  	s0 =	rddreg [dreg:$0x0];
	s2 =	stileid.u32  }
0x533: {  	s1 =	rddreg [dreg:$0x1];
	p0 =	sne.s32 s2, $0x0  }
0x534: {  	s3 =	rddreg [dreg:$0x2];
	[bflag:$0x3] =	sbarrier.arrive $0xFFFF;
	s2 =	simm.s32 @!p0 $0x1C0A  }
0x535: {  	[timem:s3], [sflag:s2] =	dma.local @!p0 [hbm:s0], s1  }
0x536: {  	s0 =	simm.s32 @!p0 $0xA  }
0x537: {  	_ =	swait.ge @!p0 [sflag:s0], s1  }
0x538: {  	s1 =	ssub.s32 @!p0 $0x0, s1;
	[sflag:s0] =	ssyncset.done @!p0 $0x0  }
0x539: {  	[sflag:s0] =	ssyncadd.s32 @!p0 s1  }
0x53a: {  	[bflag:$0x3] =	sbarrier.arrive $0xFFFF  }
0x53b: {  	_ =	shalt  }

</sc_bundles>
